<compile_context>
chip_gen: v7x
topology: tpu7x:2x2x1
jax: 0.10.2.dev20260603
libtpu: 0.0.44.dev20260713+nightly
codegen_flags: <defaults>
</compile_context>

<pallas_src>
import functools

import jax
import jax.numpy as jnp
from jax import lax
from jax.experimental import pallas as pl
from jax.experimental.pallas import tpu as pltpu
from jax.experimental.pallas import tpu_sc as plsc

N = 10000
E = 320000
D = 128
G = 64

NC = 2
NS = 16
NW = NC * NS
EPW = E // NW
K = 40
NCHUNK = EPW // K
B = 5
NPAD = 10240
RPT = NPAD // NS


def _sc_agg(x, src_flat, dst_flat):
    mesh = plsc.VectorSubcoreMesh(core_axis_name="c", subcore_axis_name="s")

    @functools.partial(
        pl.kernel,
        mesh=mesh,
        out_type=jax.ShapeDtypeStruct((NC, NPAD, D), jnp.float32),
        scratch_types=(
            [pltpu.VMEM((B * K,), jnp.int32)]
            + [pltpu.VMEM((B, K), jnp.int32)]
            + [pltpu.VMEM((K, D), jnp.float32) for _ in range(B)]
            + [pltpu.VMEM_SHARED((NPAD, D), jnp.float32)]
            + [pltpu.SemaphoreType.DMA for _ in range(4 * B)]
        ),
    )
    def agg_kernel(x_hbm, src_hbm, dst_hbm, out_hbm, sidx_v, didx_v, *rest):
        rows = rest[0:B]
        acc_sh = rest[B]
        gsem = rest[B + 1:B + 1 + B]
        ssem = rest[B + 1 + B:B + 1 + 2 * B]
        dsem = rest[B + 1 + 2 * B:B + 1 + 3 * B]
        isem = rest[B + 1 + 3 * B:B + 1 + 4 * B]
        c = lax.axis_index("c")
        s = lax.axis_index("s")
        wid = c * NS + s

        def i_start(i, b):
            pltpu.async_copy(src_hbm.at[pl.ds(wid * EPW + i * K, K)],
                             sidx_v.at[pl.ds(b * K, K)], isem[b])

        def i_wait(i, b):
            pltpu.make_async_copy(src_hbm.at[pl.ds(wid * EPW + i * K, K)],
                                  sidx_v.at[pl.ds(b * K, K)], isem[b]).wait()

        def g_start(i, b):
            pltpu.async_copy(x_hbm.at[sidx_v.at[pl.ds(b * K, K)]],
                             rows[b], gsem[b])
            pltpu.async_copy(dst_hbm.at[pl.ds(wid * EPW + i * K, K)],
                             didx_v.at[b], dsem[b])

        def g_wait(i, b):
            pltpu.make_async_copy(x_hbm.at[sidx_v.at[pl.ds(b * K, K)]],
                                  rows[b], gsem[b]).wait()
            pltpu.make_async_copy(dst_hbm.at[pl.ds(wid * EPW + i * K, K)],
                                  didx_v.at[b], dsem[b]).wait()

        def s_start(i, b):
            pltpu.async_copy(rows[b], acc_sh.at[didx_v.at[b]], ssem[b],
                             add=True)

        def s_wait(i, b):
            pltpu.make_async_copy(rows[b], acc_sh.at[didx_v.at[b]],
                                  ssem[b]).wait()

        for t in range(B - 1):
            i_start(t, t)

        z16 = jnp.zeros((16,), jnp.float32)

        def zb_body(i, carry):
            r = i // 8
            col = (i % 8) * 16
            rows[0][r, pl.ds(col, 16)] = z16
            return carry

        lax.fori_loop(0, K * 8, zb_body, 0, unroll=8)

        def z_copy(j):
            return pltpu.make_async_copy(
                rows[0], acc_sh.at[pl.ds(s * RPT + j * K, K)], dsem[B - 1])

        for j in range(RPT // K):
            z_copy(j).start()
        for t in range(1, B - 2):
            i_wait(t, t)
            g_start(t, t)
        for j in range(RPT // K):
            z_copy(j).wait()
        i_wait(0, 0)
        g_start(0, 0)
        plsc.subcore_barrier()

        def ring_body(j, carry):
            for t in range(B):
                i = B * j + t
                b = t
                f = (t + B - 1) % B
                g = (t + B - 2) % B
                g_wait(i, b)
                s_start(i, b)

                @pl.when(jnp.logical_and(i > 0, i < NCHUNK - B + 1))
                def _():
                    s_wait(i - 1, f)

                @pl.when(i < NCHUNK - B + 1)
                def _():
                    i_start(i + B - 1, f)

                @pl.when(i < NCHUNK - B + 2)
                def _():
                    i_wait(i + B - 2, g)
                    g_start(i + B - 2, g)
            return carry

        lax.fori_loop(0, NCHUNK // B, ring_body, 0)
        for t in range(B):
            i = NCHUNK - B + t
            s_wait(i, i % B)
        plsc.subcore_barrier()

        pltpu.sync_copy(acc_sh.at[pl.ds(s * RPT, RPT)],
                        out_hbm.at[c, pl.ds(s * RPT, RPT)])

    return agg_kernel(x, src_flat, dst_flat)


def _tc_layer_body(eps_ref, x_ref, p_ref, wa_ref, ba_ref, wb_ref, bb_ref,
                   g_ref, beta_ref, o_ref):
    h = eps_ref[0, 0] * x_ref[...] + p_ref[0, :N, :] + p_ref[1, :N, :]
    t = jnp.maximum(
        jnp.dot(h, wa_ref[...], preferred_element_type=jnp.float32)
        + ba_ref[...], 0.0)
    u = (jnp.dot(t, wb_ref[...], preferred_element_type=jnp.float32)
         + bb_ref[...])
    m = jnp.mean(u, axis=0, keepdims=True)
    v = jnp.mean((u - m) ** 2, axis=0, keepdims=True)
    o_ref[...] = jnp.maximum(
        (u - m) * lax.rsqrt(v + 1e-5) * g_ref[...] + beta_ref[...], 0.0)


def _tc_layer(x, p, eps, Wa, ba, Wb, bb, g, beta):
    eps_s = jnp.reshape(1.0 + eps, (1, 1))
    return pl.pallas_call(
        _tc_layer_body,
        out_shape=jax.ShapeDtypeStruct((N, D), jnp.float32),
    )(eps_s, x, p, Wa, ba.reshape(1, D), Wb, bb.reshape(1, D),
      g.reshape(1, D), beta.reshape(1, D))


def _tc_final_body(eps_ref, x_ref, p_ref, wa_ref, ba_ref, wb_ref, bb_ref,
                   batch_ref, o_ref):
    h = eps_ref[0, 0] * x_ref[...] + p_ref[0, :N, :] + p_ref[1, :N, :]
    t = jnp.maximum(
        jnp.dot(h, wa_ref[...], preferred_element_type=jnp.float32)
        + ba_ref[...], 0.0)
    u = (jnp.dot(t, wb_ref[...], preferred_element_type=jnp.float32)
         + bb_ref[...])
    gids = lax.broadcasted_iota(jnp.int32, (N, G), 1)
    onehot = (batch_ref[...] == gids).astype(jnp.float32)
    o_ref[...] = lax.dot_general(
        onehot, u, (((0,), (0,)), ((), ())),
        preferred_element_type=jnp.float32)


def _tc_final(x, p, eps, Wa, ba, Wb, bb, batch):
    eps_s = jnp.reshape(1.0 + eps, (1, 1))
    return pl.pallas_call(
        _tc_final_body,
        out_shape=jax.ShapeDtypeStruct((G, D), jnp.float32),
    )(eps_s, x, p, Wa, ba.reshape(1, D), Wb, bb.reshape(1, D),
      batch.reshape(N, 1))


def kernel(x, edge_index, batch,
           eps0, W0a, b0a, W0b, b0b, g0, beta0,
           eps1, W1a, b1a, W1b, b1b, g1, beta1,
           eps2, W2a, b2a, W2b, b2b):
    src = edge_index[0]
    dst = edge_index[1]

    p0 = _sc_agg(x, src, dst)
    x1 = _tc_layer(x, p0, eps0, W0a, b0a, W0b, b0b, g0, beta0)
    p1 = _sc_agg(x1, src, dst)
    x2 = _tc_layer(x1, p1, eps1, W1a, b1a, W1b, b1b, g1, beta1)
    p2 = _sc_agg(x2, src, dst)
    return _tc_final(x2, p2, eps2, W2a, b2a, W2b, b2b, batch)

# --- scband reference (transcript-rebuilt; emitter-appended) ---
"""Pipeline reference for scband-gin-32719060861414 (READ-ONLY COPY).

The authoritative reference and input builder live on the scoring server;
editing this copy changes nothing except your own understanding.
"""

import jax, jax.numpy as jnp
import numpy as np

N = 10000
E = 320000
D = 128
H = 128
O = 128
G = 64


def setup_inputs(seed: int = 0) -> dict:
    key = jax.random.key(seed)
    ks = jax.random.split(key, 20)

    def lin_w(k, fin, fout):
        return (jax.random.normal(k, (fin, fout), dtype=jnp.float32) / np.sqrt(fin)).astype(jnp.float32)

    x = jax.random.normal(ks[0], (N, D), dtype=jnp.float32)
    edge_index = jax.random.randint(ks[1], (2, E), 0, N, dtype=jnp.int32)
    batch = jnp.sort(jax.random.randint(ks[2], (N,), 0, G, dtype=jnp.int32))

    inp = {
        "x": x,
        "edge_index": edge_index,
        "batch": batch,
        # conv0: MLP [D -> H -> H]
        "eps0": jnp.zeros((), dtype=jnp.float32),
        "W0a": lin_w(ks[3], D, H), "b0a": jnp.zeros((H,), jnp.float32),
        "W0b": lin_w(ks[4], H, H), "b0b": jnp.zeros((H,), jnp.float32),
        "g0": jnp.ones((H,), jnp.float32), "beta0": jnp.zeros((H,), jnp.float32),
        # conv1: MLP [H -> H -> H]
        "eps1": jnp.zeros((), dtype=jnp.float32),
        "W1a": lin_w(ks[5], H, H), "b1a": jnp.zeros((H,), jnp.float32),
        "W1b": lin_w(ks[6], H, H), "b1b": jnp.zeros((H,), jnp.float32),
        "g1": jnp.ones((H,), jnp.float32), "beta1": jnp.zeros((H,), jnp.float32),
        # conv2: MLP [H -> H -> O]
        "eps2": jnp.zeros((), dtype=jnp.float32),
        "W2a": lin_w(ks[7], H, H), "b2a": jnp.zeros((H,), jnp.float32),
        "W2b": lin_w(ks[8], H, O), "b2b": jnp.zeros((O,), jnp.float32),
    }
    return inp


def _gin_conv(x, edge_index, eps, Wa, ba, Wb, bb):
    src = edge_index[0]
    dst = edge_index[1]
    agg = jax.ops.segment_sum(x[src], dst, num_segments=x.shape[0])
    h = (1.0 + eps) * x + agg
    h = jnp.maximum(h @ Wa + ba, 0.0)
    h = h @ Wb + bb
    return h


def _batchnorm(h, gamma, beta, eps=1e-5):
    mean = jnp.mean(h, axis=0)
    var = jnp.var(h, axis=0)
    return (h - mean) / jnp.sqrt(var + eps) * gamma + beta


def reference(x, edge_index, batch,
              eps0, W0a, b0a, W0b, b0b, g0, beta0,
              eps1, W1a, b1a, W1b, b1b, g1, beta1,
              eps2, W2a, b2a, W2b, b2b):
    h = _gin_conv(x, edge_index, eps0, W0a, b0a, W0b, b0b)
    h = _batchnorm(h, g0, beta0)
    h = jnp.maximum(h, 0.0)

    h = _gin_conv(h, edge_index, eps1, W1a, b1a, W1b, b1b)
    h = _batchnorm(h, g1, beta1)
    h = jnp.maximum(h, 0.0)

    h = _gin_conv(h, edge_index, eps2, W2a, b2a, W2b, b2b)
    out = jax.ops.segment_sum(h, batch, num_segments=G)
    return out

if __name__ == "__main__":
    import jax
    _d = setup_inputs()
    print(jax.jit(kernel)(*tuple(_d.values())))

</pallas_src>

<mosaic_0001>
#map = affine_map<(d0, d1) -> (0, 0)>
#map1 = affine_map<(d0, d1) -> (0)>
#map2 = affine_map<(d0, d1) -> (0, 0, 0)>
module attributes {stable_mosaic.version = 14 : i64} {
  func.func @agg_kernel(%arg0: i32, %arg1: i32, %arg2: memref<10000x128xf32, #tpu.memory_space<hbm>>, %arg3: memref<320000xi32, #tpu.memory_space<hbm>>, %arg4: memref<320000xi32, #tpu.memory_space<hbm>>, %arg5: memref<2x10240x128xf32, #tpu.memory_space<hbm>>, %arg6: memref<200xi32, #tpu.memory_space<vmem>>, %arg7: memref<5x40xi32, #tpu.memory_space<vmem>>, %arg8: memref<40x128xf32, #tpu.memory_space<vmem>>, %arg9: memref<40x128xf32, #tpu.memory_space<vmem>>, %arg10: memref<40x128xf32, #tpu.memory_space<vmem>>, %arg11: memref<40x128xf32, #tpu.memory_space<vmem>>, %arg12: memref<40x128xf32, #tpu.memory_space<vmem>>, %arg13: memref<10240x128xf32, #tpu.memory_space<vmem_shared>>, %arg14: memref<!tpu.dma_semaphore, #tpu.memory_space<semaphore_mem>>, %arg15: memref<!tpu.dma_semaphore, #tpu.memory_space<semaphore_mem>>, %arg16: memref<!tpu.dma_semaphore, #tpu.memory_space<semaphore_mem>>, %arg17: memref<!tpu.dma_semaphore, #tpu.memory_space<semaphore_mem>>, %arg18: memref<!tpu.dma_semaphore, #tpu.memory_space<semaphore_mem>>, %arg19: memref<!tpu.dma_semaphore, #tpu.memory_space<semaphore_mem>>, %arg20: memref<!tpu.dma_semaphore, #tpu.memory_space<semaphore_mem>>, %arg21: memref<!tpu.dma_semaphore, #tpu.memory_space<semaphore_mem>>, %arg22: memref<!tpu.dma_semaphore, #tpu.memory_space<semaphore_mem>>, %arg23: memref<!tpu.dma_semaphore, #tpu.memory_space<semaphore_mem>>, %arg24: memref<!tpu.dma_semaphore, #tpu.memory_space<semaphore_mem>>, %arg25: memref<!tpu.dma_semaphore, #tpu.memory_space<semaphore_mem>>, %arg26: memref<!tpu.dma_semaphore, #tpu.memory_space<semaphore_mem>>, %arg27: memref<!tpu.dma_semaphore, #tpu.memory_space<semaphore_mem>>, %arg28: memref<!tpu.dma_semaphore, #tpu.memory_space<semaphore_mem>>, %arg29: memref<!tpu.dma_semaphore, #tpu.memory_space<semaphore_mem>>, %arg30: memref<!tpu.dma_semaphore, #tpu.memory_space<semaphore_mem>>, %arg31: memref<!tpu.dma_semaphore, #tpu.memory_space<semaphore_mem>>, %arg32: memref<!tpu.dma_semaphore, #tpu.memory_space<semaphore_mem>>, %arg33: memref<!tpu.dma_semaphore, #tpu.memory_space<semaphore_mem>>) attributes {dimension_semantics = [#tpu.dimension_semantics<core_parallel>, #tpu.dimension_semantics<subcore_parallel>], iteration_bounds = array<i64: 2, 16>, scalar_prefetch = 0 : i64, scratch_operands = 28 : i64, tpu.core_type = #tpu.core_type<sc_vector_subcore>, window_params = [{transform_indices = #map}, {transform_indices = #map1}, {transform_indices = #map1}, {transform_indices = #map2}]} {
    %mul3A = arith.constant 16 : i32
    %mul3A_0 = arith.muli %arg0, %mul3A : i32
    %add3A = arith.addi %mul3A_0, %arg1 : i32
    %mul3A_1 = arith.constant 10000 : i32
    %mul3A_2 = arith.muli %add3A, %mul3A_1 : i32
    %add3A_3 = arith.constant 0 : i32
    %add3A_4 = arith.addi %mul3A_2, %add3A_3 : i32
    %dma_start3A = arith.constant 0 : i32
    %dma_start3A_5 = tpu.memref_slice %arg6[%dma_start3A] : memref<200xi32, #tpu.memory_space<vmem>> -> memref<40xi32, #tpu.memory_space<vmem>>
    %dma_start3A_6 = tpu.memref_slice %arg3[%add3A_4] : memref<320000xi32, #tpu.memory_space<hbm>> -> memref<40xi32, #tpu.memory_space<hbm>>
    %dma_start3A_7 = arith.constant 0 : i32
    %dma_start3A_8 = tpu.memref_slice %arg6[%dma_start3A_7] : memref<200xi32, #tpu.memory_space<vmem>> -> memref<40xi32, #tpu.memory_space<vmem>>
    %dma_start3A_9 = tpu.memref_slice %arg3[%add3A_4] : memref<320000xi32, #tpu.memory_space<hbm>> -> memref<40xi32, #tpu.memory_space<hbm>>
    tpu.enqueue_dma source(%dma_start3A_9 : memref<40xi32, #tpu.memory_space<hbm>>) target(%dma_start3A_8 : memref<40xi32, #tpu.memory_space<vmem>>) target_semaphore(%arg29 : memref<!tpu.dma_semaphore, #tpu.memory_space<semaphore_mem>>)
    %mul3A_10 = arith.constant 10000 : i32
    %mul3A_11 = arith.muli %add3A, %mul3A_10 : i32
    %add3A_12 = arith.constant 40 : i32
    %add3A_13 = arith.addi %mul3A_11, %add3A_12 : i32
    %dma_start3A_14 = arith.constant 40 : i32
    %dma_start3A_15 = tpu.memref_slice %arg6[%dma_start3A_14] : memref<200xi32, #tpu.memory_space<vmem>> -> memref<40xi32, #tpu.memory_space<vmem>>
    %dma_start3A_16 = tpu.memref_slice %arg3[%add3A_13] : memref<320000xi32, #tpu.memory_space<hbm>> -> memref<40xi32, #tpu.memory_space<hbm>>
    %dma_start3A_17 = arith.constant 40 : i32
    %dma_start3A_18 = tpu.memref_slice %arg6[%dma_start3A_17] : memref<200xi32, #tpu.memory_space<vmem>> -> memref<40xi32, #tpu.memory_space<vmem>>
    %dma_start3A_19 = tpu.memref_slice %arg3[%add3A_13] : memref<320000xi32, #tpu.memory_space<hbm>> -> memref<40xi32, #tpu.memory_space<hbm>>
    tpu.enqueue_dma source(%dma_start3A_19 : memref<40xi32, #tpu.memory_space<hbm>>) target(%dma_start3A_18 : memref<40xi32, #tpu.memory_space<vmem>>) target_semaphore(%arg30 : memref<!tpu.dma_semaphore, #tpu.memory_space<semaphore_mem>>)
    %mul3A_20 = arith.constant 10000 : i32
    %mul3A_21 = arith.muli %add3A, %mul3A_20 : i32
    %add3A_22 = arith.constant 80 : i32
    %add3A_23 = arith.addi %mul3A_21, %add3A_22 : i32
    %dma_start3A_24 = arith.constant 80 : i32
    %dma_start3A_25 = tpu.memref_slice %arg6[%dma_start3A_24] : memref<200xi32, #tpu.memory_space<vmem>> -> memref<40xi32, #tpu.memory_space<vmem>>
    %dma_start3A_26 = tpu.memref_slice %arg3[%add3A_23] : memref<320000xi32, #tpu.memory_space<hbm>> -> memref<40xi32, #tpu.memory_space<hbm>>
    %dma_start3A_27 = arith.constant 80 : i32
    %dma_start3A_28 = tpu.memref_slice %arg6[%dma_start3A_27] : memref<200xi32, #tpu.memory_space<vmem>> -> memref<40xi32, #tpu.memory_space<vmem>>
    %dma_start3A_29 = tpu.memref_slice %arg3[%add3A_23] : memref<320000xi32, #tpu.memory_space<hbm>> -> memref<40xi32, #tpu.memory_space<hbm>>
    tpu.enqueue_dma source(%dma_start3A_29 : memref<40xi32, #tpu.memory_space<hbm>>) target(%dma_start3A_28 : memref<40xi32, #tpu.memory_space<vmem>>) target_semaphore(%arg31 : memref<!tpu.dma_semaphore, #tpu.memory_space<semaphore_mem>>)
    %mul3A_30 = arith.constant 10000 : i32
    %mul3A_31 = arith.muli %add3A, %mul3A_30 : i32
    %add3A_32 = arith.constant 120 : i32
    %add3A_33 = arith.addi %mul3A_31, %add3A_32 : i32
    %dma_start3A_34 = arith.constant 120 : i32
    %dma_start3A_35 = tpu.memref_slice %arg6[%dma_start3A_34] : memref<200xi32, #tpu.memory_space<vmem>> -> memref<40xi32, #tpu.memory_space<vmem>>
    %dma_start3A_36 = tpu.memref_slice %arg3[%add3A_33] : memref<320000xi32, #tpu.memory_space<hbm>> -> memref<40xi32, #tpu.memory_space<hbm>>
    %dma_start3A_37 = arith.constant 120 : i32
    %dma_start3A_38 = tpu.memref_slice %arg6[%dma_start3A_37] : memref<200xi32, #tpu.memory_space<vmem>> -> memref<40xi32, #tpu.memory_space<vmem>>
    %dma_start3A_39 = tpu.memref_slice %arg3[%add3A_33] : memref<320000xi32, #tpu.memory_space<hbm>> -> memref<40xi32, #tpu.memory_space<hbm>>
    tpu.enqueue_dma source(%dma_start3A_39 : memref<40xi32, #tpu.memory_space<hbm>>) target(%dma_start3A_38 : memref<40xi32, #tpu.memory_space<vmem>>) target_semaphore(%arg32 : memref<!tpu.dma_semaphore, #tpu.memory_space<semaphore_mem>>)
    %broadcast_in_dim3A = arith.constant 0.000000e+00 : f32
    %broadcast_in_dim3A_40 = vector.broadcast %broadcast_in_dim3A : f32 to vector<16xf32>
    %scan3A = arith.constant 0 : i32
    %scan3A_41 = arith.constant 0 : i32
    %scan3A_42 = arith.constant 320 : i32
    %scan3A_43 = arith.addi %scan3A_41, %scan3A_42 : i32
    %scan3A_44 = arith.constant 8 : i32
    scf.for %scan3A_431 = %scan3A_41 to %scan3A_43 step %scan3A_44  : i32 {
      %jit3A = arith.constant 8 : i32
      %div3A = arith.divsi %scan3A_431, %jit3A : i32
      %sign3A = arith.constant 0 : i32
      %sign3A_432 = arith.cmpi sgt, %scan3A_431, %sign3A : i32
      %sign3A_433 = arith.extui %sign3A_432 : i1 to i32
      %sign3A_434 = arith.constant 0 : i32
      %sign3A_435 = arith.cmpi slt, %scan3A_431, %sign3A_434 : i32
      %sign3A_436 = arith.extui %sign3A_435 : i1 to i32
      %sign3A_437 = arith.subi %sign3A_433, %sign3A_436 : i32
      %sign3A_438 = arith.constant 0 : i32
      %sign3A_439 = arith.cmpi sgt, %jit3A, %sign3A_438 : i32
      %sign3A_440 = arith.extui %sign3A_439 : i1 to i32
      %sign3A_441 = arith.constant 0 : i32
      %sign3A_442 = arith.cmpi slt, %jit3A, %sign3A_441 : i32
      %sign3A_443 = arith.extui %sign3A_442 : i1 to i32
      %sign3A_444 = arith.subi %sign3A_440, %sign3A_443 : i32
      %ne3A = arith.cmpi ne, %sign3A_437, %sign3A_444 : i32
      %rem3A = arith.remsi %scan3A_431, %jit3A : i32
      %ne3A_445 = arith.constant 0 : i32
      %ne3A_446 = arith.cmpi ne, %rem3A, %ne3A_445 : i32
      %and3A = arith.andi %ne3A, %ne3A_446 : i1
      %sub3A = arith.constant 1 : i32
      %sub3A_447 = arith.subi %div3A, %sub3A : i32
      %select_n3A = arith.select %and3A, %sub3A_447, %div3A : i32
      %jit3A_448 = arith.constant 8 : i32
      %eq3A = arith.constant 0 : i32
      %eq3A_449 = arith.cmpi eq, %jit3A_448, %eq3A : i32
      %jit3A_450 = arith.constant 1 : i32
      %select_n3A_451 = arith.select %eq3A_449, %jit3A_450, %jit3A_448 : i32
      %rem3A_452 = arith.remsi %scan3A_431, %select_n3A_451 : i32
      %ne3A_453 = arith.constant 0 : i32
      %ne3A_454 = arith.cmpi ne, %rem3A_452, %ne3A_453 : i32
      %lt3A = arith.constant 0 : i32
      %lt3A_455 = arith.cmpi slt, %rem3A_452, %lt3A : i32
      %lt3A_456 = arith.constant 0 : i32
      %lt3A_457 = arith.cmpi slt, %select_n3A_451, %lt3A_456 : i32
      %ne3A_458 = arith.xori %lt3A_455, %lt3A_457 : i1
      %and3A_459 = arith.andi %ne3A_458, %ne3A_454 : i1
      %add3A_460 = arith.addi %rem3A_452, %select_n3A_451 : i32
      %select_n3A_461 = arith.select %and3A_459, %add3A_460, %rem3A_452 : i32
      %mul3A_462 = arith.constant 16 : i32
      %mul3A_463 = arith.muli %select_n3A_461, %mul3A_462 : i32
      %swap3A = arith.index_cast %select_n3A : i32 to index
      %swap3A_464 = arith.index_cast %mul3A_463 : i32 to index
      %swap3A_465 = tpu.vector_load %arg8[%swap3A, %swap3A_464] {strides = array<i32>} : memref<40x128xf32, #tpu.memory_space<vmem>>, vector<1x16xf32>,
      %swap3A_466 = vector.shape_cast %swap3A_465 : vector<1x16xf32> to vector<16xf32>
      %swap3A_467 = vector.shape_cast %broadcast_in_dim3A_40 : vector<16xf32> to vector<1x16xf32>
      tpu.vector_store %arg8[%swap3A, %swap3A_464], %swap3A_467 {strides = array<i32>} : memref<40x128xf32, #tpu.memory_space<vmem>>, vector<1x16xf32>,
      %scan3A_468 = arith.constant 1 : i32
      %scan3A_469 = arith.addi %scan3A_431, %scan3A_468 : i32
      %jit3A_470 = arith.constant 8 : i32
      %div3A_471 = arith.divsi %scan3A_469, %jit3A_470 : i32
      %sign3A_472 = arith.constant 0 : i32
      %sign3A_473 = arith.cmpi sgt, %scan3A_469, %sign3A_472 : i32
      %sign3A_474 = arith.extui %sign3A_473 : i1 to i32
      %sign3A_475 = arith.constant 0 : i32
      %sign3A_476 = arith.cmpi slt, %scan3A_469, %sign3A_475 : i32
      %sign3A_477 = arith.extui %sign3A_476 : i1 to i32
      %sign3A_478 = arith.subi %sign3A_474, %sign3A_477 : i32
      %sign3A_479 = arith.constant 0 : i32
      %sign3A_480 = arith.cmpi sgt, %jit3A_470, %sign3A_479 : i32
      %sign3A_481 = arith.extui %sign3A_480 : i1 to i32
      %sign3A_482 = arith.constant 0 : i32
      %sign3A_483 = arith.cmpi slt, %jit3A_470, %sign3A_482 : i32
      %sign3A_484 = arith.extui %sign3A_483 : i1 to i32
      %sign3A_485 = arith.subi %sign3A_481, %sign3A_484 : i32
      %ne3A_486 = arith.cmpi ne, %sign3A_478, %sign3A_485 : i32
      %rem3A_487 = arith.remsi %scan3A_469, %jit3A_470 : i32
      %ne3A_488 = arith.constant 0 : i32
      %ne3A_489 = arith.cmpi ne, %rem3A_487, %ne3A_488 : i32
      %and3A_490 = arith.andi %ne3A_486, %ne3A_489 : i1
      %sub3A_491 = arith.constant 1 : i32
      %sub3A_492 = arith.subi %div3A_471, %sub3A_491 : i32
      %select_n3A_493 = arith.select %and3A_490, %sub3A_492, %div3A_471 : i32
      %jit3A_494 = arith.constant 8 : i32
      %eq3A_495 = arith.constant 0 : i32
      %eq3A_496 = arith.cmpi eq, %jit3A_494, %eq3A_495 : i32
      %jit3A_497 = arith.constant 1 : i32
      %select_n3A_498 = arith.select %eq3A_496, %jit3A_497, %jit3A_494 : i32
      %rem3A_499 = arith.remsi %scan3A_469, %select_n3A_498 : i32
      %ne3A_500 = arith.constant 0 : i32
      %ne3A_501 = arith.cmpi ne, %rem3A_499, %ne3A_500 : i32
      %lt3A_502 = arith.constant 0 : i32
      %lt3A_503 = arith.cmpi slt, %rem3A_499, %lt3A_502 : i32
      %lt3A_504 = arith.constant 0 : i32
      %lt3A_505 = arith.cmpi slt, %select_n3A_498, %lt3A_504 : i32
      %ne3A_506 = arith.xori %lt3A_503, %lt3A_505 : i1
      %and3A_507 = arith.andi %ne3A_506, %ne3A_501 : i1
      %add3A_508 = arith.addi %rem3A_499, %select_n3A_498 : i32
      %select_n3A_509 = arith.select %and3A_507, %add3A_508, %rem3A_499 : i32
      %mul3A_510 = arith.constant 16 : i32
      %mul3A_511 = arith.muli %select_n3A_509, %mul3A_510 : i32
      %swap3A_512 = arith.index_cast %select_n3A_493 : i32 to index
      %swap3A_513 = arith.index_cast %mul3A_511 : i32 to index
      %swap3A_514 = tpu.vector_load %arg8[%swap3A_512, %swap3A_513] {strides = array<i32>} : memref<40x128xf32, #tpu.memory_space<vmem>>, vector<1x16xf32>,
      %swap3A_515 = vector.shape_cast %swap3A_514 : vector<1x16xf32> to vector<16xf32>
      %swap3A_516 = vector.shape_cast %broadcast_in_dim3A_40 : vector<16xf32> to vector<1x16xf32>
      tpu.vector_store %arg8[%swap3A_512, %swap3A_513], %swap3A_516 {strides = array<i32>} : memref<40x128xf32, #tpu.memory_space<vmem>>, vector<1x16xf32>,
      %scan3A_517 = arith.constant 2 : i32
      %scan3A_518 = arith.addi %scan3A_431, %scan3A_517 : i32
      %jit3A_519 = arith.constant 8 : i32
      %div3A_520 = arith.divsi %scan3A_518, %jit3A_519 : i32
      %sign3A_521 = arith.constant 0 : i32
      %sign3A_522 = arith.cmpi sgt, %scan3A_518, %sign3A_521 : i32
      %sign3A_523 = arith.extui %sign3A_522 : i1 to i32
      %sign3A_524 = arith.constant 0 : i32
      %sign3A_525 = arith.cmpi slt, %scan3A_518, %sign3A_524 : i32
      %sign3A_526 = arith.extui %sign3A_525 : i1 to i32
      %sign3A_527 = arith.subi %sign3A_523, %sign3A_526 : i32
      %sign3A_528 = arith.constant 0 : i32
      %sign3A_529 = arith.cmpi sgt, %jit3A_519, %sign3A_528 : i32
      %sign3A_530 = arith.extui %sign3A_529 : i1 to i32
      %sign3A_531 = arith.constant 0 : i32
      %sign3A_532 = arith.cmpi slt, %jit3A_519, %sign3A_531 : i32
      %sign3A_533 = arith.extui %sign3A_532 : i1 to i32
      %sign3A_534 = arith.subi %sign3A_530, %sign3A_533 : i32
      %ne3A_535 = arith.cmpi ne, %sign3A_527, %sign3A_534 : i32
      %rem3A_536 = arith.remsi %scan3A_518, %jit3A_519 : i32
      %ne3A_537 = arith.constant 0 : i32
      %ne3A_538 = arith.cmpi ne, %rem3A_536, %ne3A_537 : i32
      %and3A_539 = arith.andi %ne3A_535, %ne3A_538 : i1
      %sub3A_540 = arith.constant 1 : i32
      %sub3A_541 = arith.subi %div3A_520, %sub3A_540 : i32
      %select_n3A_542 = arith.select %and3A_539, %sub3A_541, %div3A_520 : i32
      %jit3A_543 = arith.constant 8 : i32
      %eq3A_544 = arith.constant 0 : i32
      %eq3A_545 = arith.cmpi eq, %jit3A_543, %eq3A_544 : i32
      %jit3A_546 = arith.constant 1 : i32
      %select_n3A_547 = arith.select %eq3A_545, %jit3A_546, %jit3A_543 : i32
      %rem3A_548 = arith.remsi %scan3A_518, %select_n3A_547 : i32
      %ne3A_549 = arith.constant 0 : i32
      %ne3A_550 = arith.cmpi ne, %rem3A_548, %ne3A_549 : i32
      %lt3A_551 = arith.constant 0 : i32
      %lt3A_552 = arith.cmpi slt, %rem3A_548, %lt3A_551 : i32
      %lt3A_553 = arith.constant 0 : i32
      %lt3A_554 = arith.cmpi slt, %select_n3A_547, %lt3A_553 : i32
      %ne3A_555 = arith.xori %lt3A_552, %lt3A_554 : i1
      %and3A_556 = arith.andi %ne3A_555, %ne3A_550 : i1
      %add3A_557 = arith.addi %rem3A_548, %select_n3A_547 : i32
      %select_n3A_558 = arith.select %and3A_556, %add3A_557, %rem3A_548 : i32
      %mul3A_559 = arith.constant 16 : i32
      %mul3A_560 = arith.muli %select_n3A_558, %mul3A_559 : i32
      %swap3A_561 = arith.index_cast %select_n3A_542 : i32 to index
      %swap3A_562 = arith.index_cast %mul3A_560 : i32 to index
      %swap3A_563 = tpu.vector_load %arg8[%swap3A_561, %swap3A_562] {strides = array<i32>} : memref<40x128xf32, #tpu.memory_space<vmem>>, vector<1x16xf32>,
      %swap3A_564 = vector.shape_cast %swap3A_563 : vector<1x16xf32> to vector<16xf32>
      %swap3A_565 = vector.shape_cast %broadcast_in_dim3A_40 : vector<16xf32> to vector<1x16xf32>
      tpu.vector_store %arg8[%swap3A_561, %swap3A_562], %swap3A_565 {strides = array<i32>} : memref<40x128xf32, #tpu.memory_space<vmem>>, vector<1x16xf32>,
      %scan3A_566 = arith.constant 3 : i32
      %scan3A_567 = arith.addi %scan3A_431, %scan3A_566 : i32
      %jit3A_568 = arith.constant 8 : i32
      %div3A_569 = arith.divsi %scan3A_567, %jit3A_568 : i32
      %sign3A_570 = arith.constant 0 : i32
      %sign3A_571 = arith.cmpi sgt, %scan3A_567, %sign3A_570 : i32
      %sign3A_572 = arith.extui %sign3A_571 : i1 to i32
      %sign3A_573 = arith.constant 0 : i32
      %sign3A_574 = arith.cmpi slt, %scan3A_567, %sign3A_573 : i32
      %sign3A_575 = arith.extui %sign3A_574 : i1 to i32
      %sign3A_576 = arith.subi %sign3A_572, %sign3A_575 : i32
      %sign3A_577 = arith.constant 0 : i32
      %sign3A_578 = arith.cmpi sgt, %jit3A_568, %sign3A_577 : i32
      %sign3A_579 = arith.extui %sign3A_578 : i1 to i32
      %sign3A_580 = arith.constant 0 : i32
      %sign3A_581 = arith.cmpi slt, %jit3A_568, %sign3A_580 : i32
      %sign3A_582 = arith.extui %sign3A_581 : i1 to i32
      %sign3A_583 = arith.subi %sign3A_579, %sign3A_582 : i32
      %ne3A_584 = arith.cmpi ne, %sign3A_576, %sign3A_583 : i32
      %rem3A_585 = arith.remsi %scan3A_567, %jit3A_568 : i32
      %ne3A_586 = arith.constant 0 : i32
      %ne3A_587 = arith.cmpi ne, %rem3A_585, %ne3A_586 : i32
      %and3A_588 = arith.andi %ne3A_584, %ne3A_587 : i1
      %sub3A_589 = arith.constant 1 : i32
      %sub3A_590 = arith.subi %div3A_569, %sub3A_589 : i32
      %select_n3A_591 = arith.select %and3A_588, %sub3A_590, %div3A_569 : i32
      %jit3A_592 = arith.constant 8 : i32
      %eq3A_593 = arith.constant 0 : i32
      %eq3A_594 = arith.cmpi eq, %jit3A_592, %eq3A_593 : i32
      %jit3A_595 = arith.constant 1 : i32
      %select_n3A_596 = arith.select %eq3A_594, %jit3A_595, %jit3A_592 : i32
      %rem3A_597 = arith.remsi %scan3A_567, %select_n3A_596 : i32
      %ne3A_598 = arith.constant 0 : i32
      %ne3A_599 = arith.cmpi ne, %rem3A_597, %ne3A_598 : i32
      %lt3A_600 = arith.constant 0 : i32
      %lt3A_601 = arith.cmpi slt, %rem3A_597, %lt3A_600 : i32
      %lt3A_602 = arith.constant 0 : i32
      %lt3A_603 = arith.cmpi slt, %select_n3A_596, %lt3A_602 : i32
      %ne3A_604 = arith.xori %lt3A_601, %lt3A_603 : i1
      %and3A_605 = arith.andi %ne3A_604, %ne3A_599 : i1
      %add3A_606 = arith.addi %rem3A_597, %select_n3A_596 : i32
      %select_n3A_607 = arith.select %and3A_605, %add3A_606, %rem3A_597 : i32
      %mul3A_608 = arith.constant 16 : i32
      %mul3A_609 = arith.muli %select_n3A_607, %mul3A_608 : i32
      %swap3A_610 = arith.index_cast %select_n3A_591 : i32 to index
      %swap3A_611 = arith.index_cast %mul3A_609 : i32 to index
      %swap3A_612 = tpu.vector_load %arg8[%swap3A_610, %swap3A_611] {strides = array<i32>} : memref<40x128xf32, #tpu.memory_space<vmem>>, vector<1x16xf32>,
      %swap3A_613 = vector.shape_cast %swap3A_612 : vector<1x16xf32> to vector<16xf32>
      %swap3A_614 = vector.shape_cast %broadcast_in_dim3A_40 : vector<16xf32> to vector<1x16xf32>
      tpu.vector_store %arg8[%swap3A_610, %swap3A_611], %swap3A_614 {strides = array<i32>} : memref<40x128xf32, #tpu.memory_space<vmem>>, vector<1x16xf32>,
      %scan3A_615 = arith.constant 4 : i32
      %scan3A_616 = arith.addi %scan3A_431, %scan3A_615 : i32
      %jit3A_617 = arith.constant 8 : i32
      %div3A_618 = arith.divsi %scan3A_616, %jit3A_617 : i32
      %sign3A_619 = arith.constant 0 : i32
      %sign3A_620 = arith.cmpi sgt, %scan3A_616, %sign3A_619 : i32
      %sign3A_621 = arith.extui %sign3A_620 : i1 to i32
      %sign3A_622 = arith.constant 0 : i32
      %sign3A_623 = arith.cmpi slt, %scan3A_616, %sign3A_622 : i32
      %sign3A_624 = arith.extui %sign3A_623 : i1 to i32
      %sign3A_625 = arith.subi %sign3A_621, %sign3A_624 : i32
      %sign3A_626 = arith.constant 0 : i32
      %sign3A_627 = arith.cmpi sgt, %jit3A_617, %sign3A_626 : i32
      %sign3A_628 = arith.extui %sign3A_627 : i1 to i32
      %sign3A_629 = arith.constant 0 : i32
      %sign3A_630 = arith.cmpi slt, %jit3A_617, %sign3A_629 : i32
      %sign3A_631 = arith.extui %sign3A_630 : i1 to i32
      %sign3A_632 = arith.subi %sign3A_628, %sign3A_631 : i32
      %ne3A_633 = arith.cmpi ne, %sign3A_625, %sign3A_632 : i32
      %rem3A_634 = arith.remsi %scan3A_616, %jit3A_617 : i32
      %ne3A_635 = arith.constant 0 : i32
      %ne3A_636 = arith.cmpi ne, %rem3A_634, %ne3A_635 : i32
      %and3A_637 = arith.andi %ne3A_633, %ne3A_636 : i1
      %sub3A_638 = arith.constant 1 : i32
      %sub3A_639 = arith.subi %div3A_618, %sub3A_638 : i32
      %select_n3A_640 = arith.select %and3A_637, %sub3A_639, %div3A_618 : i32
      %jit3A_641 = arith.constant 8 : i32
      %eq3A_642 = arith.constant 0 : i32
      %eq3A_643 = arith.cmpi eq, %jit3A_641, %eq3A_642 : i32
      %jit3A_644 = arith.constant 1 : i32
      %select_n3A_645 = arith.select %eq3A_643, %jit3A_644, %jit3A_641 : i32
      %rem3A_646 = arith.remsi %scan3A_616, %select_n3A_645 : i32
      %ne3A_647 = arith.constant 0 : i32
      %ne3A_648 = arith.cmpi ne, %rem3A_646, %ne3A_647 : i32
      %lt3A_649 = arith.constant 0 : i32
      %lt3A_650 = arith.cmpi slt, %rem3A_646, %lt3A_649 : i32
      %lt3A_651 = arith.constant 0 : i32
      %lt3A_652 = arith.cmpi slt, %select_n3A_645, %lt3A_651 : i32
      %ne3A_653 = arith.xori %lt3A_650, %lt3A_652 : i1
      %and3A_654 = arith.andi %ne3A_653, %ne3A_648 : i1
      %add3A_655 = arith.addi %rem3A_646, %select_n3A_645 : i32
      %select_n3A_656 = arith.select %and3A_654, %add3A_655, %rem3A_646 : i32
      %mul3A_657 = arith.constant 16 : i32
      %mul3A_658 = arith.muli %select_n3A_656, %mul3A_657 : i32
      %swap3A_659 = arith.index_cast %select_n3A_640 : i32 to index
      %swap3A_660 = arith.index_cast %mul3A_658 : i32 to index
      %swap3A_661 = tpu.vector_load %arg8[%swap3A_659, %swap3A_660] {strides = array<i32>} : memref<40x128xf32, #tpu.memory_space<vmem>>, vector<1x16xf32>,
      %swap3A_662 = vector.shape_cast %swap3A_661 : vector<1x16xf32> to vector<16xf32>
      %swap3A_663 = vector.shape_cast %broadcast_in_dim3A_40 : vector<16xf32> to vector<1x16xf32>
      tpu.vector_store %arg8[%swap3A_659, %swap3A_660], %swap3A_663 {strides = array<i32>} : memref<40x128xf32, #tpu.memory_space<vmem>>, vector<1x16xf32>,
      %scan3A_664 = arith.constant 5 : i32
      %scan3A_665 = arith.addi %scan3A_431, %scan3A_664 : i32
      %jit3A_666 = arith.constant 8 : i32
      %div3A_667 = arith.divsi %scan3A_665, %jit3A_666 : i32
      %sign3A_668 = arith.constant 0 : i32
      %sign3A_669 = arith.cmpi sgt, %scan3A_665, %sign3A_668 : i32
      %sign3A_670 = arith.extui %sign3A_669 : i1 to i32
      %sign3A_671 = arith.constant 0 : i32
      %sign3A_672 = arith.cmpi slt, %scan3A_665, %sign3A_671 : i32
      %sign3A_673 = arith.extui %sign3A_672 : i1 to i32
      %sign3A_674 = arith.subi %sign3A_670, %sign3A_673 : i32
      %sign3A_675 = arith.constant 0 : i32
      %sign3A_676 = arith.cmpi sgt, %jit3A_666, %sign3A_675 : i32
      %sign3A_677 = arith.extui %sign3A_676 : i1 to i32
      %sign3A_678 = arith.constant 0 : i32
      %sign3A_679 = arith.cmpi slt, %jit3A_666, %sign3A_678 : i32
      %sign3A_680 = arith.extui %sign3A_679 : i1 to i32
      %sign3A_681 = arith.subi %sign3A_677, %sign3A_680 : i32
      %ne3A_682 = arith.cmpi ne, %sign3A_674, %sign3A_681 : i32
      %rem3A_683 = arith.remsi %scan3A_665, %jit3A_666 : i32
      %ne3A_684 = arith.constant 0 : i32
      %ne3A_685 = arith.cmpi ne, %rem3A_683, %ne3A_684 : i32
      %and3A_686 = arith.andi %ne3A_682, %ne3A_685 : i1
      %sub3A_687 = arith.constant 1 : i32
      %sub3A_688 = arith.subi %div3A_667, %sub3A_687 : i32
      %select_n3A_689 = arith.select %and3A_686, %sub3A_688, %div3A_667 : i32
      %jit3A_690 = arith.constant 8 : i32
      %eq3A_691 = arith.constant 0 : i32
      %eq3A_692 = arith.cmpi eq, %jit3A_690, %eq3A_691 : i32
      %jit3A_693 = arith.constant 1 : i32
      %select_n3A_694 = arith.select %eq3A_692, %jit3A_693, %jit3A_690 : i32
      %rem3A_695 = arith.remsi %scan3A_665, %select_n3A_694 : i32
      %ne3A_696 = arith.constant 0 : i32
      %ne3A_697 = arith.cmpi ne, %rem3A_695, %ne3A_696 : i32
      %lt3A_698 = arith.constant 0 : i32
      %lt3A_699 = arith.cmpi slt, %rem3A_695, %lt3A_698 : i32
      %lt3A_700 = arith.constant 0 : i32
      %lt3A_701 = arith.cmpi slt, %select_n3A_694, %lt3A_700 : i32
      %ne3A_702 = arith.xori %lt3A_699, %lt3A_701 : i1
      %and3A_703 = arith.andi %ne3A_702, %ne3A_697 : i1
      %add3A_704 = arith.addi %rem3A_695, %select_n3A_694 : i32
      %select_n3A_705 = arith.select %and3A_703, %add3A_704, %rem3A_695 : i32
      %mul3A_706 = arith.constant 16 : i32
      %mul3A_707 = arith.muli %select_n3A_705, %mul3A_706 : i32
      %swap3A_708 = arith.index_cast %select_n3A_689 : i32 to index
      %swap3A_709 = arith.index_cast %mul3A_707 : i32 to index
      %swap3A_710 = tpu.vector_load %arg8[%swap3A_708, %swap3A_709] {strides = array<i32>} : memref<40x128xf32, #tpu.memory_space<vmem>>, vector<1x16xf32>,
      %swap3A_711 = vector.shape_cast %swap3A_710 : vector<1x16xf32> to vector<16xf32>
      %swap3A_712 = vector.shape_cast %broadcast_in_dim3A_40 : vector<16xf32> to vector<1x16xf32>
      tpu.vector_store %arg8[%swap3A_708, %swap3A_709], %swap3A_712 {strides = array<i32>} : memref<40x128xf32, #tpu.memory_space<vmem>>, vector<1x16xf32>,
      %scan3A_713 = arith.constant 6 : i32
      %scan3A_714 = arith.addi %scan3A_431, %scan3A_713 : i32
      %jit3A_715 = arith.constant 8 : i32
      %div3A_716 = arith.divsi %scan3A_714, %jit3A_715 : i32
      %sign3A_717 = arith.constant 0 : i32
      %sign3A_718 = arith.cmpi sgt, %scan3A_714, %sign3A_717 : i32
      %sign3A_719 = arith.extui %sign3A_718 : i1 to i32
      %sign3A_720 = arith.constant 0 : i32
      %sign3A_721 = arith.cmpi slt, %scan3A_714, %sign3A_720 : i32
      %sign3A_722 = arith.extui %sign3A_721 : i1 to i32
      %sign3A_723 = arith.subi %sign3A_719, %sign3A_722 : i32
      %sign3A_724 = arith.constant 0 : i32
      %sign3A_725 = arith.cmpi sgt, %jit3A_715, %sign3A_724 : i32
      %sign3A_726 = arith.extui %sign3A_725 : i1 to i32
      %sign3A_727 = arith.constant 0 : i32
      %sign3A_728 = arith.cmpi slt, %jit3A_715, %sign3A_727 : i32
      %sign3A_729 = arith.extui %sign3A_728 : i1 to i32
      %sign3A_730 = arith.subi %sign3A_726, %sign3A_729 : i32
      %ne3A_731 = arith.cmpi ne, %sign3A_723, %sign3A_730 : i32
      %rem3A_732 = arith.remsi %scan3A_714, %jit3A_715 : i32
      %ne3A_733 = arith.constant 0 : i32
      %ne3A_734 = arith.cmpi ne, %rem3A_732, %ne3A_733 : i32
      %and3A_735 = arith.andi %ne3A_731, %ne3A_734 : i1
      %sub3A_736 = arith.constant 1 : i32
      %sub3A_737 = arith.subi %div3A_716, %sub3A_736 : i32
      %select_n3A_738 = arith.select %and3A_735, %sub3A_737, %div3A_716 : i32
      %jit3A_739 = arith.constant 8 : i32
      %eq3A_740 = arith.constant 0 : i32
      %eq3A_741 = arith.cmpi eq, %jit3A_739, %eq3A_740 : i32
      %jit3A_742 = arith.constant 1 : i32
      %select_n3A_743 = arith.select %eq3A_741, %jit3A_742, %jit3A_739 : i32
      %rem3A_744 = arith.remsi %scan3A_714, %select_n3A_743 : i32
      %ne3A_745 = arith.constant 0 : i32
      %ne3A_746 = arith.cmpi ne, %rem3A_744, %ne3A_745 : i32
      %lt3A_747 = arith.constant 0 : i32
      %lt3A_748 = arith.cmpi slt, %rem3A_744, %lt3A_747 : i32
      %lt3A_749 = arith.constant 0 : i32
      %lt3A_750 = arith.cmpi slt, %select_n3A_743, %lt3A_749 : i32
      %ne3A_751 = arith.xori %lt3A_748, %lt3A_750 : i1
      %and3A_752 = arith.andi %ne3A_751, %ne3A_746 : i1
      %add3A_753 = arith.addi %rem3A_744, %select_n3A_743 : i32
      %select_n3A_754 = arith.select %and3A_752, %add3A_753, %rem3A_744 : i32
      %mul3A_755 = arith.constant 16 : i32
      %mul3A_756 = arith.muli %select_n3A_754, %mul3A_755 : i32
      %swap3A_757 = arith.index_cast %select_n3A_738 : i32 to index
      %swap3A_758 = arith.index_cast %mul3A_756 : i32 to index
      %swap3A_759 = tpu.vector_load %arg8[%swap3A_757, %swap3A_758] {strides = array<i32>} : memref<40x128xf32, #tpu.memory_space<vmem>>, vector<1x16xf32>,
      %swap3A_760 = vector.shape_cast %swap3A_759 : vector<1x16xf32> to vector<16xf32>
      %swap3A_761 = vector.shape_cast %broadcast_in_dim3A_40 : vector<16xf32> to vector<1x16xf32>
      tpu.vector_store %arg8[%swap3A_757, %swap3A_758], %swap3A_761 {strides = array<i32>} : memref<40x128xf32, #tpu.memory_space<vmem>>, vector<1x16xf32>,
      %scan3A_762 = arith.constant 7 : i32
      %scan3A_763 = arith.addi %scan3A_431, %scan3A_762 : i32
      %jit3A_764 = arith.constant 8 : i32
      %div3A_765 = arith.divsi %scan3A_763, %jit3A_764 : i32
      %sign3A_766 = arith.constant 0 : i32
      %sign3A_767 = arith.cmpi sgt, %scan3A_763, %sign3A_766 : i32
      %sign3A_768 = arith.extui %sign3A_767 : i1 to i32
      %sign3A_769 = arith.constant 0 : i32
      %sign3A_770 = arith.cmpi slt, %scan3A_763, %sign3A_769 : i32
      %sign3A_771 = arith.extui %sign3A_770 : i1 to i32
      %sign3A_772 = arith.subi %sign3A_768, %sign3A_771 : i32
      %sign3A_773 = arith.constant 0 : i32
      %sign3A_774 = arith.cmpi sgt, %jit3A_764, %sign3A_773 : i32
      %sign3A_775 = arith.extui %sign3A_774 : i1 to i32
      %sign3A_776 = arith.constant 0 : i32
      %sign3A_777 = arith.cmpi slt, %jit3A_764, %sign3A_776 : i32
      %sign3A_778 = arith.extui %sign3A_777 : i1 to i32
      %sign3A_779 = arith.subi %sign3A_775, %sign3A_778 : i32
      %ne3A_780 = arith.cmpi ne, %sign3A_772, %sign3A_779 : i32
      %rem3A_781 = arith.remsi %scan3A_763, %jit3A_764 : i32
      %ne3A_782 = arith.constant 0 : i32
      %ne3A_783 = arith.cmpi ne, %rem3A_781, %ne3A_782 : i32
      %and3A_784 = arith.andi %ne3A_780, %ne3A_783 : i1
      %sub3A_785 = arith.constant 1 : i32
      %sub3A_786 = arith.subi %div3A_765, %sub3A_785 : i32
      %select_n3A_787 = arith.select %and3A_784, %sub3A_786, %div3A_765 : i32
      %jit3A_788 = arith.constant 8 : i32
      %eq3A_789 = arith.constant 0 : i32
      %eq3A_790 = arith.cmpi eq, %jit3A_788, %eq3A_789 : i32
      %jit3A_791 = arith.constant 1 : i32
      %select_n3A_792 = arith.select %eq3A_790, %jit3A_791, %jit3A_788 : i32
      %rem3A_793 = arith.remsi %scan3A_763, %select_n3A_792 : i32
      %ne3A_794 = arith.constant 0 : i32
      %ne3A_795 = arith.cmpi ne, %rem3A_793, %ne3A_794 : i32
      %lt3A_796 = arith.constant 0 : i32
      %lt3A_797 = arith.cmpi slt, %rem3A_793, %lt3A_796 : i32
      %lt3A_798 = arith.constant 0 : i32
      %lt3A_799 = arith.cmpi slt, %select_n3A_792, %lt3A_798 : i32
      %ne3A_800 = arith.xori %lt3A_797, %lt3A_799 : i1
      %and3A_801 = arith.andi %ne3A_800, %ne3A_795 : i1
      %add3A_802 = arith.addi %rem3A_793, %select_n3A_792 : i32
      %select_n3A_803 = arith.select %and3A_801, %add3A_802, %rem3A_793 : i32
      %mul3A_804 = arith.constant 16 : i32
      %mul3A_805 = arith.muli %select_n3A_803, %mul3A_804 : i32
      %swap3A_806 = arith.index_cast %select_n3A_787 : i32 to index
      %swap3A_807 = arith.index_cast %mul3A_805 : i32 to index
      %swap3A_808 = tpu.vector_load %arg8[%swap3A_806, %swap3A_807] {strides = array<i32>} : memref<40x128xf32, #tpu.memory_space<vmem>>, vector<1x16xf32>,
      %swap3A_809 = vector.shape_cast %swap3A_808 : vector<1x16xf32> to vector<16xf32>
      %swap3A_810 = vector.shape_cast %broadcast_in_dim3A_40 : vector<16xf32> to vector<1x16xf32>
      tpu.vector_store %arg8[%swap3A_806, %swap3A_807], %swap3A_810 {strides = array<i32>} : memref<40x128xf32, #tpu.memory_space<vmem>>, vector<1x16xf32>,
    }
    %scan3A_45 = arith.constant 320 : i32
    %mul3A_46 = arith.constant 640 : i32
    %mul3A_47 = arith.muli %arg1, %mul3A_46 : i32
    %add3A_48 = arith.constant 0 : i32
    %add3A_49 = arith.addi %mul3A_47, %add3A_48 : i32
    %dma_start3A_50 = arith.constant 0 : i32
    %dma_start3A_51 = tpu.memref_slice %arg13[%add3A_49, %dma_start3A_50] : memref<10240x128xf32, #tpu.memory_space<vmem_shared>> -> memref<40x128xf32, #tpu.memory_space<vmem_shared>>
    %dma_start3A_52 = arith.constant 0 : i32
    %dma_start3A_53 = tpu.memref_slice %arg13[%add3A_49, %dma_start3A_52] : memref<10240x128xf32, #tpu.memory_space<vmem_shared>> -> memref<40x128xf32, #tpu.memory_space<vmem_shared>>
    tpu.enqueue_dma source(%arg8 : memref<40x128xf32, #tpu.memory_space<vmem>>) target(%dma_start3A_53 : memref<40x128xf32, #tpu.memory_space<vmem_shared>>) target_semaphore(%arg28 : memref<!tpu.dma_semaphore, #tpu.memory_space<semaphore_mem>>)
    %mul3A_54 = arith.constant 640 : i32
    %mul3A_55 = arith.muli %arg1, %mul3A_54 : i32
    %add3A_56 = arith.constant 40 : i32
    %add3A_57 = arith.addi %mul3A_55, %add3A_56 : i32
    %dma_start3A_58 = arith.constant 0 : i32
    %dma_start3A_59 = tpu.memref_slice %arg13[%add3A_57, %dma_start3A_58] : memref<10240x128xf32, #tpu.memory_space<vmem_shared>> -> memref<40x128xf32, #tpu.memory_space<vmem_shared>>
    %dma_start3A_60 = arith.constant 0 : i32
    %dma_start3A_61 = tpu.memref_slice %arg13[%add3A_57, %dma_start3A_60] : memref<10240x128xf32, #tpu.memory_space<vmem_shared>> -> memref<40x128xf32, #tpu.memory_space<vmem_shared>>
    tpu.enqueue_dma source(%arg8 : memref<40x128xf32, #tpu.memory_space<vmem>>) target(%dma_start3A_61 : memref<40x128xf32, #tpu.memory_space<vmem_shared>>) target_semaphore(%arg28 : memref<!tpu.dma_semaphore, #tpu.memory_space<semaphore_mem>>)
    %mul3A_62 = arith.constant 640 : i32
    %mul3A_63 = arith.muli %arg1, %mul3A_62 : i32
    %add3A_64 = arith.constant 80 : i32
    %add3A_65 = arith.addi %mul3A_63, %add3A_64 : i32
    %dma_start3A_66 = arith.constant 0 : i32
    %dma_start3A_67 = tpu.memref_slice %arg13[%add3A_65, %dma_start3A_66] : memref<10240x128xf32, #tpu.memory_space<vmem_shared>> -> memref<40x128xf32, #tpu.memory_space<vmem_shared>>
    %dma_start3A_68 = arith.constant 0 : i32
    %dma_start3A_69 = tpu.memref_slice %arg13[%add3A_65, %dma_start3A_68] : memref<10240x128xf32, #tpu.memory_space<vmem_shared>> -> memref<40x128xf32, #tpu.memory_space<vmem_shared>>
    tpu.enqueue_dma source(%arg8 : memref<40x128xf32, #tpu.memory_space<vmem>>) target(%dma_start3A_69 : memref<40x128xf32, #tpu.memory_space<vmem_shared>>) target_semaphore(%arg28 : memref<!tpu.dma_semaphore, #tpu.memory_space<semaphore_mem>>)
    %mul3A_70 = arith.constant 640 : i32
    %mul3A_71 = arith.muli %arg1, %mul3A_70 : i32
    %add3A_72 = arith.constant 120 : i32
    %add3A_73 = arith.addi %mul3A_71, %add3A_72 : i32
    %dma_start3A_74 = arith.constant 0 : i32
    %dma_start3A_75 = tpu.memref_slice %arg13[%add3A_73, %dma_start3A_74] : memref<10240x128xf32, #tpu.memory_space<vmem_shared>> -> memref<40x128xf32, #tpu.memory_space<vmem_shared>>
    %dma_start3A_76 = arith.constant 0 : i32
    %dma_start3A_77 = tpu.memref_slice %arg13[%add3A_73, %dma_start3A_76] : memref<10240x128xf32, #tpu.memory_space<vmem_shared>> -> memref<40x128xf32, #tpu.memory_space<vmem_shared>>
    tpu.enqueue_dma source(%arg8 : memref<40x128xf32, #tpu.memory_space<vmem>>) target(%dma_start3A_77 : memref<40x128xf32, #tpu.memory_space<vmem_shared>>) target_semaphore(%arg28 : memref<!tpu.dma_semaphore, #tpu.memory_space<semaphore_mem>>)
    %mul3A_78 = arith.constant 640 : i32
    %mul3A_79 = arith.muli %arg1, %mul3A_78 : i32
    %add3A_80 = arith.constant 160 : i32
    %add3A_81 = arith.addi %mul3A_79, %add3A_80 : i32
    %dma_start3A_82 = arith.constant 0 : i32
    %dma_start3A_83 = tpu.memref_slice %arg13[%add3A_81, %dma_start3A_82] : memref<10240x128xf32, #tpu.memory_space<vmem_shared>> -> memref<40x128xf32, #tpu.memory_space<vmem_shared>>
    %dma_start3A_84 = arith.constant 0 : i32
    %dma_start3A_85 = tpu.memref_slice %arg13[%add3A_81, %dma_start3A_84] : memref<10240x128xf32, #tpu.memory_space<vmem_shared>> -> memref<40x128xf32, #tpu.memory_space<vmem_shared>>
    tpu.enqueue_dma source(%arg8 : memref<40x128xf32, #tpu.memory_space<vmem>>) target(%dma_start3A_85 : memref<40x128xf32, #tpu.memory_space<vmem_shared>>) target_semaphore(%arg28 : memref<!tpu.dma_semaphore, #tpu.memory_space<semaphore_mem>>)
    %mul3A_86 = arith.constant 640 : i32
    %mul3A_87 = arith.muli %arg1, %mul3A_86 : i32
    %add3A_88 = arith.constant 200 : i32
    %add3A_89 = arith.addi %mul3A_87, %add3A_88 : i32
    %dma_start3A_90 = arith.constant 0 : i32
    %dma_start3A_91 = tpu.memref_slice %arg13[%add3A_89, %dma_start3A_90] : memref<10240x128xf32, #tpu.memory_space<vmem_shared>> -> memref<40x128xf32, #tpu.memory_space<vmem_shared>>
    %dma_start3A_92 = arith.constant 0 : i32
    %dma_start3A_93 = tpu.memref_slice %arg13[%add3A_89, %dma_start3A_92] : memref<10240x128xf32, #tpu.memory_space<vmem_shared>> -> memref<40x128xf32, #tpu.memory_space<vmem_shared>>
    tpu.enqueue_dma source(%arg8 : memref<40x128xf32, #tpu.memory_space<vmem>>) target(%dma_start3A_93 : memref<40x128xf32, #tpu.memory_space<vmem_shared>>) target_semaphore(%arg28 : memref<!tpu.dma_semaphore, #tpu.memory_space<semaphore_mem>>)
    %mul3A_94 = arith.constant 640 : i32
    %mul3A_95 = arith.muli %arg1, %mul3A_94 : i32
    %add3A_96 = arith.constant 240 : i32
    %add3A_97 = arith.addi %mul3A_95, %add3A_96 : i32
    %dma_start3A_98 = arith.constant 0 : i32
    %dma_start3A_99 = tpu.memref_slice %arg13[%add3A_97, %dma_start3A_98] : memref<10240x128xf32, #tpu.memory_space<vmem_shared>> -> memref<40x128xf32, #tpu.memory_space<vmem_shared>>
    %dma_start3A_100 = arith.constant 0 : i32
    %dma_start3A_101 = tpu.memref_slice %arg13[%add3A_97, %dma_start3A_100] : memref<10240x128xf32, #tpu.memory_space<vmem_shared>> -> memref<40x128xf32, #tpu.memory_space<vmem_shared>>
    tpu.enqueue_dma source(%arg8 : memref<40x128xf32, #tpu.memory_space<vmem>>) target(%dma_start3A_101 : memref<40x128xf32, #tpu.memory_space<vmem_shared>>) target_semaphore(%arg28 : memref<!tpu.dma_semaphore, #tpu.memory_space<semaphore_mem>>)
    %mul3A_102 = arith.constant 640 : i32
    %mul3A_103 = arith.muli %arg1, %mul3A_102 : i32
    %add3A_104 = arith.constant 280 : i32
    %add3A_105 = arith.addi %mul3A_103, %add3A_104 : i32
    %dma_start3A_106 = arith.constant 0 : i32
    %dma_start3A_107 = tpu.memref_slice %arg13[%add3A_105, %dma_start3A_106] : memref<10240x128xf32, #tpu.memory_space<vmem_shared>> -> memref<40x128xf32, #tpu.memory_space<vmem_shared>>
    %dma_start3A_108 = arith.constant 0 : i32
    %dma_start3A_109 = tpu.memref_slice %arg13[%add3A_105, %dma_start3A_108] : memref<10240x128xf32, #tpu.memory_space<vmem_shared>> -> memref<40x128xf32, #tpu.memory_space<vmem_shared>>
    tpu.enqueue_dma source(%arg8 : memref<40x128xf32, #tpu.memory_space<vmem>>) target(%dma_start3A_109 : memref<40x128xf32, #tpu.memory_space<vmem_shared>>) target_semaphore(%arg28 : memref<!tpu.dma_semaphore, #tpu.memory_space<semaphore_mem>>)
    %mul3A_110 = arith.constant 640 : i32
    %mul3A_111 = arith.muli %arg1, %mul3A_110 : i32
    %add3A_112 = arith.constant 320 : i32
    %add3A_113 = arith.addi %mul3A_111, %add3A_112 : i32
    %dma_start3A_114 = arith.constant 0 : i32
    %dma_start3A_115 = tpu.memref_slice %arg13[%add3A_113, %dma_start3A_114] : memref<10240x128xf32, #tpu.memory_space<vmem_shared>> -> memref<40x128xf32, #tpu.memory_space<vmem_shared>>
    %dma_start3A_116 = arith.constant 0 : i32
    %dma_start3A_117 = tpu.memref_slice %arg13[%add3A_113, %dma_start3A_116] : memref<10240x128xf32, #tpu.memory_space<vmem_shared>> -> memref<40x128xf32, #tpu.memory_space<vmem_shared>>
    tpu.enqueue_dma source(%arg8 : memref<40x128xf32, #tpu.memory_space<vmem>>) target(%dma_start3A_117 : memref<40x128xf32, #tpu.memory_space<vmem_shared>>) target_semaphore(%arg28 : memref<!tpu.dma_semaphore, #tpu.memory_space<semaphore_mem>>)
    %mul3A_118 = arith.constant 640 : i32
    %mul3A_119 = arith.muli %arg1, %mul3A_118 : i32
    %add3A_120 = arith.constant 360 : i32
    %add3A_121 = arith.addi %mul3A_119, %add3A_120 : i32
    %dma_start3A_122 = arith.constant 0 : i32
    %dma_start3A_123 = tpu.memref_slice %arg13[%add3A_121, %dma_start3A_122] : memref<10240x128xf32, #tpu.memory_space<vmem_shared>> -> memref<40x128xf32, #tpu.memory_space<vmem_shared>>
    %dma_start3A_124 = arith.constant 0 : i32
    %dma_start3A_125 = tpu.memref_slice %arg13[%add3A_121, %dma_start3A_124] : memref<10240x128xf32, #tpu.memory_space<vmem_shared>> -> memref<40x128xf32, #tpu.memory_space<vmem_shared>>
    tpu.enqueue_dma source(%arg8 : memref<40x128xf32, #tpu.memory_space<vmem>>) target(%dma_start3A_125 : memref<40x128xf32, #tpu.memory_space<vmem_shared>>) target_semaphore(%arg28 : memref<!tpu.dma_semaphore, #tpu.memory_space<semaphore_mem>>)
    %mul3A_126 = arith.constant 640 : i32
    %mul3A_127 = arith.muli %arg1, %mul3A_126 : i32
    %add3A_128 = arith.constant 400 : i32
    %add3A_129 = arith.addi %mul3A_127, %add3A_128 : i32
    %dma_start3A_130 = arith.constant 0 : i32
    %dma_start3A_131 = tpu.memref_slice %arg13[%add3A_129, %dma_start3A_130] : memref<10240x128xf32, #tpu.memory_space<vmem_shared>> -> memref<40x128xf32, #tpu.memory_space<vmem_shared>>
    %dma_start3A_132 = arith.constant 0 : i32
    %dma_start3A_133 = tpu.memref_slice %arg13[%add3A_129, %dma_start3A_132] : memref<10240x128xf32, #tpu.memory_space<vmem_shared>> -> memref<40x128xf32, #tpu.memory_space<vmem_shared>>
    tpu.enqueue_dma source(%arg8 : memref<40x128xf32, #tpu.memory_space<vmem>>) target(%dma_start3A_133 : memref<40x128xf32, #tpu.memory_space<vmem_shared>>) target_semaphore(%arg28 : memref<!tpu.dma_semaphore, #tpu.memory_space<semaphore_mem>>)
    %mul3A_134 = arith.constant 640 : i32
    %mul3A_135 = arith.muli %arg1, %mul3A_134 : i32
    %add3A_136 = arith.constant 440 : i32
    %add3A_137 = arith.addi %mul3A_135, %add3A_136 : i32
    %dma_start3A_138 = arith.constant 0 : i32
    %dma_start3A_139 = tpu.memref_slice %arg13[%add3A_137, %dma_start3A_138] : memref<10240x128xf32, #tpu.memory_space<vmem_shared>> -> memref<40x128xf32, #tpu.memory_space<vmem_shared>>
    %dma_start3A_140 = arith.constant 0 : i32
    %dma_start3A_141 = tpu.memref_slice %arg13[%add3A_137, %dma_start3A_140] : memref<10240x128xf32, #tpu.memory_space<vmem_shared>> -> memref<40x128xf32, #tpu.memory_space<vmem_shared>>
    tpu.enqueue_dma source(%arg8 : memref<40x128xf32, #tpu.memory_space<vmem>>) target(%dma_start3A_141 : memref<40x128xf32, #tpu.memory_space<vmem_shared>>) target_semaphore(%arg28 : memref<!tpu.dma_semaphore, #tpu.memory_space<semaphore_mem>>)
    %mul3A_142 = arith.constant 640 : i32
    %mul3A_143 = arith.muli %arg1, %mul3A_142 : i32
    %add3A_144 = arith.constant 480 : i32
    %add3A_145 = arith.addi %mul3A_143, %add3A_144 : i32
    %dma_start3A_146 = arith.constant 0 : i32
    %dma_start3A_147 = tpu.memref_slice %arg13[%add3A_145, %dma_start3A_146] : memref<10240x128xf32, #tpu.memory_space<vmem_shared>> -> memref<40x128xf32, #tpu.memory_space<vmem_shared>>
    %dma_start3A_148 = arith.constant 0 : i32
    %dma_start3A_149 = tpu.memref_slice %arg13[%add3A_145, %dma_start3A_148] : memref<10240x128xf32, #tpu.memory_space<vmem_shared>> -> memref<40x128xf32, #tpu.memory_space<vmem_shared>>
    tpu.enqueue_dma source(%arg8 : memref<40x128xf32, #tpu.memory_space<vmem>>) target(%dma_start3A_149 : memref<40x128xf32, #tpu.memory_space<vmem_shared>>) target_semaphore(%arg28 : memref<!tpu.dma_semaphore, #tpu.memory_space<semaphore_mem>>)
    %mul3A_150 = arith.constant 640 : i32
    %mul3A_151 = arith.muli %arg1, %mul3A_150 : i32
    %add3A_152 = arith.constant 520 : i32
    %add3A_153 = arith.addi %mul3A_151, %add3A_152 : i32
    %dma_start3A_154 = arith.constant 0 : i32
    %dma_start3A_155 = tpu.memref_slice %arg13[%add3A_153, %dma_start3A_154] : memref<10240x128xf32, #tpu.memory_space<vmem_shared>> -> memref<40x128xf32, #tpu.memory_space<vmem_shared>>
    %dma_start3A_156 = arith.constant 0 : i32
    %dma_start3A_157 = tpu.memref_slice %arg13[%add3A_153, %dma_start3A_156] : memref<10240x128xf32, #tpu.memory_space<vmem_shared>> -> memref<40x128xf32, #tpu.memory_space<vmem_shared>>
    tpu.enqueue_dma source(%arg8 : memref<40x128xf32, #tpu.memory_space<vmem>>) target(%dma_start3A_157 : memref<40x128xf32, #tpu.memory_space<vmem_shared>>) target_semaphore(%arg28 : memref<!tpu.dma_semaphore, #tpu.memory_space<semaphore_mem>>)
    %mul3A_158 = arith.constant 640 : i32
    %mul3A_159 = arith.muli %arg1, %mul3A_158 : i32
    %add3A_160 = arith.constant 560 : i32
    %add3A_161 = arith.addi %mul3A_159, %add3A_160 : i32
    %dma_start3A_162 = arith.constant 0 : i32
    %dma_start3A_163 = tpu.memref_slice %arg13[%add3A_161, %dma_start3A_162] : memref<10240x128xf32, #tpu.memory_space<vmem_shared>> -> memref<40x128xf32, #tpu.memory_space<vmem_shared>>
    %dma_start3A_164 = arith.constant 0 : i32
    %dma_start3A_165 = tpu.memref_slice %arg13[%add3A_161, %dma_start3A_164] : memref<10240x128xf32, #tpu.memory_space<vmem_shared>> -> memref<40x128xf32, #tpu.memory_space<vmem_shared>>
    tpu.enqueue_dma source(%arg8 : memref<40x128xf32, #tpu.memory_space<vmem>>) target(%dma_start3A_165 : memref<40x128xf32, #tpu.memory_space<vmem_shared>>) target_semaphore(%arg28 : memref<!tpu.dma_semaphore, #tpu.memory_space<semaphore_mem>>)
    %mul3A_166 = arith.constant 640 : i32
    %mul3A_167 = arith.muli %arg1, %mul3A_166 : i32
    %add3A_168 = arith.constant 600 : i32
    %add3A_169 = arith.addi %mul3A_167, %add3A_168 : i32
    %dma_start3A_170 = arith.constant 0 : i32
    %dma_start3A_171 = tpu.memref_slice %arg13[%add3A_169, %dma_start3A_170] : memref<10240x128xf32, #tpu.memory_space<vmem_shared>> -> memref<40x128xf32, #tpu.memory_space<vmem_shared>>
    %dma_start3A_172 = arith.constant 0 : i32
    %dma_start3A_173 = tpu.memref_slice %arg13[%add3A_169, %dma_start3A_172] : memref<10240x128xf32, #tpu.memory_space<vmem_shared>> -> memref<40x128xf32, #tpu.memory_space<vmem_shared>>
    tpu.enqueue_dma source(%arg8 : memref<40x128xf32, #tpu.memory_space<vmem>>) target(%dma_start3A_173 : memref<40x128xf32, #tpu.memory_space<vmem_shared>>) target_semaphore(%arg28 : memref<!tpu.dma_semaphore, #tpu.memory_space<semaphore_mem>>)
    %mul3A_174 = arith.constant 10000 : i32
    %mul3A_175 = arith.muli %add3A, %mul3A_174 : i32
    %add3A_176 = arith.constant 40 : i32
    %add3A_177 = arith.addi %mul3A_175, %add3A_176 : i32
    %dma_wait3A = arith.constant 40 : i32
    %dma_wait3A_178 = tpu.memref_slice %arg6[%dma_wait3A] : memref<200xi32, #tpu.memory_space<vmem>> -> memref<40xi32, #tpu.memory_space<vmem>>
    %dma_wait3A_179 = tpu.memref_slice %arg3[%add3A_177] : memref<320000xi32, #tpu.memory_space<hbm>> -> memref<40xi32, #tpu.memory_space<hbm>>
    %dma_wait3A_180 = arith.constant 40 : i32
    %dma_wait3A_181 = tpu.memref_slice %arg6[%dma_wait3A_180] : memref<200xi32, #tpu.memory_space<vmem>> -> memref<40xi32, #tpu.memory_space<vmem>>
    %dma_wait3A_182 = tpu.memref_slice %arg3[%add3A_177] : memref<320000xi32, #tpu.memory_space<hbm>> -> memref<40xi32, #tpu.memory_space<hbm>>
    tpu.wait_dma2 semaphore(%arg30 : memref<!tpu.dma_semaphore, #tpu.memory_space<semaphore_mem>>) src(%dma_wait3A_182 : memref<40xi32, #tpu.memory_space<hbm>>) dst(%dma_wait3A_181 : memref<40xi32, #tpu.memory_space<vmem>>)
    %dma_start3A_183 = arith.constant 40 : i32
    %dma_start3A_184 = tpu.memref_slice %arg6[%dma_start3A_183] : memref<200xi32, #tpu.memory_space<vmem>> -> memref<40xi32, #tpu.memory_space<vmem>>
    %dma_start3A_185 = arith.constant 0 : i32
    %dma_start3A_186 = arith.constant 0 : i32
    %dma_start3A_187 = tpu.memref_slice %arg2[%dma_start3A_185, %dma_start3A_186] : memref<10000x128xf32, #tpu.memory_space<hbm>> -> memref<10000x128xf32, #tpu.memory_space<hbm>>
    tpu.enqueue_indirect_dma source(%dma_start3A_187 : memref<10000x128xf32, #tpu.memory_space<hbm>>) target(%arg9 : memref<40x128xf32, #tpu.memory_space<vmem>>) offsets(%dma_start3A_184 : memref<40xi32, #tpu.memory_space<vmem>>) semaphore(%arg15 : memref<!tpu.dma_semaphore, #tpu.memory_space<semaphore_mem>>)
    %mul3A_188 = arith.constant 10000 : i32
    %mul3A_189 = arith.muli %add3A, %mul3A_188 : i32
    %add3A_190 = arith.constant 40 : i32
    %add3A_191 = arith.addi %mul3A_189, %add3A_190 : i32
    %dma_start3A_192 = arith.constant 1 : i32
    %dma_start3A_193 = arith.constant 0 : i32
    %dma_start3A_194 = tpu.memref_slice %arg7[%dma_start3A_192, %dma_start3A_193] : memref<5x40xi32, #tpu.memory_space<vmem>> -> memref<1x40xi32, #tpu.memory_space<vmem>>
    %dma_start3A_195 = tpu.memref_squeeze %dma_start3A_194 : memref<1x40xi32, #tpu.memory_space<vmem>> -> memref<40xi32, #tpu.memory_space<vmem>>
    %dma_start3A_196 = tpu.memref_slice %arg4[%add3A_191] : memref<320000xi32, #tpu.memory_space<hbm>> -> memref<40xi32, #tpu.memory_space<hbm>>
    %dma_start3A_197 = arith.constant 0 : i32
    %dma_start3A_198 = tpu.memref_slice %arg7[%dma_start3A_192, %dma_start3A_197] : memref<5x40xi32, #tpu.memory_space<vmem>> -> memref<1x40xi32, #tpu.memory_space<vmem>>
    %dma_start3A_199 = tpu.memref_squeeze %dma_start3A_198 : memref<1x40xi32, #tpu.memory_space<vmem>> -> memref<40xi32, #tpu.memory_space<vmem>>
    %dma_start3A_200 = tpu.memref_slice %arg4[%add3A_191] : memref<320000xi32, #tpu.memory_space<hbm>> -> memref<40xi32, #tpu.memory_space<hbm>>
    tpu.enqueue_dma source(%dma_start3A_200 : memref<40xi32, #tpu.memory_space<hbm>>) target(%dma_start3A_199 : memref<40xi32, #tpu.memory_space<vmem>>) target_semaphore(%arg25 : memref<!tpu.dma_semaphore, #tpu.memory_space<semaphore_mem>>)
    %mul3A_201 = arith.constant 10000 : i32
    %mul3A_202 = arith.muli %add3A, %mul3A_201 : i32
    %add3A_203 = arith.constant 80 : i32
    %add3A_204 = arith.addi %mul3A_202, %add3A_203 : i32
    %dma_wait3A_205 = arith.constant 80 : i32
    %dma_wait3A_206 = tpu.memref_slice %arg6[%dma_wait3A_205] : memref<200xi32, #tpu.memory_space<vmem>> -> memref<40xi32, #tpu.memory_space<vmem>>
    %dma_wait3A_207 = tpu.memref_slice %arg3[%add3A_204] : memref<320000xi32, #tpu.memory_space<hbm>> -> memref<40xi32, #tpu.memory_space<hbm>>
    %dma_wait3A_208 = arith.constant 80 : i32
    %dma_wait3A_209 = tpu.memref_slice %arg6[%dma_wait3A_208] : memref<200xi32, #tpu.memory_space<vmem>> -> memref<40xi32, #tpu.memory_space<vmem>>
    %dma_wait3A_210 = tpu.memref_slice %arg3[%add3A_204] : memref<320000xi32, #tpu.memory_space<hbm>> -> memref<40xi32, #tpu.memory_space<hbm>>
    tpu.wait_dma2 semaphore(%arg31 : memref<!tpu.dma_semaphore, #tpu.memory_space<semaphore_mem>>) src(%dma_wait3A_210 : memref<40xi32, #tpu.memory_space<hbm>>) dst(%dma_wait3A_209 : memref<40xi32, #tpu.memory_space<vmem>>)
    %dma_start3A_211 = arith.constant 80 : i32
    %dma_start3A_212 = tpu.memref_slice %arg6[%dma_start3A_211] : memref<200xi32, #tpu.memory_space<vmem>> -> memref<40xi32, #tpu.memory_space<vmem>>
    %dma_start3A_213 = arith.constant 0 : i32
    %dma_start3A_214 = arith.constant 0 : i32
    %dma_start3A_215 = tpu.memref_slice %arg2[%dma_start3A_213, %dma_start3A_214] : memref<10000x128xf32, #tpu.memory_space<hbm>> -> memref<10000x128xf32, #tpu.memory_space<hbm>>
    tpu.enqueue_indirect_dma source(%dma_start3A_215 : memref<10000x128xf32, #tpu.memory_space<hbm>>) target(%arg10 : memref<40x128xf32, #tpu.memory_space<vmem>>) offsets(%dma_start3A_212 : memref<40xi32, #tpu.memory_space<vmem>>) semaphore(%arg16 : memref<!tpu.dma_semaphore, #tpu.memory_space<semaphore_mem>>)
    %mul3A_216 = arith.constant 10000 : i32
    %mul3A_217 = arith.muli %add3A, %mul3A_216 : i32
    %add3A_218 = arith.constant 80 : i32
    %add3A_219 = arith.addi %mul3A_217, %add3A_218 : i32
    %dma_start3A_220 = arith.constant 2 : i32
    %dma_start3A_221 = arith.constant 0 : i32
    %dma_start3A_222 = tpu.memref_slice %arg7[%dma_start3A_220, %dma_start3A_221] : memref<5x40xi32, #tpu.memory_space<vmem>> -> memref<1x40xi32, #tpu.memory_space<vmem>>
    %dma_start3A_223 = tpu.memref_squeeze %dma_start3A_222 : memref<1x40xi32, #tpu.memory_space<vmem>> -> memref<40xi32, #tpu.memory_space<vmem>>
    %dma_start3A_224 = tpu.memref_slice %arg4[%add3A_219] : memref<320000xi32, #tpu.memory_space<hbm>> -> memref<40xi32, #tpu.memory_space<hbm>>
    %dma_start3A_225 = arith.constant 0 : i32
    %dma_start3A_226 = tpu.memref_slice %arg7[%dma_start3A_220, %dma_start3A_225] : memref<5x40xi32, #tpu.memory_space<vmem>> -> memref<1x40xi32, #tpu.memory_space<vmem>>
    %dma_start3A_227 = tpu.memref_squeeze %dma_start3A_226 : memref<1x40xi32, #tpu.memory_space<vmem>> -> memref<40xi32, #tpu.memory_space<vmem>>
    %dma_start3A_228 = tpu.memref_slice %arg4[%add3A_219] : memref<320000xi32, #tpu.memory_space<hbm>> -> memref<40xi32, #tpu.memory_space<hbm>>
    tpu.enqueue_dma source(%dma_start3A_228 : memref<40xi32, #tpu.memory_space<hbm>>) target(%dma_start3A_227 : memref<40xi32, #tpu.memory_space<vmem>>) target_semaphore(%arg26 : memref<!tpu.dma_semaphore, #tpu.memory_space<semaphore_mem>>)
    %mul3A_229 = arith.constant 640 : i32
    %mul3A_230 = arith.muli %arg1, %mul3A_229 : i32
    %add3A_231 = arith.constant 0 : i32
    %add3A_232 = arith.addi %mul3A_230, %add3A_231 : i32
    %dma_wait3A_233 = arith.constant 0 : i32
    %dma_wait3A_234 = tpu.memref_slice %arg13[%add3A_232, %dma_wait3A_233] : memref<10240x128xf32, #tpu.memory_space<vmem_shared>> -> memref<40x128xf32, #tpu.memory_space<vmem_shared>>
    %dma_wait3A_235 = arith.constant 0 : i32
    %dma_wait3A_236 = tpu.memref_slice %arg13[%add3A_232, %dma_wait3A_235] : memref<10240x128xf32, #tpu.memory_space<vmem_shared>> -> memref<40x128xf32, #tpu.memory_space<vmem_shared>>
    tpu.wait_dma2 semaphore(%arg28 : memref<!tpu.dma_semaphore, #tpu.memory_space<semaphore_mem>>) src(%arg8 : memref<40x128xf32, #tpu.memory_space<vmem>>) dst(%dma_wait3A_236 : memref<40x128xf32, #tpu.memory_space<vmem_shared>>)
    %mul3A_237 = arith.constant 640 : i32
    %mul3A_238 = arith.muli %arg1, %mul3A_237 : i32
    %add3A_239 = arith.constant 40 : i32
    %add3A_240 = arith.addi %mul3A_238, %add3A_239 : i32
    %dma_wait3A_241 = arith.constant 0 : i32
    %dma_wait3A_242 = tpu.memref_slice %arg13[%add3A_240, %dma_wait3A_241] : memref<10240x128xf32, #tpu.memory_space<vmem_shared>> -> memref<40x128xf32, #tpu.memory_space<vmem_shared>>
    %dma_wait3A_243 = arith.constant 0 : i32
    %dma_wait3A_244 = tpu.memref_slice %arg13[%add3A_240, %dma_wait3A_243] : memref<10240x128xf32, #tpu.memory_space<vmem_shared>> -> memref<40x128xf32, #tpu.memory_space<vmem_shared>>
    tpu.wait_dma2 semaphore(%arg28 : memref<!tpu.dma_semaphore, #tpu.memory_space<semaphore_mem>>) src(%arg8 : memref<40x128xf32, #tpu.memory_space<vmem>>) dst(%dma_wait3A_244 : memref<40x128xf32, #tpu.memory_space<vmem_shared>>)
    %mul3A_245 = arith.constant 640 : i32
    %mul3A_246 = arith.muli %arg1, %mul3A_245 : i32
    %add3A_247 = arith.constant 80 : i32
    %add3A_248 = arith.addi %mul3A_246, %add3A_247 : i32
    %dma_wait3A_249 = arith.constant 0 : i32
    %dma_wait3A_250 = tpu.memref_slice %arg13[%add3A_248, %dma_wait3A_249] : memref<10240x128xf32, #tpu.memory_space<vmem_shared>> -> memref<40x128xf32, #tpu.memory_space<vmem_shared>>
    %dma_wait3A_251 = arith.constant 0 : i32
    %dma_wait3A_252 = tpu.memref_slice %arg13[%add3A_248, %dma_wait3A_251] : memref<10240x128xf32, #tpu.memory_space<vmem_shared>> -> memref<40x128xf32, #tpu.memory_space<vmem_shared>>
    tpu.wait_dma2 semaphore(%arg28 : memref<!tpu.dma_semaphore, #tpu.memory_space<semaphore_mem>>) src(%arg8 : memref<40x128xf32, #tpu.memory_space<vmem>>) dst(%dma_wait3A_252 : memref<40x128xf32, #tpu.memory_space<vmem_shared>>)
    %mul3A_253 = arith.constant 640 : i32
    %mul3A_254 = arith.muli %arg1, %mul3A_253 : i32
    %add3A_255 = arith.constant 120 : i32
    %add3A_256 = arith.addi %mul3A_254, %add3A_255 : i32
    %dma_wait3A_257 = arith.constant 0 : i32
    %dma_wait3A_258 = tpu.memref_slice %arg13[%add3A_256, %dma_wait3A_257] : memref<10240x128xf32, #tpu.memory_space<vmem_shared>> -> memref<40x128xf32, #tpu.memory_space<vmem_shared>>
    %dma_wait3A_259 = arith.constant 0 : i32
    %dma_wait3A_260 = tpu.memref_slice %arg13[%add3A_256, %dma_wait3A_259] : memref<10240x128xf32, #tpu.memory_space<vmem_shared>> -> memref<40x128xf32, #tpu.memory_space<vmem_shared>>
    tpu.wait_dma2 semaphore(%arg28 : memref<!tpu.dma_semaphore, #tpu.memory_space<semaphore_mem>>) src(%arg8 : memref<40x128xf32, #tpu.memory_space<vmem>>) dst(%dma_wait3A_260 : memref<40x128xf32, #tpu.memory_space<vmem_shared>>)
    %mul3A_261 = arith.constant 640 : i32
    %mul3A_262 = arith.muli %arg1, %mul3A_261 : i32
    %add3A_263 = arith.constant 160 : i32
    %add3A_264 = arith.addi %mul3A_262, %add3A_263 : i32
    %dma_wait3A_265 = arith.constant 0 : i32
    %dma_wait3A_266 = tpu.memref_slice %arg13[%add3A_264, %dma_wait3A_265] : memref<10240x128xf32, #tpu.memory_space<vmem_shared>> -> memref<40x128xf32, #tpu.memory_space<vmem_shared>>
    %dma_wait3A_267 = arith.constant 0 : i32
    %dma_wait3A_268 = tpu.memref_slice %arg13[%add3A_264, %dma_wait3A_267] : memref<10240x128xf32, #tpu.memory_space<vmem_shared>> -> memref<40x128xf32, #tpu.memory_space<vmem_shared>>
    tpu.wait_dma2 semaphore(%arg28 : memref<!tpu.dma_semaphore, #tpu.memory_space<semaphore_mem>>) src(%arg8 : memref<40x128xf32, #tpu.memory_space<vmem>>) dst(%dma_wait3A_268 : memref<40x128xf32, #tpu.memory_space<vmem_shared>>)
    %mul3A_269 = arith.constant 640 : i32
    %mul3A_270 = arith.muli %arg1, %mul3A_269 : i32
    %add3A_271 = arith.constant 200 : i32
    %add3A_272 = arith.addi %mul3A_270, %add3A_271 : i32
    %dma_wait3A_273 = arith.constant 0 : i32
    %dma_wait3A_274 = tpu.memref_slice %arg13[%add3A_272, %dma_wait3A_273] : memref<10240x128xf32, #tpu.memory_space<vmem_shared>> -> memref<40x128xf32, #tpu.memory_space<vmem_shared>>
    %dma_wait3A_275 = arith.constant 0 : i32
    %dma_wait3A_276 = tpu.memref_slice %arg13[%add3A_272, %dma_wait3A_275] : memref<10240x128xf32, #tpu.memory_space<vmem_shared>> -> memref<40x128xf32, #tpu.memory_space<vmem_shared>>
    tpu.wait_dma2 semaphore(%arg28 : memref<!tpu.dma_semaphore, #tpu.memory_space<semaphore_mem>>) src(%arg8 : memref<40x128xf32, #tpu.memory_space<vmem>>) dst(%dma_wait3A_276 : memref<40x128xf32, #tpu.memory_space<vmem_shared>>)
    %mul3A_277 = arith.constant 640 : i32
    %mul3A_278 = arith.muli %arg1, %mul3A_277 : i32
    %add3A_279 = arith.constant 240 : i32
    %add3A_280 = arith.addi %mul3A_278, %add3A_279 : i32
    %dma_wait3A_281 = arith.constant 0 : i32
    %dma_wait3A_282 = tpu.memref_slice %arg13[%add3A_280, %dma_wait3A_281] : memref<10240x128xf32, #tpu.memory_space<vmem_shared>> -> memref<40x128xf32, #tpu.memory_space<vmem_shared>>
    %dma_wait3A_283 = arith.constant 0 : i32
    %dma_wait3A_284 = tpu.memref_slice %arg13[%add3A_280, %dma_wait3A_283] : memref<10240x128xf32, #tpu.memory_space<vmem_shared>> -> memref<40x128xf32, #tpu.memory_space<vmem_shared>>
    tpu.wait_dma2 semaphore(%arg28 : memref<!tpu.dma_semaphore, #tpu.memory_space<semaphore_mem>>) src(%arg8 : memref<40x128xf32, #tpu.memory_space<vmem>>) dst(%dma_wait3A_284 : memref<40x128xf32, #tpu.memory_space<vmem_shared>>)
    %mul3A_285 = arith.constant 640 : i32
    %mul3A_286 = arith.muli %arg1, %mul3A_285 : i32
    %add3A_287 = arith.constant 280 : i32
    %add3A_288 = arith.addi %mul3A_286, %add3A_287 : i32
    %dma_wait3A_289 = arith.constant 0 : i32
    %dma_wait3A_290 = tpu.memref_slice %arg13[%add3A_288, %dma_wait3A_289] : memref<10240x128xf32, #tpu.memory_space<vmem_shared>> -> memref<40x128xf32, #tpu.memory_space<vmem_shared>>
    %dma_wait3A_291 = arith.constant 0 : i32
    %dma_wait3A_292 = tpu.memref_slice %arg13[%add3A_288, %dma_wait3A_291] : memref<10240x128xf32, #tpu.memory_space<vmem_shared>> -> memref<40x128xf32, #tpu.memory_space<vmem_shared>>
    tpu.wait_dma2 semaphore(%arg28 : memref<!tpu.dma_semaphore, #tpu.memory_space<semaphore_mem>>) src(%arg8 : memref<40x128xf32, #tpu.memory_space<vmem>>) dst(%dma_wait3A_292 : memref<40x128xf32, #tpu.memory_space<vmem_shared>>)
    %mul3A_293 = arith.constant 640 : i32
    %mul3A_294 = arith.muli %arg1, %mul3A_293 : i32
    %add3A_295 = arith.constant 320 : i32
    %add3A_296 = arith.addi %mul3A_294, %add3A_295 : i32
    %dma_wait3A_297 = arith.constant 0 : i32
    %dma_wait3A_298 = tpu.memref_slice %arg13[%add3A_296, %dma_wait3A_297] : memref<10240x128xf32, #tpu.memory_space<vmem_shared>> -> memref<40x128xf32, #tpu.memory_space<vmem_shared>>
    %dma_wait3A_299 = arith.constant 0 : i32
    %dma_wait3A_300 = tpu.memref_slice %arg13[%add3A_296, %dma_wait3A_299] : memref<10240x128xf32, #tpu.memory_space<vmem_shared>> -> memref<40x128xf32, #tpu.memory_space<vmem_shared>>
    tpu.wait_dma2 semaphore(%arg28 : memref<!tpu.dma_semaphore, #tpu.memory_space<semaphore_mem>>) src(%arg8 : memref<40x128xf32, #tpu.memory_space<vmem>>) dst(%dma_wait3A_300 : memref<40x128xf32, #tpu.memory_space<vmem_shared>>)
    %mul3A_301 = arith.constant 640 : i32
    %mul3A_302 = arith.muli %arg1, %mul3A_301 : i32
    %add3A_303 = arith.constant 360 : i32
    %add3A_304 = arith.addi %mul3A_302, %add3A_303 : i32
    %dma_wait3A_305 = arith.constant 0 : i32
    %dma_wait3A_306 = tpu.memref_slice %arg13[%add3A_304, %dma_wait3A_305] : memref<10240x128xf32, #tpu.memory_space<vmem_shared>> -> memref<40x128xf32, #tpu.memory_space<vmem_shared>>
    %dma_wait3A_307 = arith.constant 0 : i32
    %dma_wait3A_308 = tpu.memref_slice %arg13[%add3A_304, %dma_wait3A_307] : memref<10240x128xf32, #tpu.memory_space<vmem_shared>> -> memref<40x128xf32, #tpu.memory_space<vmem_shared>>
    tpu.wait_dma2 semaphore(%arg28 : memref<!tpu.dma_semaphore, #tpu.memory_space<semaphore_mem>>) src(%arg8 : memref<40x128xf32, #tpu.memory_space<vmem>>) dst(%dma_wait3A_308 : memref<40x128xf32, #tpu.memory_space<vmem_shared>>)
    %mul3A_309 = arith.constant 640 : i32
    %mul3A_310 = arith.muli %arg1, %mul3A_309 : i32
    %add3A_311 = arith.constant 400 : i32
    %add3A_312 = arith.addi %mul3A_310, %add3A_311 : i32
    %dma_wait3A_313 = arith.constant 0 : i32
    %dma_wait3A_314 = tpu.memref_slice %arg13[%add3A_312, %dma_wait3A_313] : memref<10240x128xf32, #tpu.memory_space<vmem_shared>> -> memref<40x128xf32, #tpu.memory_space<vmem_shared>>
    %dma_wait3A_315 = arith.constant 0 : i32
    %dma_wait3A_316 = tpu.memref_slice %arg13[%add3A_312, %dma_wait3A_315] : memref<10240x128xf32, #tpu.memory_space<vmem_shared>> -> memref<40x128xf32, #tpu.memory_space<vmem_shared>>
    tpu.wait_dma2 semaphore(%arg28 : memref<!tpu.dma_semaphore, #tpu.memory_space<semaphore_mem>>) src(%arg8 : memref<40x128xf32, #tpu.memory_space<vmem>>) dst(%dma_wait3A_316 : memref<40x128xf32, #tpu.memory_space<vmem_shared>>)
    %mul3A_317 = arith.constant 640 : i32
    %mul3A_318 = arith.muli %arg1, %mul3A_317 : i32
    %add3A_319 = arith.constant 440 : i32
    %add3A_320 = arith.addi %mul3A_318, %add3A_319 : i32
    %dma_wait3A_321 = arith.constant 0 : i32
    %dma_wait3A_322 = tpu.memref_slice %arg13[%add3A_320, %dma_wait3A_321] : memref<10240x128xf32, #tpu.memory_space<vmem_shared>> -> memref<40x128xf32, #tpu.memory_space<vmem_shared>>
    %dma_wait3A_323 = arith.constant 0 : i32
    %dma_wait3A_324 = tpu.memref_slice %arg13[%add3A_320, %dma_wait3A_323] : memref<10240x128xf32, #tpu.memory_space<vmem_shared>> -> memref<40x128xf32, #tpu.memory_space<vmem_shared>>
    tpu.wait_dma2 semaphore(%arg28 : memref<!tpu.dma_semaphore, #tpu.memory_space<semaphore_mem>>) src(%arg8 : memref<40x128xf32, #tpu.memory_space<vmem>>) dst(%dma_wait3A_324 : memref<40x128xf32, #tpu.memory_space<vmem_shared>>)
    %mul3A_325 = arith.constant 640 : i32
    %mul3A_326 = arith.muli %arg1, %mul3A_325 : i32
    %add3A_327 = arith.constant 480 : i32
    %add3A_328 = arith.addi %mul3A_326, %add3A_327 : i32
    %dma_wait3A_329 = arith.constant 0 : i32
    %dma_wait3A_330 = tpu.memref_slice %arg13[%add3A_328, %dma_wait3A_329] : memref<10240x128xf32, #tpu.memory_space<vmem_shared>> -> memref<40x128xf32, #tpu.memory_space<vmem_shared>>
    %dma_wait3A_331 = arith.constant 0 : i32
    %dma_wait3A_332 = tpu.memref_slice %arg13[%add3A_328, %dma_wait3A_331] : memref<10240x128xf32, #tpu.memory_space<vmem_shared>> -> memref<40x128xf32, #tpu.memory_space<vmem_shared>>
    tpu.wait_dma2 semaphore(%arg28 : memref<!tpu.dma_semaphore, #tpu.memory_space<semaphore_mem>>) src(%arg8 : memref<40x128xf32, #tpu.memory_space<vmem>>) dst(%dma_wait3A_332 : memref<40x128xf32, #tpu.memory_space<vmem_shared>>)
    %mul3A_333 = arith.constant 640 : i32
    %mul3A_334 = arith.muli %arg1, %mul3A_333 : i32
    %add3A_335 = arith.constant 520 : i32
    %add3A_336 = arith.addi %mul3A_334, %add3A_335 : i32
    %dma_wait3A_337 = arith.constant 0 : i32
    %dma_wait3A_338 = tpu.memref_slice %arg13[%add3A_336, %dma_wait3A_337] : memref<10240x128xf32, #tpu.memory_space<vmem_shared>> -> memref<40x128xf32, #tpu.memory_space<vmem_shared>>
    %dma_wait3A_339 = arith.constant 0 : i32
    %dma_wait3A_340 = tpu.memref_slice %arg13[%add3A_336, %dma_wait3A_339] : memref<10240x128xf32, #tpu.memory_space<vmem_shared>> -> memref<40x128xf32, #tpu.memory_space<vmem_shared>>
    tpu.wait_dma2 semaphore(%arg28 : memref<!tpu.dma_semaphore, #tpu.memory_space<semaphore_mem>>) src(%arg8 : memref<40x128xf32, #tpu.memory_space<vmem>>) dst(%dma_wait3A_340 : memref<40x128xf32, #tpu.memory_space<vmem_shared>>)
    %mul3A_341 = arith.constant 640 : i32
    %mul3A_342 = arith.muli %arg1, %mul3A_341 : i32
    %add3A_343 = arith.constant 560 : i32
    %add3A_344 = arith.addi %mul3A_342, %add3A_343 : i32
    %dma_wait3A_345 = arith.constant 0 : i32
    %dma_wait3A_346 = tpu.memref_slice %arg13[%add3A_344, %dma_wait3A_345] : memref<10240x128xf32, #tpu.memory_space<vmem_shared>> -> memref<40x128xf32, #tpu.memory_space<vmem_shared>>
    %dma_wait3A_347 = arith.constant 0 : i32
    %dma_wait3A_348 = tpu.memref_slice %arg13[%add3A_344, %dma_wait3A_347] : memref<10240x128xf32, #tpu.memory_space<vmem_shared>> -> memref<40x128xf32, #tpu.memory_space<vmem_shared>>
    tpu.wait_dma2 semaphore(%arg28 : memref<!tpu.dma_semaphore, #tpu.memory_space<semaphore_mem>>) src(%arg8 : memref<40x128xf32, #tpu.memory_space<vmem>>) dst(%dma_wait3A_348 : memref<40x128xf32, #tpu.memory_space<vmem_shared>>)
    %mul3A_349 = arith.constant 640 : i32
    %mul3A_350 = arith.muli %arg1, %mul3A_349 : i32
    %add3A_351 = arith.constant 600 : i32
    %add3A_352 = arith.addi %mul3A_350, %add3A_351 : i32
    %dma_wait3A_353 = arith.constant 0 : i32
    %dma_wait3A_354 = tpu.memref_slice %arg13[%add3A_352, %dma_wait3A_353] : memref<10240x128xf32, #tpu.memory_space<vmem_shared>> -> memref<40x128xf32, #tpu.memory_space<vmem_shared>>
    %dma_wait3A_355 = arith.constant 0 : i32
    %dma_wait3A_356 = tpu.memref_slice %arg13[%add3A_352, %dma_wait3A_355] : memref<10240x128xf32, #tpu.memory_space<vmem_shared>> -> memref<40x128xf32, #tpu.memory_space<vmem_shared>>
    tpu.wait_dma2 semaphore(%arg28 : memref<!tpu.dma_semaphore, #tpu.memory_space<semaphore_mem>>) src(%arg8 : memref<40x128xf32, #tpu.memory_space<vmem>>) dst(%dma_wait3A_356 : memref<40x128xf32, #tpu.memory_space<vmem_shared>>)
    %mul3A_357 = arith.constant 10000 : i32
    %mul3A_358 = arith.muli %add3A, %mul3A_357 : i32
    %add3A_359 = arith.constant 0 : i32
    %add3A_360 = arith.addi %mul3A_358, %add3A_359 : i32
    %dma_wait3A_361 = arith.constant 0 : i32
    %dma_wait3A_362 = tpu.memref_slice %arg6[%dma_wait3A_361] : memref<200xi32, #tpu.memory_space<vmem>> -> memref<40xi32, #tpu.memory_space<vmem>>
    %dma_wait3A_363 = tpu.memref_slice %arg3[%add3A_360] : memref<320000xi32, #tpu.memory_space<hbm>> -> memref<40xi32, #tpu.memory_space<hbm>>
    %dma_wait3A_364 = arith.constant 0 : i32
    %dma_wait3A_365 = tpu.memref_slice %arg6[%dma_wait3A_364] : memref<200xi32, #tpu.memory_space<vmem>> -> memref<40xi32, #tpu.memory_space<vmem>>
    %dma_wait3A_366 = tpu.memref_slice %arg3[%add3A_360] : memref<320000xi32, #tpu.memory_space<hbm>> -> memref<40xi32, #tpu.memory_space<hbm>>
    tpu.wait_dma2 semaphore(%arg29 : memref<!tpu.dma_semaphore, #tpu.memory_space<semaphore_mem>>) src(%dma_wait3A_366 : memref<40xi32, #tpu.memory_space<hbm>>) dst(%dma_wait3A_365 : memref<40xi32, #tpu.memory_space<vmem>>)
    %dma_start3A_367 = arith.constant 0 : i32
    %dma_start3A_368 = tpu.memref_slice %arg6[%dma_start3A_367] : memref<200xi32, #tpu.memory_space<vmem>> -> memref<40xi32, #tpu.memory_space<vmem>>
    %dma_start3A_369 = arith.constant 0 : i32
    %dma_start3A_370 = arith.constant 0 : i32
    %dma_start3A_371 = tpu.memref_slice %arg2[%dma_start3A_369, %dma_start3A_370] : memref<10000x128xf32, #tpu.memory_space<hbm>> -> memref<10000x128xf32, #tpu.memory_space<hbm>>
    tpu.enqueue_indirect_dma source(%dma_start3A_371 : memref<10000x128xf32, #tpu.memory_space<hbm>>) target(%arg8 : memref<40x128xf32, #tpu.memory_space<vmem>>) offsets(%dma_start3A_368 : memref<40xi32, #tpu.memory_space<vmem>>) semaphore(%arg14 : memref<!tpu.dma_semaphore, #tpu.memory_space<semaphore_mem>>)
    %mul3A_372 = arith.constant 10000 : i32
    %mul3A_373 = arith.muli %add3A, %mul3A_372 : i32
    %add3A_374 = arith.constant 0 : i32
    %add3A_375 = arith.addi %mul3A_373, %add3A_374 : i32
    %dma_start3A_376 = arith.constant 0 : i32
    %dma_start3A_377 = arith.constant 0 : i32
    %dma_start3A_378 = tpu.memref_slice %arg7[%dma_start3A_376, %dma_start3A_377] : memref<5x40xi32, #tpu.memory_space<vmem>> -> memref<1x40xi32, #tpu.memory_space<vmem>>
    %dma_start3A_379 = tpu.memref_squeeze %dma_start3A_378 : memref<1x40xi32, #tpu.memory_space<vmem>> -> memref<40xi32, #tpu.memory_space<vmem>>
    %dma_start3A_380 = tpu.memref_slice %arg4[%add3A_375] : memref<320000xi32, #tpu.memory_space<hbm>> -> memref<40xi32, #tpu.memory_space<hbm>>
    %dma_start3A_381 = arith.constant 0 : i32
    %dma_start3A_382 = tpu.memref_slice %arg7[%dma_start3A_376, %dma_start3A_381] : memref<5x40xi32, #tpu.memory_space<vmem>> -> memref<1x40xi32, #tpu.memory_space<vmem>>
    %dma_start3A_383 = tpu.memref_squeeze %dma_start3A_382 : memref<1x40xi32, #tpu.memory_space<vmem>> -> memref<40xi32, #tpu.memory_space<vmem>>
    %dma_start3A_384 = tpu.memref_slice %arg4[%add3A_375] : memref<320000xi32, #tpu.memory_space<hbm>> -> memref<40xi32, #tpu.memory_space<hbm>>
    tpu.enqueue_dma source(%dma_start3A_384 : memref<40xi32, #tpu.memory_space<hbm>>) target(%dma_start3A_383 : memref<40xi32, #tpu.memory_space<vmem>>) target_semaphore(%arg24 : memref<!tpu.dma_semaphore, #tpu.memory_space<semaphore_mem>>)
    %barrier3A = arith.constant 0 : index
    tpu.barrier barrier_id(%barrier3A)
    %scan3A_385 = arith.constant 0 : i32
    %scan3A_386 = arith.constant 0 : i32
    %scan3A_387 = arith.constant 50 : i32
    %scan3A_388 = arith.addi %scan3A_386, %scan3A_387 : i32
    %scan3A_389 = arith.constant 1 : i32
    scf.for %scan3A_431 = %scan3A_386 to %scan3A_388 step %scan3A_389  : i32 {
      %mul3A_432 = arith.constant 5 : i32
      %mul3A_433 = arith.muli %mul3A_432, %scan3A_431 : i32
      %add3A_434 = arith.constant 0 : i32
      %add3A_435 = arith.addi %mul3A_433, %add3A_434 : i32
      %dma_wait3A_436 = arith.constant 0 : i32
      %dma_wait3A_437 = tpu.memref_slice %arg6[%dma_wait3A_436] : memref<200xi32, #tpu.memory_space<vmem>> -> memref<40xi32, #tpu.memory_space<vmem>>
      %dma_wait3A_438 = arith.constant 0 : i32
      %dma_wait3A_439 = arith.constant 0 : i32
      %dma_wait3A_440 = tpu.memref_slice %arg2[%dma_wait3A_438, %dma_wait3A_439] : memref<10000x128xf32, #tpu.memory_space<hbm>> -> memref<10000x128xf32, #tpu.memory_space<hbm>>
      tpu.wait_indirect_dma semaphore(%arg14 : memref<!tpu.dma_semaphore, #tpu.memory_space<semaphore_mem>>) src(%dma_wait3A_440 : memref<10000x128xf32, #tpu.memory_space<hbm>>) dst(%arg8 : memref<40x128xf32, #tpu.memory_space<vmem>>)
      %mul3A_441 = arith.constant 10000 : i32
      %mul3A_442 = arith.muli %add3A, %mul3A_441 : i32
      %mul3A_443 = arith.constant 40 : i32
      %mul3A_444 = arith.muli %add3A_435, %mul3A_443 : i32
      %add3A_445 = arith.addi %mul3A_442, %mul3A_444 : i32
      %dma_wait3A_446 = arith.constant 0 : i32
      %dma_wait3A_447 = arith.constant 0 : i32
      %dma_wait3A_448 = tpu.memref_slice %arg7[%dma_wait3A_446, %dma_wait3A_447] : memref<5x40xi32, #tpu.memory_space<vmem>> -> memref<1x40xi32, #tpu.memory_space<vmem>>
      %dma_wait3A_449 = tpu.memref_squeeze %dma_wait3A_448 : memref<1x40xi32, #tpu.memory_space<vmem>> -> memref<40xi32, #tpu.memory_space<vmem>>
      %dma_wait3A_450 = tpu.memref_slice %arg4[%add3A_445] : memref<320000xi32, #tpu.memory_space<hbm>> -> memref<40xi32, #tpu.memory_space<hbm>>
      %dma_wait3A_451 = arith.constant 0 : i32
      %dma_wait3A_452 = tpu.memref_slice %arg7[%dma_wait3A_446, %dma_wait3A_451] : memref<5x40xi32, #tpu.memory_space<vmem>> -> memref<1x40xi32, #tpu.memory_space<vmem>>
      %dma_wait3A_453 = tpu.memref_squeeze %dma_wait3A_452 : memref<1x40xi32, #tpu.memory_space<vmem>> -> memref<40xi32, #tpu.memory_space<vmem>>
      %dma_wait3A_454 = tpu.memref_slice %arg4[%add3A_445] : memref<320000xi32, #tpu.memory_space<hbm>> -> memref<40xi32, #tpu.memory_space<hbm>>
      tpu.wait_dma2 semaphore(%arg24 : memref<!tpu.dma_semaphore, #tpu.memory_space<semaphore_mem>>) src(%dma_wait3A_454 : memref<40xi32, #tpu.memory_space<hbm>>) dst(%dma_wait3A_453 : memref<40xi32, #tpu.memory_space<vmem>>)
      %dma_start3A_455 = arith.constant 0 : i32
      %dma_start3A_456 = arith.constant 0 : i32
      %dma_start3A_457 = tpu.memref_slice %arg7[%dma_start3A_455, %dma_start3A_456] : memref<5x40xi32, #tpu.memory_space<vmem>> -> memref<1x40xi32, #tpu.memory_space<vmem>>
      %dma_start3A_458 = tpu.memref_squeeze %dma_start3A_457 : memref<1x40xi32, #tpu.memory_space<vmem>> -> memref<40xi32, #tpu.memory_space<vmem>>
      %dma_start3A_459 = arith.constant 0 : i32
      %dma_start3A_460 = arith.constant 0 : i32
      %dma_start3A_461 = tpu.memref_slice %arg13[%dma_start3A_459, %dma_start3A_460] : memref<10240x128xf32, #tpu.memory_space<vmem_shared>> -> memref<10240x128xf32, #tpu.memory_space<vmem_shared>>
      tpu.enqueue_indirect_dma source(%arg8 : memref<40x128xf32, #tpu.memory_space<vmem>>) target(%dma_start3A_461 : memref<10240x128xf32, #tpu.memory_space<vmem_shared>>) offsets(%dma_start3A_458 : memref<40xi32, #tpu.memory_space<vmem>>) semaphore(%arg19 : memref<!tpu.dma_semaphore, #tpu.memory_space<semaphore_mem>>) {add = true}
      %gt3A = arith.constant 0 : i32
      %gt3A_462 = arith.cmpi sgt, %add3A_435, %gt3A : i32
      %lt3A = arith.constant 246 : i32
      %lt3A_463 = arith.cmpi slt, %add3A_435, %lt3A : i32
      %and3A = arith.andi %gt3A_462, %lt3A_463 : i1
      %convert_element_type3A = arith.extui %and3A : i1 to i32
      %cond3A = arith.constant 0 : i32
      %cond3A_464 = arith.cmpi ne, %convert_element_type3A, %cond3A : i32
      scf.if %cond3A_464 {
        %sub3A = arith.constant 1 : i32
        %sub3A_667 = arith.subi %add3A_435, %sub3A : i32
        %dma_wait3A_668 = arith.constant 4 : i32
        %dma_wait3A_669 = arith.constant 0 : i32
        %dma_wait3A_670 = tpu.memref_slice %arg7[%dma_wait3A_668, %dma_wait3A_669] : memref<5x40xi32, #tpu.memory_space<vmem>> -> memref<1x40xi32, #tpu.memory_space<vmem>>
        %dma_wait3A_671 = tpu.memref_squeeze %dma_wait3A_670 : memref<1x40xi32, #tpu.memory_space<vmem>> -> memref<40xi32, #tpu.memory_space<vmem>>
        %dma_wait3A_672 = arith.constant 0 : i32
        %dma_wait3A_673 = arith.constant 0 : i32
        %dma_wait3A_674 = tpu.memref_slice %arg13[%dma_wait3A_672, %dma_wait3A_673] : memref<10240x128xf32, #tpu.memory_space<vmem_shared>> -> memref<10240x128xf32, #tpu.memory_space<vmem_shared>>
        tpu.wait_indirect_dma semaphore(%arg23 : memref<!tpu.dma_semaphore, #tpu.memory_space<semaphore_mem>>) src(%arg12 : memref<40x128xf32, #tpu.memory_space<vmem>>) dst(%dma_wait3A_674 : memref<10240x128xf32, #tpu.memory_space<vmem_shared>>)
      } else {
      }
      %lt3A_465 = arith.constant 246 : i32
      %lt3A_466 = arith.cmpi slt, %add3A_435, %lt3A_465 : i32
      %convert_element_type3A_467 = arith.extui %lt3A_466 : i1 to i32
      %cond3A_468 = arith.constant 0 : i32
      %cond3A_469 = arith.cmpi ne, %convert_element_type3A_467, %cond3A_468 : i32
      scf.if %cond3A_469 {
        %add3A_667 = arith.constant 5 : i32
        %add3A_668 = arith.addi %add3A_435, %add3A_667 : i32
        %sub3A = arith.constant 1 : i32
        %sub3A_669 = arith.subi %add3A_668, %sub3A : i32
        %mul3A_670 = arith.constant 10000 : i32
        %mul3A_671 = arith.muli %add3A, %mul3A_670 : i32
        %mul3A_672 = arith.constant 40 : i32
        %mul3A_673 = arith.muli %sub3A_669, %mul3A_672 : i32
        %add3A_674 = arith.addi %mul3A_671, %mul3A_673 : i32
        %dma_start3A_675 = arith.constant 160 : i32
        %dma_start3A_676 = tpu.memref_slice %arg6[%dma_start3A_675] : memref<200xi32, #tpu.memory_space<vmem>> -> memref<40xi32, #tpu.memory_space<vmem>>
        %dma_start3A_677 = tpu.memref_slice %arg3[%add3A_674] : memref<320000xi32, #tpu.memory_space<hbm>> -> memref<40xi32, #tpu.memory_space<hbm>>
        %dma_start3A_678 = arith.constant 160 : i32
        %dma_start3A_679 = tpu.memref_slice %arg6[%dma_start3A_678] : memref<200xi32, #tpu.memory_space<vmem>> -> memref<40xi32, #tpu.memory_space<vmem>>
        %dma_start3A_680 = tpu.memref_slice %arg3[%add3A_674] : memref<320000xi32, #tpu.memory_space<hbm>> -> memref<40xi32, #tpu.memory_space<hbm>>
        tpu.enqueue_dma source(%dma_start3A_680 : memref<40xi32, #tpu.memory_space<hbm>>) target(%dma_start3A_679 : memref<40xi32, #tpu.memory_space<vmem>>) target_semaphore(%arg33 : memref<!tpu.dma_semaphore, #tpu.memory_space<semaphore_mem>>)
      } else {
      }
      %lt3A_470 = arith.constant 247 : i32
      %lt3A_471 = arith.cmpi slt, %add3A_435, %lt3A_470 : i32
      %convert_element_type3A_472 = arith.extui %lt3A_471 : i1 to i32
      %cond3A_473 = arith.constant 0 : i32
      %cond3A_474 = arith.cmpi ne, %convert_element_type3A_472, %cond3A_473 : i32
      scf.if %cond3A_474 {
        %add3A_667 = arith.constant 5 : i32
        %add3A_668 = arith.addi %add3A_435, %add3A_667 : i32
        %sub3A = arith.constant 2 : i32
        %sub3A_669 = arith.subi %add3A_668, %sub3A : i32
        %mul3A_670 = arith.constant 10000 : i32
        %mul3A_671 = arith.muli %add3A, %mul3A_670 : i32
        %mul3A_672 = arith.constant 40 : i32
        %mul3A_673 = arith.muli %sub3A_669, %mul3A_672 : i32
        %add3A_674 = arith.addi %mul3A_671, %mul3A_673 : i32
        %dma_wait3A_675 = arith.constant 120 : i32
        %dma_wait3A_676 = tpu.memref_slice %arg6[%dma_wait3A_675] : memref<200xi32, #tpu.memory_space<vmem>> -> memref<40xi32, #tpu.memory_space<vmem>>
        %dma_wait3A_677 = tpu.memref_slice %arg3[%add3A_674] : memref<320000xi32, #tpu.memory_space<hbm>> -> memref<40xi32, #tpu.memory_space<hbm>>
        %dma_wait3A_678 = arith.constant 120 : i32
        %dma_wait3A_679 = tpu.memref_slice %arg6[%dma_wait3A_678] : memref<200xi32, #tpu.memory_space<vmem>> -> memref<40xi32, #tpu.memory_space<vmem>>
        %dma_wait3A_680 = tpu.memref_slice %arg3[%add3A_674] : memref<320000xi32, #tpu.memory_space<hbm>> -> memref<40xi32, #tpu.memory_space<hbm>>
        tpu.wait_dma2 semaphore(%arg32 : memref<!tpu.dma_semaphore, #tpu.memory_space<semaphore_mem>>) src(%dma_wait3A_680 : memref<40xi32, #tpu.memory_space<hbm>>) dst(%dma_wait3A_679 : memref<40xi32, #tpu.memory_space<vmem>>)
        %add3A_681 = arith.constant 5 : i32
        %add3A_682 = arith.addi %add3A_435, %add3A_681 : i32
        %sub3A_683 = arith.constant 2 : i32
        %sub3A_684 = arith.subi %add3A_682, %sub3A_683 : i32
        %dma_start3A_685 = arith.constant 120 : i32
        %dma_start3A_686 = tpu.memref_slice %arg6[%dma_start3A_685] : memref<200xi32, #tpu.memory_space<vmem>> -> memref<40xi32, #tpu.memory_space<vmem>>
        %dma_start3A_687 = arith.constant 0 : i32
        %dma_start3A_688 = arith.constant 0 : i32
        %dma_start3A_689 = tpu.memref_slice %arg2[%dma_start3A_687, %dma_start3A_688] : memref<10000x128xf32, #tpu.memory_space<hbm>> -> memref<10000x128xf32, #tpu.memory_space<hbm>>
        tpu.enqueue_indirect_dma source(%dma_start3A_689 : memref<10000x128xf32, #tpu.memory_space<hbm>>) target(%arg11 : memref<40x128xf32, #tpu.memory_space<vmem>>) offsets(%dma_start3A_686 : memref<40xi32, #tpu.memory_space<vmem>>) semaphore(%arg17 : memref<!tpu.dma_semaphore, #tpu.memory_space<semaphore_mem>>)
        %mul3A_690 = arith.constant 10000 : i32
        %mul3A_691 = arith.muli %add3A, %mul3A_690 : i32
        %mul3A_692 = arith.constant 40 : i32
        %mul3A_693 = arith.muli %sub3A_684, %mul3A_692 : i32
        %add3A_694 = arith.addi %mul3A_691, %mul3A_693 : i32
        %dma_start3A_695 = arith.constant 3 : i32
        %dma_start3A_696 = arith.constant 0 : i32
        %dma_start3A_697 = tpu.memref_slice %arg7[%dma_start3A_695, %dma_start3A_696] : memref<5x40xi32, #tpu.memory_space<vmem>> -> memref<1x40xi32, #tpu.memory_space<vmem>>
        %dma_start3A_698 = tpu.memref_squeeze %dma_start3A_697 : memref<1x40xi32, #tpu.memory_space<vmem>> -> memref<40xi32, #tpu.memory_space<vmem>>
        %dma_start3A_699 = tpu.memref_slice %arg4[%add3A_694] : memref<320000xi32, #tpu.memory_space<hbm>> -> memref<40xi32, #tpu.memory_space<hbm>>
        %dma_start3A_700 = arith.constant 0 : i32
        %dma_start3A_701 = tpu.memref_slice %arg7[%dma_start3A_695, %dma_start3A_700] : memref<5x40xi32, #tpu.memory_space<vmem>> -> memref<1x40xi32, #tpu.memory_space<vmem>>
        %dma_start3A_702 = tpu.memref_squeeze %dma_start3A_701 : memref<1x40xi32, #tpu.memory_space<vmem>> -> memref<40xi32, #tpu.memory_space<vmem>>
        %dma_start3A_703 = tpu.memref_slice %arg4[%add3A_694] : memref<320000xi32, #tpu.memory_space<hbm>> -> memref<40xi32, #tpu.memory_space<hbm>>
        tpu.enqueue_dma source(%dma_start3A_703 : memref<40xi32, #tpu.memory_space<hbm>>) target(%dma_start3A_702 : memref<40xi32, #tpu.memory_space<vmem>>) target_semaphore(%arg27 : memref<!tpu.dma_semaphore, #tpu.memory_space<semaphore_mem>>)
      } else {
      }
      %mul3A_475 = arith.constant 5 : i32
      %mul3A_476 = arith.muli %mul3A_475, %scan3A_431 : i32
      %add3A_477 = arith.constant 1 : i32
      %add3A_478 = arith.addi %mul3A_476, %add3A_477 : i32
      %dma_wait3A_479 = arith.constant 40 : i32
      %dma_wait3A_480 = tpu.memref_slice %arg6[%dma_wait3A_479] : memref<200xi32, #tpu.memory_space<vmem>> -> memref<40xi32, #tpu.memory_space<vmem>>
      %dma_wait3A_481 = arith.constant 0 : i32
      %dma_wait3A_482 = arith.constant 0 : i32
      %dma_wait3A_483 = tpu.memref_slice %arg2[%dma_wait3A_481, %dma_wait3A_482] : memref<10000x128xf32, #tpu.memory_space<hbm>> -> memref<10000x128xf32, #tpu.memory_space<hbm>>
      tpu.wait_indirect_dma semaphore(%arg15 : memref<!tpu.dma_semaphore, #tpu.memory_space<semaphore_mem>>) src(%dma_wait3A_483 : memref<10000x128xf32, #tpu.memory_space<hbm>>) dst(%arg9 : memref<40x128xf32, #tpu.memory_space<vmem>>)
      %mul3A_484 = arith.constant 10000 : i32
      %mul3A_485 = arith.muli %add3A, %mul3A_484 : i32
      %mul3A_486 = arith.constant 40 : i32
      %mul3A_487 = arith.muli %add3A_478, %mul3A_486 : i32
      %add3A_488 = arith.addi %mul3A_485, %mul3A_487 : i32
      %dma_wait3A_489 = arith.constant 1 : i32
      %dma_wait3A_490 = arith.constant 0 : i32
      %dma_wait3A_491 = tpu.memref_slice %arg7[%dma_wait3A_489, %dma_wait3A_490] : memref<5x40xi32, #tpu.memory_space<vmem>> -> memref<1x40xi32, #tpu.memory_space<vmem>>
      %dma_wait3A_492 = tpu.memref_squeeze %dma_wait3A_491 : memref<1x40xi32, #tpu.memory_space<vmem>> -> memref<40xi32, #tpu.memory_space<vmem>>
      %dma_wait3A_493 = tpu.memref_slice %arg4[%add3A_488] : memref<320000xi32, #tpu.memory_space<hbm>> -> memref<40xi32, #tpu.memory_space<hbm>>
      %dma_wait3A_494 = arith.constant 0 : i32
      %dma_wait3A_495 = tpu.memref_slice %arg7[%dma_wait3A_489, %dma_wait3A_494] : memref<5x40xi32, #tpu.memory_space<vmem>> -> memref<1x40xi32, #tpu.memory_space<vmem>>
      %dma_wait3A_496 = tpu.memref_squeeze %dma_wait3A_495 : memref<1x40xi32, #tpu.memory_space<vmem>> -> memref<40xi32, #tpu.memory_space<vmem>>
      %dma_wait3A_497 = tpu.memref_slice %arg4[%add3A_488] : memref<320000xi32, #tpu.memory_space<hbm>> -> memref<40xi32, #tpu.memory_space<hbm>>
      tpu.wait_dma2 semaphore(%arg25 : memref<!tpu.dma_semaphore, #tpu.memory_space<semaphore_mem>>) src(%dma_wait3A_497 : memref<40xi32, #tpu.memory_space<hbm>>) dst(%dma_wait3A_496 : memref<40xi32, #tpu.memory_space<vmem>>)
      %dma_start3A_498 = arith.constant 1 : i32
      %dma_start3A_499 = arith.constant 0 : i32
      %dma_start3A_500 = tpu.memref_slice %arg7[%dma_start3A_498, %dma_start3A_499] : memref<5x40xi32, #tpu.memory_space<vmem>> -> memref<1x40xi32, #tpu.memory_space<vmem>>
      %dma_start3A_501 = tpu.memref_squeeze %dma_start3A_500 : memref<1x40xi32, #tpu.memory_space<vmem>> -> memref<40xi32, #tpu.memory_space<vmem>>
      %dma_start3A_502 = arith.constant 0 : i32
      %dma_start3A_503 = arith.constant 0 : i32
      %dma_start3A_504 = tpu.memref_slice %arg13[%dma_start3A_502, %dma_start3A_503] : memref<10240x128xf32, #tpu.memory_space<vmem_shared>> -> memref<10240x128xf32, #tpu.memory_space<vmem_shared>>
      tpu.enqueue_indirect_dma source(%arg9 : memref<40x128xf32, #tpu.memory_space<vmem>>) target(%dma_start3A_504 : memref<10240x128xf32, #tpu.memory_space<vmem_shared>>) offsets(%dma_start3A_501 : memref<40xi32, #tpu.memory_space<vmem>>) semaphore(%arg20 : memref<!tpu.dma_semaphore, #tpu.memory_space<semaphore_mem>>) {add = true}
      %gt3A_505 = arith.constant 0 : i32
      %gt3A_506 = arith.cmpi sgt, %add3A_478, %gt3A_505 : i32
      %lt3A_507 = arith.constant 246 : i32
      %lt3A_508 = arith.cmpi slt, %add3A_478, %lt3A_507 : i32
      %and3A_509 = arith.andi %gt3A_506, %lt3A_508 : i1
      %convert_element_type3A_510 = arith.extui %and3A_509 : i1 to i32
      %cond3A_511 = arith.constant 0 : i32
      %cond3A_512 = arith.cmpi ne, %convert_element_type3A_510, %cond3A_511 : i32
      scf.if %cond3A_512 {
        %sub3A = arith.constant 1 : i32
        %sub3A_667 = arith.subi %add3A_478, %sub3A : i32
        %dma_wait3A_668 = arith.constant 0 : i32
        %dma_wait3A_669 = arith.constant 0 : i32
        %dma_wait3A_670 = tpu.memref_slice %arg7[%dma_wait3A_668, %dma_wait3A_669] : memref<5x40xi32, #tpu.memory_space<vmem>> -> memref<1x40xi32, #tpu.memory_space<vmem>>
        %dma_wait3A_671 = tpu.memref_squeeze %dma_wait3A_670 : memref<1x40xi32, #tpu.memory_space<vmem>> -> memref<40xi32, #tpu.memory_space<vmem>>
        %dma_wait3A_672 = arith.constant 0 : i32
        %dma_wait3A_673 = arith.constant 0 : i32
        %dma_wait3A_674 = tpu.memref_slice %arg13[%dma_wait3A_672, %dma_wait3A_673] : memref<10240x128xf32, #tpu.memory_space<vmem_shared>> -> memref<10240x128xf32, #tpu.memory_space<vmem_shared>>
        tpu.wait_indirect_dma semaphore(%arg19 : memref<!tpu.dma_semaphore, #tpu.memory_space<semaphore_mem>>) src(%arg8 : memref<40x128xf32, #tpu.memory_space<vmem>>) dst(%dma_wait3A_674 : memref<10240x128xf32, #tpu.memory_space<vmem_shared>>)
      } else {
      }
      %lt3A_513 = arith.constant 246 : i32
      %lt3A_514 = arith.cmpi slt, %add3A_478, %lt3A_513 : i32
      %convert_element_type3A_515 = arith.extui %lt3A_514 : i1 to i32
      %cond3A_516 = arith.constant 0 : i32
      %cond3A_517 = arith.cmpi ne, %convert_element_type3A_515, %cond3A_516 : i32
      scf.if %cond3A_517 {
        %add3A_667 = arith.constant 5 : i32
        %add3A_668 = arith.addi %add3A_478, %add3A_667 : i32
        %sub3A = arith.constant 1 : i32
        %sub3A_669 = arith.subi %add3A_668, %sub3A : i32
        %mul3A_670 = arith.constant 10000 : i32
        %mul3A_671 = arith.muli %add3A, %mul3A_670 : i32
        %mul3A_672 = arith.constant 40 : i32
        %mul3A_673 = arith.muli %sub3A_669, %mul3A_672 : i32
        %add3A_674 = arith.addi %mul3A_671, %mul3A_673 : i32
        %dma_start3A_675 = arith.constant 0 : i32
        %dma_start3A_676 = tpu.memref_slice %arg6[%dma_start3A_675] : memref<200xi32, #tpu.memory_space<vmem>> -> memref<40xi32, #tpu.memory_space<vmem>>
        %dma_start3A_677 = tpu.memref_slice %arg3[%add3A_674] : memref<320000xi32, #tpu.memory_space<hbm>> -> memref<40xi32, #tpu.memory_space<hbm>>
        %dma_start3A_678 = arith.constant 0 : i32
        %dma_start3A_679 = tpu.memref_slice %arg6[%dma_start3A_678] : memref<200xi32, #tpu.memory_space<vmem>> -> memref<40xi32, #tpu.memory_space<vmem>>
        %dma_start3A_680 = tpu.memref_slice %arg3[%add3A_674] : memref<320000xi32, #tpu.memory_space<hbm>> -> memref<40xi32, #tpu.memory_space<hbm>>
        tpu.enqueue_dma source(%dma_start3A_680 : memref<40xi32, #tpu.memory_space<hbm>>) target(%dma_start3A_679 : memref<40xi32, #tpu.memory_space<vmem>>) target_semaphore(%arg29 : memref<!tpu.dma_semaphore, #tpu.memory_space<semaphore_mem>>)
      } else {
      }
      %lt3A_518 = arith.constant 247 : i32
      %lt3A_519 = arith.cmpi slt, %add3A_478, %lt3A_518 : i32
      %convert_element_type3A_520 = arith.extui %lt3A_519 : i1 to i32
      %cond3A_521 = arith.constant 0 : i32
      %cond3A_522 = arith.cmpi ne, %convert_element_type3A_520, %cond3A_521 : i32
      scf.if %cond3A_522 {
        %add3A_667 = arith.constant 5 : i32
        %add3A_668 = arith.addi %add3A_478, %add3A_667 : i32
        %sub3A = arith.constant 2 : i32
        %sub3A_669 = arith.subi %add3A_668, %sub3A : i32
        %mul3A_670 = arith.constant 10000 : i32
        %mul3A_671 = arith.muli %add3A, %mul3A_670 : i32
        %mul3A_672 = arith.constant 40 : i32
        %mul3A_673 = arith.muli %sub3A_669, %mul3A_672 : i32
        %add3A_674 = arith.addi %mul3A_671, %mul3A_673 : i32
        %dma_wait3A_675 = arith.constant 160 : i32
        %dma_wait3A_676 = tpu.memref_slice %arg6[%dma_wait3A_675] : memref<200xi32, #tpu.memory_space<vmem>> -> memref<40xi32, #tpu.memory_space<vmem>>
        %dma_wait3A_677 = tpu.memref_slice %arg3[%add3A_674] : memref<320000xi32, #tpu.memory_space<hbm>> -> memref<40xi32, #tpu.memory_space<hbm>>
        %dma_wait3A_678 = arith.constant 160 : i32
        %dma_wait3A_679 = tpu.memref_slice %arg6[%dma_wait3A_678] : memref<200xi32, #tpu.memory_space<vmem>> -> memref<40xi32, #tpu.memory_space<vmem>>
        %dma_wait3A_680 = tpu.memref_slice %arg3[%add3A_674] : memref<320000xi32, #tpu.memory_space<hbm>> -> memref<40xi32, #tpu.memory_space<hbm>>
        tpu.wait_dma2 semaphore(%arg33 : memref<!tpu.dma_semaphore, #tpu.memory_space<semaphore_mem>>) src(%dma_wait3A_680 : memref<40xi32, #tpu.memory_space<hbm>>) dst(%dma_wait3A_679 : memref<40xi32, #tpu.memory_space<vmem>>)
        %add3A_681 = arith.constant 5 : i32
        %add3A_682 = arith.addi %add3A_478, %add3A_681 : i32
        %sub3A_683 = arith.constant 2 : i32
        %sub3A_684 = arith.subi %add3A_682, %sub3A_683 : i32
        %dma_start3A_685 = arith.constant 160 : i32
        %dma_start3A_686 = tpu.memref_slice %arg6[%dma_start3A_685] : memref<200xi32, #tpu.memory_space<vmem>> -> memref<40xi32, #tpu.memory_space<vmem>>
        %dma_start3A_687 = arith.constant 0 : i32
        %dma_start3A_688 = arith.constant 0 : i32
        %dma_start3A_689 = tpu.memref_slice %arg2[%dma_start3A_687, %dma_start3A_688] : memref<10000x128xf32, #tpu.memory_space<hbm>> -> memref<10000x128xf32, #tpu.memory_space<hbm>>
        tpu.enqueue_indirect_dma source(%dma_start3A_689 : memref<10000x128xf32, #tpu.memory_space<hbm>>) target(%arg12 : memref<40x128xf32, #tpu.memory_space<vmem>>) offsets(%dma_start3A_686 : memref<40xi32, #tpu.memory_space<vmem>>) semaphore(%arg18 : memref<!tpu.dma_semaphore, #tpu.memory_space<semaphore_mem>>)
        %mul3A_690 = arith.constant 10000 : i32
        %mul3A_691 = arith.muli %add3A, %mul3A_690 : i32
        %mul3A_692 = arith.constant 40 : i32
        %mul3A_693 = arith.muli %sub3A_684, %mul3A_692 : i32
        %add3A_694 = arith.addi %mul3A_691, %mul3A_693 : i32
        %dma_start3A_695 = arith.constant 4 : i32
        %dma_start3A_696 = arith.constant 0 : i32
        %dma_start3A_697 = tpu.memref_slice %arg7[%dma_start3A_695, %dma_start3A_696] : memref<5x40xi32, #tpu.memory_space<vmem>> -> memref<1x40xi32, #tpu.memory_space<vmem>>
        %dma_start3A_698 = tpu.memref_squeeze %dma_start3A_697 : memref<1x40xi32, #tpu.memory_space<vmem>> -> memref<40xi32, #tpu.memory_space<vmem>>
        %dma_start3A_699 = tpu.memref_slice %arg4[%add3A_694] : memref<320000xi32, #tpu.memory_space<hbm>> -> memref<40xi32, #tpu.memory_space<hbm>>
        %dma_start3A_700 = arith.constant 0 : i32
        %dma_start3A_701 = tpu.memref_slice %arg7[%dma_start3A_695, %dma_start3A_700] : memref<5x40xi32, #tpu.memory_space<vmem>> -> memref<1x40xi32, #tpu.memory_space<vmem>>
        %dma_start3A_702 = tpu.memref_squeeze %dma_start3A_701 : memref<1x40xi32, #tpu.memory_space<vmem>> -> memref<40xi32, #tpu.memory_space<vmem>>
        %dma_start3A_703 = tpu.memref_slice %arg4[%add3A_694] : memref<320000xi32, #tpu.memory_space<hbm>> -> memref<40xi32, #tpu.memory_space<hbm>>
        tpu.enqueue_dma source(%dma_start3A_703 : memref<40xi32, #tpu.memory_space<hbm>>) target(%dma_start3A_702 : memref<40xi32, #tpu.memory_space<vmem>>) target_semaphore(%arg28 : memref<!tpu.dma_semaphore, #tpu.memory_space<semaphore_mem>>)
      } else {
      }
      %mul3A_523 = arith.constant 5 : i32
      %mul3A_524 = arith.muli %mul3A_523, %scan3A_431 : i32
      %add3A_525 = arith.constant 2 : i32
      %add3A_526 = arith.addi %mul3A_524, %add3A_525 : i32
      %dma_wait3A_527 = arith.constant 80 : i32
      %dma_wait3A_528 = tpu.memref_slice %arg6[%dma_wait3A_527] : memref<200xi32, #tpu.memory_space<vmem>> -> memref<40xi32, #tpu.memory_space<vmem>>
      %dma_wait3A_529 = arith.constant 0 : i32
      %dma_wait3A_530 = arith.constant 0 : i32
      %dma_wait3A_531 = tpu.memref_slice %arg2[%dma_wait3A_529, %dma_wait3A_530] : memref<10000x128xf32, #tpu.memory_space<hbm>> -> memref<10000x128xf32, #tpu.memory_space<hbm>>
      tpu.wait_indirect_dma semaphore(%arg16 : memref<!tpu.dma_semaphore, #tpu.memory_space<semaphore_mem>>) src(%dma_wait3A_531 : memref<10000x128xf32, #tpu.memory_space<hbm>>) dst(%arg10 : memref<40x128xf32, #tpu.memory_space<vmem>>)
      %mul3A_532 = arith.constant 10000 : i32
      %mul3A_533 = arith.muli %add3A, %mul3A_532 : i32
      %mul3A_534 = arith.constant 40 : i32
      %mul3A_535 = arith.muli %add3A_526, %mul3A_534 : i32
      %add3A_536 = arith.addi %mul3A_533, %mul3A_535 : i32
      %dma_wait3A_537 = arith.constant 2 : i32
      %dma_wait3A_538 = arith.constant 0 : i32
      %dma_wait3A_539 = tpu.memref_slice %arg7[%dma_wait3A_537, %dma_wait3A_538] : memref<5x40xi32, #tpu.memory_space<vmem>> -> memref<1x40xi32, #tpu.memory_space<vmem>>
      %dma_wait3A_540 = tpu.memref_squeeze %dma_wait3A_539 : memref<1x40xi32, #tpu.memory_space<vmem>> -> memref<40xi32, #tpu.memory_space<vmem>>
      %dma_wait3A_541 = tpu.memref_slice %arg4[%add3A_536] : memref<320000xi32, #tpu.memory_space<hbm>> -> memref<40xi32, #tpu.memory_space<hbm>>
      %dma_wait3A_542 = arith.constant 0 : i32
      %dma_wait3A_543 = tpu.memref_slice %arg7[%dma_wait3A_537, %dma_wait3A_542] : memref<5x40xi32, #tpu.memory_space<vmem>> -> memref<1x40xi32, #tpu.memory_space<vmem>>
      %dma_wait3A_544 = tpu.memref_squeeze %dma_wait3A_543 : memref<1x40xi32, #tpu.memory_space<vmem>> -> memref<40xi32, #tpu.memory_space<vmem>>
      %dma_wait3A_545 = tpu.memref_slice %arg4[%add3A_536] : memref<320000xi32, #tpu.memory_space<hbm>> -> memref<40xi32, #tpu.memory_space<hbm>>
      tpu.wait_dma2 semaphore(%arg26 : memref<!tpu.dma_semaphore, #tpu.memory_space<semaphore_mem>>) src(%dma_wait3A_545 : memref<40xi32, #tpu.memory_space<hbm>>) dst(%dma_wait3A_544 : memref<40xi32, #tpu.memory_space<vmem>>)
      %dma_start3A_546 = arith.constant 2 : i32
      %dma_start3A_547 = arith.constant 0 : i32
      %dma_start3A_548 = tpu.memref_slice %arg7[%dma_start3A_546, %dma_start3A_547] : memref<5x40xi32, #tpu.memory_space<vmem>> -> memref<1x40xi32, #tpu.memory_space<vmem>>
      %dma_start3A_549 = tpu.memref_squeeze %dma_start3A_548 : memref<1x40xi32, #tpu.memory_space<vmem>> -> memref<40xi32, #tpu.memory_space<vmem>>
      %dma_start3A_550 = arith.constant 0 : i32
      %dma_start3A_551 = arith.constant 0 : i32
      %dma_start3A_552 = tpu.memref_slice %arg13[%dma_start3A_550, %dma_start3A_551] : memref<10240x128xf32, #tpu.memory_space<vmem_shared>> -> memref<10240x128xf32, #tpu.memory_space<vmem_shared>>
      tpu.enqueue_indirect_dma source(%arg10 : memref<40x128xf32, #tpu.memory_space<vmem>>) target(%dma_start3A_552 : memref<10240x128xf32, #tpu.memory_space<vmem_shared>>) offsets(%dma_start3A_549 : memref<40xi32, #tpu.memory_space<vmem>>) semaphore(%arg21 : memref<!tpu.dma_semaphore, #tpu.memory_space<semaphore_mem>>) {add = true}
      %gt3A_553 = arith.constant 0 : i32
      %gt3A_554 = arith.cmpi sgt, %add3A_526, %gt3A_553 : i32
      %lt3A_555 = arith.constant 246 : i32
      %lt3A_556 = arith.cmpi slt, %add3A_526, %lt3A_555 : i32
      %and3A_557 = arith.andi %gt3A_554, %lt3A_556 : i1
      %convert_element_type3A_558 = arith.extui %and3A_557 : i1 to i32
      %cond3A_559 = arith.constant 0 : i32
      %cond3A_560 = arith.cmpi ne, %convert_element_type3A_558, %cond3A_559 : i32
      scf.if %cond3A_560 {
        %sub3A = arith.constant 1 : i32
        %sub3A_667 = arith.subi %add3A_526, %sub3A : i32
        %dma_wait3A_668 = arith.constant 1 : i32
        %dma_wait3A_669 = arith.constant 0 : i32
        %dma_wait3A_670 = tpu.memref_slice %arg7[%dma_wait3A_668, %dma_wait3A_669] : memref<5x40xi32, #tpu.memory_space<vmem>> -> memref<1x40xi32, #tpu.memory_space<vmem>>
        %dma_wait3A_671 = tpu.memref_squeeze %dma_wait3A_670 : memref<1x40xi32, #tpu.memory_space<vmem>> -> memref<40xi32, #tpu.memory_space<vmem>>
        %dma_wait3A_672 = arith.constant 0 : i32
        %dma_wait3A_673 = arith.constant 0 : i32
        %dma_wait3A_674 = tpu.memref_slice %arg13[%dma_wait3A_672, %dma_wait3A_673] : memref<10240x128xf32, #tpu.memory_space<vmem_shared>> -> memref<10240x128xf32, #tpu.memory_space<vmem_shared>>
        tpu.wait_indirect_dma semaphore(%arg20 : memref<!tpu.dma_semaphore, #tpu.memory_space<semaphore_mem>>) src(%arg9 : memref<40x128xf32, #tpu.memory_space<vmem>>) dst(%dma_wait3A_674 : memref<10240x128xf32, #tpu.memory_space<vmem_shared>>)
      } else {
      }
      %lt3A_561 = arith.constant 246 : i32
      %lt3A_562 = arith.cmpi slt, %add3A_526, %lt3A_561 : i32
      %convert_element_type3A_563 = arith.extui %lt3A_562 : i1 to i32
      %cond3A_564 = arith.constant 0 : i32
      %cond3A_565 = arith.cmpi ne, %convert_element_type3A_563, %cond3A_564 : i32
      scf.if %cond3A_565 {
        %add3A_667 = arith.constant 5 : i32
        %add3A_668 = arith.addi %add3A_526, %add3A_667 : i32
        %sub3A = arith.constant 1 : i32
        %sub3A_669 = arith.subi %add3A_668, %sub3A : i32
        %mul3A_670 = arith.constant 10000 : i32
        %mul3A_671 = arith.muli %add3A, %mul3A_670 : i32
        %mul3A_672 = arith.constant 40 : i32
        %mul3A_673 = arith.muli %sub3A_669, %mul3A_672 : i32
        %add3A_674 = arith.addi %mul3A_671, %mul3A_673 : i32
        %dma_start3A_675 = arith.constant 40 : i32
        %dma_start3A_676 = tpu.memref_slice %arg6[%dma_start3A_675] : memref<200xi32, #tpu.memory_space<vmem>> -> memref<40xi32, #tpu.memory_space<vmem>>
        %dma_start3A_677 = tpu.memref_slice %arg3[%add3A_674] : memref<320000xi32, #tpu.memory_space<hbm>> -> memref<40xi32, #tpu.memory_space<hbm>>
        %dma_start3A_678 = arith.constant 40 : i32
        %dma_start3A_679 = tpu.memref_slice %arg6[%dma_start3A_678] : memref<200xi32, #tpu.memory_space<vmem>> -> memref<40xi32, #tpu.memory_space<vmem>>
        %dma_start3A_680 = tpu.memref_slice %arg3[%add3A_674] : memref<320000xi32, #tpu.memory_space<hbm>> -> memref<40xi32, #tpu.memory_space<hbm>>
        tpu.enqueue_dma source(%dma_start3A_680 : memref<40xi32, #tpu.memory_space<hbm>>) target(%dma_start3A_679 : memref<40xi32, #tpu.memory_space<vmem>>) target_semaphore(%arg30 : memref<!tpu.dma_semaphore, #tpu.memory_space<semaphore_mem>>)
      } else {
      }
      %lt3A_566 = arith.constant 247 : i32
      %lt3A_567 = arith.cmpi slt, %add3A_526, %lt3A_566 : i32
      %convert_element_type3A_568 = arith.extui %lt3A_567 : i1 to i32
      %cond3A_569 = arith.constant 0 : i32
      %cond3A_570 = arith.cmpi ne, %convert_element_type3A_568, %cond3A_569 : i32
      scf.if %cond3A_570 {
        %add3A_667 = arith.constant 5 : i32
        %add3A_668 = arith.addi %add3A_526, %add3A_667 : i32
        %sub3A = arith.constant 2 : i32
        %sub3A_669 = arith.subi %add3A_668, %sub3A : i32
        %mul3A_670 = arith.constant 10000 : i32
        %mul3A_671 = arith.muli %add3A, %mul3A_670 : i32
        %mul3A_672 = arith.constant 40 : i32
        %mul3A_673 = arith.muli %sub3A_669, %mul3A_672 : i32
        %add3A_674 = arith.addi %mul3A_671, %mul3A_673 : i32
        %dma_wait3A_675 = arith.constant 0 : i32
        %dma_wait3A_676 = tpu.memref_slice %arg6[%dma_wait3A_675] : memref<200xi32, #tpu.memory_space<vmem>> -> memref<40xi32, #tpu.memory_space<vmem>>
        %dma_wait3A_677 = tpu.memref_slice %arg3[%add3A_674] : memref<320000xi32, #tpu.memory_space<hbm>> -> memref<40xi32, #tpu.memory_space<hbm>>
        %dma_wait3A_678 = arith.constant 0 : i32
        %dma_wait3A_679 = tpu.memref_slice %arg6[%dma_wait3A_678] : memref<200xi32, #tpu.memory_space<vmem>> -> memref<40xi32, #tpu.memory_space<vmem>>
        %dma_wait3A_680 = tpu.memref_slice %arg3[%add3A_674] : memref<320000xi32, #tpu.memory_space<hbm>> -> memref<40xi32, #tpu.memory_space<hbm>>
        tpu.wait_dma2 semaphore(%arg29 : memref<!tpu.dma_semaphore, #tpu.memory_space<semaphore_mem>>) src(%dma_wait3A_680 : memref<40xi32, #tpu.memory_space<hbm>>) dst(%dma_wait3A_679 : memref<40xi32, #tpu.memory_space<vmem>>)
        %add3A_681 = arith.constant 5 : i32
        %add3A_682 = arith.addi %add3A_526, %add3A_681 : i32
        %sub3A_683 = arith.constant 2 : i32
        %sub3A_684 = arith.subi %add3A_682, %sub3A_683 : i32
        %dma_start3A_685 = arith.constant 0 : i32
        %dma_start3A_686 = tpu.memref_slice %arg6[%dma_start3A_685] : memref<200xi32, #tpu.memory_space<vmem>> -> memref<40xi32, #tpu.memory_space<vmem>>
        %dma_start3A_687 = arith.constant 0 : i32
        %dma_start3A_688 = arith.constant 0 : i32
        %dma_start3A_689 = tpu.memref_slice %arg2[%dma_start3A_687, %dma_start3A_688] : memref<10000x128xf32, #tpu.memory_space<hbm>> -> memref<10000x128xf32, #tpu.memory_space<hbm>>
        tpu.enqueue_indirect_dma source(%dma_start3A_689 : memref<10000x128xf32, #tpu.memory_space<hbm>>) target(%arg8 : memref<40x128xf32, #tpu.memory_space<vmem>>) offsets(%dma_start3A_686 : memref<40xi32, #tpu.memory_space<vmem>>) semaphore(%arg14 : memref<!tpu.dma_semaphore, #tpu.memory_space<semaphore_mem>>)
        %mul3A_690 = arith.constant 10000 : i32
        %mul3A_691 = arith.muli %add3A, %mul3A_690 : i32
        %mul3A_692 = arith.constant 40 : i32
        %mul3A_693 = arith.muli %sub3A_684, %mul3A_692 : i32
        %add3A_694 = arith.addi %mul3A_691, %mul3A_693 : i32
        %dma_start3A_695 = arith.constant 0 : i32
        %dma_start3A_696 = arith.constant 0 : i32
        %dma_start3A_697 = tpu.memref_slice %arg7[%dma_start3A_695, %dma_start3A_696] : memref<5x40xi32, #tpu.memory_space<vmem>> -> memref<1x40xi32, #tpu.memory_space<vmem>>
        %dma_start3A_698 = tpu.memref_squeeze %dma_start3A_697 : memref<1x40xi32, #tpu.memory_space<vmem>> -> memref<40xi32, #tpu.memory_space<vmem>>
        %dma_start3A_699 = tpu.memref_slice %arg4[%add3A_694] : memref<320000xi32, #tpu.memory_space<hbm>> -> memref<40xi32, #tpu.memory_space<hbm>>
        %dma_start3A_700 = arith.constant 0 : i32
        %dma_start3A_701 = tpu.memref_slice %arg7[%dma_start3A_695, %dma_start3A_700] : memref<5x40xi32, #tpu.memory_space<vmem>> -> memref<1x40xi32, #tpu.memory_space<vmem>>
        %dma_start3A_702 = tpu.memref_squeeze %dma_start3A_701 : memref<1x40xi32, #tpu.memory_space<vmem>> -> memref<40xi32, #tpu.memory_space<vmem>>
        %dma_start3A_703 = tpu.memref_slice %arg4[%add3A_694] : memref<320000xi32, #tpu.memory_space<hbm>> -> memref<40xi32, #tpu.memory_space<hbm>>
        tpu.enqueue_dma source(%dma_start3A_703 : memref<40xi32, #tpu.memory_space<hbm>>) target(%dma_start3A_702 : memref<40xi32, #tpu.memory_space<vmem>>) target_semaphore(%arg24 : memref<!tpu.dma_semaphore, #tpu.memory_space<semaphore_mem>>)
      } else {
      }
      %mul3A_571 = arith.constant 5 : i32
      %mul3A_572 = arith.muli %mul3A_571, %scan3A_431 : i32
      %add3A_573 = arith.constant 3 : i32
      %add3A_574 = arith.addi %mul3A_572, %add3A_573 : i32
      %dma_wait3A_575 = arith.constant 120 : i32
      %dma_wait3A_576 = tpu.memref_slice %arg6[%dma_wait3A_575] : memref<200xi32, #tpu.memory_space<vmem>> -> memref<40xi32, #tpu.memory_space<vmem>>
      %dma_wait3A_577 = arith.constant 0 : i32
      %dma_wait3A_578 = arith.constant 0 : i32
      %dma_wait3A_579 = tpu.memref_slice %arg2[%dma_wait3A_577, %dma_wait3A_578] : memref<10000x128xf32, #tpu.memory_space<hbm>> -> memref<10000x128xf32, #tpu.memory_space<hbm>>
      tpu.wait_indirect_dma semaphore(%arg17 : memref<!tpu.dma_semaphore, #tpu.memory_space<semaphore_mem>>) src(%dma_wait3A_579 : memref<10000x128xf32, #tpu.memory_space<hbm>>) dst(%arg11 : memref<40x128xf32, #tpu.memory_space<vmem>>)
      %mul3A_580 = arith.constant 10000 : i32
      %mul3A_581 = arith.muli %add3A, %mul3A_580 : i32
      %mul3A_582 = arith.constant 40 : i32
      %mul3A_583 = arith.muli %add3A_574, %mul3A_582 : i32
      %add3A_584 = arith.addi %mul3A_581, %mul3A_583 : i32
      %dma_wait3A_585 = arith.constant 3 : i32
      %dma_wait3A_586 = arith.constant 0 : i32
      %dma_wait3A_587 = tpu.memref_slice %arg7[%dma_wait3A_585, %dma_wait3A_586] : memref<5x40xi32, #tpu.memory_space<vmem>> -> memref<1x40xi32, #tpu.memory_space<vmem>>
      %dma_wait3A_588 = tpu.memref_squeeze %dma_wait3A_587 : memref<1x40xi32, #tpu.memory_space<vmem>> -> memref<40xi32, #tpu.memory_space<vmem>>
      %dma_wait3A_589 = tpu.memref_slice %arg4[%add3A_584] : memref<320000xi32, #tpu.memory_space<hbm>> -> memref<40xi32, #tpu.memory_space<hbm>>
      %dma_wait3A_590 = arith.constant 0 : i32
      %dma_wait3A_591 = tpu.memref_slice %arg7[%dma_wait3A_585, %dma_wait3A_590] : memref<5x40xi32, #tpu.memory_space<vmem>> -> memref<1x40xi32, #tpu.memory_space<vmem>>
      %dma_wait3A_592 = tpu.memref_squeeze %dma_wait3A_591 : memref<1x40xi32, #tpu.memory_space<vmem>> -> memref<40xi32, #tpu.memory_space<vmem>>
      %dma_wait3A_593 = tpu.memref_slice %arg4[%add3A_584] : memref<320000xi32, #tpu.memory_space<hbm>> -> memref<40xi32, #tpu.memory_space<hbm>>
      tpu.wait_dma2 semaphore(%arg27 : memref<!tpu.dma_semaphore, #tpu.memory_space<semaphore_mem>>) src(%dma_wait3A_593 : memref<40xi32, #tpu.memory_space<hbm>>) dst(%dma_wait3A_592 : memref<40xi32, #tpu.memory_space<vmem>>)
      %dma_start3A_594 = arith.constant 3 : i32
      %dma_start3A_595 = arith.constant 0 : i32
      %dma_start3A_596 = tpu.memref_slice %arg7[%dma_start3A_594, %dma_start3A_595] : memref<5x40xi32, #tpu.memory_space<vmem>> -> memref<1x40xi32, #tpu.memory_space<vmem>>
      %dma_start3A_597 = tpu.memref_squeeze %dma_start3A_596 : memref<1x40xi32, #tpu.memory_space<vmem>> -> memref<40xi32, #tpu.memory_space<vmem>>
      %dma_start3A_598 = arith.constant 0 : i32
      %dma_start3A_599 = arith.constant 0 : i32
      %dma_start3A_600 = tpu.memref_slice %arg13[%dma_start3A_598, %dma_start3A_599] : memref<10240x128xf32, #tpu.memory_space<vmem_shared>> -> memref<10240x128xf32, #tpu.memory_space<vmem_shared>>
      tpu.enqueue_indirect_dma source(%arg11 : memref<40x128xf32, #tpu.memory_space<vmem>>) target(%dma_start3A_600 : memref<10240x128xf32, #tpu.memory_space<vmem_shared>>) offsets(%dma_start3A_597 : memref<40xi32, #tpu.memory_space<vmem>>) semaphore(%arg22 : memref<!tpu.dma_semaphore, #tpu.memory_space<semaphore_mem>>) {add = true}
      %gt3A_601 = arith.constant 0 : i32
      %gt3A_602 = arith.cmpi sgt, %add3A_574, %gt3A_601 : i32
      %lt3A_603 = arith.constant 246 : i32
      %lt3A_604 = arith.cmpi slt, %add3A_574, %lt3A_603 : i32
      %and3A_605 = arith.andi %gt3A_602, %lt3A_604 : i1
      %convert_element_type3A_606 = arith.extui %and3A_605 : i1 to i32
      %cond3A_607 = arith.constant 0 : i32
      %cond3A_608 = arith.cmpi ne, %convert_element_type3A_606, %cond3A_607 : i32
      scf.if %cond3A_608 {
        %sub3A = arith.constant 1 : i32
        %sub3A_667 = arith.subi %add3A_574, %sub3A : i32
        %dma_wait3A_668 = arith.constant 2 : i32
        %dma_wait3A_669 = arith.constant 0 : i32
        %dma_wait3A_670 = tpu.memref_slice %arg7[%dma_wait3A_668, %dma_wait3A_669] : memref<5x40xi32, #tpu.memory_space<vmem>> -> memref<1x40xi32, #tpu.memory_space<vmem>>
        %dma_wait3A_671 = tpu.memref_squeeze %dma_wait3A_670 : memref<1x40xi32, #tpu.memory_space<vmem>> -> memref<40xi32, #tpu.memory_space<vmem>>
        %dma_wait3A_672 = arith.constant 0 : i32
        %dma_wait3A_673 = arith.constant 0 : i32
        %dma_wait3A_674 = tpu.memref_slice %arg13[%dma_wait3A_672, %dma_wait3A_673] : memref<10240x128xf32, #tpu.memory_space<vmem_shared>> -> memref<10240x128xf32, #tpu.memory_space<vmem_shared>>
        tpu.wait_indirect_dma semaphore(%arg21 : memref<!tpu.dma_semaphore, #tpu.memory_space<semaphore_mem>>) src(%arg10 : memref<40x128xf32, #tpu.memory_space<vmem>>) dst(%dma_wait3A_674 : memref<10240x128xf32, #tpu.memory_space<vmem_shared>>)
      } else {
      }
      %lt3A_609 = arith.constant 246 : i32
      %lt3A_610 = arith.cmpi slt, %add3A_574, %lt3A_609 : i32
      %convert_element_type3A_611 = arith.extui %lt3A_610 : i1 to i32
      %cond3A_612 = arith.constant 0 : i32
      %cond3A_613 = arith.cmpi ne, %convert_element_type3A_611, %cond3A_612 : i32
      scf.if %cond3A_613 {
        %add3A_667 = arith.constant 5 : i32
        %add3A_668 = arith.addi %add3A_574, %add3A_667 : i32
        %sub3A = arith.constant 1 : i32
        %sub3A_669 = arith.subi %add3A_668, %sub3A : i32
        %mul3A_670 = arith.constant 10000 : i32
        %mul3A_671 = arith.muli %add3A, %mul3A_670 : i32
        %mul3A_672 = arith.constant 40 : i32
        %mul3A_673 = arith.muli %sub3A_669, %mul3A_672 : i32
        %add3A_674 = arith.addi %mul3A_671, %mul3A_673 : i32
        %dma_start3A_675 = arith.constant 80 : i32
        %dma_start3A_676 = tpu.memref_slice %arg6[%dma_start3A_675] : memref<200xi32, #tpu.memory_space<vmem>> -> memref<40xi32, #tpu.memory_space<vmem>>
        %dma_start3A_677 = tpu.memref_slice %arg3[%add3A_674] : memref<320000xi32, #tpu.memory_space<hbm>> -> memref<40xi32, #tpu.memory_space<hbm>>
        %dma_start3A_678 = arith.constant 80 : i32
        %dma_start3A_679 = tpu.memref_slice %arg6[%dma_start3A_678] : memref<200xi32, #tpu.memory_space<vmem>> -> memref<40xi32, #tpu.memory_space<vmem>>
        %dma_start3A_680 = tpu.memref_slice %arg3[%add3A_674] : memref<320000xi32, #tpu.memory_space<hbm>> -> memref<40xi32, #tpu.memory_space<hbm>>
        tpu.enqueue_dma source(%dma_start3A_680 : memref<40xi32, #tpu.memory_space<hbm>>) target(%dma_start3A_679 : memref<40xi32, #tpu.memory_space<vmem>>) target_semaphore(%arg31 : memref<!tpu.dma_semaphore, #tpu.memory_space<semaphore_mem>>)
      } else {
      }
      %lt3A_614 = arith.constant 247 : i32
      %lt3A_615 = arith.cmpi slt, %add3A_574, %lt3A_614 : i32
      %convert_element_type3A_616 = arith.extui %lt3A_615 : i1 to i32
      %cond3A_617 = arith.constant 0 : i32
      %cond3A_618 = arith.cmpi ne, %convert_element_type3A_616, %cond3A_617 : i32
      scf.if %cond3A_618 {
        %add3A_667 = arith.constant 5 : i32
        %add3A_668 = arith.addi %add3A_574, %add3A_667 : i32
        %sub3A = arith.constant 2 : i32
        %sub3A_669 = arith.subi %add3A_668, %sub3A : i32
        %mul3A_670 = arith.constant 10000 : i32
        %mul3A_671 = arith.muli %add3A, %mul3A_670 : i32
        %mul3A_672 = arith.constant 40 : i32
        %mul3A_673 = arith.muli %sub3A_669, %mul3A_672 : i32
        %add3A_674 = arith.addi %mul3A_671, %mul3A_673 : i32
        %dma_wait3A_675 = arith.constant 40 : i32
        %dma_wait3A_676 = tpu.memref_slice %arg6[%dma_wait3A_675] : memref<200xi32, #tpu.memory_space<vmem>> -> memref<40xi32, #tpu.memory_space<vmem>>
        %dma_wait3A_677 = tpu.memref_slice %arg3[%add3A_674] : memref<320000xi32, #tpu.memory_space<hbm>> -> memref<40xi32, #tpu.memory_space<hbm>>
        %dma_wait3A_678 = arith.constant 40 : i32
        %dma_wait3A_679 = tpu.memref_slice %arg6[%dma_wait3A_678] : memref<200xi32, #tpu.memory_space<vmem>> -> memref<40xi32, #tpu.memory_space<vmem>>
        %dma_wait3A_680 = tpu.memref_slice %arg3[%add3A_674] : memref<320000xi32, #tpu.memory_space<hbm>> -> memref<40xi32, #tpu.memory_space<hbm>>
        tpu.wait_dma2 semaphore(%arg30 : memref<!tpu.dma_semaphore, #tpu.memory_space<semaphore_mem>>) src(%dma_wait3A_680 : memref<40xi32, #tpu.memory_space<hbm>>) dst(%dma_wait3A_679 : memref<40xi32, #tpu.memory_space<vmem>>)
        %add3A_681 = arith.constant 5 : i32
        %add3A_682 = arith.addi %add3A_574, %add3A_681 : i32
        %sub3A_683 = arith.constant 2 : i32
        %sub3A_684 = arith.subi %add3A_682, %sub3A_683 : i32
        %dma_start3A_685 = arith.constant 40 : i32
        %dma_start3A_686 = tpu.memref_slice %arg6[%dma_start3A_685] : memref<200xi32, #tpu.memory_space<vmem>> -> memref<40xi32, #tpu.memory_space<vmem>>
        %dma_start3A_687 = arith.constant 0 : i32
        %dma_start3A_688 = arith.constant 0 : i32
        %dma_start3A_689 = tpu.memref_slice %arg2[%dma_start3A_687, %dma_start3A_688] : memref<10000x128xf32, #tpu.memory_space<hbm>> -> memref<10000x128xf32, #tpu.memory_space<hbm>>
        tpu.enqueue_indirect_dma source(%dma_start3A_689 : memref<10000x128xf32, #tpu.memory_space<hbm>>) target(%arg9 : memref<40x128xf32, #tpu.memory_space<vmem>>) offsets(%dma_start3A_686 : memref<40xi32, #tpu.memory_space<vmem>>) semaphore(%arg15 : memref<!tpu.dma_semaphore, #tpu.memory_space<semaphore_mem>>)
        %mul3A_690 = arith.constant 10000 : i32
        %mul3A_691 = arith.muli %add3A, %mul3A_690 : i32
        %mul3A_692 = arith.constant 40 : i32
        %mul3A_693 = arith.muli %sub3A_684, %mul3A_692 : i32
        %add3A_694 = arith.addi %mul3A_691, %mul3A_693 : i32
        %dma_start3A_695 = arith.constant 1 : i32
        %dma_start3A_696 = arith.constant 0 : i32
        %dma_start3A_697 = tpu.memref_slice %arg7[%dma_start3A_695, %dma_start3A_696] : memref<5x40xi32, #tpu.memory_space<vmem>> -> memref<1x40xi32, #tpu.memory_space<vmem>>
        %dma_start3A_698 = tpu.memref_squeeze %dma_start3A_697 : memref<1x40xi32, #tpu.memory_space<vmem>> -> memref<40xi32, #tpu.memory_space<vmem>>
        %dma_start3A_699 = tpu.memref_slice %arg4[%add3A_694] : memref<320000xi32, #tpu.memory_space<hbm>> -> memref<40xi32, #tpu.memory_space<hbm>>
        %dma_start3A_700 = arith.constant 0 : i32
        %dma_start3A_701 = tpu.memref_slice %arg7[%dma_start3A_695, %dma_start3A_700] : memref<5x40xi32, #tpu.memory_space<vmem>> -> memref<1x40xi32, #tpu.memory_space<vmem>>
        %dma_start3A_702 = tpu.memref_squeeze %dma_start3A_701 : memref<1x40xi32, #tpu.memory_space<vmem>> -> memref<40xi32, #tpu.memory_space<vmem>>
        %dma_start3A_703 = tpu.memref_slice %arg4[%add3A_694] : memref<320000xi32, #tpu.memory_space<hbm>> -> memref<40xi32, #tpu.memory_space<hbm>>
        tpu.enqueue_dma source(%dma_start3A_703 : memref<40xi32, #tpu.memory_space<hbm>>) target(%dma_start3A_702 : memref<40xi32, #tpu.memory_space<vmem>>) target_semaphore(%arg25 : memref<!tpu.dma_semaphore, #tpu.memory_space<semaphore_mem>>)
      } else {
      }
      %mul3A_619 = arith.constant 5 : i32
      %mul3A_620 = arith.muli %mul3A_619, %scan3A_431 : i32
      %add3A_621 = arith.constant 4 : i32
      %add3A_622 = arith.addi %mul3A_620, %add3A_621 : i32
      %dma_wait3A_623 = arith.constant 160 : i32
      %dma_wait3A_624 = tpu.memref_slice %arg6[%dma_wait3A_623] : memref<200xi32, #tpu.memory_space<vmem>> -> memref<40xi32, #tpu.memory_space<vmem>>
      %dma_wait3A_625 = arith.constant 0 : i32
      %dma_wait3A_626 = arith.constant 0 : i32
      %dma_wait3A_627 = tpu.memref_slice %arg2[%dma_wait3A_625, %dma_wait3A_626] : memref<10000x128xf32, #tpu.memory_space<hbm>> -> memref<10000x128xf32, #tpu.memory_space<hbm>>
      tpu.wait_indirect_dma semaphore(%arg18 : memref<!tpu.dma_semaphore, #tpu.memory_space<semaphore_mem>>) src(%dma_wait3A_627 : memref<10000x128xf32, #tpu.memory_space<hbm>>) dst(%arg12 : memref<40x128xf32, #tpu.memory_space<vmem>>)
      %mul3A_628 = arith.constant 10000 : i32
      %mul3A_629 = arith.muli %add3A, %mul3A_628 : i32
      %mul3A_630 = arith.constant 40 : i32
      %mul3A_631 = arith.muli %add3A_622, %mul3A_630 : i32
      %add3A_632 = arith.addi %mul3A_629, %mul3A_631 : i32
      %dma_wait3A_633 = arith.constant 4 : i32
      %dma_wait3A_634 = arith.constant 0 : i32
      %dma_wait3A_635 = tpu.memref_slice %arg7[%dma_wait3A_633, %dma_wait3A_634] : memref<5x40xi32, #tpu.memory_space<vmem>> -> memref<1x40xi32, #tpu.memory_space<vmem>>
      %dma_wait3A_636 = tpu.memref_squeeze %dma_wait3A_635 : memref<1x40xi32, #tpu.memory_space<vmem>> -> memref<40xi32, #tpu.memory_space<vmem>>
      %dma_wait3A_637 = tpu.memref_slice %arg4[%add3A_632] : memref<320000xi32, #tpu.memory_space<hbm>> -> memref<40xi32, #tpu.memory_space<hbm>>
      %dma_wait3A_638 = arith.constant 0 : i32
      %dma_wait3A_639 = tpu.memref_slice %arg7[%dma_wait3A_633, %dma_wait3A_638] : memref<5x40xi32, #tpu.memory_space<vmem>> -> memref<1x40xi32, #tpu.memory_space<vmem>>
      %dma_wait3A_640 = tpu.memref_squeeze %dma_wait3A_639 : memref<1x40xi32, #tpu.memory_space<vmem>> -> memref<40xi32, #tpu.memory_space<vmem>>
      %dma_wait3A_641 = tpu.memref_slice %arg4[%add3A_632] : memref<320000xi32, #tpu.memory_space<hbm>> -> memref<40xi32, #tpu.memory_space<hbm>>
      tpu.wait_dma2 semaphore(%arg28 : memref<!tpu.dma_semaphore, #tpu.memory_space<semaphore_mem>>) src(%dma_wait3A_641 : memref<40xi32, #tpu.memory_space<hbm>>) dst(%dma_wait3A_640 : memref<40xi32, #tpu.memory_space<vmem>>)
      %dma_start3A_642 = arith.constant 4 : i32
      %dma_start3A_643 = arith.constant 0 : i32
      %dma_start3A_644 = tpu.memref_slice %arg7[%dma_start3A_642, %dma_start3A_643] : memref<5x40xi32, #tpu.memory_space<vmem>> -> memref<1x40xi32, #tpu.memory_space<vmem>>
      %dma_start3A_645 = tpu.memref_squeeze %dma_start3A_644 : memref<1x40xi32, #tpu.memory_space<vmem>> -> memref<40xi32, #tpu.memory_space<vmem>>
      %dma_start3A_646 = arith.constant 0 : i32
      %dma_start3A_647 = arith.constant 0 : i32
      %dma_start3A_648 = tpu.memref_slice %arg13[%dma_start3A_646, %dma_start3A_647] : memref<10240x128xf32, #tpu.memory_space<vmem_shared>> -> memref<10240x128xf32, #tpu.memory_space<vmem_shared>>
      tpu.enqueue_indirect_dma source(%arg12 : memref<40x128xf32, #tpu.memory_space<vmem>>) target(%dma_start3A_648 : memref<10240x128xf32, #tpu.memory_space<vmem_shared>>) offsets(%dma_start3A_645 : memref<40xi32, #tpu.memory_space<vmem>>) semaphore(%arg23 : memref<!tpu.dma_semaphore, #tpu.memory_space<semaphore_mem>>) {add = true}
      %gt3A_649 = arith.constant 0 : i32
      %gt3A_650 = arith.cmpi sgt, %add3A_622, %gt3A_649 : i32
      %lt3A_651 = arith.constant 246 : i32
      %lt3A_652 = arith.cmpi slt, %add3A_622, %lt3A_651 : i32
      %and3A_653 = arith.andi %gt3A_650, %lt3A_652 : i1
      %convert_element_type3A_654 = arith.extui %and3A_653 : i1 to i32
      %cond3A_655 = arith.constant 0 : i32
      %cond3A_656 = arith.cmpi ne, %convert_element_type3A_654, %cond3A_655 : i32
      scf.if %cond3A_656 {
        %sub3A = arith.constant 1 : i32
        %sub3A_667 = arith.subi %add3A_622, %sub3A : i32
        %dma_wait3A_668 = arith.constant 3 : i32
        %dma_wait3A_669 = arith.constant 0 : i32
        %dma_wait3A_670 = tpu.memref_slice %arg7[%dma_wait3A_668, %dma_wait3A_669] : memref<5x40xi32, #tpu.memory_space<vmem>> -> memref<1x40xi32, #tpu.memory_space<vmem>>
        %dma_wait3A_671 = tpu.memref_squeeze %dma_wait3A_670 : memref<1x40xi32, #tpu.memory_space<vmem>> -> memref<40xi32, #tpu.memory_space<vmem>>
        %dma_wait3A_672 = arith.constant 0 : i32
        %dma_wait3A_673 = arith.constant 0 : i32
        %dma_wait3A_674 = tpu.memref_slice %arg13[%dma_wait3A_672, %dma_wait3A_673] : memref<10240x128xf32, #tpu.memory_space<vmem_shared>> -> memref<10240x128xf32, #tpu.memory_space<vmem_shared>>
        tpu.wait_indirect_dma semaphore(%arg22 : memref<!tpu.dma_semaphore, #tpu.memory_space<semaphore_mem>>) src(%arg11 : memref<40x128xf32, #tpu.memory_space<vmem>>) dst(%dma_wait3A_674 : memref<10240x128xf32, #tpu.memory_space<vmem_shared>>)
      } else {
      }
      %lt3A_657 = arith.constant 246 : i32
      %lt3A_658 = arith.cmpi slt, %add3A_622, %lt3A_657 : i32
      %convert_element_type3A_659 = arith.extui %lt3A_658 : i1 to i32
      %cond3A_660 = arith.constant 0 : i32
      %cond3A_661 = arith.cmpi ne, %convert_element_type3A_659, %cond3A_660 : i32
      scf.if %cond3A_661 {
        %add3A_667 = arith.constant 5 : i32
        %add3A_668 = arith.addi %add3A_622, %add3A_667 : i32
        %sub3A = arith.constant 1 : i32
        %sub3A_669 = arith.subi %add3A_668, %sub3A : i32
        %mul3A_670 = arith.constant 10000 : i32
        %mul3A_671 = arith.muli %add3A, %mul3A_670 : i32
        %mul3A_672 = arith.constant 40 : i32
        %mul3A_673 = arith.muli %sub3A_669, %mul3A_672 : i32
        %add3A_674 = arith.addi %mul3A_671, %mul3A_673 : i32
        %dma_start3A_675 = arith.constant 120 : i32
        %dma_start3A_676 = tpu.memref_slice %arg6[%dma_start3A_675] : memref<200xi32, #tpu.memory_space<vmem>> -> memref<40xi32, #tpu.memory_space<vmem>>
        %dma_start3A_677 = tpu.memref_slice %arg3[%add3A_674] : memref<320000xi32, #tpu.memory_space<hbm>> -> memref<40xi32, #tpu.memory_space<hbm>>
        %dma_start3A_678 = arith.constant 120 : i32
        %dma_start3A_679 = tpu.memref_slice %arg6[%dma_start3A_678] : memref<200xi32, #tpu.memory_space<vmem>> -> memref<40xi32, #tpu.memory_space<vmem>>
        %dma_start3A_680 = tpu.memref_slice %arg3[%add3A_674] : memref<320000xi32, #tpu.memory_space<hbm>> -> memref<40xi32, #tpu.memory_space<hbm>>
        tpu.enqueue_dma source(%dma_start3A_680 : memref<40xi32, #tpu.memory_space<hbm>>) target(%dma_start3A_679 : memref<40xi32, #tpu.memory_space<vmem>>) target_semaphore(%arg32 : memref<!tpu.dma_semaphore, #tpu.memory_space<semaphore_mem>>)
      } else {
      }
      %lt3A_662 = arith.constant 247 : i32
      %lt3A_663 = arith.cmpi slt, %add3A_622, %lt3A_662 : i32
      %convert_element_type3A_664 = arith.extui %lt3A_663 : i1 to i32
      %cond3A_665 = arith.constant 0 : i32
      %cond3A_666 = arith.cmpi ne, %convert_element_type3A_664, %cond3A_665 : i32
      scf.if %cond3A_666 {
        %add3A_667 = arith.constant 5 : i32
        %add3A_668 = arith.addi %add3A_622, %add3A_667 : i32
        %sub3A = arith.constant 2 : i32
        %sub3A_669 = arith.subi %add3A_668, %sub3A : i32
        %mul3A_670 = arith.constant 10000 : i32
        %mul3A_671 = arith.muli %add3A, %mul3A_670 : i32
        %mul3A_672 = arith.constant 40 : i32
        %mul3A_673 = arith.muli %sub3A_669, %mul3A_672 : i32
        %add3A_674 = arith.addi %mul3A_671, %mul3A_673 : i32
        %dma_wait3A_675 = arith.constant 80 : i32
        %dma_wait3A_676 = tpu.memref_slice %arg6[%dma_wait3A_675] : memref<200xi32, #tpu.memory_space<vmem>> -> memref<40xi32, #tpu.memory_space<vmem>>
        %dma_wait3A_677 = tpu.memref_slice %arg3[%add3A_674] : memref<320000xi32, #tpu.memory_space<hbm>> -> memref<40xi32, #tpu.memory_space<hbm>>
        %dma_wait3A_678 = arith.constant 80 : i32
        %dma_wait3A_679 = tpu.memref_slice %arg6[%dma_wait3A_678] : memref<200xi32, #tpu.memory_space<vmem>> -> memref<40xi32, #tpu.memory_space<vmem>>
        %dma_wait3A_680 = tpu.memref_slice %arg3[%add3A_674] : memref<320000xi32, #tpu.memory_space<hbm>> -> memref<40xi32, #tpu.memory_space<hbm>>
        tpu.wait_dma2 semaphore(%arg31 : memref<!tpu.dma_semaphore, #tpu.memory_space<semaphore_mem>>) src(%dma_wait3A_680 : memref<40xi32, #tpu.memory_space<hbm>>) dst(%dma_wait3A_679 : memref<40xi32, #tpu.memory_space<vmem>>)
        %add3A_681 = arith.constant 5 : i32
        %add3A_682 = arith.addi %add3A_622, %add3A_681 : i32
        %sub3A_683 = arith.constant 2 : i32
        %sub3A_684 = arith.subi %add3A_682, %sub3A_683 : i32
        %dma_start3A_685 = arith.constant 80 : i32
        %dma_start3A_686 = tpu.memref_slice %arg6[%dma_start3A_685] : memref<200xi32, #tpu.memory_space<vmem>> -> memref<40xi32, #tpu.memory_space<vmem>>
        %dma_start3A_687 = arith.constant 0 : i32
        %dma_start3A_688 = arith.constant 0 : i32
        %dma_start3A_689 = tpu.memref_slice %arg2[%dma_start3A_687, %dma_start3A_688] : memref<10000x128xf32, #tpu.memory_space<hbm>> -> memref<10000x128xf32, #tpu.memory_space<hbm>>
        tpu.enqueue_indirect_dma source(%dma_start3A_689 : memref<10000x128xf32, #tpu.memory_space<hbm>>) target(%arg10 : memref<40x128xf32, #tpu.memory_space<vmem>>) offsets(%dma_start3A_686 : memref<40xi32, #tpu.memory_space<vmem>>) semaphore(%arg16 : memref<!tpu.dma_semaphore, #tpu.memory_space<semaphore_mem>>)
        %mul3A_690 = arith.constant 10000 : i32
        %mul3A_691 = arith.muli %add3A, %mul3A_690 : i32
        %mul3A_692 = arith.constant 40 : i32
        %mul3A_693 = arith.muli %sub3A_684, %mul3A_692 : i32
        %add3A_694 = arith.addi %mul3A_691, %mul3A_693 : i32
        %dma_start3A_695 = arith.constant 2 : i32
        %dma_start3A_696 = arith.constant 0 : i32
        %dma_start3A_697 = tpu.memref_slice %arg7[%dma_start3A_695, %dma_start3A_696] : memref<5x40xi32, #tpu.memory_space<vmem>> -> memref<1x40xi32, #tpu.memory_space<vmem>>
        %dma_start3A_698 = tpu.memref_squeeze %dma_start3A_697 : memref<1x40xi32, #tpu.memory_space<vmem>> -> memref<40xi32, #tpu.memory_space<vmem>>
        %dma_start3A_699 = tpu.memref_slice %arg4[%add3A_694] : memref<320000xi32, #tpu.memory_space<hbm>> -> memref<40xi32, #tpu.memory_space<hbm>>
        %dma_start3A_700 = arith.constant 0 : i32
        %dma_start3A_701 = tpu.memref_slice %arg7[%dma_start3A_695, %dma_start3A_700] : memref<5x40xi32, #tpu.memory_space<vmem>> -> memref<1x40xi32, #tpu.memory_space<vmem>>
        %dma_start3A_702 = tpu.memref_squeeze %dma_start3A_701 : memref<1x40xi32, #tpu.memory_space<vmem>> -> memref<40xi32, #tpu.memory_space<vmem>>
        %dma_start3A_703 = tpu.memref_slice %arg4[%add3A_694] : memref<320000xi32, #tpu.memory_space<hbm>> -> memref<40xi32, #tpu.memory_space<hbm>>
        tpu.enqueue_dma source(%dma_start3A_703 : memref<40xi32, #tpu.memory_space<hbm>>) target(%dma_start3A_702 : memref<40xi32, #tpu.memory_space<vmem>>) target_semaphore(%arg26 : memref<!tpu.dma_semaphore, #tpu.memory_space<semaphore_mem>>)
      } else {
      }
    }
    %scan3A_390 = arith.constant 50 : i32
    %dma_wait3A_391 = arith.constant 0 : i32
    %dma_wait3A_392 = arith.constant 0 : i32
    %dma_wait3A_393 = tpu.memref_slice %arg7[%dma_wait3A_391, %dma_wait3A_392] : memref<5x40xi32, #tpu.memory_space<vmem>> -> memref<1x40xi32, #tpu.memory_space<vmem>>
    %dma_wait3A_394 = tpu.memref_squeeze %dma_wait3A_393 : memref<1x40xi32, #tpu.memory_space<vmem>> -> memref<40xi32, #tpu.memory_space<vmem>>
    %dma_wait3A_395 = arith.constant 0 : i32
    %dma_wait3A_396 = arith.constant 0 : i32
    %dma_wait3A_397 = tpu.memref_slice %arg13[%dma_wait3A_395, %dma_wait3A_396] : memref<10240x128xf32, #tpu.memory_space<vmem_shared>> -> memref<10240x128xf32, #tpu.memory_space<vmem_shared>>
    tpu.wait_indirect_dma semaphore(%arg19 : memref<!tpu.dma_semaphore, #tpu.memory_space<semaphore_mem>>) src(%arg8 : memref<40x128xf32, #tpu.memory_space<vmem>>) dst(%dma_wait3A_397 : memref<10240x128xf32, #tpu.memory_space<vmem_shared>>)
    %dma_wait3A_398 = arith.constant 1 : i32
    %dma_wait3A_399 = arith.constant 0 : i32
    %dma_wait3A_400 = tpu.memref_slice %arg7[%dma_wait3A_398, %dma_wait3A_399] : memref<5x40xi32, #tpu.memory_space<vmem>> -> memref<1x40xi32, #tpu.memory_space<vmem>>
    %dma_wait3A_401 = tpu.memref_squeeze %dma_wait3A_400 : memref<1x40xi32, #tpu.memory_space<vmem>> -> memref<40xi32, #tpu.memory_space<vmem>>
    %dma_wait3A_402 = arith.constant 0 : i32
    %dma_wait3A_403 = arith.constant 0 : i32
    %dma_wait3A_404 = tpu.memref_slice %arg13[%dma_wait3A_402, %dma_wait3A_403] : memref<10240x128xf32, #tpu.memory_space<vmem_shared>> -> memref<10240x128xf32, #tpu.memory_space<vmem_shared>>
    tpu.wait_indirect_dma semaphore(%arg20 : memref<!tpu.dma_semaphore, #tpu.memory_space<semaphore_mem>>) src(%arg9 : memref<40x128xf32, #tpu.memory_space<vmem>>) dst(%dma_wait3A_404 : memref<10240x128xf32, #tpu.memory_space<vmem_shared>>)
    %dma_wait3A_405 = arith.constant 2 : i32
    %dma_wait3A_406 = arith.constant 0 : i32
    %dma_wait3A_407 = tpu.memref_slice %arg7[%dma_wait3A_405, %dma_wait3A_406] : memref<5x40xi32, #tpu.memory_space<vmem>> -> memref<1x40xi32, #tpu.memory_space<vmem>>
    %dma_wait3A_408 = tpu.memref_squeeze %dma_wait3A_407 : memref<1x40xi32, #tpu.memory_space<vmem>> -> memref<40xi32, #tpu.memory_space<vmem>>
    %dma_wait3A_409 = arith.constant 0 : i32
    %dma_wait3A_410 = arith.constant 0 : i32
    %dma_wait3A_411 = tpu.memref_slice %arg13[%dma_wait3A_409, %dma_wait3A_410] : memref<10240x128xf32, #tpu.memory_space<vmem_shared>> -> memref<10240x128xf32, #tpu.memory_space<vmem_shared>>
    tpu.wait_indirect_dma semaphore(%arg21 : memref<!tpu.dma_semaphore, #tpu.memory_space<semaphore_mem>>) src(%arg10 : memref<40x128xf32, #tpu.memory_space<vmem>>) dst(%dma_wait3A_411 : memref<10240x128xf32, #tpu.memory_space<vmem_shared>>)
    %dma_wait3A_412 = arith.constant 3 : i32
    %dma_wait3A_413 = arith.constant 0 : i32
    %dma_wait3A_414 = tpu.memref_slice %arg7[%dma_wait3A_412, %dma_wait3A_413] : memref<5x40xi32, #tpu.memory_space<vmem>> -> memref<1x40xi32, #tpu.memory_space<vmem>>
    %dma_wait3A_415 = tpu.memref_squeeze %dma_wait3A_414 : memref<1x40xi32, #tpu.memory_space<vmem>> -> memref<40xi32, #tpu.memory_space<vmem>>
    %dma_wait3A_416 = arith.constant 0 : i32
    %dma_wait3A_417 = arith.constant 0 : i32
    %dma_wait3A_418 = tpu.memref_slice %arg13[%dma_wait3A_416, %dma_wait3A_417] : memref<10240x128xf32, #tpu.memory_space<vmem_shared>> -> memref<10240x128xf32, #tpu.memory_space<vmem_shared>>
    tpu.wait_indirect_dma semaphore(%arg22 : memref<!tpu.dma_semaphore, #tpu.memory_space<semaphore_mem>>) src(%arg11 : memref<40x128xf32, #tpu.memory_space<vmem>>) dst(%dma_wait3A_418 : memref<10240x128xf32, #tpu.memory_space<vmem_shared>>)
    %dma_wait3A_419 = arith.constant 4 : i32
    %dma_wait3A_420 = arith.constant 0 : i32
    %dma_wait3A_421 = tpu.memref_slice %arg7[%dma_wait3A_419, %dma_wait3A_420] : memref<5x40xi32, #tpu.memory_space<vmem>> -> memref<1x40xi32, #tpu.memory_space<vmem>>
    %dma_wait3A_422 = tpu.memref_squeeze %dma_wait3A_421 : memref<1x40xi32, #tpu.memory_space<vmem>> -> memref<40xi32, #tpu.memory_space<vmem>>
    %dma_wait3A_423 = arith.constant 0 : i32
    %dma_wait3A_424 = arith.constant 0 : i32
    %dma_wait3A_425 = tpu.memref_slice %arg13[%dma_wait3A_423, %dma_wait3A_424] : memref<10240x128xf32, #tpu.memory_space<vmem_shared>> -> memref<10240x128xf32, #tpu.memory_space<vmem_shared>>
    tpu.wait_indirect_dma semaphore(%arg23 : memref<!tpu.dma_semaphore, #tpu.memory_space<semaphore_mem>>) src(%arg12 : memref<40x128xf32, #tpu.memory_space<vmem>>) dst(%dma_wait3A_425 : memref<10240x128xf32, #tpu.memory_space<vmem_shared>>)
    %barrier3A_426 = arith.constant 0 : index
    tpu.barrier barrier_id(%barrier3A_426)
    %mul3A_427 = arith.constant 640 : i32
    %mul3A_428 = arith.muli %arg1, %mul3A_427 : i32
    %mul3A_429 = arith.constant 640 : i32
    %mul3A_430 = arith.muli %arg1, %mul3A_429 : i32
    "tpu.region"() ({
      %run_scoped3A = tpu.sem_alloc : memref<!tpu.dma_semaphore, #tpu.memory_space<semaphore_mem>>
      %dma_start3A_431 = arith.constant 0 : i32
      %dma_start3A_432 = tpu.memref_slice %arg5[%arg0, %mul3A_430, %dma_start3A_431] : memref<2x10240x128xf32, #tpu.memory_space<hbm>> -> memref<1x640x128xf32, #tpu.memory_space<hbm>>
      %dma_start3A_433 = tpu.memref_squeeze %dma_start3A_432 : memref<1x640x128xf32, #tpu.memory_space<hbm>> -> memref<640x128xf32, #tpu.memory_space<hbm>>
      %dma_start3A_434 = arith.constant 0 : i32
      %dma_start3A_435 = tpu.memref_slice %arg13[%mul3A_428, %dma_start3A_434] : memref<10240x128xf32, #tpu.memory_space<vmem_shared>> -> memref<640x128xf32, #tpu.memory_space<vmem_shared>>
      tpu.enqueue_dma source(%dma_start3A_435 : memref<640x128xf32, #tpu.memory_space<vmem_shared>>) target(%dma_start3A_433 : memref<640x128xf32, #tpu.memory_space<hbm>>) target_semaphore(%run_scoped3A : memref<!tpu.dma_semaphore, #tpu.memory_space<semaphore_mem>>)
      %dma_wait3A_436 = arith.constant 0 : i32
      %dma_wait3A_437 = tpu.memref_slice %arg5[%arg0, %mul3A_430, %dma_wait3A_436] : memref<2x10240x128xf32, #tpu.memory_space<hbm>> -> memref<1x640x128xf32, #tpu.memory_space<hbm>>
      %dma_wait3A_438 = tpu.memref_squeeze %dma_wait3A_437 : memref<1x640x128xf32, #tpu.memory_space<hbm>> -> memref<640x128xf32, #tpu.memory_space<hbm>>
      %dma_wait3A_439 = arith.constant 0 : i32
      %dma_wait3A_440 = tpu.memref_slice %arg13[%mul3A_428, %dma_wait3A_439] : memref<10240x128xf32, #tpu.memory_space<vmem_shared>> -> memref<640x128xf32, #tpu.memory_space<vmem_shared>>
      tpu.wait_dma2 semaphore(%run_scoped3A : memref<!tpu.dma_semaphore, #tpu.memory_space<semaphore_mem>>) src(%dma_wait3A_440 : memref<640x128xf32, #tpu.memory_space<vmem_shared>>) dst(%dma_wait3A_438 : memref<640x128xf32, #tpu.memory_space<hbm>>)
      tpu.yield
    }) : () -> ()
    return
  }
}

#map = affine_map<(d0, d1) -> (0, 0)>
#map1 = affine_map<(d0, d1) -> (0)>
#map2 = affine_map<(d0, d1) -> (0, 0, 0)>
module attributes {stable_mosaic.version = 14 : i64} {
  func.func @agg_kernel(%arg0: i32, %arg1: i32, %arg2: memref<10000x128xf32, #tpu.memory_space<hbm>>, %arg3: memref<320000xi32, #tpu.memory_space<hbm>>, %arg4: memref<320000xi32, #tpu.memory_space<hbm>>, %arg5: memref<2x10240x128xf32, #tpu.memory_space<hbm>>, %arg6: memref<200xi32, #tpu.memory_space<vmem>>, %arg7: memref<5x40xi32, #tpu.memory_space<vmem>>, %arg8: memref<40x128xf32, #tpu.memory_space<vmem>>, %arg9: memref<40x128xf32, #tpu.memory_space<vmem>>, %arg10: memref<40x128xf32, #tpu.memory_space<vmem>>, %arg11: memref<40x128xf32, #tpu.memory_space<vmem>>, %arg12: memref<40x128xf32, #tpu.memory_space<vmem>>, %arg13: memref<10240x128xf32, #tpu.memory_space<vmem_shared>>, %arg14: memref<!tpu.dma_semaphore, #tpu.memory_space<semaphore_mem>>, %arg15: memref<!tpu.dma_semaphore, #tpu.memory_space<semaphore_mem>>, %arg16: memref<!tpu.dma_semaphore, #tpu.memory_space<semaphore_mem>>, %arg17: memref<!tpu.dma_semaphore, #tpu.memory_space<semaphore_mem>>, %arg18: memref<!tpu.dma_semaphore, #tpu.memory_space<semaphore_mem>>, %arg19: memref<!tpu.dma_semaphore, #tpu.memory_space<semaphore_mem>>, %arg20: memref<!tpu.dma_semaphore, #tpu.memory_space<semaphore_mem>>, %arg21: memref<!tpu.dma_semaphore, #tpu.memory_space<semaphore_mem>>, %arg22: memref<!tpu.dma_semaphore, #tpu.memory_space<semaphore_mem>>, %arg23: memref<!tpu.dma_semaphore, #tpu.memory_space<semaphore_mem>>, %arg24: memref<!tpu.dma_semaphore, #tpu.memory_space<semaphore_mem>>, %arg25: memref<!tpu.dma_semaphore, #tpu.memory_space<semaphore_mem>>, %arg26: memref<!tpu.dma_semaphore, #tpu.memory_space<semaphore_mem>>, %arg27: memref<!tpu.dma_semaphore, #tpu.memory_space<semaphore_mem>>, %arg28: memref<!tpu.dma_semaphore, #tpu.memory_space<semaphore_mem>>, %arg29: memref<!tpu.dma_semaphore, #tpu.memory_space<semaphore_mem>>, %arg30: memref<!tpu.dma_semaphore, #tpu.memory_space<semaphore_mem>>, %arg31: memref<!tpu.dma_semaphore, #tpu.memory_space<semaphore_mem>>, %arg32: memref<!tpu.dma_semaphore, #tpu.memory_space<semaphore_mem>>, %arg33: memref<!tpu.dma_semaphore, #tpu.memory_space<semaphore_mem>>) attributes {dimension_semantics = [#tpu.dimension_semantics<core_parallel>, #tpu.dimension_semantics<subcore_parallel>], iteration_bounds = array<i64: 2, 16>, scalar_prefetch = 0 : i64, scratch_operands = 28 : i64, tpu.core_type = #tpu.core_type<sc_vector_subcore>, window_params = [{transform_indices = #map}, {transform_indices = #map1}, {transform_indices = #map1}, {transform_indices = #map2}]} {
    %mul3A = arith.constant 16 : i32
    %mul3A_0 = arith.muli %arg0, %mul3A : i32
    %add3A = arith.addi %mul3A_0, %arg1 : i32
    %mul3A_1 = arith.constant 10000 : i32
    %mul3A_2 = arith.muli %add3A, %mul3A_1 : i32
    %add3A_3 = arith.constant 0 : i32
    %add3A_4 = arith.addi %mul3A_2, %add3A_3 : i32
    %dma_start3A = arith.constant 0 : i32
    %dma_start3A_5 = tpu.memref_slice %arg6[%dma_start3A] : memref<200xi32, #tpu.memory_space<vmem>> -> memref<40xi32, #tpu.memory_space<vmem>>
    %dma_start3A_6 = tpu.memref_slice %arg3[%add3A_4] : memref<320000xi32, #tpu.memory_space<hbm>> -> memref<40xi32, #tpu.memory_space<hbm>>
    %dma_start3A_7 = arith.constant 0 : i32
    %dma_start3A_8 = tpu.memref_slice %arg6[%dma_start3A_7] : memref<200xi32, #tpu.memory_space<vmem>> -> memref<40xi32, #tpu.memory_space<vmem>>
    %dma_start3A_9 = tpu.memref_slice %arg3[%add3A_4] : memref<320000xi32, #tpu.memory_space<hbm>> -> memref<40xi32, #tpu.memory_space<hbm>>
    tpu.enqueue_dma source(%dma_start3A_9 : memref<40xi32, #tpu.memory_space<hbm>>) target(%dma_start3A_8 : memref<40xi32, #tpu.memory_space<vmem>>) target_semaphore(%arg29 : memref<!tpu.dma_semaphore, #tpu.memory_space<semaphore_mem>>)
    %mul3A_10 = arith.constant 10000 : i32
    %mul3A_11 = arith.muli %add3A, %mul3A_10 : i32
    %add3A_12 = arith.constant 40 : i32
    %add3A_13 = arith.addi %mul3A_11, %add3A_12 : i32
    %dma_start3A_14 = arith.constant 40 : i32
    %dma_start3A_15 = tpu.memref_slice %arg6[%dma_start3A_14] : memref<200xi32, #tpu.memory_space<vmem>> -> memref<40xi32, #tpu.memory_space<vmem>>
    %dma_start3A_16 = tpu.memref_slice %arg3[%add3A_13] : memref<320000xi32, #tpu.memory_space<hbm>> -> memref<40xi32, #tpu.memory_space<hbm>>
    %dma_start3A_17 = arith.constant 40 : i32
    %dma_start3A_18 = tpu.memref_slice %arg6[%dma_start3A_17] : memref<200xi32, #tpu.memory_space<vmem>> -> memref<40xi32, #tpu.memory_space<vmem>>
    %dma_start3A_19 = tpu.memref_slice %arg3[%add3A_13] : memref<320000xi32, #tpu.memory_space<hbm>> -> memref<40xi32, #tpu.memory_space<hbm>>
    tpu.enqueue_dma source(%dma_start3A_19 : memref<40xi32, #tpu.memory_space<hbm>>) target(%dma_start3A_18 : memref<40xi32, #tpu.memory_space<vmem>>) target_semaphore(%arg30 : memref<!tpu.dma_semaphore, #tpu.memory_space<semaphore_mem>>)
    %mul3A_20 = arith.constant 10000 : i32
    %mul3A_21 = arith.muli %add3A, %mul3A_20 : i32
    %add3A_22 = arith.constant 80 : i32
    %add3A_23 = arith.addi %mul3A_21, %add3A_22 : i32
    %dma_start3A_24 = arith.constant 80 : i32
    %dma_start3A_25 = tpu.memref_slice %arg6[%dma_start3A_24] : memref<200xi32, #tpu.memory_space<vmem>> -> memref<40xi32, #tpu.memory_space<vmem>>
    %dma_start3A_26 = tpu.memref_slice %arg3[%add3A_23] : memref<320000xi32, #tpu.memory_space<hbm>> -> memref<40xi32, #tpu.memory_space<hbm>>
    %dma_start3A_27 = arith.constant 80 : i32
    %dma_start3A_28 = tpu.memref_slice %arg6[%dma_start3A_27] : memref<200xi32, #tpu.memory_space<vmem>> -> memref<40xi32, #tpu.memory_space<vmem>>
    %dma_start3A_29 = tpu.memref_slice %arg3[%add3A_23] : memref<320000xi32, #tpu.memory_space<hbm>> -> memref<40xi32, #tpu.memory_space<hbm>>
    tpu.enqueue_dma source(%dma_start3A_29 : memref<40xi32, #tpu.memory_space<hbm>>) target(%dma_start3A_28 : memref<40xi32, #tpu.memory_space<vmem>>) target_semaphore(%arg31 : memref<!tpu.dma_semaphore, #tpu.memory_space<semaphore_mem>>)
    %mul3A_30 = arith.constant 10000 : i32
    %mul3A_31 = arith.muli %add3A, %mul3A_30 : i32
    %add3A_32 = arith.constant 120 : i32
    %add3A_33 = arith.addi %mul3A_31, %add3A_32 : i32
    %dma_start3A_34 = arith.constant 120 : i32
    %dma_start3A_35 = tpu.memref_slice %arg6[%dma_start3A_34] : memref<200xi32, #tpu.memory_space<vmem>> -> memref<40xi32, #tpu.memory_space<vmem>>
    %dma_start3A_36 = tpu.memref_slice %arg3[%add3A_33] : memref<320000xi32, #tpu.memory_space<hbm>> -> memref<40xi32, #tpu.memory_space<hbm>>
    %dma_start3A_37 = arith.constant 120 : i32
    %dma_start3A_38 = tpu.memref_slice %arg6[%dma_start3A_37] : memref<200xi32, #tpu.memory_space<vmem>> -> memref<40xi32, #tpu.memory_space<vmem>>
    %dma_start3A_39 = tpu.memref_slice %arg3[%add3A_33] : memref<320000xi32, #tpu.memory_space<hbm>> -> memref<40xi32, #tpu.memory_space<hbm>>
    tpu.enqueue_dma source(%dma_start3A_39 : memref<40xi32, #tpu.memory_space<hbm>>) target(%dma_start3A_38 : memref<40xi32, #tpu.memory_space<vmem>>) target_semaphore(%arg32 : memref<!tpu.dma_semaphore, #tpu.memory_space<semaphore_mem>>)
    %broadcast_in_dim3A = arith.constant 0.000000e+00 : f32
    %broadcast_in_dim3A_40 = vector.broadcast %broadcast_in_dim3A : f32 to vector<16xf32>
    %scan3A = arith.constant 0 : i32
    %scan3A_41 = arith.constant 0 : i32
    %scan3A_42 = arith.constant 320 : i32
    %scan3A_43 = arith.addi %scan3A_41, %scan3A_42 : i32
    %scan3A_44 = arith.constant 8 : i32
    scf.for %scan3A_431 = %scan3A_41 to %scan3A_43 step %scan3A_44  : i32 {
      %jit3A = arith.constant 8 : i32
      %div3A = arith.divsi %scan3A_431, %jit3A : i32
      %sign3A = arith.constant 0 : i32
      %sign3A_432 = arith.cmpi sgt, %scan3A_431, %sign3A : i32
      %sign3A_433 = arith.extui %sign3A_432 : i1 to i32
      %sign3A_434 = arith.constant 0 : i32
      %sign3A_435 = arith.cmpi slt, %scan3A_431, %sign3A_434 : i32
      %sign3A_436 = arith.extui %sign3A_435 : i1 to i32
      %sign3A_437 = arith.subi %sign3A_433, %sign3A_436 : i32
      %sign3A_438 = arith.constant 0 : i32
      %sign3A_439 = arith.cmpi sgt, %jit3A, %sign3A_438 : i32
      %sign3A_440 = arith.extui %sign3A_439 : i1 to i32
      %sign3A_441 = arith.constant 0 : i32
      %sign3A_442 = arith.cmpi slt, %jit3A, %sign3A_441 : i32
      %sign3A_443 = arith.extui %sign3A_442 : i1 to i32
      %sign3A_444 = arith.subi %sign3A_440, %sign3A_443 : i32
      %ne3A = arith.cmpi ne, %sign3A_437, %sign3A_444 : i32
      %rem3A = arith.remsi %scan3A_431, %jit3A : i32
      %ne3A_445 = arith.constant 0 : i32
      %ne3A_446 = arith.cmpi ne, %rem3A, %ne3A_445 : i32
      %and3A = arith.andi %ne3A, %ne3A_446 : i1
      %sub3A = arith.constant 1 : i32
      %sub3A_447 = arith.subi %div3A, %sub3A : i32
      %select_n3A = arith.select %and3A, %sub3A_447, %div3A : i32
      %jit3A_448 = arith.constant 8 : i32
      %eq3A = arith.constant 0 : i32
      %eq3A_449 = arith.cmpi eq, %jit3A_448, %eq3A : i32
      %jit3A_450 = arith.constant 1 : i32
      %select_n3A_451 = arith.select %eq3A_449, %jit3A_450, %jit3A_448 : i32
      %rem3A_452 = arith.remsi %scan3A_431, %select_n3A_451 : i32
      %ne3A_453 = arith.constant 0 : i32
      %ne3A_454 = arith.cmpi ne, %rem3A_452, %ne3A_453 : i32
      %lt3A = arith.constant 0 : i32
      %lt3A_455 = arith.cmpi slt, %rem3A_452, %lt3A : i32
      %lt3A_456 = arith.constant 0 : i32
      %lt3A_457 = arith.cmpi slt, %select_n3A_451, %lt3A_456 : i32
      %ne3A_458 = arith.xori %lt3A_455, %lt3A_457 : i1
      %and3A_459 = arith.andi %ne3A_458, %ne3A_454 : i1
      %add3A_460 = arith.addi %rem3A_452, %select_n3A_451 : i32
      %select_n3A_461 = arith.select %and3A_459, %add3A_460, %rem3A_452 : i32
      %mul3A_462 = arith.constant 16 : i32
      %mul3A_463 = arith.muli %select_n3A_461, %mul3A_462 : i32
      %swap3A = arith.index_cast %select_n3A : i32 to index
      %swap3A_464 = arith.index_cast %mul3A_463 : i32 to index
      %swap3A_465 = tpu.vector_load %arg8[%swap3A, %swap3A_464] {strides = array<i32>} : memref<40x128xf32, #tpu.memory_space<vmem>>, vector<1x16xf32>,
      %swap3A_466 = vector.shape_cast %swap3A_465 : vector<1x16xf32> to vector<16xf32>
      %swap3A_467 = vector.shape_cast %broadcast_in_dim3A_40 : vector<16xf32> to vector<1x16xf32>
      tpu.vector_store %arg8[%swap3A, %swap3A_464], %swap3A_467 {strides = array<i32>} : memref<40x128xf32, #tpu.memory_space<vmem>>, vector<1x16xf32>,
      %scan3A_468 = arith.constant 1 : i32
      %scan3A_469 = arith.addi %scan3A_431, %scan3A_468 : i32
      %jit3A_470 = arith.constant 8 : i32
      %div3A_471 = arith.divsi %scan3A_469, %jit3A_470 : i32
      %sign3A_472 = arith.constant 0 : i32
      %sign3A_473 = arith.cmpi sgt, %scan3A_469, %sign3A_472 : i32
      %sign3A_474 = arith.extui %sign3A_473 : i1 to i32
      %sign3A_475 = arith.constant 0 : i32
      %sign3A_476 = arith.cmpi slt, %scan3A_469, %sign3A_475 : i32
      %sign3A_477 = arith.extui %sign3A_476 : i1 to i32
      %sign3A_478 = arith.subi %sign3A_474, %sign3A_477 : i32
      %sign3A_479 = arith.constant 0 : i32
      %sign3A_480 = arith.cmpi sgt, %jit3A_470, %sign3A_479 : i32
      %sign3A_481 = arith.extui %sign3A_480 : i1 to i32
      %sign3A_482 = arith.constant 0 : i32
      %sign3A_483 = arith.cmpi slt, %jit3A_470, %sign3A_482 : i32
      %sign3A_484 = arith.extui %sign3A_483 : i1 to i32
      %sign3A_485 = arith.subi %sign3A_481, %sign3A_484 : i32
      %ne3A_486 = arith.cmpi ne, %sign3A_478, %sign3A_485 : i32
      %rem3A_487 = arith.remsi %scan3A_469, %jit3A_470 : i32
      %ne3A_488 = arith.constant 0 : i32
      %ne3A_489 = arith.cmpi ne, %rem3A_487, %ne3A_488 : i32
      %and3A_490 = arith.andi %ne3A_486, %ne3A_489 : i1
      %sub3A_491 = arith.constant 1 : i32
      %sub3A_492 = arith.subi %div3A_471, %sub3A_491 : i32
      %select_n3A_493 = arith.select %and3A_490, %sub3A_492, %div3A_471 : i32
      %jit3A_494 = arith.constant 8 : i32
      %eq3A_495 = arith.constant 0 : i32
      %eq3A_496 = arith.cmpi eq, %jit3A_494, %eq3A_495 : i32
      %jit3A_497 = arith.constant 1 : i32
      %select_n3A_498 = arith.select %eq3A_496, %jit3A_497, %jit3A_494 : i32
      %rem3A_499 = arith.remsi %scan3A_469, %select_n3A_498 : i32
      %ne3A_500 = arith.constant 0 : i32
      %ne3A_501 = arith.cmpi ne, %rem3A_499, %ne3A_500 : i32
      %lt3A_502 = arith.constant 0 : i32
      %lt3A_503 = arith.cmpi slt, %rem3A_499, %lt3A_502 : i32
      %lt3A_504 = arith.constant 0 : i32
      %lt3A_505 = arith.cmpi slt, %select_n3A_498, %lt3A_504 : i32
      %ne3A_506 = arith.xori %lt3A_503, %lt3A_505 : i1
      %and3A_507 = arith.andi %ne3A_506, %ne3A_501 : i1
      %add3A_508 = arith.addi %rem3A_499, %select_n3A_498 : i32
      %select_n3A_509 = arith.select %and3A_507, %add3A_508, %rem3A_499 : i32
      %mul3A_510 = arith.constant 16 : i32
      %mul3A_511 = arith.muli %select_n3A_509, %mul3A_510 : i32
      %swap3A_512 = arith.index_cast %select_n3A_493 : i32 to index
      %swap3A_513 = arith.index_cast %mul3A_511 : i32 to index
      %swap3A_514 = tpu.vector_load %arg8[%swap3A_512, %swap3A_513] {strides = array<i32>} : memref<40x128xf32, #tpu.memory_space<vmem>>, vector<1x16xf32>,
      %swap3A_515 = vector.shape_cast %swap3A_514 : vector<1x16xf32> to vector<16xf32>
      %swap3A_516 = vector.shape_cast %broadcast_in_dim3A_40 : vector<16xf32> to vector<1x16xf32>
      tpu.vector_store %arg8[%swap3A_512, %swap3A_513], %swap3A_516 {strides = array<i32>} : memref<40x128xf32, #tpu.memory_space<vmem>>, vector<1x16xf32>,
      %scan3A_517 = arith.constant 2 : i32
      %scan3A_518 = arith.addi %scan3A_431, %scan3A_517 : i32
      %jit3A_519 = arith.constant 8 : i32
      %div3A_520 = arith.divsi %scan3A_518, %jit3A_519 : i32
      %sign3A_521 = arith.constant 0 : i32
      %sign3A_522 = arith.cmpi sgt, %scan3A_518, %sign3A_521 : i32
      %sign3A_523 = arith.extui %sign3A_522 : i1 to i32
      %sign3A_524 = arith.constant 0 : i32
      %sign3A_525 = arith.cmpi slt, %scan3A_518, %sign3A_524 : i32
      %sign3A_526 = arith.extui %sign3A_525 : i1 to i32
      %sign3A_527 = arith.subi %sign3A_523, %sign3A_526 : i32
      %sign3A_528 = arith.constant 0 : i32
      %sign3A_529 = arith.cmpi sgt, %jit3A_519, %sign3A_528 : i32
      %sign3A_530 = arith.extui %sign3A_529 : i1 to i32
      %sign3A_531 = arith.constant 0 : i32
      %sign3A_532 = arith.cmpi slt, %jit3A_519, %sign3A_531 : i32
      %sign3A_533 = arith.extui %sign3A_532 : i1 to i32
      %sign3A_534 = arith.subi %sign3A_530, %sign3A_533 : i32
      %ne3A_535 = arith.cmpi ne, %sign3A_527, %sign3A_534 : i32
      %rem3A_536 = arith.remsi %scan3A_518, %jit3A_519 : i32
      %ne3A_537 = arith.constant 0 : i32
      %ne3A_538 = arith.cmpi ne, %rem3A_536, %ne3A_537 : i32
      %and3A_539 = arith.andi %ne3A_535, %ne3A_538 : i1
      %sub3A_540 = arith.constant 1 : i32
      %sub3A_541 = arith.subi %div3A_520, %sub3A_540 : i32
      %select_n3A_542 = arith.select %and3A_539, %sub3A_541, %div3A_520 : i32
      %jit3A_543 = arith.constant 8 : i32
      %eq3A_544 = arith.constant 0 : i32
      %eq3A_545 = arith.cmpi eq, %jit3A_543, %eq3A_544 : i32
      %jit3A_546 = arith.constant 1 : i32
      %select_n3A_547 = arith.select %eq3A_545, %jit3A_546, %jit3A_543 : i32
      %rem3A_548 = arith.remsi %scan3A_518, %select_n3A_547 : i32
      %ne3A_549 = arith.constant 0 : i32
      %ne3A_550 = arith.cmpi ne, %rem3A_548, %ne3A_549 : i32
      %lt3A_551 = arith.constant 0 : i32
      %lt3A_552 = arith.cmpi slt, %rem3A_548, %lt3A_551 : i32
      %lt3A_553 = arith.constant 0 : i32
      %lt3A_554 = arith.cmpi slt, %select_n3A_547, %lt3A_553 : i32
      %ne3A_555 = arith.xori %lt3A_552, %lt3A_554 : i1
      %and3A_556 = arith.andi %ne3A_555, %ne3A_550 : i1
      %add3A_557 = arith.addi %rem3A_548, %select_n3A_547 : i32
      %select_n3A_558 = arith.select %and3A_556, %add3A_557, %rem3A_548 : i32
      %mul3A_559 = arith.constant 16 : i32
      %mul3A_560 = arith.muli %select_n3A_558, %mul3A_559 : i32
      %swap3A_561 = arith.index_cast %select_n3A_542 : i32 to index
      %swap3A_562 = arith.index_cast %mul3A_560 : i32 to index
      %swap3A_563 = tpu.vector_load %arg8[%swap3A_561, %swap3A_562] {strides = array<i32>} : memref<40x128xf32, #tpu.memory_space<vmem>>, vector<1x16xf32>,
      %swap3A_564 = vector.shape_cast %swap3A_563 : vector<1x16xf32> to vector<16xf32>
      %swap3A_565 = vector.shape_cast %broadcast_in_dim3A_40 : vector<16xf32> to vector<1x16xf32>
      tpu.vector_store %arg8[%swap3A_561, %swap3A_562], %swap3A_565 {strides = array<i32>} : memref<40x128xf32, #tpu.memory_space<vmem>>, vector<1x16xf32>,
      %scan3A_566 = arith.constant 3 : i32
      %scan3A_567 = arith.addi %scan3A_431, %scan3A_566 : i32
      %jit3A_568 = arith.constant 8 : i32
      %div3A_569 = arith.divsi %scan3A_567, %jit3A_568 : i32
      %sign3A_570 = arith.constant 0 : i32
      %sign3A_571 = arith.cmpi sgt, %scan3A_567, %sign3A_570 : i32
      %sign3A_572 = arith.extui %sign3A_571 : i1 to i32
      %sign3A_573 = arith.constant 0 : i32
      %sign3A_574 = arith.cmpi slt, %scan3A_567, %sign3A_573 : i32
      %sign3A_575 = arith.extui %sign3A_574 : i1 to i32
      %sign3A_576 = arith.subi %sign3A_572, %sign3A_575 : i32
      %sign3A_577 = arith.constant 0 : i32
      %sign3A_578 = arith.cmpi sgt, %jit3A_568, %sign3A_577 : i32
      %sign3A_579 = arith.extui %sign3A_578 : i1 to i32
      %sign3A_580 = arith.constant 0 : i32
      %sign3A_581 = arith.cmpi slt, %jit3A_568, %sign3A_580 : i32
      %sign3A_582 = arith.extui %sign3A_581 : i1 to i32
      %sign3A_583 = arith.subi %sign3A_579, %sign3A_582 : i32
      %ne3A_584 = arith.cmpi ne, %sign3A_576, %sign3A_583 : i32
      %rem3A_585 = arith.remsi %scan3A_567, %jit3A_568 : i32
      %ne3A_586 = arith.constant 0 : i32
      %ne3A_587 = arith.cmpi ne, %rem3A_585, %ne3A_586 : i32
      %and3A_588 = arith.andi %ne3A_584, %ne3A_587 : i1
      %sub3A_589 = arith.constant 1 : i32
      %sub3A_590 = arith.subi %div3A_569, %sub3A_589 : i32
      %select_n3A_591 = arith.select %and3A_588, %sub3A_590, %div3A_569 : i32
      %jit3A_592 = arith.constant 8 : i32
      %eq3A_593 = arith.constant 0 : i32
      %eq3A_594 = arith.cmpi eq, %jit3A_592, %eq3A_593 : i32
      %jit3A_595 = arith.constant 1 : i32
      %select_n3A_596 = arith.select %eq3A_594, %jit3A_595, %jit3A_592 : i32
      %rem3A_597 = arith.remsi %scan3A_567, %select_n3A_596 : i32
      %ne3A_598 = arith.constant 0 : i32
      %ne3A_599 = arith.cmpi ne, %rem3A_597, %ne3A_598 : i32
      %lt3A_600 = arith.constant 0 : i32
      %lt3A_601 = arith.cmpi slt, %rem3A_597, %lt3A_600 : i32
      %lt3A_602 = arith.constant 0 : i32
      %lt3A_603 = arith.cmpi slt, %select_n3A_596, %lt3A_602 : i32
      %ne3A_604 = arith.xori %lt3A_601, %lt3A_603 : i1
      %and3A_605 = arith.andi %ne3A_604, %ne3A_599 : i1
      %add3A_606 = arith.addi %rem3A_597, %select_n3A_596 : i32
      %select_n3A_607 = arith.select %and3A_605, %add3A_606, %rem3A_597 : i32
      %mul3A_608 = arith.constant 16 : i32
      %mul3A_609 = arith.muli %select_n3A_607, %mul3A_608 : i32
      %swap3A_610 = arith.index_cast %select_n3A_591 : i32 to index
      %swap3A_611 = arith.index_cast %mul3A_609 : i32 to index
      %swap3A_612 = tpu.vector_load %arg8[%swap3A_610, %swap3A_611] {strides = array<i32>} : memref<40x128xf32, #tpu.memory_space<vmem>>, vector<1x16xf32>,
      %swap3A_613 = vector.shape_cast %swap3A_612 : vector<1x16xf32> to vector<16xf32>
      %swap3A_614 = vector.shape_cast %broadcast_in_dim3A_40 : vector<16xf32> to vector<1x16xf32>
      tpu.vector_store %arg8[%swap3A_610, %swap3A_611], %swap3A_614 {strides = array<i32>} : memref<40x128xf32, #tpu.memory_space<vmem>>, vector<1x16xf32>,
      %scan3A_615 = arith.constant 4 : i32
      %scan3A_616 = arith.addi %scan3A_431, %scan3A_615 : i32
      %jit3A_617 = arith.constant 8 : i32
      %div3A_618 = arith.divsi %scan3A_616, %jit3A_617 : i32
      %sign3A_619 = arith.constant 0 : i32
      %sign3A_620 = arith.cmpi sgt, %scan3A_616, %sign3A_619 : i32
      %sign3A_621 = arith.extui %sign3A_620 : i1 to i32
      %sign3A_622 = arith.constant 0 : i32
      %sign3A_623 = arith.cmpi slt, %scan3A_616, %sign3A_622 : i32
      %sign3A_624 = arith.extui %sign3A_623 : i1 to i32
      %sign3A_625 = arith.subi %sign3A_621, %sign3A_624 : i32
      %sign3A_626 = arith.constant 0 : i32
      %sign3A_627 = arith.cmpi sgt, %jit3A_617, %sign3A_626 : i32
      %sign3A_628 = arith.extui %sign3A_627 : i1 to i32
      %sign3A_629 = arith.constant 0 : i32
      %sign3A_630 = arith.cmpi slt, %jit3A_617, %sign3A_629 : i32
      %sign3A_631 = arith.extui %sign3A_630 : i1 to i32
      %sign3A_632 = arith.subi %sign3A_628, %sign3A_631 : i32
      %ne3A_633 = arith.cmpi ne, %sign3A_625, %sign3A_632 : i32
      %rem3A_634 = arith.remsi %scan3A_616, %jit3A_617 : i32
      %ne3A_635 = arith.constant 0 : i32
      %ne3A_636 = arith.cmpi ne, %rem3A_634, %ne3A_635 : i32
      %and3A_637 = arith.andi %ne3A_633, %ne3A_636 : i1
      %sub3A_638 = arith.constant 1 : i32
      %sub3A_639 = arith.subi %div3A_618, %sub3A_638 : i32
      %select_n3A_640 = arith.select %and3A_637, %sub3A_639, %div3A_618 : i32
      %jit3A_641 = arith.constant 8 : i32
      %eq3A_642 = arith.constant 0 : i32
      %eq3A_643 = arith.cmpi eq, %jit3A_641, %eq3A_642 : i32
      %jit3A_644 = arith.constant 1 : i32
      %select_n3A_645 = arith.select %eq3A_643, %jit3A_644, %jit3A_641 : i32
      %rem3A_646 = arith.remsi %scan3A_616, %select_n3A_645 : i32
      %ne3A_647 = arith.constant 0 : i32
      %ne3A_648 = arith.cmpi ne, %rem3A_646, %ne3A_647 : i32
      %lt3A_649 = arith.constant 0 : i32
      %lt3A_650 = arith.cmpi slt, %rem3A_646, %lt3A_649 : i32
      %lt3A_651 = arith.constant 0 : i32
      %lt3A_652 = arith.cmpi slt, %select_n3A_645, %lt3A_651 : i32
      %ne3A_653 = arith.xori %lt3A_650, %lt3A_652 : i1
      %and3A_654 = arith.andi %ne3A_653, %ne3A_648 : i1
      %add3A_655 = arith.addi %rem3A_646, %select_n3A_645 : i32
      %select_n3A_656 = arith.select %and3A_654, %add3A_655, %rem3A_646 : i32
      %mul3A_657 = arith.constant 16 : i32
      %mul3A_658 = arith.muli %select_n3A_656, %mul3A_657 : i32
      %swap3A_659 = arith.index_cast %select_n3A_640 : i32 to index
      %swap3A_660 = arith.index_cast %mul3A_658 : i32 to index
      %swap3A_661 = tpu.vector_load %arg8[%swap3A_659, %swap3A_660] {strides = array<i32>} : memref<40x128xf32, #tpu.memory_space<vmem>>, vector<1x16xf32>,
      %swap3A_662 = vector.shape_cast %swap3A_661 : vector<1x16xf32> to vector<16xf32>
      %swap3A_663 = vector.shape_cast %broadcast_in_dim3A_40 : vector<16xf32> to vector<1x16xf32>
      tpu.vector_store %arg8[%swap3A_659, %swap3A_660], %swap3A_663 {strides = array<i32>} : memref<40x128xf32, #tpu.memory_space<vmem>>, vector<1x16xf32>,
      %scan3A_664 = arith.constant 5 : i32
      %scan3A_665 = arith.addi %scan3A_431, %scan3A_664 : i32
      %jit3A_666 = arith.constant 8 : i32
      %div3A_667 = arith.divsi %scan3A_665, %jit3A_666 : i32
      %sign3A_668 = arith.constant 0 : i32
      %sign3A_669 = arith.cmpi sgt, %scan3A_665, %sign3A_668 : i32
      %sign3A_670 = arith.extui %sign3A_669 : i1 to i32
      %sign3A_671 = arith.constant 0 : i32
      %sign3A_672 = arith.cmpi slt, %scan3A_665, %sign3A_671 : i32
      %sign3A_673 = arith.extui %sign3A_672 : i1 to i32
      %sign3A_674 = arith.subi %sign3A_670, %sign3A_673 : i32
      %sign3A_675 = arith.constant 0 : i32
      %sign3A_676 = arith.cmpi sgt, %jit3A_666, %sign3A_675 : i32
      %sign3A_677 = arith.extui %sign3A_676 : i1 to i32
      %sign3A_678 = arith.constant 0 : i32
      %sign3A_679 = arith.cmpi slt, %jit3A_666, %sign3A_678 : i32
      %sign3A_680 = arith.extui %sign3A_679 : i1 to i32
      %sign3A_681 = arith.subi %sign3A_677, %sign3A_680 : i32
      %ne3A_682 = arith.cmpi ne, %sign3A_674, %sign3A_681 : i32
      %rem3A_683 = arith.remsi %scan3A_665, %jit3A_666 : i32
      %ne3A_684 = arith.constant 0 : i32
      %ne3A_685 = arith.cmpi ne, %rem3A_683, %ne3A_684 : i32
      %and3A_686 = arith.andi %ne3A_682, %ne3A_685 : i1
      %sub3A_687 = arith.constant 1 : i32
      %sub3A_688 = arith.subi %div3A_667, %sub3A_687 : i32
      %select_n3A_689 = arith.select %and3A_686, %sub3A_688, %div3A_667 : i32
      %jit3A_690 = arith.constant 8 : i32
      %eq3A_691 = arith.constant 0 : i32
      %eq3A_692 = arith.cmpi eq, %jit3A_690, %eq3A_691 : i32
      %jit3A_693 = arith.constant 1 : i32
      %select_n3A_694 = arith.select %eq3A_692, %jit3A_693, %jit3A_690 : i32
      %rem3A_695 = arith.remsi %scan3A_665, %select_n3A_694 : i32
      %ne3A_696 = arith.constant 0 : i32
      %ne3A_697 = arith.cmpi ne, %rem3A_695, %ne3A_696 : i32
      %lt3A_698 = arith.constant 0 : i32
      %lt3A_699 = arith.cmpi slt, %rem3A_695, %lt3A_698 : i32
      %lt3A_700 = arith.constant 0 : i32
      %lt3A_701 = arith.cmpi slt, %select_n3A_694, %lt3A_700 : i32
      %ne3A_702 = arith.xori %lt3A_699, %lt3A_701 : i1
      %and3A_703 = arith.andi %ne3A_702, %ne3A_697 : i1
      %add3A_704 = arith.addi %rem3A_695, %select_n3A_694 : i32
      %select_n3A_705 = arith.select %and3A_703, %add3A_704, %rem3A_695 : i32
      %mul3A_706 = arith.constant 16 : i32
      %mul3A_707 = arith.muli %select_n3A_705, %mul3A_706 : i32
      %swap3A_708 = arith.index_cast %select_n3A_689 : i32 to index
      %swap3A_709 = arith.index_cast %mul3A_707 : i32 to index
      %swap3A_710 = tpu.vector_load %arg8[%swap3A_708, %swap3A_709] {strides = array<i32>} : memref<40x128xf32, #tpu.memory_space<vmem>>, vector<1x16xf32>,
      %swap3A_711 = vector.shape_cast %swap3A_710 : vector<1x16xf32> to vector<16xf32>
      %swap3A_712 = vector.shape_cast %broadcast_in_dim3A_40 : vector<16xf32> to vector<1x16xf32>
      tpu.vector_store %arg8[%swap3A_708, %swap3A_709], %swap3A_712 {strides = array<i32>} : memref<40x128xf32, #tpu.memory_space<vmem>>, vector<1x16xf32>,
      %scan3A_713 = arith.constant 6 : i32
      %scan3A_714 = arith.addi %scan3A_431, %scan3A_713 : i32
      %jit3A_715 = arith.constant 8 : i32
      %div3A_716 = arith.divsi %scan3A_714, %jit3A_715 : i32
      %sign3A_717 = arith.constant 0 : i32
      %sign3A_718 = arith.cmpi sgt, %scan3A_714, %sign3A_717 : i32
      %sign3A_719 = arith.extui %sign3A_718 : i1 to i32
      %sign3A_720 = arith.constant 0 : i32
      %sign3A_721 = arith.cmpi slt, %scan3A_714, %sign3A_720 : i32
      %sign3A_722 = arith.extui %sign3A_721 : i1 to i32
      %sign3A_723 = arith.subi %sign3A_719, %sign3A_722 : i32
      %sign3A_724 = arith.constant 0 : i32
      %sign3A_725 = arith.cmpi sgt, %jit3A_715, %sign3A_724 : i32
      %sign3A_726 = arith.extui %sign3A_725 : i1 to i32
      %sign3A_727 = arith.constant 0 : i32
      %sign3A_728 = arith.cmpi slt, %jit3A_715, %sign3A_727 : i32
      %sign3A_729 = arith.extui %sign3A_728 : i1 to i32
      %sign3A_730 = arith.subi %sign3A_726, %sign3A_729 : i32
      %ne3A_731 = arith.cmpi ne, %sign3A_723, %sign3A_730 : i32
      %rem3A_732 = arith.remsi %scan3A_714, %jit3A_715 : i32
      %ne3A_733 = arith.constant 0 : i32
      %ne3A_734 = arith.cmpi ne, %rem3A_732, %ne3A_733 : i32
      %and3A_735 = arith.andi %ne3A_731, %ne3A_734 : i1
      %sub3A_736 = arith.constant 1 : i32
      %sub3A_737 = arith.subi %div3A_716, %sub3A_736 : i32
      %select_n3A_738 = arith.select %and3A_735, %sub3A_737, %div3A_716 : i32
      %jit3A_739 = arith.constant 8 : i32
      %eq3A_740 = arith.constant 0 : i32
      %eq3A_741 = arith.cmpi eq, %jit3A_739, %eq3A_740 : i32
      %jit3A_742 = arith.constant 1 : i32
      %select_n3A_743 = arith.select %eq3A_741, %jit3A_742, %jit3A_739 : i32
      %rem3A_744 = arith.remsi %scan3A_714, %select_n3A_743 : i32
      %ne3A_745 = arith.constant 0 : i32
      %ne3A_746 = arith.cmpi ne, %rem3A_744, %ne3A_745 : i32
      %lt3A_747 = arith.constant 0 : i32
      %lt3A_748 = arith.cmpi slt, %rem3A_744, %lt3A_747 : i32
      %lt3A_749 = arith.constant 0 : i32
      %lt3A_750 = arith.cmpi slt, %select_n3A_743, %lt3A_749 : i32
      %ne3A_751 = arith.xori %lt3A_748, %lt3A_750 : i1
      %and3A_752 = arith.andi %ne3A_751, %ne3A_746 : i1
      %add3A_753 = arith.addi %rem3A_744, %select_n3A_743 : i32
      %select_n3A_754 = arith.select %and3A_752, %add3A_753, %rem3A_744 : i32
      %mul3A_755 = arith.constant 16 : i32
      %mul3A_756 = arith.muli %select_n3A_754, %mul3A_755 : i32
      %swap3A_757 = arith.index_cast %select_n3A_738 : i32 to index
      %swap3A_758 = arith.index_cast %mul3A_756 : i32 to index
      %swap3A_759 = tpu.vector_load %arg8[%swap3A_757, %swap3A_758] {strides = array<i32>} : memref<40x128xf32, #tpu.memory_space<vmem>>, vector<1x16xf32>,
      %swap3A_760 = vector.shape_cast %swap3A_759 : vector<1x16xf32> to vector<16xf32>
      %swap3A_761 = vector.shape_cast %broadcast_in_dim3A_40 : vector<16xf32> to vector<1x16xf32>
      tpu.vector_store %arg8[%swap3A_757, %swap3A_758], %swap3A_761 {strides = array<i32>} : memref<40x128xf32, #tpu.memory_space<vmem>>, vector<1x16xf32>,
      %scan3A_762 = arith.constant 7 : i32
      %scan3A_763 = arith.addi %scan3A_431, %scan3A_762 : i32
      %jit3A_764 = arith.constant 8 : i32
      %div3A_765 = arith.divsi %scan3A_763, %jit3A_764 : i32
      %sign3A_766 = arith.constant 0 : i32
      %sign3A_767 = arith.cmpi sgt, %scan3A_763, %sign3A_766 : i32
      %sign3A_768 = arith.extui %sign3A_767 : i1 to i32
      %sign3A_769 = arith.constant 0 : i32
      %sign3A_770 = arith.cmpi slt, %scan3A_763, %sign3A_769 : i32
      %sign3A_771 = arith.extui %sign3A_770 : i1 to i32
      %sign3A_772 = arith.subi %sign3A_768, %sign3A_771 : i32
      %sign3A_773 = arith.constant 0 : i32
      %sign3A_774 = arith.cmpi sgt, %jit3A_764, %sign3A_773 : i32
      %sign3A_775 = arith.extui %sign3A_774 : i1 to i32
      %sign3A_776 = arith.constant 0 : i32
      %sign3A_777 = arith.cmpi slt, %jit3A_764, %sign3A_776 : i32
      %sign3A_778 = arith.extui %sign3A_777 : i1 to i32
      %sign3A_779 = arith.subi %sign3A_775, %sign3A_778 : i32
      %ne3A_780 = arith.cmpi ne, %sign3A_772, %sign3A_779 : i32
      %rem3A_781 = arith.remsi %scan3A_763, %jit3A_764 : i32
      %ne3A_782 = arith.constant 0 : i32
      %ne3A_783 = arith.cmpi ne, %rem3A_781, %ne3A_782 : i32
      %and3A_784 = arith.andi %ne3A_780, %ne3A_783 : i1
      %sub3A_785 = arith.constant 1 : i32
      %sub3A_786 = arith.subi %div3A_765, %sub3A_785 : i32
      %select_n3A_787 = arith.select %and3A_784, %sub3A_786, %div3A_765 : i32
      %jit3A_788 = arith.constant 8 : i32
      %eq3A_789 = arith.constant 0 : i32
      %eq3A_790 = arith.cmpi eq, %jit3A_788, %eq3A_789 : i32
      %jit3A_791 = arith.constant 1 : i32
      %select_n3A_792 = arith.select %eq3A_790, %jit3A_791, %jit3A_788 : i32
      %rem3A_793 = arith.remsi %scan3A_763, %select_n3A_792 : i32
      %ne3A_794 = arith.constant 0 : i32
      %ne3A_795 = arith.cmpi ne, %rem3A_793, %ne3A_794 : i32
      %lt3A_796 = arith.constant 0 : i32
      %lt3A_797 = arith.cmpi slt, %rem3A_793, %lt3A_796 : i32
      %lt3A_798 = arith.constant 0 : i32
      %lt3A_799 = arith.cmpi slt, %select_n3A_792, %lt3A_798 : i32
      %ne3A_800 = arith.xori %lt3A_797, %lt3A_799 : i1
      %and3A_801 = arith.andi %ne3A_800, %ne3A_795 : i1
      %add3A_802 = arith.addi %rem3A_793, %select_n3A_792 : i32
      %select_n3A_803 = arith.select %and3A_801, %add3A_802, %rem3A_793 : i32
      %mul3A_804 = arith.constant 16 : i32
      %mul3A_805 = arith.muli %select_n3A_803, %mul3A_804 : i32
      %swap3A_806 = arith.index_cast %select_n3A_787 : i32 to index
      %swap3A_807 = arith.index_cast %mul3A_805 : i32 to index
      %swap3A_808 = tpu.vector_load %arg8[%swap3A_806, %swap3A_807] {strides = array<i32>} : memref<40x128xf32, #tpu.memory_space<vmem>>, vector<1x16xf32>,
      %swap3A_809 = vector.shape_cast %swap3A_808 : vector<1x16xf32> to vector<16xf32>
      %swap3A_810 = vector.shape_cast %broadcast_in_dim3A_40 : vector<16xf32> to vector<1x16xf32>
      tpu.vector_store %arg8[%swap3A_806, %swap3A_807], %swap3A_810 {strides = array<i32>} : memref<40x128xf32, #tpu.memory_space<vmem>>, vector<1x16xf32>,
    }
    %scan3A_45 = arith.constant 320 : i32
    %mul3A_46 = arith.constant 640 : i32
    %mul3A_47 = arith.muli %arg1, %mul3A_46 : i32
    %add3A_48 = arith.constant 0 : i32
    %add3A_49 = arith.addi %mul3A_47, %add3A_48 : i32
    %dma_start3A_50 = arith.constant 0 : i32
    %dma_start3A_51 = tpu.memref_slice %arg13[%add3A_49, %dma_start3A_50] : memref<10240x128xf32, #tpu.memory_space<vmem_shared>> -> memref<40x128xf32, #tpu.memory_space<vmem_shared>>
    %dma_start3A_52 = arith.constant 0 : i32
    %dma_start3A_53 = tpu.memref_slice %arg13[%add3A_49, %dma_start3A_52] : memref<10240x128xf32, #tpu.memory_space<vmem_shared>> -> memref<40x128xf32, #tpu.memory_space<vmem_shared>>
    tpu.enqueue_dma source(%arg8 : memref<40x128xf32, #tpu.memory_space<vmem>>) target(%dma_start3A_53 : memref<40x128xf32, #tpu.memory_space<vmem_shared>>) target_semaphore(%arg28 : memref<!tpu.dma_semaphore, #tpu.memory_space<semaphore_mem>>)
    %mul3A_54 = arith.constant 640 : i32
    %mul3A_55 = arith.muli %arg1, %mul3A_54 : i32
    %add3A_56 = arith.constant 40 : i32
    %add3A_57 = arith.addi %mul3A_55, %add3A_56 : i32
    %dma_start3A_58 = arith.constant 0 : i32
    %dma_start3A_59 = tpu.memref_slice %arg13[%add3A_57, %dma_start3A_58] : memref<10240x128xf32, #tpu.memory_space<vmem_shared>> -> memref<40x128xf32, #tpu.memory_space<vmem_shared>>
    %dma_start3A_60 = arith.constant 0 : i32
    %dma_start3A_61 = tpu.memref_slice %arg13[%add3A_57, %dma_start3A_60] : memref<10240x128xf32, #tpu.memory_space<vmem_shared>> -> memref<40x128xf32, #tpu.memory_space<vmem_shared>>
    tpu.enqueue_dma source(%arg8 : memref<40x128xf32, #tpu.memory_space<vmem>>) target(%dma_start3A_61 : memref<40x128xf32, #tpu.memory_space<vmem_shared>>) target_semaphore(%arg28 : memref<!tpu.dma_semaphore, #tpu.memory_space<semaphore_mem>>)
    %mul3A_62 = arith.constant 640 : i32
    %mul3A_63 = arith.muli %arg1, %mul3A_62 : i32
    %add3A_64 = arith.constant 80 : i32
    %add3A_65 = arith.addi %mul3A_63, %add3A_64 : i32
    %dma_start3A_66 = arith.constant 0 : i32
    %dma_start3A_67 = tpu.memref_slice %arg13[%add3A_65, %dma_start3A_66] : memref<10240x128xf32, #tpu.memory_space<vmem_shared>> -> memref<40x128xf32, #tpu.memory_space<vmem_shared>>
    %dma_start3A_68 = arith.constant 0 : i32
    %dma_start3A_69 = tpu.memref_slice %arg13[%add3A_65, %dma_start3A_68] : memref<10240x128xf32, #tpu.memory_space<vmem_shared>> -> memref<40x128xf32, #tpu.memory_space<vmem_shared>>
    tpu.enqueue_dma source(%arg8 : memref<40x128xf32, #tpu.memory_space<vmem>>) target(%dma_start3A_69 : memref<40x128xf32, #tpu.memory_space<vmem_shared>>) target_semaphore(%arg28 : memref<!tpu.dma_semaphore, #tpu.memory_space<semaphore_mem>>)
    %mul3A_70 = arith.constant 640 : i32
    %mul3A_71 = arith.muli %arg1, %mul3A_70 : i32
    %add3A_72 = arith.constant 120 : i32
    %add3A_73 = arith.addi %mul3A_71, %add3A_72 : i32
    %dma_start3A_74 = arith.constant 0 : i32
    %dma_start3A_75 = tpu.memref_slice %arg13[%add3A_73, %dma_start3A_74] : memref<10240x128xf32, #tpu.memory_space<vmem_shared>> -> memref<40x128xf32, #tpu.memory_space<vmem_shared>>
    %dma_start3A_76 = arith.constant 0 : i32
    %dma_start3A_77 = tpu.memref_slice %arg13[%add3A_73, %dma_start3A_76] : memref<10240x128xf32, #tpu.memory_space<vmem_shared>> -> memref<40x128xf32, #tpu.memory_space<vmem_shared>>
    tpu.enqueue_dma source(%arg8 : memref<40x128xf32, #tpu.memory_space<vmem>>) target(%dma_start3A_77 : memref<40x128xf32, #tpu.memory_space<vmem_shared>>) target_semaphore(%arg28 : memref<!tpu.dma_semaphore, #tpu.memory_space<semaphore_mem>>)
    %mul3A_78 = arith.constant 640 : i32
    %mul3A_79 = arith.muli %arg1, %mul3A_78 : i32
    %add3A_80 = arith.constant 160 : i32
    %add3A_81 = arith.addi %mul3A_79, %add3A_80 : i32
    %dma_start3A_82 = arith.constant 0 : i32
    %dma_start3A_83 = tpu.memref_slice %arg13[%add3A_81, %dma_start3A_82] : memref<10240x128xf32, #tpu.memory_space<vmem_shared>> -> memref<40x128xf32, #tpu.memory_space<vmem_shared>>
    %dma_start3A_84 = arith.constant 0 : i32
    %dma_start3A_85 = tpu.memref_slice %arg13[%add3A_81, %dma_start3A_84] : memref<10240x128xf32, #tpu.memory_space<vmem_shared>> -> memref<40x128xf32, #tpu.memory_space<vmem_shared>>
    tpu.enqueue_dma source(%arg8 : memref<40x128xf32, #tpu.memory_space<vmem>>) target(%dma_start3A_85 : memref<40x128xf32, #tpu.memory_space<vmem_shared>>) target_semaphore(%arg28 : memref<!tpu.dma_semaphore, #tpu.memory_space<semaphore_mem>>)
    %mul3A_86 = arith.constant 640 : i32
    %mul3A_87 = arith.muli %arg1, %mul3A_86 : i32
    %add3A_88 = arith.constant 200 : i32
    %add3A_89 = arith.addi %mul3A_87, %add3A_88 : i32
    %dma_start3A_90 = arith.constant 0 : i32
    %dma_start3A_91 = tpu.memref_slice %arg13[%add3A_89, %dma_start3A_90] : memref<10240x128xf32, #tpu.memory_space<vmem_shared>> -> memref<40x128xf32, #tpu.memory_space<vmem_shared>>
    %dma_start3A_92 = arith.constant 0 : i32
    %dma_start3A_93 = tpu.memref_slice %arg13[%add3A_89, %dma_start3A_92] : memref<10240x128xf32, #tpu.memory_space<vmem_shared>> -> memref<40x128xf32, #tpu.memory_space<vmem_shared>>
    tpu.enqueue_dma source(%arg8 : memref<40x128xf32, #tpu.memory_space<vmem>>) target(%dma_start3A_93 : memref<40x128xf32, #tpu.memory_space<vmem_shared>>) target_semaphore(%arg28 : memref<!tpu.dma_semaphore, #tpu.memory_space<semaphore_mem>>)
    %mul3A_94 = arith.constant 640 : i32
    %mul3A_95 = arith.muli %arg1, %mul3A_94 : i32
    %add3A_96 = arith.constant 240 : i32
    %add3A_97 = arith.addi %mul3A_95, %add3A_96 : i32
    %dma_start3A_98 = arith.constant 0 : i32
    %dma_start3A_99 = tpu.memref_slice %arg13[%add3A_97, %dma_start3A_98] : memref<10240x128xf32, #tpu.memory_space<vmem_shared>> -> memref<40x128xf32, #tpu.memory_space<vmem_shared>>
    %dma_start3A_100 = arith.constant 0 : i32
    %dma_start3A_101 = tpu.memref_slice %arg13[%add3A_97, %dma_start3A_100] : memref<10240x128xf32, #tpu.memory_space<vmem_shared>> -> memref<40x128xf32, #tpu.memory_space<vmem_shared>>
    tpu.enqueue_dma source(%arg8 : memref<40x128xf32, #tpu.memory_space<vmem>>) target(%dma_start3A_101 : memref<40x128xf32, #tpu.memory_space<vmem_shared>>) target_semaphore(%arg28 : memref<!tpu.dma_semaphore, #tpu.memory_space<semaphore_mem>>)
    %mul3A_102 = arith.constant 640 : i32
    %mul3A_103 = arith.muli %arg1, %mul3A_102 : i32
    %add3A_104 = arith.constant 280 : i32
    %add3A_105 = arith.addi %mul3A_103, %add3A_104 : i32
    %dma_start3A_106 = arith.constant 0 : i32
    %dma_start3A_107 = tpu.memref_slice %arg13[%add3A_105, %dma_start3A_106] : memref<10240x128xf32, #tpu.memory_space<vmem_shared>> -> memref<40x128xf32, #tpu.memory_space<vmem_shared>>
    %dma_start3A_108 = arith.constant 0 : i32
    %dma_start3A_109 = tpu.memref_slice %arg13[%add3A_105, %dma_start3A_108] : memref<10240x128xf32, #tpu.memory_space<vmem_shared>> -> memref<40x128xf32, #tpu.memory_space<vmem_shared>>
    tpu.enqueue_dma source(%arg8 : memref<40x128xf32, #tpu.memory_space<vmem>>) target(%dma_start3A_109 : memref<40x128xf32, #tpu.memory_space<vmem_shared>>) target_semaphore(%arg28 : memref<!tpu.dma_semaphore, #tpu.memory_space<semaphore_mem>>)
    %mul3A_110 = arith.constant 640 : i32
    %mul3A_111 = arith.muli %arg1, %mul3A_110 : i32
    %add3A_112 = arith.constant 320 : i32
    %add3A_113 = arith.addi %mul3A_111, %add3A_112 : i32
    %dma_start3A_114 = arith.constant 0 : i32
    %dma_start3A_115 = tpu.memref_slice %arg13[%add3A_113, %dma_start3A_114] : memref<10240x128xf32, #tpu.memory_space<vmem_shared>> -> memref<40x128xf32, #tpu.memory_space<vmem_shared>>
    %dma_start3A_116 = arith.constant 0 : i32
    %dma_start3A_117 = tpu.memref_slice %arg13[%add3A_113, %dma_start3A_116] : memref<10240x128xf32, #tpu.memory_space<vmem_shared>> -> memref<40x128xf32, #tpu.memory_space<vmem_shared>>
    tpu.enqueue_dma source(%arg8 : memref<40x128xf32, #tpu.memory_space<vmem>>) target(%dma_start3A_117 : memref<40x128xf32, #tpu.memory_space<vmem_shared>>) target_semaphore(%arg28 : memref<!tpu.dma_semaphore, #tpu.memory_space<semaphore_mem>>)
    %mul3A_118 = arith.constant 640 : i32
    %mul3A_119 = arith.muli %arg1, %mul3A_118 : i32
    %add3A_120 = arith.constant 360 : i32
    %add3A_121 = arith.addi %mul3A_119, %add3A_120 : i32
    %dma_start3A_122 = arith.constant 0 : i32
    %dma_start3A_123 = tpu.memref_slice %arg13[%add3A_121, %dma_start3A_122] : memref<10240x128xf32, #tpu.memory_space<vmem_shared>> -> memref<40x128xf32, #tpu.memory_space<vmem_shared>>
    %dma_start3A_124 = arith.constant 0 : i32
    %dma_start3A_125 = tpu.memref_slice %arg13[%add3A_121, %dma_start3A_124] : memref<10240x128xf32, #tpu.memory_space<vmem_shared>> -> memref<40x128xf32, #tpu.memory_space<vmem_shared>>
    tpu.enqueue_dma source(%arg8 : memref<40x128xf32, #tpu.memory_space<vmem>>) target(%dma_start3A_125 : memref<40x128xf32, #tpu.memory_space<vmem_shared>>) target_semaphore(%arg28 : memref<!tpu.dma_semaphore, #tpu.memory_space<semaphore_mem>>)
    %mul3A_126 = arith.constant 640 : i32
    %mul3A_127 = arith.muli %arg1, %mul3A_126 : i32
    %add3A_128 = arith.constant 400 : i32
    %add3A_129 = arith.addi %mul3A_127, %add3A_128 : i32
    %dma_start3A_130 = arith.constant 0 : i32
    %dma_start3A_131 = tpu.memref_slice %arg13[%add3A_129, %dma_start3A_130] : memref<10240x128xf32, #tpu.memory_space<vmem_shared>> -> memref<40x128xf32, #tpu.memory_space<vmem_shared>>
    %dma_start3A_132 = arith.constant 0 : i32
    %dma_start3A_133 = tpu.memref_slice %arg13[%add3A_129, %dma_start3A_132] : memref<10240x128xf32, #tpu.memory_space<vmem_shared>> -> memref<40x128xf32, #tpu.memory_space<vmem_shared>>
    tpu.enqueue_dma source(%arg8 : memref<40x128xf32, #tpu.memory_space<vmem>>) target(%dma_start3A_133 : memref<40x128xf32, #tpu.memory_space<vmem_shared>>) target_semaphore(%arg28 : memref<!tpu.dma_semaphore, #tpu.memory_space<semaphore_mem>>)
    %mul3A_134 = arith.constant 640 : i32
    %mul3A_135 = arith.muli %arg1, %mul3A_134 : i32
    %add3A_136 = arith.constant 440 : i32
    %add3A_137 = arith.addi %mul3A_135, %add3A_136 : i32
    %dma_start3A_138 = arith.constant 0 : i32
    %dma_start3A_139 = tpu.memref_slice %arg13[%add3A_137, %dma_start3A_138] : memref<10240x128xf32, #tpu.memory_space<vmem_shared>> -> memref<40x128xf32, #tpu.memory_space<vmem_shared>>
    %dma_start3A_140 = arith.constant 0 : i32
    %dma_start3A_141 = tpu.memref_slice %arg13[%add3A_137, %dma_start3A_140] : memref<10240x128xf32, #tpu.memory_space<vmem_shared>> -> memref<40x128xf32, #tpu.memory_space<vmem_shared>>
    tpu.enqueue_dma source(%arg8 : memref<40x128xf32, #tpu.memory_space<vmem>>) target(%dma_start3A_141 : memref<40x128xf32, #tpu.memory_space<vmem_shared>>) target_semaphore(%arg28 : memref<!tpu.dma_semaphore, #tpu.memory_space<semaphore_mem>>)
    %mul3A_142 = arith.constant 640 : i32
    %mul3A_143 = arith.muli %arg1, %mul3A_142 : i32
    %add3A_144 = arith.constant 480 : i32
    %add3A_145 = arith.addi %mul3A_143, %add3A_144 : i32
    %dma_start3A_146 = arith.constant 0 : i32
    %dma_start3A_147 = tpu.memref_slice %arg13[%add3A_145, %dma_start3A_146] : memref<10240x128xf32, #tpu.memory_space<vmem_shared>> -> memref<40x128xf32, #tpu.memory_space<vmem_shared>>
    %dma_start3A_148 = arith.constant 0 : i32
    %dma_start3A_149 = tpu.memref_slice %arg13[%add3A_145, %dma_start3A_148] : memref<10240x128xf32, #tpu.memory_space<vmem_shared>> -> memref<40x128xf32, #tpu.memory_space<vmem_shared>>
    tpu.enqueue_dma source(%arg8 : memref<40x128xf32, #tpu.memory_space<vmem>>) target(%dma_start3A_149 : memref<40x128xf32, #tpu.memory_space<vmem_shared>>) target_semaphore(%arg28 : memref<!tpu.dma_semaphore, #tpu.memory_space<semaphore_mem>>)
    %mul3A_150 = arith.constant 640 : i32
    %mul3A_151 = arith.muli %arg1, %mul3A_150 : i32
    %add3A_152 = arith.constant 520 : i32
    %add3A_153 = arith.addi %mul3A_151, %add3A_152 : i32
    %dma_start3A_154 = arith.constant 0 : i32
    %dma_start3A_155 = tpu.memref_slice %arg13[%add3A_153, %dma_start3A_154] : memref<10240x128xf32, #tpu.memory_space<vmem_shared>> -> memref<40x128xf32, #tpu.memory_space<vmem_shared>>
    %dma_start3A_156 = arith.constant 0 : i32
    %dma_start3A_157 = tpu.memref_slice %arg13[%add3A_153, %dma_start3A_156] : memref<10240x128xf32, #tpu.memory_space<vmem_shared>> -> memref<40x128xf32, #tpu.memory_space<vmem_shared>>
    tpu.enqueue_dma source(%arg8 : memref<40x128xf32, #tpu.memory_space<vmem>>) target(%dma_start3A_157 : memref<40x128xf32, #tpu.memory_space<vmem_shared>>) target_semaphore(%arg28 : memref<!tpu.dma_semaphore, #tpu.memory_space<semaphore_mem>>)
    %mul3A_158 = arith.constant 640 : i32
    %mul3A_159 = arith.muli %arg1, %mul3A_158 : i32
    %add3A_160 = arith.constant 560 : i32
    %add3A_161 = arith.addi %mul3A_159, %add3A_160 : i32
    %dma_start3A_162 = arith.constant 0 : i32
    %dma_start3A_163 = tpu.memref_slice %arg13[%add3A_161, %dma_start3A_162] : memref<10240x128xf32, #tpu.memory_space<vmem_shared>> -> memref<40x128xf32, #tpu.memory_space<vmem_shared>>
    %dma_start3A_164 = arith.constant 0 : i32
    %dma_start3A_165 = tpu.memref_slice %arg13[%add3A_161, %dma_start3A_164] : memref<10240x128xf32, #tpu.memory_space<vmem_shared>> -> memref<40x128xf32, #tpu.memory_space<vmem_shared>>
    tpu.enqueue_dma source(%arg8 : memref<40x128xf32, #tpu.memory_space<vmem>>) target(%dma_start3A_165 : memref<40x128xf32, #tpu.memory_space<vmem_shared>>) target_semaphore(%arg28 : memref<!tpu.dma_semaphore, #tpu.memory_space<semaphore_mem>>)
    %mul3A_166 = arith.constant 640 : i32
    %mul3A_167 = arith.muli %arg1, %mul3A_166 : i32
    %add3A_168 = arith.constant 600 : i32
    %add3A_169 = arith.addi %mul3A_167, %add3A_168 : i32
    %dma_start3A_170 = arith.constant 0 : i32
    %dma_start3A_171 = tpu.memref_slice %arg13[%add3A_169, %dma_start3A_170] : memref<10240x128xf32, #tpu.memory_space<vmem_shared>> -> memref<40x128xf32, #tpu.memory_space<vmem_shared>>
    %dma_start3A_172 = arith.constant 0 : i32
    %dma_start3A_173 = tpu.memref_slice %arg13[%add3A_169, %dma_start3A_172] : memref<10240x128xf32, #tpu.memory_space<vmem_shared>> -> memref<40x128xf32, #tpu.memory_space<vmem_shared>>
    tpu.enqueue_dma source(%arg8 : memref<40x128xf32, #tpu.memory_space<vmem>>) target(%dma_start3A_173 : memref<40x128xf32, #tpu.memory_space<vmem_shared>>) target_semaphore(%arg28 : memref<!tpu.dma_semaphore, #tpu.memory_space<semaphore_mem>>)
    %mul3A_174 = arith.constant 10000 : i32
    %mul3A_175 = arith.muli %add3A, %mul3A_174 : i32
    %add3A_176 = arith.constant 40 : i32
    %add3A_177 = arith.addi %mul3A_175, %add3A_176 : i32
    %dma_wait3A = arith.constant 40 : i32
    %dma_wait3A_178 = tpu.memref_slice %arg6[%dma_wait3A] : memref<200xi32, #tpu.memory_space<vmem>> -> memref<40xi32, #tpu.memory_space<vmem>>
    %dma_wait3A_179 = tpu.memref_slice %arg3[%add3A_177] : memref<320000xi32, #tpu.memory_space<hbm>> -> memref<40xi32, #tpu.memory_space<hbm>>
    %dma_wait3A_180 = arith.constant 40 : i32
    %dma_wait3A_181 = tpu.memref_slice %arg6[%dma_wait3A_180] : memref<200xi32, #tpu.memory_space<vmem>> -> memref<40xi32, #tpu.memory_space<vmem>>
    %dma_wait3A_182 = tpu.memref_slice %arg3[%add3A_177] : memref<320000xi32, #tpu.memory_space<hbm>> -> memref<40xi32, #tpu.memory_space<hbm>>
    tpu.wait_dma2 semaphore(%arg30 : memref<!tpu.dma_semaphore, #tpu.memory_space<semaphore_mem>>) src(%dma_wait3A_182 : memref<40xi32, #tpu.memory_space<hbm>>) dst(%dma_wait3A_181 : memref<40xi32, #tpu.memory_space<vmem>>)
    %dma_start3A_183 = arith.constant 40 : i32
    %dma_start3A_184 = tpu.memref_slice %arg6[%dma_start3A_183] : memref<200xi32, #tpu.memory_space<vmem>> -> memref<40xi32, #tpu.memory_space<vmem>>
    %dma_start3A_185 = arith.constant 0 : i32
    %dma_start3A_186 = arith.constant 0 : i32
    %dma_start3A_187 = tpu.memref_slice %arg2[%dma_start3A_185, %dma_start3A_186] : memref<10000x128xf32, #tpu.memory_space<hbm>> -> memref<10000x128xf32, #tpu.memory_space<hbm>>
    tpu.enqueue_indirect_dma source(%dma_start3A_187 : memref<10000x128xf32, #tpu.memory_space<hbm>>) target(%arg9 : memref<40x128xf32, #tpu.memory_space<vmem>>) offsets(%dma_start3A_184 : memref<40xi32, #tpu.memory_space<vmem>>) semaphore(%arg15 : memref<!tpu.dma_semaphore, #tpu.memory_space<semaphore_mem>>)
    %mul3A_188 = arith.constant 10000 : i32
    %mul3A_189 = arith.muli %add3A, %mul3A_188 : i32
    %add3A_190 = arith.constant 40 : i32
    %add3A_191 = arith.addi %mul3A_189, %add3A_190 : i32
    %dma_start3A_192 = arith.constant 1 : i32
    %dma_start3A_193 = arith.constant 0 : i32
    %dma_start3A_194 = tpu.memref_slice %arg7[%dma_start3A_192, %dma_start3A_193] : memref<5x40xi32, #tpu.memory_space<vmem>> -> memref<1x40xi32, #tpu.memory_space<vmem>>
    %dma_start3A_195 = tpu.memref_squeeze %dma_start3A_194 : memref<1x40xi32, #tpu.memory_space<vmem>> -> memref<40xi32, #tpu.memory_space<vmem>>
    %dma_start3A_196 = tpu.memref_slice %arg4[%add3A_191] : memref<320000xi32, #tpu.memory_space<hbm>> -> memref<40xi32, #tpu.memory_space<hbm>>
    %dma_start3A_197 = arith.constant 0 : i32
    %dma_start3A_198 = tpu.memref_slice %arg7[%dma_start3A_192, %dma_start3A_197] : memref<5x40xi32, #tpu.memory_space<vmem>> -> memref<1x40xi32, #tpu.memory_space<vmem>>
    %dma_start3A_199 = tpu.memref_squeeze %dma_start3A_198 : memref<1x40xi32, #tpu.memory_space<vmem>> -> memref<40xi32, #tpu.memory_space<vmem>>
    %dma_start3A_200 = tpu.memref_slice %arg4[%add3A_191] : memref<320000xi32, #tpu.memory_space<hbm>> -> memref<40xi32, #tpu.memory_space<hbm>>
    tpu.enqueue_dma source(%dma_start3A_200 : memref<40xi32, #tpu.memory_space<hbm>>) target(%dma_start3A_199 : memref<40xi32, #tpu.memory_space<vmem>>) target_semaphore(%arg25 : memref<!tpu.dma_semaphore, #tpu.memory_space<semaphore_mem>>)
    %mul3A_201 = arith.constant 10000 : i32
    %mul3A_202 = arith.muli %add3A, %mul3A_201 : i32
    %add3A_203 = arith.constant 80 : i32
    %add3A_204 = arith.addi %mul3A_202, %add3A_203 : i32
    %dma_wait3A_205 = arith.constant 80 : i32
    %dma_wait3A_206 = tpu.memref_slice %arg6[%dma_wait3A_205] : memref<200xi32, #tpu.memory_space<vmem>> -> memref<40xi32, #tpu.memory_space<vmem>>
    %dma_wait3A_207 = tpu.memref_slice %arg3[%add3A_204] : memref<320000xi32, #tpu.memory_space<hbm>> -> memref<40xi32, #tpu.memory_space<hbm>>
    %dma_wait3A_208 = arith.constant 80 : i32
    %dma_wait3A_209 = tpu.memref_slice %arg6[%dma_wait3A_208] : memref<200xi32, #tpu.memory_space<vmem>> -> memref<40xi32, #tpu.memory_space<vmem>>
    %dma_wait3A_210 = tpu.memref_slice %arg3[%add3A_204] : memref<320000xi32, #tpu.memory_space<hbm>> -> memref<40xi32, #tpu.memory_space<hbm>>
    tpu.wait_dma2 semaphore(%arg31 : memref<!tpu.dma_semaphore, #tpu.memory_space<semaphore_mem>>) src(%dma_wait3A_210 : memref<40xi32, #tpu.memory_space<hbm>>) dst(%dma_wait3A_209 : memref<40xi32, #tpu.memory_space<vmem>>)
    %dma_start3A_211 = arith.constant 80 : i32
    %dma_start3A_212 = tpu.memref_slice %arg6[%dma_start3A_211] : memref<200xi32, #tpu.memory_space<vmem>> -> memref<40xi32, #tpu.memory_space<vmem>>
    %dma_start3A_213 = arith.constant 0 : i32
    %dma_start3A_214 = arith.constant 0 : i32
    %dma_start3A_215 = tpu.memref_slice %arg2[%dma_start3A_213, %dma_start3A_214] : memref<10000x128xf32, #tpu.memory_space<hbm>> -> memref<10000x128xf32, #tpu.memory_space<hbm>>
    tpu.enqueue_indirect_dma source(%dma_start3A_215 : memref<10000x128xf32, #tpu.memory_space<hbm>>) target(%arg10 : memref<40x128xf32, #tpu.memory_space<vmem>>) offsets(%dma_start3A_212 : memref<40xi32, #tpu.memory_space<vmem>>) semaphore(%arg16 : memref<!tpu.dma_semaphore, #tpu.memory_space<semaphore_mem>>)
    %mul3A_216 = arith.constant 10000 : i32
    %mul3A_217 = arith.muli %add3A, %mul3A_216 : i32
    %add3A_218 = arith.constant 80 : i32
    %add3A_219 = arith.addi %mul3A_217, %add3A_218 : i32
    %dma_start3A_220 = arith.constant 2 : i32
    %dma_start3A_221 = arith.constant 0 : i32
    %dma_start3A_222 = tpu.memref_slice %arg7[%dma_start3A_220, %dma_start3A_221] : memref<5x40xi32, #tpu.memory_space<vmem>> -> memref<1x40xi32, #tpu.memory_space<vmem>>
    %dma_start3A_223 = tpu.memref_squeeze %dma_start3A_222 : memref<1x40xi32, #tpu.memory_space<vmem>> -> memref<40xi32, #tpu.memory_space<vmem>>
    %dma_start3A_224 = tpu.memref_slice %arg4[%add3A_219] : memref<320000xi32, #tpu.memory_space<hbm>> -> memref<40xi32, #tpu.memory_space<hbm>>
    %dma_start3A_225 = arith.constant 0 : i32
    %dma_start3A_226 = tpu.memref_slice %arg7[%dma_start3A_220, %dma_start3A_225] : memref<5x40xi32, #tpu.memory_space<vmem>> -> memref<1x40xi32, #tpu.memory_space<vmem>>
    %dma_start3A_227 = tpu.memref_squeeze %dma_start3A_226 : memref<1x40xi32, #tpu.memory_space<vmem>> -> memref<40xi32, #tpu.memory_space<vmem>>
    %dma_start3A_228 = tpu.memref_slice %arg4[%add3A_219] : memref<320000xi32, #tpu.memory_space<hbm>> -> memref<40xi32, #tpu.memory_space<hbm>>
    tpu.enqueue_dma source(%dma_start3A_228 : memref<40xi32, #tpu.memory_space<hbm>>) target(%dma_start3A_227 : memref<40xi32, #tpu.memory_space<vmem>>) target_semaphore(%arg26 : memref<!tpu.dma_semaphore, #tpu.memory_space<semaphore_mem>>)
    %mul3A_229 = arith.constant 640 : i32
    %mul3A_230 = arith.muli %arg1, %mul3A_229 : i32
    %add3A_231 = arith.constant 0 : i32
    %add3A_232 = arith.addi %mul3A_230, %add3A_231 : i32
    %dma_wait3A_233 = arith.constant 0 : i32
    %dma_wait3A_234 = tpu.memref_slice %arg13[%add3A_232, %dma_wait3A_233] : memref<10240x128xf32, #tpu.memory_space<vmem_shared>> -> memref<40x128xf32, #tpu.memory_space<vmem_shared>>
    %dma_wait3A_235 = arith.constant 0 : i32
    %dma_wait3A_236 = tpu.memref_slice %arg13[%add3A_232, %dma_wait3A_235] : memref<10240x128xf32, #tpu.memory_space<vmem_shared>> -> memref<40x128xf32, #tpu.memory_space<vmem_shared>>
    tpu.wait_dma2 semaphore(%arg28 : memref<!tpu.dma_semaphore, #tpu.memory_space<semaphore_mem>>) src(%arg8 : memref<40x128xf32, #tpu.memory_space<vmem>>) dst(%dma_wait3A_236 : memref<40x128xf32, #tpu.memory_space<vmem_shared>>)
    %mul3A_237 = arith.constant 640 : i32
    %mul3A_238 = arith.muli %arg1, %mul3A_237 : i32
    %add3A_239 = arith.constant 40 : i32
    %add3A_240 = arith.addi %mul3A_238, %add3A_239 : i32
    %dma_wait3A_241 = arith.constant 0 : i32
    %dma_wait3A_242 = tpu.memref_slice %arg13[%add3A_240, %dma_wait3A_241] : memref<10240x128xf32, #tpu.memory_space<vmem_shared>> -> memref<40x128xf32, #tpu.memory_space<vmem_shared>>
    %dma_wait3A_243 = arith.constant 0 : i32
    %dma_wait3A_244 = tpu.memref_slice %arg13[%add3A_240, %dma_wait3A_243] : memref<10240x128xf32, #tpu.memory_space<vmem_shared>> -> memref<40x128xf32, #tpu.memory_space<vmem_shared>>
    tpu.wait_dma2 semaphore(%arg28 : memref<!tpu.dma_semaphore, #tpu.memory_space<semaphore_mem>>) src(%arg8 : memref<40x128xf32, #tpu.memory_space<vmem>>) dst(%dma_wait3A_244 : memref<40x128xf32, #tpu.memory_space<vmem_shared>>)
    %mul3A_245 = arith.constant 640 : i32
    %mul3A_246 = arith.muli %arg1, %mul3A_245 : i32
    %add3A_247 = arith.constant 80 : i32
    %add3A_248 = arith.addi %mul3A_246, %add3A_247 : i32
    %dma_wait3A_249 = arith.constant 0 : i32
    %dma_wait3A_250 = tpu.memref_slice %arg13[%add3A_248, %dma_wait3A_249] : memref<10240x128xf32, #tpu.memory_space<vmem_shared>> -> memref<40x128xf32, #tpu.memory_space<vmem_shared>>
    %dma_wait3A_251 = arith.constant 0 : i32
    %dma_wait3A_252 = tpu.memref_slice %arg13[%add3A_248, %dma_wait3A_251] : memref<10240x128xf32, #tpu.memory_space<vmem_shared>> -> memref<40x128xf32, #tpu.memory_space<vmem_shared>>
    tpu.wait_dma2 semaphore(%arg28 : memref<!tpu.dma_semaphore, #tpu.memory_space<semaphore_mem>>) src(%arg8 : memref<40x128xf32, #tpu.memory_space<vmem>>) dst(%dma_wait3A_252 : memref<40x128xf32, #tpu.memory_space<vmem_shared>>)
    %mul3A_253 = arith.constant 640 : i32
    %mul3A_254 = arith.muli %arg1, %mul3A_253 : i32
    %add3A_255 = arith.constant 120 : i32
    %add3A_256 = arith.addi %mul3A_254, %add3A_255 : i32
    %dma_wait3A_257 = arith.constant 0 : i32
    %dma_wait3A_258 = tpu.memref_slice %arg13[%add3A_256, %dma_wait3A_257] : memref<10240x128xf32, #tpu.memory_space<vmem_shared>> -> memref<40x128xf32, #tpu.memory_space<vmem_shared>>
    %dma_wait3A_259 = arith.constant 0 : i32
    %dma_wait3A_260 = tpu.memref_slice %arg13[%add3A_256, %dma_wait3A_259] : memref<10240x128xf32, #tpu.memory_space<vmem_shared>> -> memref<40x128xf32, #tpu.memory_space<vmem_shared>>
    tpu.wait_dma2 semaphore(%arg28 : memref<!tpu.dma_semaphore, #tpu.memory_space<semaphore_mem>>) src(%arg8 : memref<40x128xf32, #tpu.memory_space<vmem>>) dst(%dma_wait3A_260 : memref<40x128xf32, #tpu.memory_space<vmem_shared>>)
    %mul3A_261 = arith.constant 640 : i32
    %mul3A_262 = arith.muli %arg1, %mul3A_261 : i32
    %add3A_263 = arith.constant 160 : i32
    %add3A_264 = arith.addi %mul3A_262, %add3A_263 : i32
    %dma_wait3A_265 = arith.constant 0 : i32
    %dma_wait3A_266 = tpu.memref_slice %arg13[%add3A_264, %dma_wait3A_265] : memref<10240x128xf32, #tpu.memory_space<vmem_shared>> -> memref<40x128xf32, #tpu.memory_space<vmem_shared>>
    %dma_wait3A_267 = arith.constant 0 : i32
    %dma_wait3A_268 = tpu.memref_slice %arg13[%add3A_264, %dma_wait3A_267] : memref<10240x128xf32, #tpu.memory_space<vmem_shared>> -> memref<40x128xf32, #tpu.memory_space<vmem_shared>>
    tpu.wait_dma2 semaphore(%arg28 : memref<!tpu.dma_semaphore, #tpu.memory_space<semaphore_mem>>) src(%arg8 : memref<40x128xf32, #tpu.memory_space<vmem>>) dst(%dma_wait3A_268 : memref<40x128xf32, #tpu.memory_space<vmem_shared>>)
    %mul3A_269 = arith.constant 640 : i32
    %mul3A_270 = arith.muli %arg1, %mul3A_269 : i32
    %add3A_271 = arith.constant 200 : i32
    %add3A_272 = arith.addi %mul3A_270, %add3A_271 : i32
    %dma_wait3A_273 = arith.constant 0 : i32
    %dma_wait3A_274 = tpu.memref_slice %arg13[%add3A_272, %dma_wait3A_273] : memref<10240x128xf32, #tpu.memory_space<vmem_shared>> -> memref<40x128xf32, #tpu.memory_space<vmem_shared>>
    %dma_wait3A_275 = arith.constant 0 : i32
    %dma_wait3A_276 = tpu.memref_slice %arg13[%add3A_272, %dma_wait3A_275] : memref<10240x128xf32, #tpu.memory_space<vmem_shared>> -> memref<40x128xf32, #tpu.memory_space<vmem_shared>>
    tpu.wait_dma2 semaphore(%arg28 : memref<!tpu.dma_semaphore, #tpu.memory_space<semaphore_mem>>) src(%arg8 : memref<40x128xf32, #tpu.memory_space<vmem>>) dst(%dma_wait3A_276 : memref<40x128xf32, #tpu.memory_space<vmem_shared>>)
    %mul3A_277 = arith.constant 640 : i32
    %mul3A_278 = arith.muli %arg1, %mul3A_277 : i32
    %add3A_279 = arith.constant 240 : i32
    %add3A_280 = arith.addi %mul3A_278, %add3A_279 : i32
    %dma_wait3A_281 = arith.constant 0 : i32
    %dma_wait3A_282 = tpu.memref_slice %arg13[%add3A_280, %dma_wait3A_281] : memref<10240x128xf32, #tpu.memory_space<vmem_shared>> -> memref<40x128xf32, #tpu.memory_space<vmem_shared>>
    %dma_wait3A_283 = arith.constant 0 : i32
    %dma_wait3A_284 = tpu.memref_slice %arg13[%add3A_280, %dma_wait3A_283] : memref<10240x128xf32, #tpu.memory_space<vmem_shared>> -> memref<40x128xf32, #tpu.memory_space<vmem_shared>>
    tpu.wait_dma2 semaphore(%arg28 : memref<!tpu.dma_semaphore, #tpu.memory_space<semaphore_mem>>) src(%arg8 : memref<40x128xf32, #tpu.memory_space<vmem>>) dst(%dma_wait3A_284 : memref<40x128xf32, #tpu.memory_space<vmem_shared>>)
    %mul3A_285 = arith.constant 640 : i32
    %mul3A_286 = arith.muli %arg1, %mul3A_285 : i32
    %add3A_287 = arith.constant 280 : i32
    %add3A_288 = arith.addi %mul3A_286, %add3A_287 : i32
    %dma_wait3A_289 = arith.constant 0 : i32
    %dma_wait3A_290 = tpu.memref_slice %arg13[%add3A_288, %dma_wait3A_289] : memref<10240x128xf32, #tpu.memory_space<vmem_shared>> -> memref<40x128xf32, #tpu.memory_space<vmem_shared>>
    %dma_wait3A_291 = arith.constant 0 : i32
    %dma_wait3A_292 = tpu.memref_slice %arg13[%add3A_288, %dma_wait3A_291] : memref<10240x128xf32, #tpu.memory_space<vmem_shared>> -> memref<40x128xf32, #tpu.memory_space<vmem_shared>>
    tpu.wait_dma2 semaphore(%arg28 : memref<!tpu.dma_semaphore, #tpu.memory_space<semaphore_mem>>) src(%arg8 : memref<40x128xf32, #tpu.memory_space<vmem>>) dst(%dma_wait3A_292 : memref<40x128xf32, #tpu.memory_space<vmem_shared>>)
    %mul3A_293 = arith.constant 640 : i32
    %mul3A_294 = arith.muli %arg1, %mul3A_293 : i32
    %add3A_295 = arith.constant 320 : i32
    %add3A_296 = arith.addi %mul3A_294, %add3A_295 : i32
    %dma_wait3A_297 = arith.constant 0 : i32
    %dma_wait3A_298 = tpu.memref_slice %arg13[%add3A_296, %dma_wait3A_297] : memref<10240x128xf32, #tpu.memory_space<vmem_shared>> -> memref<40x128xf32, #tpu.memory_space<vmem_shared>>
    %dma_wait3A_299 = arith.constant 0 : i32
    %dma_wait3A_300 = tpu.memref_slice %arg13[%add3A_296, %dma_wait3A_299] : memref<10240x128xf32, #tpu.memory_space<vmem_shared>> -> memref<40x128xf32, #tpu.memory_space<vmem_shared>>
    tpu.wait_dma2 semaphore(%arg28 : memref<!tpu.dma_semaphore, #tpu.memory_space<semaphore_mem>>) src(%arg8 : memref<40x128xf32, #tpu.memory_space<vmem>>) dst(%dma_wait3A_300 : memref<40x128xf32, #tpu.memory_space<vmem_shared>>)
    %mul3A_301 = arith.constant 640 : i32
    %mul3A_302 = arith.muli %arg1, %mul3A_301 : i32
    %add3A_303 = arith.constant 360 : i32
    %add3A_304 = arith.addi %mul3A_302, %add3A_303 : i32
    %dma_wait3A_305 = arith.constant 0 : i32
    %dma_wait3A_306 = tpu.memref_slice %arg13[%add3A_304, %dma_wait3A_305] : memref<10240x128xf32, #tpu.memory_space<vmem_shared>> -> memref<40x128xf32, #tpu.memory_space<vmem_shared>>
    %dma_wait3A_307 = arith.constant 0 : i32
    %dma_wait3A_308 = tpu.memref_slice %arg13[%add3A_304, %dma_wait3A_307] : memref<10240x128xf32, #tpu.memory_space<vmem_shared>> -> memref<40x128xf32, #tpu.memory_space<vmem_shared>>
    tpu.wait_dma2 semaphore(%arg28 : memref<!tpu.dma_semaphore, #tpu.memory_space<semaphore_mem>>) src(%arg8 : memref<40x128xf32, #tpu.memory_space<vmem>>) dst(%dma_wait3A_308 : memref<40x128xf32, #tpu.memory_space<vmem_shared>>)
    %mul3A_309 = arith.constant 640 : i32
    %mul3A_310 = arith.muli %arg1, %mul3A_309 : i32
    %add3A_311 = arith.constant 400 : i32
    %add3A_312 = arith.addi %mul3A_310, %add3A_311 : i32
    %dma_wait3A_313 = arith.constant 0 : i32
    %dma_wait3A_314 = tpu.memref_slice %arg13[%add3A_312, %dma_wait3A_313] : memref<10240x128xf32, #tpu.memory_space<vmem_shared>> -> memref<40x128xf32, #tpu.memory_space<vmem_shared>>
    %dma_wait3A_315 = arith.constant 0 : i32
    %dma_wait3A_316 = tpu.memref_slice %arg13[%add3A_312, %dma_wait3A_315] : memref<10240x128xf32, #tpu.memory_space<vmem_shared>> -> memref<40x128xf32, #tpu.memory_space<vmem_shared>>
    tpu.wait_dma2 semaphore(%arg28 : memref<!tpu.dma_semaphore, #tpu.memory_space<semaphore_mem>>) src(%arg8 : memref<40x128xf32, #tpu.memory_space<vmem>>) dst(%dma_wait3A_316 : memref<40x128xf32, #tpu.memory_space<vmem_shared>>)
    %mul3A_317 = arith.constant 640 : i32
    %mul3A_318 = arith.muli %arg1, %mul3A_317 : i32
    %add3A_319 = arith.constant 440 : i32
    %add3A_320 = arith.addi %mul3A_318, %add3A_319 : i32
    %dma_wait3A_321 = arith.constant 0 : i32
    %dma_wait3A_322 = tpu.memref_slice %arg13[%add3A_320, %dma_wait3A_321] : memref<10240x128xf32, #tpu.memory_space<vmem_shared>> -> memref<40x128xf32, #tpu.memory_space<vmem_shared>>
    %dma_wait3A_323 = arith.constant 0 : i32
    %dma_wait3A_324 = tpu.memref_slice %arg13[%add3A_320, %dma_wait3A_323] : memref<10240x128xf32, #tpu.memory_space<vmem_shared>> -> memref<40x128xf32, #tpu.memory_space<vmem_shared>>
    tpu.wait_dma2 semaphore(%arg28 : memref<!tpu.dma_semaphore, #tpu.memory_space<semaphore_mem>>) src(%arg8 : memref<40x128xf32, #tpu.memory_space<vmem>>) dst(%dma_wait3A_324 : memref<40x128xf32, #tpu.memory_space<vmem_shared>>)
    %mul3A_325 = arith.constant 640 : i32
    %mul3A_326 = arith.muli %arg1, %mul3A_325 : i32
    %add3A_327 = arith.constant 480 : i32
    %add3A_328 = arith.addi %mul3A_326, %add3A_327 : i32
    %dma_wait3A_329 = arith.constant 0 : i32
    %dma_wait3A_330 = tpu.memref_slice %arg13[%add3A_328, %dma_wait3A_329] : memref<10240x128xf32, #tpu.memory_space<vmem_shared>> -> memref<40x128xf32, #tpu.memory_space<vmem_shared>>
    %dma_wait3A_331 = arith.constant 0 : i32
    %dma_wait3A_332 = tpu.memref_slice %arg13[%add3A_328, %dma_wait3A_331] : memref<10240x128xf32, #tpu.memory_space<vmem_shared>> -> memref<40x128xf32, #tpu.memory_space<vmem_shared>>
    tpu.wait_dma2 semaphore(%arg28 : memref<!tpu.dma_semaphore, #tpu.memory_space<semaphore_mem>>) src(%arg8 : memref<40x128xf32, #tpu.memory_space<vmem>>) dst(%dma_wait3A_332 : memref<40x128xf32, #tpu.memory_space<vmem_shared>>)
    %mul3A_333 = arith.constant 640 : i32
    %mul3A_334 = arith.muli %arg1, %mul3A_333 : i32
    %add3A_335 = arith.constant 520 : i32
    %add3A_336 = arith.addi %mul3A_334, %add3A_335 : i32
    %dma_wait3A_337 = arith.constant 0 : i32
    %dma_wait3A_338 = tpu.memref_slice %arg13[%add3A_336, %dma_wait3A_337] : memref<10240x128xf32, #tpu.memory_space<vmem_shared>> -> memref<40x128xf32, #tpu.memory_space<vmem_shared>>
    %dma_wait3A_339 = arith.constant 0 : i32
    %dma_wait3A_340 = tpu.memref_slice %arg13[%add3A_336, %dma_wait3A_339] : memref<10240x128xf32, #tpu.memory_space<vmem_shared>> -> memref<40x128xf32, #tpu.memory_space<vmem_shared>>
    tpu.wait_dma2 semaphore(%arg28 : memref<!tpu.dma_semaphore, #tpu.memory_space<semaphore_mem>>) src(%arg8 : memref<40x128xf32, #tpu.memory_space<vmem>>) dst(%dma_wait3A_340 : memref<40x128xf32, #tpu.memory_space<vmem_shared>>)
    %mul3A_341 = arith.constant 640 : i32
    %mul3A_342 = arith.muli %arg1, %mul3A_341 : i32
    %add3A_343 = arith.constant 560 : i32
    %add3A_344 = arith.addi %mul3A_342, %add3A_343 : i32
    %dma_wait3A_345 = arith.constant 0 : i32
    %dma_wait3A_346 = tpu.memref_slice %arg13[%add3A_344, %dma_wait3A_345] : memref<10240x128xf32, #tpu.memory_space<vmem_shared>> -> memref<40x128xf32, #tpu.memory_space<vmem_shared>>
    %dma_wait3A_347 = arith.constant 0 : i32
    %dma_wait3A_348 = tpu.memref_slice %arg13[%add3A_344, %dma_wait3A_347] : memref<10240x128xf32, #tpu.memory_space<vmem_shared>> -> memref<40x128xf32, #tpu.memory_space<vmem_shared>>
    tpu.wait_dma2 semaphore(%arg28 : memref<!tpu.dma_semaphore, #tpu.memory_space<semaphore_mem>>) src(%arg8 : memref<40x128xf32, #tpu.memory_space<vmem>>) dst(%dma_wait3A_348 : memref<40x128xf32, #tpu.memory_space<vmem_shared>>)
    %mul3A_349 = arith.constant 640 : i32
    %mul3A_350 = arith.muli %arg1, %mul3A_349 : i32
    %add3A_351 = arith.constant 600 : i32
    %add3A_352 = arith.addi %mul3A_350, %add3A_351 : i32
    %dma_wait3A_353 = arith.constant 0 : i32
    %dma_wait3A_354 = tpu.memref_slice %arg13[%add3A_352, %dma_wait3A_353] : memref<10240x128xf32, #tpu.memory_space<vmem_shared>> -> memref<40x128xf32, #tpu.memory_space<vmem_shared>>
    %dma_wait3A_355 = arith.constant 0 : i32
    %dma_wait3A_356 = tpu.memref_slice %arg13[%add3A_352, %dma_wait3A_355] : memref<10240x128xf32, #tpu.memory_space<vmem_shared>> -> memref<40x128xf32, #tpu.memory_space<vmem_shared>>
    tpu.wait_dma2 semaphore(%arg28 : memref<!tpu.dma_semaphore, #tpu.memory_space<semaphore_mem>>) src(%arg8 : memref<40x128xf32, #tpu.memory_space<vmem>>) dst(%dma_wait3A_356 : memref<40x128xf32, #tpu.memory_space<vmem_shared>>)
    %mul3A_357 = arith.constant 10000 : i32
    %mul3A_358 = arith.muli %add3A, %mul3A_357 : i32
    %add3A_359 = arith.constant 0 : i32
    %add3A_360 = arith.addi %mul3A_358, %add3A_359 : i32
    %dma_wait3A_361 = arith.constant 0 : i32
    %dma_wait3A_362 = tpu.memref_slice %arg6[%dma_wait3A_361] : memref<200xi32, #tpu.memory_space<vmem>> -> memref<40xi32, #tpu.memory_space<vmem>>
    %dma_wait3A_363 = tpu.memref_slice %arg3[%add3A_360] : memref<320000xi32, #tpu.memory_space<hbm>> -> memref<40xi32, #tpu.memory_space<hbm>>
    %dma_wait3A_364 = arith.constant 0 : i32
    %dma_wait3A_365 = tpu.memref_slice %arg6[%dma_wait3A_364] : memref<200xi32, #tpu.memory_space<vmem>> -> memref<40xi32, #tpu.memory_space<vmem>>
    %dma_wait3A_366 = tpu.memref_slice %arg3[%add3A_360] : memref<320000xi32, #tpu.memory_space<hbm>> -> memref<40xi32, #tpu.memory_space<hbm>>
    tpu.wait_dma2 semaphore(%arg29 : memref<!tpu.dma_semaphore, #tpu.memory_space<semaphore_mem>>) src(%dma_wait3A_366 : memref<40xi32, #tpu.memory_space<hbm>>) dst(%dma_wait3A_365 : memref<40xi32, #tpu.memory_space<vmem>>)
    %dma_start3A_367 = arith.constant 0 : i32
    %dma_start3A_368 = tpu.memref_slice %arg6[%dma_start3A_367] : memref<200xi32, #tpu.memory_space<vmem>> -> memref<40xi32, #tpu.memory_space<vmem>>
    %dma_start3A_369 = arith.constant 0 : i32
    %dma_start3A_370 = arith.constant 0 : i32
    %dma_start3A_371 = tpu.memref_slice %arg2[%dma_start3A_369, %dma_start3A_370] : memref<10000x128xf32, #tpu.memory_space<hbm>> -> memref<10000x128xf32, #tpu.memory_space<hbm>>
    tpu.enqueue_indirect_dma source(%dma_start3A_371 : memref<10000x128xf32, #tpu.memory_space<hbm>>) target(%arg8 : memref<40x128xf32, #tpu.memory_space<vmem>>) offsets(%dma_start3A_368 : memref<40xi32, #tpu.memory_space<vmem>>) semaphore(%arg14 : memref<!tpu.dma_semaphore, #tpu.memory_space<semaphore_mem>>)
    %mul3A_372 = arith.constant 10000 : i32
    %mul3A_373 = arith.muli %add3A, %mul3A_372 : i32
    %add3A_374 = arith.constant 0 : i32
    %add3A_375 = arith.addi %mul3A_373, %add3A_374 : i32
    %dma_start3A_376 = arith.constant 0 : i32
    %dma_start3A_377 = arith.constant 0 : i32
    %dma_start3A_378 = tpu.memref_slice %arg7[%dma_start3A_376, %dma_start3A_377] : memref<5x40xi32, #tpu.memory_space<vmem>> -> memref<1x40xi32, #tpu.memory_space<vmem>>
    %dma_start3A_379 = tpu.memref_squeeze %dma_start3A_378 : memref<1x40xi32, #tpu.memory_space<vmem>> -> memref<40xi32, #tpu.memory_space<vmem>>
    %dma_start3A_380 = tpu.memref_slice %arg4[%add3A_375] : memref<320000xi32, #tpu.memory_space<hbm>> -> memref<40xi32, #tpu.memory_space<hbm>>
    %dma_start3A_381 = arith.constant 0 : i32
    %dma_start3A_382 = tpu.memref_slice %arg7[%dma_start3A_376, %dma_start3A_381] : memref<5x40xi32, #tpu.memory_space<vmem>> -> memref<1x40xi32, #tpu.memory_space<vmem>>
    %dma_start3A_383 = tpu.memref_squeeze %dma_start3A_382 : memref<1x40xi32, #tpu.memory_space<vmem>> -> memref<40xi32, #tpu.memory_space<vmem>>
    %dma_start3A_384 = tpu.memref_slice %arg4[%add3A_375] : memref<320000xi32, #tpu.memory_space<hbm>> -> memref<40xi32, #tpu.memory_space<hbm>>
    tpu.enqueue_dma source(%dma_start3A_384 : memref<40xi32, #tpu.memory_space<hbm>>) target(%dma_start3A_383 : memref<40xi32, #tpu.memory_space<vmem>>) target_semaphore(%arg24 : memref<!tpu.dma_semaphore, #tpu.memory_space<semaphore_mem>>)
    %barrier3A = arith.constant 0 : index
    tpu.barrier barrier_id(%barrier3A)
    %scan3A_385 = arith.constant 0 : i32
    %scan3A_386 = arith.constant 0 : i32
    %scan3A_387 = arith.constant 50 : i32
    %scan3A_388 = arith.addi %scan3A_386, %scan3A_387 : i32
    %scan3A_389 = arith.constant 1 : i32
    scf.for %scan3A_431 = %scan3A_386 to %scan3A_388 step %scan3A_389  : i32 {
      %mul3A_432 = arith.constant 5 : i32
      %mul3A_433 = arith.muli %mul3A_432, %scan3A_431 : i32
      %add3A_434 = arith.constant 0 : i32
      %add3A_435 = arith.addi %mul3A_433, %add3A_434 : i32
      %dma_wait3A_436 = arith.constant 0 : i32
      %dma_wait3A_437 = tpu.memref_slice %arg6[%dma_wait3A_436] : memref<200xi32, #tpu.memory_space<vmem>> -> memref<40xi32, #tpu.memory_space<vmem>>
      %dma_wait3A_438 = arith.constant 0 : i32
      %dma_wait3A_439 = arith.constant 0 : i32
      %dma_wait3A_440 = tpu.memref_slice %arg2[%dma_wait3A_438, %dma_wait3A_439] : memref<10000x128xf32, #tpu.memory_space<hbm>> -> memref<10000x128xf32, #tpu.memory_space<hbm>>
      tpu.wait_indirect_dma semaphore(%arg14 : memref<!tpu.dma_semaphore, #tpu.memory_space<semaphore_mem>>) src(%dma_wait3A_440 : memref<10000x128xf32, #tpu.memory_space<hbm>>) dst(%arg8 : memref<40x128xf32, #tpu.memory_space<vmem>>)
      %mul3A_441 = arith.constant 10000 : i32
      %mul3A_442 = arith.muli %add3A, %mul3A_441 : i32
      %mul3A_443 = arith.constant 40 : i32
      %mul3A_444 = arith.muli %add3A_435, %mul3A_443 : i32
      %add3A_445 = arith.addi %mul3A_442, %mul3A_444 : i32
      %dma_wait3A_446 = arith.constant 0 : i32
      %dma_wait3A_447 = arith.constant 0 : i32
      %dma_wait3A_448 = tpu.memref_slice %arg7[%dma_wait3A_446, %dma_wait3A_447] : memref<5x40xi32, #tpu.memory_space<vmem>> -> memref<1x40xi32, #tpu.memory_space<vmem>>
      %dma_wait3A_449 = tpu.memref_squeeze %dma_wait3A_448 : memref<1x40xi32, #tpu.memory_space<vmem>> -> memref<40xi32, #tpu.memory_space<vmem>>
      %dma_wait3A_450 = tpu.memref_slice %arg4[%add3A_445] : memref<320000xi32, #tpu.memory_space<hbm>> -> memref<40xi32, #tpu.memory_space<hbm>>
      %dma_wait3A_451 = arith.constant 0 : i32
      %dma_wait3A_452 = tpu.memref_slice %arg7[%dma_wait3A_446, %dma_wait3A_451] : memref<5x40xi32, #tpu.memory_space<vmem>> -> memref<1x40xi32, #tpu.memory_space<vmem>>
      %dma_wait3A_453 = tpu.memref_squeeze %dma_wait3A_452 : memref<1x40xi32, #tpu.memory_space<vmem>> -> memref<40xi32, #tpu.memory_space<vmem>>
      %dma_wait3A_454 = tpu.memref_slice %arg4[%add3A_445] : memref<320000xi32, #tpu.memory_space<hbm>> -> memref<40xi32, #tpu.memory_space<hbm>>
      tpu.wait_dma2 semaphore(%arg24 : memref<!tpu.dma_semaphore, #tpu.memory_space<semaphore_mem>>) src(%dma_wait3A_454 : memref<40xi32, #tpu.memory_space<hbm>>) dst(%dma_wait3A_453 : memref<40xi32, #tpu.memory_space<vmem>>)
      %dma_start3A_455 = arith.constant 0 : i32
      %dma_start3A_456 = arith.constant 0 : i32
      %dma_start3A_457 = tpu.memref_slice %arg7[%dma_start3A_455, %dma_start3A_456] : memref<5x40xi32, #tpu.memory_space<vmem>> -> memref<1x40xi32, #tpu.memory_space<vmem>>
      %dma_start3A_458 = tpu.memref_squeeze %dma_start3A_457 : memref<1x40xi32, #tpu.memory_space<vmem>> -> memref<40xi32, #tpu.memory_space<vmem>>
      %dma_start3A_459 = arith.constant 0 : i32
      %dma_start3A_460 = arith.constant 0 : i32
      %dma_start3A_461 = tpu.memref_slice %arg13[%dma_start3A_459, %dma_start3A_460] : memref<10240x128xf32, #tpu.memory_space<vmem_shared>> -> memref<10240x128xf32, #tpu.memory_space<vmem_shared>>
      tpu.enqueue_indirect_dma source(%arg8 : memref<40x128xf32, #tpu.memory_space<vmem>>) target(%dma_start3A_461 : memref<10240x128xf32, #tpu.memory_space<vmem_shared>>) offsets(%dma_start3A_458 : memref<40xi32, #tpu.memory_space<vmem>>) semaphore(%arg19 : memref<!tpu.dma_semaphore, #tpu.memory_space<semaphore_mem>>) {add = true}
      %gt3A = arith.constant 0 : i32
      %gt3A_462 = arith.cmpi sgt, %add3A_435, %gt3A : i32
      %lt3A = arith.constant 246 : i32
      %lt3A_463 = arith.cmpi slt, %add3A_435, %lt3A : i32
      %and3A = arith.andi %gt3A_462, %lt3A_463 : i1
      %convert_element_type3A = arith.extui %and3A : i1 to i32
      %cond3A = arith.constant 0 : i32
      %cond3A_464 = arith.cmpi ne, %convert_element_type3A, %cond3A : i32
      scf.if %cond3A_464 {
        %sub3A = arith.constant 1 : i32
        %sub3A_667 = arith.subi %add3A_435, %sub3A : i32
        %dma_wait3A_668 = arith.constant 4 : i32
        %dma_wait3A_669 = arith.constant 0 : i32
        %dma_wait3A_670 = tpu.memref_slice %arg7[%dma_wait3A_668, %dma_wait3A_669] : memref<5x40xi32, #tpu.memory_space<vmem>> -> memref<1x40xi32, #tpu.memory_space<vmem>>
        %dma_wait3A_671 = tpu.memref_squeeze %dma_wait3A_670 : memref<1x40xi32, #tpu.memory_space<vmem>> -> memref<40xi32, #tpu.memory_space<vmem>>
        %dma_wait3A_672 = arith.constant 0 : i32
        %dma_wait3A_673 = arith.constant 0 : i32
        %dma_wait3A_674 = tpu.memref_slice %arg13[%dma_wait3A_672, %dma_wait3A_673] : memref<10240x128xf32, #tpu.memory_space<vmem_shared>> -> memref<10240x128xf32, #tpu.memory_space<vmem_shared>>
        tpu.wait_indirect_dma semaphore(%arg23 : memref<!tpu.dma_semaphore, #tpu.memory_space<semaphore_mem>>) src(%arg12 : memref<40x128xf32, #tpu.memory_space<vmem>>) dst(%dma_wait3A_674 : memref<10240x128xf32, #tpu.memory_space<vmem_shared>>)
      } else {
      }
      %lt3A_465 = arith.constant 246 : i32
      %lt3A_466 = arith.cmpi slt, %add3A_435, %lt3A_465 : i32
      %convert_element_type3A_467 = arith.extui %lt3A_466 : i1 to i32
      %cond3A_468 = arith.constant 0 : i32
      %cond3A_469 = arith.cmpi ne, %convert_element_type3A_467, %cond3A_468 : i32
      scf.if %cond3A_469 {
        %add3A_667 = arith.constant 5 : i32
        %add3A_668 = arith.addi %add3A_435, %add3A_667 : i32
        %sub3A = arith.constant 1 : i32
        %sub3A_669 = arith.subi %add3A_668, %sub3A : i32
        %mul3A_670 = arith.constant 10000 : i32
        %mul3A_671 = arith.muli %add3A, %mul3A_670 : i32
        %mul3A_672 = arith.constant 40 : i32
        %mul3A_673 = arith.muli %sub3A_669, %mul3A_672 : i32
        %add3A_674 = arith.addi %mul3A_671, %mul3A_673 : i32
        %dma_start3A_675 = arith.constant 160 : i32
        %dma_start3A_676 = tpu.memref_slice %arg6[%dma_start3A_675] : memref<200xi32, #tpu.memory_space<vmem>> -> memref<40xi32, #tpu.memory_space<vmem>>
        %dma_start3A_677 = tpu.memref_slice %arg3[%add3A_674] : memref<320000xi32, #tpu.memory_space<hbm>> -> memref<40xi32, #tpu.memory_space<hbm>>
        %dma_start3A_678 = arith.constant 160 : i32
        %dma_start3A_679 = tpu.memref_slice %arg6[%dma_start3A_678] : memref<200xi32, #tpu.memory_space<vmem>> -> memref<40xi32, #tpu.memory_space<vmem>>
        %dma_start3A_680 = tpu.memref_slice %arg3[%add3A_674] : memref<320000xi32, #tpu.memory_space<hbm>> -> memref<40xi32, #tpu.memory_space<hbm>>
        tpu.enqueue_dma source(%dma_start3A_680 : memref<40xi32, #tpu.memory_space<hbm>>) target(%dma_start3A_679 : memref<40xi32, #tpu.memory_space<vmem>>) target_semaphore(%arg33 : memref<!tpu.dma_semaphore, #tpu.memory_space<semaphore_mem>>)
      } else {
      }
      %lt3A_470 = arith.constant 247 : i32
      %lt3A_471 = arith.cmpi slt, %add3A_435, %lt3A_470 : i32
      %convert_element_type3A_472 = arith.extui %lt3A_471 : i1 to i32
      %cond3A_473 = arith.constant 0 : i32
      %cond3A_474 = arith.cmpi ne, %convert_element_type3A_472, %cond3A_473 : i32
      scf.if %cond3A_474 {
        %add3A_667 = arith.constant 5 : i32
        %add3A_668 = arith.addi %add3A_435, %add3A_667 : i32
        %sub3A = arith.constant 2 : i32
        %sub3A_669 = arith.subi %add3A_668, %sub3A : i32
        %mul3A_670 = arith.constant 10000 : i32
        %mul3A_671 = arith.muli %add3A, %mul3A_670 : i32
        %mul3A_672 = arith.constant 40 : i32
        %mul3A_673 = arith.muli %sub3A_669, %mul3A_672 : i32
        %add3A_674 = arith.addi %mul3A_671, %mul3A_673 : i32
        %dma_wait3A_675 = arith.constant 120 : i32
        %dma_wait3A_676 = tpu.memref_slice %arg6[%dma_wait3A_675] : memref<200xi32, #tpu.memory_space<vmem>> -> memref<40xi32, #tpu.memory_space<vmem>>
        %dma_wait3A_677 = tpu.memref_slice %arg3[%add3A_674] : memref<320000xi32, #tpu.memory_space<hbm>> -> memref<40xi32, #tpu.memory_space<hbm>>
        %dma_wait3A_678 = arith.constant 120 : i32
        %dma_wait3A_679 = tpu.memref_slice %arg6[%dma_wait3A_678] : memref<200xi32, #tpu.memory_space<vmem>> -> memref<40xi32, #tpu.memory_space<vmem>>
        %dma_wait3A_680 = tpu.memref_slice %arg3[%add3A_674] : memref<320000xi32, #tpu.memory_space<hbm>> -> memref<40xi32, #tpu.memory_space<hbm>>
        tpu.wait_dma2 semaphore(%arg32 : memref<!tpu.dma_semaphore, #tpu.memory_space<semaphore_mem>>) src(%dma_wait3A_680 : memref<40xi32, #tpu.memory_space<hbm>>) dst(%dma_wait3A_679 : memref<40xi32, #tpu.memory_space<vmem>>)
        %add3A_681 = arith.constant 5 : i32
        %add3A_682 = arith.addi %add3A_435, %add3A_681 : i32
        %sub3A_683 = arith.constant 2 : i32
        %sub3A_684 = arith.subi %add3A_682, %sub3A_683 : i32
        %dma_start3A_685 = arith.constant 120 : i32
        %dma_start3A_686 = tpu.memref_slice %arg6[%dma_start3A_685] : memref<200xi32, #tpu.memory_space<vmem>> -> memref<40xi32, #tpu.memory_space<vmem>>
        %dma_start3A_687 = arith.constant 0 : i32
        %dma_start3A_688 = arith.constant 0 : i32
        %dma_start3A_689 = tpu.memref_slice %arg2[%dma_start3A_687, %dma_start3A_688] : memref<10000x128xf32, #tpu.memory_space<hbm>> -> memref<10000x128xf32, #tpu.memory_space<hbm>>
        tpu.enqueue_indirect_dma source(%dma_start3A_689 : memref<10000x128xf32, #tpu.memory_space<hbm>>) target(%arg11 : memref<40x128xf32, #tpu.memory_space<vmem>>) offsets(%dma_start3A_686 : memref<40xi32, #tpu.memory_space<vmem>>) semaphore(%arg17 : memref<!tpu.dma_semaphore, #tpu.memory_space<semaphore_mem>>)
        %mul3A_690 = arith.constant 10000 : i32
        %mul3A_691 = arith.muli %add3A, %mul3A_690 : i32
        %mul3A_692 = arith.constant 40 : i32
        %mul3A_693 = arith.muli %sub3A_684, %mul3A_692 : i32
        %add3A_694 = arith.addi %mul3A_691, %mul3A_693 : i32
        %dma_start3A_695 = arith.constant 3 : i32
        %dma_start3A_696 = arith.constant 0 : i32
        %dma_start3A_697 = tpu.memref_slice %arg7[%dma_start3A_695, %dma_start3A_696] : memref<5x40xi32, #tpu.memory_space<vmem>> -> memref<1x40xi32, #tpu.memory_space<vmem>>
        %dma_start3A_698 = tpu.memref_squeeze %dma_start3A_697 : memref<1x40xi32, #tpu.memory_space<vmem>> -> memref<40xi32, #tpu.memory_space<vmem>>
        %dma_start3A_699 = tpu.memref_slice %arg4[%add3A_694] : memref<320000xi32, #tpu.memory_space<hbm>> -> memref<40xi32, #tpu.memory_space<hbm>>
        %dma_start3A_700 = arith.constant 0 : i32
        %dma_start3A_701 = tpu.memref_slice %arg7[%dma_start3A_695, %dma_start3A_700] : memref<5x40xi32, #tpu.memory_space<vmem>> -> memref<1x40xi32, #tpu.memory_space<vmem>>
        %dma_start3A_702 = tpu.memref_squeeze %dma_start3A_701 : memref<1x40xi32, #tpu.memory_space<vmem>> -> memref<40xi32, #tpu.memory_space<vmem>>
        %dma_start3A_703 = tpu.memref_slice %arg4[%add3A_694] : memref<320000xi32, #tpu.memory_space<hbm>> -> memref<40xi32, #tpu.memory_space<hbm>>
        tpu.enqueue_dma source(%dma_start3A_703 : memref<40xi32, #tpu.memory_space<hbm>>) target(%dma_start3A_702 : memref<40xi32, #tpu.memory_space<vmem>>) target_semaphore(%arg27 : memref<!tpu.dma_semaphore, #tpu.memory_space<semaphore_mem>>)
      } else {
      }
      %mul3A_475 = arith.constant 5 : i32
      %mul3A_476 = arith.muli %mul3A_475, %scan3A_431 : i32
      %add3A_477 = arith.constant 1 : i32
      %add3A_478 = arith.addi %mul3A_476, %add3A_477 : i32
      %dma_wait3A_479 = arith.constant 40 : i32
      %dma_wait3A_480 = tpu.memref_slice %arg6[%dma_wait3A_479] : memref<200xi32, #tpu.memory_space<vmem>> -> memref<40xi32, #tpu.memory_space<vmem>>
      %dma_wait3A_481 = arith.constant 0 : i32
      %dma_wait3A_482 = arith.constant 0 : i32
      %dma_wait3A_483 = tpu.memref_slice %arg2[%dma_wait3A_481, %dma_wait3A_482] : memref<10000x128xf32, #tpu.memory_space<hbm>> -> memref<10000x128xf32, #tpu.memory_space<hbm>>
      tpu.wait_indirect_dma semaphore(%arg15 : memref<!tpu.dma_semaphore, #tpu.memory_space<semaphore_mem>>) src(%dma_wait3A_483 : memref<10000x128xf32, #tpu.memory_space<hbm>>) dst(%arg9 : memref<40x128xf32, #tpu.memory_space<vmem>>)
      %mul3A_484 = arith.constant 10000 : i32
      %mul3A_485 = arith.muli %add3A, %mul3A_484 : i32
      %mul3A_486 = arith.constant 40 : i32
      %mul3A_487 = arith.muli %add3A_478, %mul3A_486 : i32
      %add3A_488 = arith.addi %mul3A_485, %mul3A_487 : i32
      %dma_wait3A_489 = arith.constant 1 : i32
      %dma_wait3A_490 = arith.constant 0 : i32
      %dma_wait3A_491 = tpu.memref_slice %arg7[%dma_wait3A_489, %dma_wait3A_490] : memref<5x40xi32, #tpu.memory_space<vmem>> -> memref<1x40xi32, #tpu.memory_space<vmem>>
      %dma_wait3A_492 = tpu.memref_squeeze %dma_wait3A_491 : memref<1x40xi32, #tpu.memory_space<vmem>> -> memref<40xi32, #tpu.memory_space<vmem>>
      %dma_wait3A_493 = tpu.memref_slice %arg4[%add3A_488] : memref<320000xi32, #tpu.memory_space<hbm>> -> memref<40xi32, #tpu.memory_space<hbm>>
      %dma_wait3A_494 = arith.constant 0 : i32
      %dma_wait3A_495 = tpu.memref_slice %arg7[%dma_wait3A_489, %dma_wait3A_494] : memref<5x40xi32, #tpu.memory_space<vmem>> -> memref<1x40xi32, #tpu.memory_space<vmem>>
      %dma_wait3A_496 = tpu.memref_squeeze %dma_wait3A_495 : memref<1x40xi32, #tpu.memory_space<vmem>> -> memref<40xi32, #tpu.memory_space<vmem>>
      %dma_wait3A_497 = tpu.memref_slice %arg4[%add3A_488] : memref<320000xi32, #tpu.memory_space<hbm>> -> memref<40xi32, #tpu.memory_space<hbm>>
      tpu.wait_dma2 semaphore(%arg25 : memref<!tpu.dma_semaphore, #tpu.memory_space<semaphore_mem>>) src(%dma_wait3A_497 : memref<40xi32, #tpu.memory_space<hbm>>) dst(%dma_wait3A_496 : memref<40xi32, #tpu.memory_space<vmem>>)
      %dma_start3A_498 = arith.constant 1 : i32
      %dma_start3A_499 = arith.constant 0 : i32
      %dma_start3A_500 = tpu.memref_slice %arg7[%dma_start3A_498, %dma_start3A_499] : memref<5x40xi32, #tpu.memory_space<vmem>> -> memref<1x40xi32, #tpu.memory_space<vmem>>
      %dma_start3A_501 = tpu.memref_squeeze %dma_start3A_500 : memref<1x40xi32, #tpu.memory_space<vmem>> -> memref<40xi32, #tpu.memory_space<vmem>>
      %dma_start3A_502 = arith.constant 0 : i32
      %dma_start3A_503 = arith.constant 0 : i32
      %dma_start3A_504 = tpu.memref_slice %arg13[%dma_start3A_502, %dma_start3A_503] : memref<10240x128xf32, #tpu.memory_space<vmem_shared>> -> memref<10240x128xf32, #tpu.memory_space<vmem_shared>>
      tpu.enqueue_indirect_dma source(%arg9 : memref<40x128xf32, #tpu.memory_space<vmem>>) target(%dma_start3A_504 : memref<10240x128xf32, #tpu.memory_space<vmem_shared>>) offsets(%dma_start3A_501 : memref<40xi32, #tpu.memory_space<vmem>>) semaphore(%arg20 : memref<!tpu.dma_semaphore, #tpu.memory_space<semaphore_mem>>) {add = true}
      %gt3A_505 = arith.constant 0 : i32
      %gt3A_506 = arith.cmpi sgt, %add3A_478, %gt3A_505 : i32
      %lt3A_507 = arith.constant 246 : i32
      %lt3A_508 = arith.cmpi slt, %add3A_478, %lt3A_507 : i32
      %and3A_509 = arith.andi %gt3A_506, %lt3A_508 : i1
      %convert_element_type3A_510 = arith.extui %and3A_509 : i1 to i32
      %cond3A_511 = arith.constant 0 : i32
      %cond3A_512 = arith.cmpi ne, %convert_element_type3A_510, %cond3A_511 : i32
      scf.if %cond3A_512 {
        %sub3A = arith.constant 1 : i32
        %sub3A_667 = arith.subi %add3A_478, %sub3A : i32
        %dma_wait3A_668 = arith.constant 0 : i32
        %dma_wait3A_669 = arith.constant 0 : i32
        %dma_wait3A_670 = tpu.memref_slice %arg7[%dma_wait3A_668, %dma_wait3A_669] : memref<5x40xi32, #tpu.memory_space<vmem>> -> memref<1x40xi32, #tpu.memory_space<vmem>>
        %dma_wait3A_671 = tpu.memref_squeeze %dma_wait3A_670 : memref<1x40xi32, #tpu.memory_space<vmem>> -> memref<40xi32, #tpu.memory_space<vmem>>
        %dma_wait3A_672 = arith.constant 0 : i32
        %dma_wait3A_673 = arith.constant 0 : i32
        %dma_wait3A_674 = tpu.memref_slice %arg13[%dma_wait3A_672, %dma_wait3A_673] : memref<10240x128xf32, #tpu.memory_space<vmem_shared>> -> memref<10240x128xf32, #tpu.memory_space<vmem_shared>>
        tpu.wait_indirect_dma semaphore(%arg19 : memref<!tpu.dma_semaphore, #tpu.memory_space<semaphore_mem>>) src(%arg8 : memref<40x128xf32, #tpu.memory_space<vmem>>) dst(%dma_wait3A_674 : memref<10240x128xf32, #tpu.memory_space<vmem_shared>>)
      } else {
      }
      %lt3A_513 = arith.constant 246 : i32
      %lt3A_514 = arith.cmpi slt, %add3A_478, %lt3A_513 : i32
      %convert_element_type3A_515 = arith.extui %lt3A_514 : i1 to i32
      %cond3A_516 = arith.constant 0 : i32
      %cond3A_517 = arith.cmpi ne, %convert_element_type3A_515, %cond3A_516 : i32
      scf.if %cond3A_517 {
        %add3A_667 = arith.constant 5 : i32
        %add3A_668 = arith.addi %add3A_478, %add3A_667 : i32
        %sub3A = arith.constant 1 : i32
        %sub3A_669 = arith.subi %add3A_668, %sub3A : i32
        %mul3A_670 = arith.constant 10000 : i32
        %mul3A_671 = arith.muli %add3A, %mul3A_670 : i32
        %mul3A_672 = arith.constant 40 : i32
        %mul3A_673 = arith.muli %sub3A_669, %mul3A_672 : i32
        %add3A_674 = arith.addi %mul3A_671, %mul3A_673 : i32
        %dma_start3A_675 = arith.constant 0 : i32
        %dma_start3A_676 = tpu.memref_slice %arg6[%dma_start3A_675] : memref<200xi32, #tpu.memory_space<vmem>> -> memref<40xi32, #tpu.memory_space<vmem>>
        %dma_start3A_677 = tpu.memref_slice %arg3[%add3A_674] : memref<320000xi32, #tpu.memory_space<hbm>> -> memref<40xi32, #tpu.memory_space<hbm>>
        %dma_start3A_678 = arith.constant 0 : i32
        %dma_start3A_679 = tpu.memref_slice %arg6[%dma_start3A_678] : memref<200xi32, #tpu.memory_space<vmem>> -> memref<40xi32, #tpu.memory_space<vmem>>
        %dma_start3A_680 = tpu.memref_slice %arg3[%add3A_674] : memref<320000xi32, #tpu.memory_space<hbm>> -> memref<40xi32, #tpu.memory_space<hbm>>
        tpu.enqueue_dma source(%dma_start3A_680 : memref<40xi32, #tpu.memory_space<hbm>>) target(%dma_start3A_679 : memref<40xi32, #tpu.memory_space<vmem>>) target_semaphore(%arg29 : memref<!tpu.dma_semaphore, #tpu.memory_space<semaphore_mem>>)
      } else {
      }
      %lt3A_518 = arith.constant 247 : i32
      %lt3A_519 = arith.cmpi slt, %add3A_478, %lt3A_518 : i32
      %convert_element_type3A_520 = arith.extui %lt3A_519 : i1 to i32
      %cond3A_521 = arith.constant 0 : i32
      %cond3A_522 = arith.cmpi ne, %convert_element_type3A_520, %cond3A_521 : i32
      scf.if %cond3A_522 {
        %add3A_667 = arith.constant 5 : i32
        %add3A_668 = arith.addi %add3A_478, %add3A_667 : i32
        %sub3A = arith.constant 2 : i32
        %sub3A_669 = arith.subi %add3A_668, %sub3A : i32
        %mul3A_670 = arith.constant 10000 : i32
        %mul3A_671 = arith.muli %add3A, %mul3A_670 : i32
        %mul3A_672 = arith.constant 40 : i32
        %mul3A_673 = arith.muli %sub3A_669, %mul3A_672 : i32
        %add3A_674 = arith.addi %mul3A_671, %mul3A_673 : i32
        %dma_wait3A_675 = arith.constant 160 : i32
        %dma_wait3A_676 = tpu.memref_slice %arg6[%dma_wait3A_675] : memref<200xi32, #tpu.memory_space<vmem>> -> memref<40xi32, #tpu.memory_space<vmem>>
        %dma_wait3A_677 = tpu.memref_slice %arg3[%add3A_674] : memref<320000xi32, #tpu.memory_space<hbm>> -> memref<40xi32, #tpu.memory_space<hbm>>
        %dma_wait3A_678 = arith.constant 160 : i32
        %dma_wait3A_679 = tpu.memref_slice %arg6[%dma_wait3A_678] : memref<200xi32, #tpu.memory_space<vmem>> -> memref<40xi32, #tpu.memory_space<vmem>>
        %dma_wait3A_680 = tpu.memref_slice %arg3[%add3A_674] : memref<320000xi32, #tpu.memory_space<hbm>> -> memref<40xi32, #tpu.memory_space<hbm>>
        tpu.wait_dma2 semaphore(%arg33 : memref<!tpu.dma_semaphore, #tpu.memory_space<semaphore_mem>>) src(%dma_wait3A_680 : memref<40xi32, #tpu.memory_space<hbm>>) dst(%dma_wait3A_679 : memref<40xi32, #tpu.memory_space<vmem>>)
        %add3A_681 = arith.constant 5 : i32
        %add3A_682 = arith.addi %add3A_478, %add3A_681 : i32
        %sub3A_683 = arith.constant 2 : i32
        %sub3A_684 = arith.subi %add3A_682, %sub3A_683 : i32
        %dma_start3A_685 = arith.constant 160 : i32
        %dma_start3A_686 = tpu.memref_slice %arg6[%dma_start3A_685] : memref<200xi32, #tpu.memory_space<vmem>> -> memref<40xi32, #tpu.memory_space<vmem>>
        %dma_start3A_687 = arith.constant 0 : i32
        %dma_start3A_688 = arith.constant 0 : i32
        %dma_start3A_689 = tpu.memref_slice %arg2[%dma_start3A_687, %dma_start3A_688] : memref<10000x128xf32, #tpu.memory_space<hbm>> -> memref<10000x128xf32, #tpu.memory_space<hbm>>
        tpu.enqueue_indirect_dma source(%dma_start3A_689 : memref<10000x128xf32, #tpu.memory_space<hbm>>) target(%arg12 : memref<40x128xf32, #tpu.memory_space<vmem>>) offsets(%dma_start3A_686 : memref<40xi32, #tpu.memory_space<vmem>>) semaphore(%arg18 : memref<!tpu.dma_semaphore, #tpu.memory_space<semaphore_mem>>)
        %mul3A_690 = arith.constant 10000 : i32
        %mul3A_691 = arith.muli %add3A, %mul3A_690 : i32
        %mul3A_692 = arith.constant 40 : i32
        %mul3A_693 = arith.muli %sub3A_684, %mul3A_692 : i32
        %add3A_694 = arith.addi %mul3A_691, %mul3A_693 : i32
        %dma_start3A_695 = arith.constant 4 : i32
        %dma_start3A_696 = arith.constant 0 : i32
        %dma_start3A_697 = tpu.memref_slice %arg7[%dma_start3A_695, %dma_start3A_696] : memref<5x40xi32, #tpu.memory_space<vmem>> -> memref<1x40xi32, #tpu.memory_space<vmem>>
        %dma_start3A_698 = tpu.memref_squeeze %dma_start3A_697 : memref<1x40xi32, #tpu.memory_space<vmem>> -> memref<40xi32, #tpu.memory_space<vmem>>
        %dma_start3A_699 = tpu.memref_slice %arg4[%add3A_694] : memref<320000xi32, #tpu.memory_space<hbm>> -> memref<40xi32, #tpu.memory_space<hbm>>
        %dma_start3A_700 = arith.constant 0 : i32
        %dma_start3A_701 = tpu.memref_slice %arg7[%dma_start3A_695, %dma_start3A_700] : memref<5x40xi32, #tpu.memory_space<vmem>> -> memref<1x40xi32, #tpu.memory_space<vmem>>
        %dma_start3A_702 = tpu.memref_squeeze %dma_start3A_701 : memref<1x40xi32, #tpu.memory_space<vmem>> -> memref<40xi32, #tpu.memory_space<vmem>>
        %dma_start3A_703 = tpu.memref_slice %arg4[%add3A_694] : memref<320000xi32, #tpu.memory_space<hbm>> -> memref<40xi32, #tpu.memory_space<hbm>>
        tpu.enqueue_dma source(%dma_start3A_703 : memref<40xi32, #tpu.memory_space<hbm>>) target(%dma_start3A_702 : memref<40xi32, #tpu.memory_space<vmem>>) target_semaphore(%arg28 : memref<!tpu.dma_semaphore, #tpu.memory_space<semaphore_mem>>)
      } else {
      }
      %mul3A_523 = arith.constant 5 : i32
      %mul3A_524 = arith.muli %mul3A_523, %scan3A_431 : i32
      %add3A_525 = arith.constant 2 : i32
      %add3A_526 = arith.addi %mul3A_524, %add3A_525 : i32
      %dma_wait3A_527 = arith.constant 80 : i32
      %dma_wait3A_528 = tpu.memref_slice %arg6[%dma_wait3A_527] : memref<200xi32, #tpu.memory_space<vmem>> -> memref<40xi32, #tpu.memory_space<vmem>>
      %dma_wait3A_529 = arith.constant 0 : i32
      %dma_wait3A_530 = arith.constant 0 : i32
      %dma_wait3A_531 = tpu.memref_slice %arg2[%dma_wait3A_529, %dma_wait3A_530] : memref<10000x128xf32, #tpu.memory_space<hbm>> -> memref<10000x128xf32, #tpu.memory_space<hbm>>
      tpu.wait_indirect_dma semaphore(%arg16 : memref<!tpu.dma_semaphore, #tpu.memory_space<semaphore_mem>>) src(%dma_wait3A_531 : memref<10000x128xf32, #tpu.memory_space<hbm>>) dst(%arg10 : memref<40x128xf32, #tpu.memory_space<vmem>>)
      %mul3A_532 = arith.constant 10000 : i32
      %mul3A_533 = arith.muli %add3A, %mul3A_532 : i32
      %mul3A_534 = arith.constant 40 : i32
      %mul3A_535 = arith.muli %add3A_526, %mul3A_534 : i32
      %add3A_536 = arith.addi %mul3A_533, %mul3A_535 : i32
      %dma_wait3A_537 = arith.constant 2 : i32
      %dma_wait3A_538 = arith.constant 0 : i32
      %dma_wait3A_539 = tpu.memref_slice %arg7[%dma_wait3A_537, %dma_wait3A_538] : memref<5x40xi32, #tpu.memory_space<vmem>> -> memref<1x40xi32, #tpu.memory_space<vmem>>
      %dma_wait3A_540 = tpu.memref_squeeze %dma_wait3A_539 : memref<1x40xi32, #tpu.memory_space<vmem>> -> memref<40xi32, #tpu.memory_space<vmem>>
      %dma_wait3A_541 = tpu.memref_slice %arg4[%add3A_536] : memref<320000xi32, #tpu.memory_space<hbm>> -> memref<40xi32, #tpu.memory_space<hbm>>
      %dma_wait3A_542 = arith.constant 0 : i32
      %dma_wait3A_543 = tpu.memref_slice %arg7[%dma_wait3A_537, %dma_wait3A_542] : memref<5x40xi32, #tpu.memory_space<vmem>> -> memref<1x40xi32, #tpu.memory_space<vmem>>
      %dma_wait3A_544 = tpu.memref_squeeze %dma_wait3A_543 : memref<1x40xi32, #tpu.memory_space<vmem>> -> memref<40xi32, #tpu.memory_space<vmem>>
      %dma_wait3A_545 = tpu.memref_slice %arg4[%add3A_536] : memref<320000xi32, #tpu.memory_space<hbm>> -> memref<40xi32, #tpu.memory_space<hbm>>
      tpu.wait_dma2 semaphore(%arg26 : memref<!tpu.dma_semaphore, #tpu.memory_space<semaphore_mem>>) src(%dma_wait3A_545 : memref<40xi32, #tpu.memory_space<hbm>>) dst(%dma_wait3A_544 : memref<40xi32, #tpu.memory_space<vmem>>)
      %dma_start3A_546 = arith.constant 2 : i32
      %dma_start3A_547 = arith.constant 0 : i32
      %dma_start3A_548 = tpu.memref_slice %arg7[%dma_start3A_546, %dma_start3A_547] : memref<5x40xi32, #tpu.memory_space<vmem>> -> memref<1x40xi32, #tpu.memory_space<vmem>>
      %dma_start3A_549 = tpu.memref_squeeze %dma_start3A_548 : memref<1x40xi32, #tpu.memory_space<vmem>> -> memref<40xi32, #tpu.memory_space<vmem>>
      %dma_start3A_550 = arith.constant 0 : i32
      %dma_start3A_551 = arith.constant 0 : i32
      %dma_start3A_552 = tpu.memref_slice %arg13[%dma_start3A_550, %dma_start3A_551] : memref<10240x128xf32, #tpu.memory_space<vmem_shared>> -> memref<10240x128xf32, #tpu.memory_space<vmem_shared>>
      tpu.enqueue_indirect_dma source(%arg10 : memref<40x128xf32, #tpu.memory_space<vmem>>) target(%dma_start3A_552 : memref<10240x128xf32, #tpu.memory_space<vmem_shared>>) offsets(%dma_start3A_549 : memref<40xi32, #tpu.memory_space<vmem>>) semaphore(%arg21 : memref<!tpu.dma_semaphore, #tpu.memory_space<semaphore_mem>>) {add = true}
      %gt3A_553 = arith.constant 0 : i32
      %gt3A_554 = arith.cmpi sgt, %add3A_526, %gt3A_553 : i32
      %lt3A_555 = arith.constant 246 : i32
      %lt3A_556 = arith.cmpi slt, %add3A_526, %lt3A_555 : i32
      %and3A_557 = arith.andi %gt3A_554, %lt3A_556 : i1
      %convert_element_type3A_558 = arith.extui %and3A_557 : i1 to i32
      %cond3A_559 = arith.constant 0 : i32
      %cond3A_560 = arith.cmpi ne, %convert_element_type3A_558, %cond3A_559 : i32
      scf.if %cond3A_560 {
        %sub3A = arith.constant 1 : i32
        %sub3A_667 = arith.subi %add3A_526, %sub3A : i32
        %dma_wait3A_668 = arith.constant 1 : i32
        %dma_wait3A_669 = arith.constant 0 : i32
        %dma_wait3A_670 = tpu.memref_slice %arg7[%dma_wait3A_668, %dma_wait3A_669] : memref<5x40xi32, #tpu.memory_space<vmem>> -> memref<1x40xi32, #tpu.memory_space<vmem>>
        %dma_wait3A_671 = tpu.memref_squeeze %dma_wait3A_670 : memref<1x40xi32, #tpu.memory_space<vmem>> -> memref<40xi32, #tpu.memory_space<vmem>>
        %dma_wait3A_672 = arith.constant 0 : i32
        %dma_wait3A_673 = arith.constant 0 : i32
        %dma_wait3A_674 = tpu.memref_slice %arg13[%dma_wait3A_672, %dma_wait3A_673] : memref<10240x128xf32, #tpu.memory_space<vmem_shared>> -> memref<10240x128xf32, #tpu.memory_space<vmem_shared>>
        tpu.wait_indirect_dma semaphore(%arg20 : memref<!tpu.dma_semaphore, #tpu.memory_space<semaphore_mem>>) src(%arg9 : memref<40x128xf32, #tpu.memory_space<vmem>>) dst(%dma_wait3A_674 : memref<10240x128xf32, #tpu.memory_space<vmem_shared>>)
      } else {
      }
      %lt3A_561 = arith.constant 246 : i32
      %lt3A_562 = arith.cmpi slt, %add3A_526, %lt3A_561 : i32
      %convert_element_type3A_563 = arith.extui %lt3A_562 : i1 to i32
      %cond3A_564 = arith.constant 0 : i32
      %cond3A_565 = arith.cmpi ne, %convert_element_type3A_563, %cond3A_564 : i32
      scf.if %cond3A_565 {
        %add3A_667 = arith.constant 5 : i32
        %add3A_668 = arith.addi %add3A_526, %add3A_667 : i32
        %sub3A = arith.constant 1 : i32
        %sub3A_669 = arith.subi %add3A_668, %sub3A : i32
        %mul3A_670 = arith.constant 10000 : i32
        %mul3A_671 = arith.muli %add3A, %mul3A_670 : i32
        %mul3A_672 = arith.constant 40 : i32
        %mul3A_673 = arith.muli %sub3A_669, %mul3A_672 : i32
        %add3A_674 = arith.addi %mul3A_671, %mul3A_673 : i32
        %dma_start3A_675 = arith.constant 40 : i32
        %dma_start3A_676 = tpu.memref_slice %arg6[%dma_start3A_675] : memref<200xi32, #tpu.memory_space<vmem>> -> memref<40xi32, #tpu.memory_space<vmem>>
        %dma_start3A_677 = tpu.memref_slice %arg3[%add3A_674] : memref<320000xi32, #tpu.memory_space<hbm>> -> memref<40xi32, #tpu.memory_space<hbm>>
        %dma_start3A_678 = arith.constant 40 : i32
        %dma_start3A_679 = tpu.memref_slice %arg6[%dma_start3A_678] : memref<200xi32, #tpu.memory_space<vmem>> -> memref<40xi32, #tpu.memory_space<vmem>>
        %dma_start3A_680 = tpu.memref_slice %arg3[%add3A_674] : memref<320000xi32, #tpu.memory_space<hbm>> -> memref<40xi32, #tpu.memory_space<hbm>>
        tpu.enqueue_dma source(%dma_start3A_680 : memref<40xi32, #tpu.memory_space<hbm>>) target(%dma_start3A_679 : memref<40xi32, #tpu.memory_space<vmem>>) target_semaphore(%arg30 : memref<!tpu.dma_semaphore, #tpu.memory_space<semaphore_mem>>)
      } else {
      }
      %lt3A_566 = arith.constant 247 : i32
      %lt3A_567 = arith.cmpi slt, %add3A_526, %lt3A_566 : i32
      %convert_element_type3A_568 = arith.extui %lt3A_567 : i1 to i32
      %cond3A_569 = arith.constant 0 : i32
      %cond3A_570 = arith.cmpi ne, %convert_element_type3A_568, %cond3A_569 : i32
      scf.if %cond3A_570 {
        %add3A_667 = arith.constant 5 : i32
        %add3A_668 = arith.addi %add3A_526, %add3A_667 : i32
        %sub3A = arith.constant 2 : i32
        %sub3A_669 = arith.subi %add3A_668, %sub3A : i32
        %mul3A_670 = arith.constant 10000 : i32
        %mul3A_671 = arith.muli %add3A, %mul3A_670 : i32
        %mul3A_672 = arith.constant 40 : i32
        %mul3A_673 = arith.muli %sub3A_669, %mul3A_672 : i32
        %add3A_674 = arith.addi %mul3A_671, %mul3A_673 : i32
        %dma_wait3A_675 = arith.constant 0 : i32
        %dma_wait3A_676 = tpu.memref_slice %arg6[%dma_wait3A_675] : memref<200xi32, #tpu.memory_space<vmem>> -> memref<40xi32, #tpu.memory_space<vmem>>
        %dma_wait3A_677 = tpu.memref_slice %arg3[%add3A_674] : memref<320000xi32, #tpu.memory_space<hbm>> -> memref<40xi32, #tpu.memory_space<hbm>>
        %dma_wait3A_678 = arith.constant 0 : i32
        %dma_wait3A_679 = tpu.memref_slice %arg6[%dma_wait3A_678] : memref<200xi32, #tpu.memory_space<vmem>> -> memref<40xi32, #tpu.memory_space<vmem>>
        %dma_wait3A_680 = tpu.memref_slice %arg3[%add3A_674] : memref<320000xi32, #tpu.memory_space<hbm>> -> memref<40xi32, #tpu.memory_space<hbm>>
        tpu.wait_dma2 semaphore(%arg29 : memref<!tpu.dma_semaphore, #tpu.memory_space<semaphore_mem>>) src(%dma_wait3A_680 : memref<40xi32, #tpu.memory_space<hbm>>) dst(%dma_wait3A_679 : memref<40xi32, #tpu.memory_space<vmem>>)
        %add3A_681 = arith.constant 5 : i32
        %add3A_682 = arith.addi %add3A_526, %add3A_681 : i32
        %sub3A_683 = arith.constant 2 : i32
        %sub3A_684 = arith.subi %add3A_682, %sub3A_683 : i32
        %dma_start3A_685 = arith.constant 0 : i32
        %dma_start3A_686 = tpu.memref_slice %arg6[%dma_start3A_685] : memref<200xi32, #tpu.memory_space<vmem>> -> memref<40xi32, #tpu.memory_space<vmem>>
        %dma_start3A_687 = arith.constant 0 : i32
        %dma_start3A_688 = arith.constant 0 : i32
        %dma_start3A_689 = tpu.memref_slice %arg2[%dma_start3A_687, %dma_start3A_688] : memref<10000x128xf32, #tpu.memory_space<hbm>> -> memref<10000x128xf32, #tpu.memory_space<hbm>>
        tpu.enqueue_indirect_dma source(%dma_start3A_689 : memref<10000x128xf32, #tpu.memory_space<hbm>>) target(%arg8 : memref<40x128xf32, #tpu.memory_space<vmem>>) offsets(%dma_start3A_686 : memref<40xi32, #tpu.memory_space<vmem>>) semaphore(%arg14 : memref<!tpu.dma_semaphore, #tpu.memory_space<semaphore_mem>>)
        %mul3A_690 = arith.constant 10000 : i32
        %mul3A_691 = arith.muli %add3A, %mul3A_690 : i32
        %mul3A_692 = arith.constant 40 : i32
        %mul3A_693 = arith.muli %sub3A_684, %mul3A_692 : i32
        %add3A_694 = arith.addi %mul3A_691, %mul3A_693 : i32
        %dma_start3A_695 = arith.constant 0 : i32
        %dma_start3A_696 = arith.constant 0 : i32
        %dma_start3A_697 = tpu.memref_slice %arg7[%dma_start3A_695, %dma_start3A_696] : memref<5x40xi32, #tpu.memory_space<vmem>> -> memref<1x40xi32, #tpu.memory_space<vmem>>
        %dma_start3A_698 = tpu.memref_squeeze %dma_start3A_697 : memref<1x40xi32, #tpu.memory_space<vmem>> -> memref<40xi32, #tpu.memory_space<vmem>>
        %dma_start3A_699 = tpu.memref_slice %arg4[%add3A_694] : memref<320000xi32, #tpu.memory_space<hbm>> -> memref<40xi32, #tpu.memory_space<hbm>>
        %dma_start3A_700 = arith.constant 0 : i32
        %dma_start3A_701 = tpu.memref_slice %arg7[%dma_start3A_695, %dma_start3A_700] : memref<5x40xi32, #tpu.memory_space<vmem>> -> memref<1x40xi32, #tpu.memory_space<vmem>>
        %dma_start3A_702 = tpu.memref_squeeze %dma_start3A_701 : memref<1x40xi32, #tpu.memory_space<vmem>> -> memref<40xi32, #tpu.memory_space<vmem>>
        %dma_start3A_703 = tpu.memref_slice %arg4[%add3A_694] : memref<320000xi32, #tpu.memory_space<hbm>> -> memref<40xi32, #tpu.memory_space<hbm>>
        tpu.enqueue_dma source(%dma_start3A_703 : memref<40xi32, #tpu.memory_space<hbm>>) target(%dma_start3A_702 : memref<40xi32, #tpu.memory_space<vmem>>) target_semaphore(%arg24 : memref<!tpu.dma_semaphore, #tpu.memory_space<semaphore_mem>>)
      } else {
      }
      %mul3A_571 = arith.constant 5 : i32
      %mul3A_572 = arith.muli %mul3A_571, %scan3A_431 : i32
      %add3A_573 = arith.constant 3 : i32
      %add3A_574 = arith.addi %mul3A_572, %add3A_573 : i32
      %dma_wait3A_575 = arith.constant 120 : i32
      %dma_wait3A_576 = tpu.memref_slice %arg6[%dma_wait3A_575] : memref<200xi32, #tpu.memory_space<vmem>> -> memref<40xi32, #tpu.memory_space<vmem>>
      %dma_wait3A_577 = arith.constant 0 : i32
      %dma_wait3A_578 = arith.constant 0 : i32
      %dma_wait3A_579 = tpu.memref_slice %arg2[%dma_wait3A_577, %dma_wait3A_578] : memref<10000x128xf32, #tpu.memory_space<hbm>> -> memref<10000x128xf32, #tpu.memory_space<hbm>>
      tpu.wait_indirect_dma semaphore(%arg17 : memref<!tpu.dma_semaphore, #tpu.memory_space<semaphore_mem>>) src(%dma_wait3A_579 : memref<10000x128xf32, #tpu.memory_space<hbm>>) dst(%arg11 : memref<40x128xf32, #tpu.memory_space<vmem>>)
      %mul3A_580 = arith.constant 10000 : i32
      %mul3A_581 = arith.muli %add3A, %mul3A_580 : i32
      %mul3A_582 = arith.constant 40 : i32
      %mul3A_583 = arith.muli %add3A_574, %mul3A_582 : i32
      %add3A_584 = arith.addi %mul3A_581, %mul3A_583 : i32
      %dma_wait3A_585 = arith.constant 3 : i32
      %dma_wait3A_586 = arith.constant 0 : i32
      %dma_wait3A_587 = tpu.memref_slice %arg7[%dma_wait3A_585, %dma_wait3A_586] : memref<5x40xi32, #tpu.memory_space<vmem>> -> memref<1x40xi32, #tpu.memory_space<vmem>>
      %dma_wait3A_588 = tpu.memref_squeeze %dma_wait3A_587 : memref<1x40xi32, #tpu.memory_space<vmem>> -> memref<40xi32, #tpu.memory_space<vmem>>
      %dma_wait3A_589 = tpu.memref_slice %arg4[%add3A_584] : memref<320000xi32, #tpu.memory_space<hbm>> -> memref<40xi32, #tpu.memory_space<hbm>>
      %dma_wait3A_590 = arith.constant 0 : i32
      %dma_wait3A_591 = tpu.memref_slice %arg7[%dma_wait3A_585, %dma_wait3A_590] : memref<5x40xi32, #tpu.memory_space<vmem>> -> memref<1x40xi32, #tpu.memory_space<vmem>>
      %dma_wait3A_592 = tpu.memref_squeeze %dma_wait3A_591 : memref<1x40xi32, #tpu.memory_space<vmem>> -> memref<40xi32, #tpu.memory_space<vmem>>
      %dma_wait3A_593 = tpu.memref_slice %arg4[%add3A_584] : memref<320000xi32, #tpu.memory_space<hbm>> -> memref<40xi32, #tpu.memory_space<hbm>>
      tpu.wait_dma2 semaphore(%arg27 : memref<!tpu.dma_semaphore, #tpu.memory_space<semaphore_mem>>) src(%dma_wait3A_593 : memref<40xi32, #tpu.memory_space<hbm>>) dst(%dma_wait3A_592 : memref<40xi32, #tpu.memory_space<vmem>>)
      %dma_start3A_594 = arith.constant 3 : i32
      %dma_start3A_595 = arith.constant 0 : i32
      %dma_start3A_596 = tpu.memref_slice %arg7[%dma_start3A_594, %dma_start3A_595] : memref<5x40xi32, #tpu.memory_space<vmem>> -> memref<1x40xi32, #tpu.memory_space<vmem>>
      %dma_start3A_597 = tpu.memref_squeeze %dma_start3A_596 : memref<1x40xi32, #tpu.memory_space<vmem>> -> memref<40xi32, #tpu.memory_space<vmem>>
      %dma_start3A_598 = arith.constant 0 : i32
      %dma_start3A_599 = arith.constant 0 : i32
      %dma_start3A_600 = tpu.memref_slice %arg13[%dma_start3A_598, %dma_start3A_599] : memref<10240x128xf32, #tpu.memory_space<vmem_shared>> -> memref<10240x128xf32, #tpu.memory_space<vmem_shared>>
      tpu.enqueue_indirect_dma source(%arg11 : memref<40x128xf32, #tpu.memory_space<vmem>>) target(%dma_start3A_600 : memref<10240x128xf32, #tpu.memory_space<vmem_shared>>) offsets(%dma_start3A_597 : memref<40xi32, #tpu.memory_space<vmem>>) semaphore(%arg22 : memref<!tpu.dma_semaphore, #tpu.memory_space<semaphore_mem>>) {add = true}
      %gt3A_601 = arith.constant 0 : i32
      %gt3A_602 = arith.cmpi sgt, %add3A_574, %gt3A_601 : i32
      %lt3A_603 = arith.constant 246 : i32
      %lt3A_604 = arith.cmpi slt, %add3A_574, %lt3A_603 : i32
      %and3A_605 = arith.andi %gt3A_602, %lt3A_604 : i1
      %convert_element_type3A_606 = arith.extui %and3A_605 : i1 to i32
      %cond3A_607 = arith.constant 0 : i32
      %cond3A_608 = arith.cmpi ne, %convert_element_type3A_606, %cond3A_607 : i32
      scf.if %cond3A_608 {
        %sub3A = arith.constant 1 : i32
        %sub3A_667 = arith.subi %add3A_574, %sub3A : i32
        %dma_wait3A_668 = arith.constant 2 : i32
        %dma_wait3A_669 = arith.constant 0 : i32
        %dma_wait3A_670 = tpu.memref_slice %arg7[%dma_wait3A_668, %dma_wait3A_669] : memref<5x40xi32, #tpu.memory_space<vmem>> -> memref<1x40xi32, #tpu.memory_space<vmem>>
        %dma_wait3A_671 = tpu.memref_squeeze %dma_wait3A_670 : memref<1x40xi32, #tpu.memory_space<vmem>> -> memref<40xi32, #tpu.memory_space<vmem>>
        %dma_wait3A_672 = arith.constant 0 : i32
        %dma_wait3A_673 = arith.constant 0 : i32
        %dma_wait3A_674 = tpu.memref_slice %arg13[%dma_wait3A_672, %dma_wait3A_673] : memref<10240x128xf32, #tpu.memory_space<vmem_shared>> -> memref<10240x128xf32, #tpu.memory_space<vmem_shared>>
        tpu.wait_indirect_dma semaphore(%arg21 : memref<!tpu.dma_semaphore, #tpu.memory_space<semaphore_mem>>) src(%arg10 : memref<40x128xf32, #tpu.memory_space<vmem>>) dst(%dma_wait3A_674 : memref<10240x128xf32, #tpu.memory_space<vmem_shared>>)
      } else {
      }
      %lt3A_609 = arith.constant 246 : i32
      %lt3A_610 = arith.cmpi slt, %add3A_574, %lt3A_609 : i32
      %convert_element_type3A_611 = arith.extui %lt3A_610 : i1 to i32
      %cond3A_612 = arith.constant 0 : i32
      %cond3A_613 = arith.cmpi ne, %convert_element_type3A_611, %cond3A_612 : i32
      scf.if %cond3A_613 {
        %add3A_667 = arith.constant 5 : i32
        %add3A_668 = arith.addi %add3A_574, %add3A_667 : i32
        %sub3A = arith.constant 1 : i32
        %sub3A_669 = arith.subi %add3A_668, %sub3A : i32
        %mul3A_670 = arith.constant 10000 : i32
        %mul3A_671 = arith.muli %add3A, %mul3A_670 : i32
        %mul3A_672 = arith.constant 40 : i32
        %mul3A_673 = arith.muli %sub3A_669, %mul3A_672 : i32
        %add3A_674 = arith.addi %mul3A_671, %mul3A_673 : i32
        %dma_start3A_675 = arith.constant 80 : i32
        %dma_start3A_676 = tpu.memref_slice %arg6[%dma_start3A_675] : memref<200xi32, #tpu.memory_space<vmem>> -> memref<40xi32, #tpu.memory_space<vmem>>
        %dma_start3A_677 = tpu.memref_slice %arg3[%add3A_674] : memref<320000xi32, #tpu.memory_space<hbm>> -> memref<40xi32, #tpu.memory_space<hbm>>
        %dma_start3A_678 = arith.constant 80 : i32
        %dma_start3A_679 = tpu.memref_slice %arg6[%dma_start3A_678] : memref<200xi32, #tpu.memory_space<vmem>> -> memref<40xi32, #tpu.memory_space<vmem>>
        %dma_start3A_680 = tpu.memref_slice %arg3[%add3A_674] : memref<320000xi32, #tpu.memory_space<hbm>> -> memref<40xi32, #tpu.memory_space<hbm>>
        tpu.enqueue_dma source(%dma_start3A_680 : memref<40xi32, #tpu.memory_space<hbm>>) target(%dma_start3A_679 : memref<40xi32, #tpu.memory_space<vmem>>) target_semaphore(%arg31 : memref<!tpu.dma_semaphore, #tpu.memory_space<semaphore_mem>>)
      } else {
      }
      %lt3A_614 = arith.constant 247 : i32
      %lt3A_615 = arith.cmpi slt, %add3A_574, %lt3A_614 : i32
      %convert_element_type3A_616 = arith.extui %lt3A_615 : i1 to i32
      %cond3A_617 = arith.constant 0 : i32
      %cond3A_618 = arith.cmpi ne, %convert_element_type3A_616, %cond3A_617 : i32
      scf.if %cond3A_618 {
        %add3A_667 = arith.constant 5 : i32
        %add3A_668 = arith.addi %add3A_574, %add3A_667 : i32
        %sub3A = arith.constant 2 : i32
        %sub3A_669 = arith.subi %add3A_668, %sub3A : i32
        %mul3A_670 = arith.constant 10000 : i32
        %mul3A_671 = arith.muli %add3A, %mul3A_670 : i32
        %mul3A_672 = arith.constant 40 : i32
        %mul3A_673 = arith.muli %sub3A_669, %mul3A_672 : i32
        %add3A_674 = arith.addi %mul3A_671, %mul3A_673 : i32
        %dma_wait3A_675 = arith.constant 40 : i32
        %dma_wait3A_676 = tpu.memref_slice %arg6[%dma_wait3A_675] : memref<200xi32, #tpu.memory_space<vmem>> -> memref<40xi32, #tpu.memory_space<vmem>>
        %dma_wait3A_677 = tpu.memref_slice %arg3[%add3A_674] : memref<320000xi32, #tpu.memory_space<hbm>> -> memref<40xi32, #tpu.memory_space<hbm>>
        %dma_wait3A_678 = arith.constant 40 : i32
        %dma_wait3A_679 = tpu.memref_slice %arg6[%dma_wait3A_678] : memref<200xi32, #tpu.memory_space<vmem>> -> memref<40xi32, #tpu.memory_space<vmem>>
        %dma_wait3A_680 = tpu.memref_slice %arg3[%add3A_674] : memref<320000xi32, #tpu.memory_space<hbm>> -> memref<40xi32, #tpu.memory_space<hbm>>
        tpu.wait_dma2 semaphore(%arg30 : memref<!tpu.dma_semaphore, #tpu.memory_space<semaphore_mem>>) src(%dma_wait3A_680 : memref<40xi32, #tpu.memory_space<hbm>>) dst(%dma_wait3A_679 : memref<40xi32, #tpu.memory_space<vmem>>)
        %add3A_681 = arith.constant 5 : i32
        %add3A_682 = arith.addi %add3A_574, %add3A_681 : i32
        %sub3A_683 = arith.constant 2 : i32
        %sub3A_684 = arith.subi %add3A_682, %sub3A_683 : i32
        %dma_start3A_685 = arith.constant 40 : i32
        %dma_start3A_686 = tpu.memref_slice %arg6[%dma_start3A_685] : memref<200xi32, #tpu.memory_space<vmem>> -> memref<40xi32, #tpu.memory_space<vmem>>
        %dma_start3A_687 = arith.constant 0 : i32
        %dma_start3A_688 = arith.constant 0 : i32
        %dma_start3A_689 = tpu.memref_slice %arg2[%dma_start3A_687, %dma_start3A_688] : memref<10000x128xf32, #tpu.memory_space<hbm>> -> memref<10000x128xf32, #tpu.memory_space<hbm>>
        tpu.enqueue_indirect_dma source(%dma_start3A_689 : memref<10000x128xf32, #tpu.memory_space<hbm>>) target(%arg9 : memref<40x128xf32, #tpu.memory_space<vmem>>) offsets(%dma_start3A_686 : memref<40xi32, #tpu.memory_space<vmem>>) semaphore(%arg15 : memref<!tpu.dma_semaphore, #tpu.memory_space<semaphore_mem>>)
        %mul3A_690 = arith.constant 10000 : i32
        %mul3A_691 = arith.muli %add3A, %mul3A_690 : i32
        %mul3A_692 = arith.constant 40 : i32
        %mul3A_693 = arith.muli %sub3A_684, %mul3A_692 : i32
        %add3A_694 = arith.addi %mul3A_691, %mul3A_693 : i32
        %dma_start3A_695 = arith.constant 1 : i32
        %dma_start3A_696 = arith.constant 0 : i32
        %dma_start3A_697 = tpu.memref_slice %arg7[%dma_start3A_695, %dma_start3A_696] : memref<5x40xi32, #tpu.memory_space<vmem>> -> memref<1x40xi32, #tpu.memory_space<vmem>>
        %dma_start3A_698 = tpu.memref_squeeze %dma_start3A_697 : memref<1x40xi32, #tpu.memory_space<vmem>> -> memref<40xi32, #tpu.memory_space<vmem>>
        %dma_start3A_699 = tpu.memref_slice %arg4[%add3A_694] : memref<320000xi32, #tpu.memory_space<hbm>> -> memref<40xi32, #tpu.memory_space<hbm>>
        %dma_start3A_700 = arith.constant 0 : i32
        %dma_start3A_701 = tpu.memref_slice %arg7[%dma_start3A_695, %dma_start3A_700] : memref<5x40xi32, #tpu.memory_space<vmem>> -> memref<1x40xi32, #tpu.memory_space<vmem>>
        %dma_start3A_702 = tpu.memref_squeeze %dma_start3A_701 : memref<1x40xi32, #tpu.memory_space<vmem>> -> memref<40xi32, #tpu.memory_space<vmem>>
        %dma_start3A_703 = tpu.memref_slice %arg4[%add3A_694] : memref<320000xi32, #tpu.memory_space<hbm>> -> memref<40xi32, #tpu.memory_space<hbm>>
        tpu.enqueue_dma source(%dma_start3A_703 : memref<40xi32, #tpu.memory_space<hbm>>) target(%dma_start3A_702 : memref<40xi32, #tpu.memory_space<vmem>>) target_semaphore(%arg25 : memref<!tpu.dma_semaphore, #tpu.memory_space<semaphore_mem>>)
      } else {
      }
      %mul3A_619 = arith.constant 5 : i32
      %mul3A_620 = arith.muli %mul3A_619, %scan3A_431 : i32
      %add3A_621 = arith.constant 4 : i32
      %add3A_622 = arith.addi %mul3A_620, %add3A_621 : i32
      %dma_wait3A_623 = arith.constant 160 : i32
      %dma_wait3A_624 = tpu.memref_slice %arg6[%dma_wait3A_623] : memref<200xi32, #tpu.memory_space<vmem>> -> memref<40xi32, #tpu.memory_space<vmem>>
      %dma_wait3A_625 = arith.constant 0 : i32
      %dma_wait3A_626 = arith.constant 0 : i32
      %dma_wait3A_627 = tpu.memref_slice %arg2[%dma_wait3A_625, %dma_wait3A_626] : memref<10000x128xf32, #tpu.memory_space<hbm>> -> memref<10000x128xf32, #tpu.memory_space<hbm>>
      tpu.wait_indirect_dma semaphore(%arg18 : memref<!tpu.dma_semaphore, #tpu.memory_space<semaphore_mem>>) src(%dma_wait3A_627 : memref<10000x128xf32, #tpu.memory_space<hbm>>) dst(%arg12 : memref<40x128xf32, #tpu.memory_space<vmem>>)
      %mul3A_628 = arith.constant 10000 : i32
      %mul3A_629 = arith.muli %add3A, %mul3A_628 : i32
      %mul3A_630 = arith.constant 40 : i32
      %mul3A_631 = arith.muli %add3A_622, %mul3A_630 : i32
      %add3A_632 = arith.addi %mul3A_629, %mul3A_631 : i32
      %dma_wait3A_633 = arith.constant 4 : i32
      %dma_wait3A_634 = arith.constant 0 : i32
      %dma_wait3A_635 = tpu.memref_slice %arg7[%dma_wait3A_633, %dma_wait3A_634] : memref<5x40xi32, #tpu.memory_space<vmem>> -> memref<1x40xi32, #tpu.memory_space<vmem>>
      %dma_wait3A_636 = tpu.memref_squeeze %dma_wait3A_635 : memref<1x40xi32, #tpu.memory_space<vmem>> -> memref<40xi32, #tpu.memory_space<vmem>>
      %dma_wait3A_637 = tpu.memref_slice %arg4[%add3A_632] : memref<320000xi32, #tpu.memory_space<hbm>> -> memref<40xi32, #tpu.memory_space<hbm>>
      %dma_wait3A_638 = arith.constant 0 : i32
      %dma_wait3A_639 = tpu.memref_slice %arg7[%dma_wait3A_633, %dma_wait3A_638] : memref<5x40xi32, #tpu.memory_space<vmem>> -> memref<1x40xi32, #tpu.memory_space<vmem>>
      %dma_wait3A_640 = tpu.memref_squeeze %dma_wait3A_639 : memref<1x40xi32, #tpu.memory_space<vmem>> -> memref<40xi32, #tpu.memory_space<vmem>>
      %dma_wait3A_641 = tpu.memref_slice %arg4[%add3A_632] : memref<320000xi32, #tpu.memory_space<hbm>> -> memref<40xi32, #tpu.memory_space<hbm>>
      tpu.wait_dma2 semaphore(%arg28 : memref<!tpu.dma_semaphore, #tpu.memory_space<semaphore_mem>>) src(%dma_wait3A_641 : memref<40xi32, #tpu.memory_space<hbm>>) dst(%dma_wait3A_640 : memref<40xi32, #tpu.memory_space<vmem>>)
      %dma_start3A_642 = arith.constant 4 : i32
      %dma_start3A_643 = arith.constant 0 : i32
      %dma_start3A_644 = tpu.memref_slice %arg7[%dma_start3A_642, %dma_start3A_643] : memref<5x40xi32, #tpu.memory_space<vmem>> -> memref<1x40xi32, #tpu.memory_space<vmem>>
      %dma_start3A_645 = tpu.memref_squeeze %dma_start3A_644 : memref<1x40xi32, #tpu.memory_space<vmem>> -> memref<40xi32, #tpu.memory_space<vmem>>
      %dma_start3A_646 = arith.constant 0 : i32
      %dma_start3A_647 = arith.constant 0 : i32
      %dma_start3A_648 = tpu.memref_slice %arg13[%dma_start3A_646, %dma_start3A_647] : memref<10240x128xf32, #tpu.memory_space<vmem_shared>> -> memref<10240x128xf32, #tpu.memory_space<vmem_shared>>
      tpu.enqueue_indirect_dma source(%arg12 : memref<40x128xf32, #tpu.memory_space<vmem>>) target(%dma_start3A_648 : memref<10240x128xf32, #tpu.memory_space<vmem_shared>>) offsets(%dma_start3A_645 : memref<40xi32, #tpu.memory_space<vmem>>) semaphore(%arg23 : memref<!tpu.dma_semaphore, #tpu.memory_space<semaphore_mem>>) {add = true}
      %gt3A_649 = arith.constant 0 : i32
      %gt3A_650 = arith.cmpi sgt, %add3A_622, %gt3A_649 : i32
      %lt3A_651 = arith.constant 246 : i32
      %lt3A_652 = arith.cmpi slt, %add3A_622, %lt3A_651 : i32
      %and3A_653 = arith.andi %gt3A_650, %lt3A_652 : i1
      %convert_element_type3A_654 = arith.extui %and3A_653 : i1 to i32
      %cond3A_655 = arith.constant 0 : i32
      %cond3A_656 = arith.cmpi ne, %convert_element_type3A_654, %cond3A_655 : i32
      scf.if %cond3A_656 {
        %sub3A = arith.constant 1 : i32
        %sub3A_667 = arith.subi %add3A_622, %sub3A : i32
        %dma_wait3A_668 = arith.constant 3 : i32
        %dma_wait3A_669 = arith.constant 0 : i32
        %dma_wait3A_670 = tpu.memref_slice %arg7[%dma_wait3A_668, %dma_wait3A_669] : memref<5x40xi32, #tpu.memory_space<vmem>> -> memref<1x40xi32, #tpu.memory_space<vmem>>
        %dma_wait3A_671 = tpu.memref_squeeze %dma_wait3A_670 : memref<1x40xi32, #tpu.memory_space<vmem>> -> memref<40xi32, #tpu.memory_space<vmem>>
        %dma_wait3A_672 = arith.constant 0 : i32
        %dma_wait3A_673 = arith.constant 0 : i32
        %dma_wait3A_674 = tpu.memref_slice %arg13[%dma_wait3A_672, %dma_wait3A_673] : memref<10240x128xf32, #tpu.memory_space<vmem_shared>> -> memref<10240x128xf32, #tpu.memory_space<vmem_shared>>
        tpu.wait_indirect_dma semaphore(%arg22 : memref<!tpu.dma_semaphore, #tpu.memory_space<semaphore_mem>>) src(%arg11 : memref<40x128xf32, #tpu.memory_space<vmem>>) dst(%dma_wait3A_674 : memref<10240x128xf32, #tpu.memory_space<vmem_shared>>)
      } else {
      }
      %lt3A_657 = arith.constant 246 : i32
      %lt3A_658 = arith.cmpi slt, %add3A_622, %lt3A_657 : i32
      %convert_element_type3A_659 = arith.extui %lt3A_658 : i1 to i32
      %cond3A_660 = arith.constant 0 : i32
      %cond3A_661 = arith.cmpi ne, %convert_element_type3A_659, %cond3A_660 : i32
      scf.if %cond3A_661 {
        %add3A_667 = arith.constant 5 : i32
        %add3A_668 = arith.addi %add3A_622, %add3A_667 : i32
        %sub3A = arith.constant 1 : i32
        %sub3A_669 = arith.subi %add3A_668, %sub3A : i32
        %mul3A_670 = arith.constant 10000 : i32
        %mul3A_671 = arith.muli %add3A, %mul3A_670 : i32
        %mul3A_672 = arith.constant 40 : i32
        %mul3A_673 = arith.muli %sub3A_669, %mul3A_672 : i32
        %add3A_674 = arith.addi %mul3A_671, %mul3A_673 : i32
        %dma_start3A_675 = arith.constant 120 : i32
        %dma_start3A_676 = tpu.memref_slice %arg6[%dma_start3A_675] : memref<200xi32, #tpu.memory_space<vmem>> -> memref<40xi32, #tpu.memory_space<vmem>>
        %dma_start3A_677 = tpu.memref_slice %arg3[%add3A_674] : memref<320000xi32, #tpu.memory_space<hbm>> -> memref<40xi32, #tpu.memory_space<hbm>>
        %dma_start3A_678 = arith.constant 120 : i32
        %dma_start3A_679 = tpu.memref_slice %arg6[%dma_start3A_678] : memref<200xi32, #tpu.memory_space<vmem>> -> memref<40xi32, #tpu.memory_space<vmem>>
        %dma_start3A_680 = tpu.memref_slice %arg3[%add3A_674] : memref<320000xi32, #tpu.memory_space<hbm>> -> memref<40xi32, #tpu.memory_space<hbm>>
        tpu.enqueue_dma source(%dma_start3A_680 : memref<40xi32, #tpu.memory_space<hbm>>) target(%dma_start3A_679 : memref<40xi32, #tpu.memory_space<vmem>>) target_semaphore(%arg32 : memref<!tpu.dma_semaphore, #tpu.memory_space<semaphore_mem>>)
      } else {
      }
      %lt3A_662 = arith.constant 247 : i32
      %lt3A_663 = arith.cmpi slt, %add3A_622, %lt3A_662 : i32
      %convert_element_type3A_664 = arith.extui %lt3A_663 : i1 to i32
      %cond3A_665 = arith.constant 0 : i32
      %cond3A_666 = arith.cmpi ne, %convert_element_type3A_664, %cond3A_665 : i32
      scf.if %cond3A_666 {
        %add3A_667 = arith.constant 5 : i32
        %add3A_668 = arith.addi %add3A_622, %add3A_667 : i32
        %sub3A = arith.constant 2 : i32
        %sub3A_669 = arith.subi %add3A_668, %sub3A : i32
        %mul3A_670 = arith.constant 10000 : i32
        %mul3A_671 = arith.muli %add3A, %mul3A_670 : i32
        %mul3A_672 = arith.constant 40 : i32
        %mul3A_673 = arith.muli %sub3A_669, %mul3A_672 : i32
        %add3A_674 = arith.addi %mul3A_671, %mul3A_673 : i32
        %dma_wait3A_675 = arith.constant 80 : i32
        %dma_wait3A_676 = tpu.memref_slice %arg6[%dma_wait3A_675] : memref<200xi32, #tpu.memory_space<vmem>> -> memref<40xi32, #tpu.memory_space<vmem>>
        %dma_wait3A_677 = tpu.memref_slice %arg3[%add3A_674] : memref<320000xi32, #tpu.memory_space<hbm>> -> memref<40xi32, #tpu.memory_space<hbm>>
        %dma_wait3A_678 = arith.constant 80 : i32
        %dma_wait3A_679 = tpu.memref_slice %arg6[%dma_wait3A_678] : memref<200xi32, #tpu.memory_space<vmem>> -> memref<40xi32, #tpu.memory_space<vmem>>
        %dma_wait3A_680 = tpu.memref_slice %arg3[%add3A_674] : memref<320000xi32, #tpu.memory_space<hbm>> -> memref<40xi32, #tpu.memory_space<hbm>>
        tpu.wait_dma2 semaphore(%arg31 : memref<!tpu.dma_semaphore, #tpu.memory_space<semaphore_mem>>) src(%dma_wait3A_680 : memref<40xi32, #tpu.memory_space<hbm>>) dst(%dma_wait3A_679 : memref<40xi32, #tpu.memory_space<vmem>>)
        %add3A_681 = arith.constant 5 : i32
        %add3A_682 = arith.addi %add3A_622, %add3A_681 : i32
        %sub3A_683 = arith.constant 2 : i32
        %sub3A_684 = arith.subi %add3A_682, %sub3A_683 : i32
        %dma_start3A_685 = arith.constant 80 : i32
        %dma_start3A_686 = tpu.memref_slice %arg6[%dma_start3A_685] : memref<200xi32, #tpu.memory_space<vmem>> -> memref<40xi32, #tpu.memory_space<vmem>>
        %dma_start3A_687 = arith.constant 0 : i32
        %dma_start3A_688 = arith.constant 0 : i32
        %dma_start3A_689 = tpu.memref_slice %arg2[%dma_start3A_687, %dma_start3A_688] : memref<10000x128xf32, #tpu.memory_space<hbm>> -> memref<10000x128xf32, #tpu.memory_space<hbm>>
        tpu.enqueue_indirect_dma source(%dma_start3A_689 : memref<10000x128xf32, #tpu.memory_space<hbm>>) target(%arg10 : memref<40x128xf32, #tpu.memory_space<vmem>>) offsets(%dma_start3A_686 : memref<40xi32, #tpu.memory_space<vmem>>) semaphore(%arg16 : memref<!tpu.dma_semaphore, #tpu.memory_space<semaphore_mem>>)
        %mul3A_690 = arith.constant 10000 : i32
        %mul3A_691 = arith.muli %add3A, %mul3A_690 : i32
        %mul3A_692 = arith.constant 40 : i32
        %mul3A_693 = arith.muli %sub3A_684, %mul3A_692 : i32
        %add3A_694 = arith.addi %mul3A_691, %mul3A_693 : i32
        %dma_start3A_695 = arith.constant 2 : i32
        %dma_start3A_696 = arith.constant 0 : i32
        %dma_start3A_697 = tpu.memref_slice %arg7[%dma_start3A_695, %dma_start3A_696] : memref<5x40xi32, #tpu.memory_space<vmem>> -> memref<1x40xi32, #tpu.memory_space<vmem>>
        %dma_start3A_698 = tpu.memref_squeeze %dma_start3A_697 : memref<1x40xi32, #tpu.memory_space<vmem>> -> memref<40xi32, #tpu.memory_space<vmem>>
        %dma_start3A_699 = tpu.memref_slice %arg4[%add3A_694] : memref<320000xi32, #tpu.memory_space<hbm>> -> memref<40xi32, #tpu.memory_space<hbm>>
        %dma_start3A_700 = arith.constant 0 : i32
        %dma_start3A_701 = tpu.memref_slice %arg7[%dma_start3A_695, %dma_start3A_700] : memref<5x40xi32, #tpu.memory_space<vmem>> -> memref<1x40xi32, #tpu.memory_space<vmem>>
        %dma_start3A_702 = tpu.memref_squeeze %dma_start3A_701 : memref<1x40xi32, #tpu.memory_space<vmem>> -> memref<40xi32, #tpu.memory_space<vmem>>
        %dma_start3A_703 = tpu.memref_slice %arg4[%add3A_694] : memref<320000xi32, #tpu.memory_space<hbm>> -> memref<40xi32, #tpu.memory_space<hbm>>
        tpu.enqueue_dma source(%dma_start3A_703 : memref<40xi32, #tpu.memory_space<hbm>>) target(%dma_start3A_702 : memref<40xi32, #tpu.memory_space<vmem>>) target_semaphore(%arg26 : memref<!tpu.dma_semaphore, #tpu.memory_space<semaphore_mem>>)
      } else {
      }
    }
    %scan3A_390 = arith.constant 50 : i32
    %dma_wait3A_391 = arith.constant 0 : i32
    %dma_wait3A_392 = arith.constant 0 : i32
    %dma_wait3A_393 = tpu.memref_slice %arg7[%dma_wait3A_391, %dma_wait3A_392] : memref<5x40xi32, #tpu.memory_space<vmem>> -> memref<1x40xi32, #tpu.memory_space<vmem>>
    %dma_wait3A_394 = tpu.memref_squeeze %dma_wait3A_393 : memref<1x40xi32, #tpu.memory_space<vmem>> -> memref<40xi32, #tpu.memory_space<vmem>>
    %dma_wait3A_395 = arith.constant 0 : i32
    %dma_wait3A_396 = arith.constant 0 : i32
    %dma_wait3A_397 = tpu.memref_slice %arg13[%dma_wait3A_395, %dma_wait3A_396] : memref<10240x128xf32, #tpu.memory_space<vmem_shared>> -> memref<10240x128xf32, #tpu.memory_space<vmem_shared>>
    tpu.wait_indirect_dma semaphore(%arg19 : memref<!tpu.dma_semaphore, #tpu.memory_space<semaphore_mem>>) src(%arg8 : memref<40x128xf32, #tpu.memory_space<vmem>>) dst(%dma_wait3A_397 : memref<10240x128xf32, #tpu.memory_space<vmem_shared>>)
    %dma_wait3A_398 = arith.constant 1 : i32
    %dma_wait3A_399 = arith.constant 0 : i32
    %dma_wait3A_400 = tpu.memref_slice %arg7[%dma_wait3A_398, %dma_wait3A_399] : memref<5x40xi32, #tpu.memory_space<vmem>> -> memref<1x40xi32, #tpu.memory_space<vmem>>
    %dma_wait3A_401 = tpu.memref_squeeze %dma_wait3A_400 : memref<1x40xi32, #tpu.memory_space<vmem>> -> memref<40xi32, #tpu.memory_space<vmem>>
    %dma_wait3A_402 = arith.constant 0 : i32
    %dma_wait3A_403 = arith.constant 0 : i32
    %dma_wait3A_404 = tpu.memref_slice %arg13[%dma_wait3A_402, %dma_wait3A_403] : memref<10240x128xf32, #tpu.memory_space<vmem_shared>> -> memref<10240x128xf32, #tpu.memory_space<vmem_shared>>
    tpu.wait_indirect_dma semaphore(%arg20 : memref<!tpu.dma_semaphore, #tpu.memory_space<semaphore_mem>>) src(%arg9 : memref<40x128xf32, #tpu.memory_space<vmem>>) dst(%dma_wait3A_404 : memref<10240x128xf32, #tpu.memory_space<vmem_shared>>)
    %dma_wait3A_405 = arith.constant 2 : i32
    %dma_wait3A_406 = arith.constant 0 : i32
    %dma_wait3A_407 = tpu.memref_slice %arg7[%dma_wait3A_405, %dma_wait3A_406] : memref<5x40xi32, #tpu.memory_space<vmem>> -> memref<1x40xi32, #tpu.memory_space<vmem>>
    %dma_wait3A_408 = tpu.memref_squeeze %dma_wait3A_407 : memref<1x40xi32, #tpu.memory_space<vmem>> -> memref<40xi32, #tpu.memory_space<vmem>>
    %dma_wait3A_409 = arith.constant 0 : i32
    %dma_wait3A_410 = arith.constant 0 : i32
    %dma_wait3A_411 = tpu.memref_slice %arg13[%dma_wait3A_409, %dma_wait3A_410] : memref<10240x128xf32, #tpu.memory_space<vmem_shared>> -> memref<10240x128xf32, #tpu.memory_space<vmem_shared>>
    tpu.wait_indirect_dma semaphore(%arg21 : memref<!tpu.dma_semaphore, #tpu.memory_space<semaphore_mem>>) src(%arg10 : memref<40x128xf32, #tpu.memory_space<vmem>>) dst(%dma_wait3A_411 : memref<10240x128xf32, #tpu.memory_space<vmem_shared>>)
    %dma_wait3A_412 = arith.constant 3 : i32
    %dma_wait3A_413 = arith.constant 0 : i32
    %dma_wait3A_414 = tpu.memref_slice %arg7[%dma_wait3A_412, %dma_wait3A_413] : memref<5x40xi32, #tpu.memory_space<vmem>> -> memref<1x40xi32, #tpu.memory_space<vmem>>
    %dma_wait3A_415 = tpu.memref_squeeze %dma_wait3A_414 : memref<1x40xi32, #tpu.memory_space<vmem>> -> memref<40xi32, #tpu.memory_space<vmem>>
    %dma_wait3A_416 = arith.constant 0 : i32
    %dma_wait3A_417 = arith.constant 0 : i32
    %dma_wait3A_418 = tpu.memref_slice %arg13[%dma_wait3A_416, %dma_wait3A_417] : memref<10240x128xf32, #tpu.memory_space<vmem_shared>> -> memref<10240x128xf32, #tpu.memory_space<vmem_shared>>
    tpu.wait_indirect_dma semaphore(%arg22 : memref<!tpu.dma_semaphore, #tpu.memory_space<semaphore_mem>>) src(%arg11 : memref<40x128xf32, #tpu.memory_space<vmem>>) dst(%dma_wait3A_418 : memref<10240x128xf32, #tpu.memory_space<vmem_shared>>)
    %dma_wait3A_419 = arith.constant 4 : i32
    %dma_wait3A_420 = arith.constant 0 : i32
    %dma_wait3A_421 = tpu.memref_slice %arg7[%dma_wait3A_419, %dma_wait3A_420] : memref<5x40xi32, #tpu.memory_space<vmem>> -> memref<1x40xi32, #tpu.memory_space<vmem>>
    %dma_wait3A_422 = tpu.memref_squeeze %dma_wait3A_421 : memref<1x40xi32, #tpu.memory_space<vmem>> -> memref<40xi32, #tpu.memory_space<vmem>>
    %dma_wait3A_423 = arith.constant 0 : i32
    %dma_wait3A_424 = arith.constant 0 : i32
    %dma_wait3A_425 = tpu.memref_slice %arg13[%dma_wait3A_423, %dma_wait3A_424] : memref<10240x128xf32, #tpu.memory_space<vmem_shared>> -> memref<10240x128xf32, #tpu.memory_space<vmem_shared>>
    tpu.wait_indirect_dma semaphore(%arg23 : memref<!tpu.dma_semaphore, #tpu.memory_space<semaphore_mem>>) src(%arg12 : memref<40x128xf32, #tpu.memory_space<vmem>>) dst(%dma_wait3A_425 : memref<10240x128xf32, #tpu.memory_space<vmem_shared>>)
    %barrier3A_426 = arith.constant 0 : index
    tpu.barrier barrier_id(%barrier3A_426)
    %mul3A_427 = arith.constant 640 : i32
    %mul3A_428 = arith.muli %arg1, %mul3A_427 : i32
    %mul3A_429 = arith.constant 640 : i32
    %mul3A_430 = arith.muli %arg1, %mul3A_429 : i32
    "tpu.region"() ({
      %run_scoped3A = tpu.sem_alloc : memref<!tpu.dma_semaphore, #tpu.memory_space<semaphore_mem>>
      %dma_start3A_431 = arith.constant 0 : i32
      %dma_start3A_432 = tpu.memref_slice %arg5[%arg0, %mul3A_430, %dma_start3A_431] : memref<2x10240x128xf32, #tpu.memory_space<hbm>> -> memref<1x640x128xf32, #tpu.memory_space<hbm>>
      %dma_start3A_433 = tpu.memref_squeeze %dma_start3A_432 : memref<1x640x128xf32, #tpu.memory_space<hbm>> -> memref<640x128xf32, #tpu.memory_space<hbm>>
      %dma_start3A_434 = arith.constant 0 : i32
      %dma_start3A_435 = tpu.memref_slice %arg13[%mul3A_428, %dma_start3A_434] : memref<10240x128xf32, #tpu.memory_space<vmem_shared>> -> memref<640x128xf32, #tpu.memory_space<vmem_shared>>
      tpu.enqueue_dma source(%dma_start3A_435 : memref<640x128xf32, #tpu.memory_space<vmem_shared>>) target(%dma_start3A_433 : memref<640x128xf32, #tpu.memory_space<hbm>>) target_semaphore(%run_scoped3A : memref<!tpu.dma_semaphore, #tpu.memory_space<semaphore_mem>>)
      %dma_wait3A_436 = arith.constant 0 : i32
      %dma_wait3A_437 = tpu.memref_slice %arg5[%arg0, %mul3A_430, %dma_wait3A_436] : memref<2x10240x128xf32, #tpu.memory_space<hbm>> -> memref<1x640x128xf32, #tpu.memory_space<hbm>>
      %dma_wait3A_438 = tpu.memref_squeeze %dma_wait3A_437 : memref<1x640x128xf32, #tpu.memory_space<hbm>> -> memref<640x128xf32, #tpu.memory_space<hbm>>
      %dma_wait3A_439 = arith.constant 0 : i32
      %dma_wait3A_440 = tpu.memref_slice %arg13[%mul3A_428, %dma_wait3A_439] : memref<10240x128xf32, #tpu.memory_space<vmem_shared>> -> memref<640x128xf32, #tpu.memory_space<vmem_shared>>
      tpu.wait_dma2 semaphore(%run_scoped3A : memref<!tpu.dma_semaphore, #tpu.memory_space<semaphore_mem>>) src(%dma_wait3A_440 : memref<640x128xf32, #tpu.memory_space<vmem_shared>>) dst(%dma_wait3A_438 : memref<640x128xf32, #tpu.memory_space<hbm>>)
      tpu.yield
    }) : () -> ()
    return
  }
}

#map = affine_map<(d0, d1) -> (0, 0)>
#map1 = affine_map<(d0, d1) -> (0)>
#map2 = affine_map<(d0, d1) -> (0, 0, 0)>
module attributes {stable_mosaic.version = 14 : i64} {
  func.func @agg_kernel(%arg0: i32, %arg1: i32, %arg2: memref<10000x128xf32, #tpu.memory_space<hbm>>, %arg3: memref<320000xi32, #tpu.memory_space<hbm>>, %arg4: memref<320000xi32, #tpu.memory_space<hbm>>, %arg5: memref<2x10240x128xf32, #tpu.memory_space<hbm>>, %arg6: memref<200xi32, #tpu.memory_space<vmem>>, %arg7: memref<5x40xi32, #tpu.memory_space<vmem>>, %arg8: memref<40x128xf32, #tpu.memory_space<vmem>>, %arg9: memref<40x128xf32, #tpu.memory_space<vmem>>, %arg10: memref<40x128xf32, #tpu.memory_space<vmem>>, %arg11: memref<40x128xf32, #tpu.memory_space<vmem>>, %arg12: memref<40x128xf32, #tpu.memory_space<vmem>>, %arg13: memref<10240x128xf32, #tpu.memory_space<vmem_shared>>, %arg14: memref<!tpu.dma_semaphore, #tpu.memory_space<semaphore_mem>>, %arg15: memref<!tpu.dma_semaphore, #tpu.memory_space<semaphore_mem>>, %arg16: memref<!tpu.dma_semaphore, #tpu.memory_space<semaphore_mem>>, %arg17: memref<!tpu.dma_semaphore, #tpu.memory_space<semaphore_mem>>, %arg18: memref<!tpu.dma_semaphore, #tpu.memory_space<semaphore_mem>>, %arg19: memref<!tpu.dma_semaphore, #tpu.memory_space<semaphore_mem>>, %arg20: memref<!tpu.dma_semaphore, #tpu.memory_space<semaphore_mem>>, %arg21: memref<!tpu.dma_semaphore, #tpu.memory_space<semaphore_mem>>, %arg22: memref<!tpu.dma_semaphore, #tpu.memory_space<semaphore_mem>>, %arg23: memref<!tpu.dma_semaphore, #tpu.memory_space<semaphore_mem>>, %arg24: memref<!tpu.dma_semaphore, #tpu.memory_space<semaphore_mem>>, %arg25: memref<!tpu.dma_semaphore, #tpu.memory_space<semaphore_mem>>, %arg26: memref<!tpu.dma_semaphore, #tpu.memory_space<semaphore_mem>>, %arg27: memref<!tpu.dma_semaphore, #tpu.memory_space<semaphore_mem>>, %arg28: memref<!tpu.dma_semaphore, #tpu.memory_space<semaphore_mem>>, %arg29: memref<!tpu.dma_semaphore, #tpu.memory_space<semaphore_mem>>, %arg30: memref<!tpu.dma_semaphore, #tpu.memory_space<semaphore_mem>>, %arg31: memref<!tpu.dma_semaphore, #tpu.memory_space<semaphore_mem>>, %arg32: memref<!tpu.dma_semaphore, #tpu.memory_space<semaphore_mem>>, %arg33: memref<!tpu.dma_semaphore, #tpu.memory_space<semaphore_mem>>) attributes {dimension_semantics = [#tpu.dimension_semantics<core_parallel>, #tpu.dimension_semantics<subcore_parallel>], iteration_bounds = array<i64: 2, 16>, scalar_prefetch = 0 : i64, scratch_operands = 28 : i64, tpu.core_type = #tpu.core_type<sc_vector_subcore>, window_params = [{transform_indices = #map}, {transform_indices = #map1}, {transform_indices = #map1}, {transform_indices = #map2}]} {
    %mul3A = arith.constant 16 : i32
    %mul3A_0 = arith.muli %arg0, %mul3A : i32
    %add3A = arith.addi %mul3A_0, %arg1 : i32
    %mul3A_1 = arith.constant 10000 : i32
    %mul3A_2 = arith.muli %add3A, %mul3A_1 : i32
    %add3A_3 = arith.constant 0 : i32
    %add3A_4 = arith.addi %mul3A_2, %add3A_3 : i32
    %dma_start3A = arith.constant 0 : i32
    %dma_start3A_5 = tpu.memref_slice %arg6[%dma_start3A] : memref<200xi32, #tpu.memory_space<vmem>> -> memref<40xi32, #tpu.memory_space<vmem>>
    %dma_start3A_6 = tpu.memref_slice %arg3[%add3A_4] : memref<320000xi32, #tpu.memory_space<hbm>> -> memref<40xi32, #tpu.memory_space<hbm>>
    %dma_start3A_7 = arith.constant 0 : i32
    %dma_start3A_8 = tpu.memref_slice %arg6[%dma_start3A_7] : memref<200xi32, #tpu.memory_space<vmem>> -> memref<40xi32, #tpu.memory_space<vmem>>
    %dma_start3A_9 = tpu.memref_slice %arg3[%add3A_4] : memref<320000xi32, #tpu.memory_space<hbm>> -> memref<40xi32, #tpu.memory_space<hbm>>
    tpu.enqueue_dma source(%dma_start3A_9 : memref<40xi32, #tpu.memory_space<hbm>>) target(%dma_start3A_8 : memref<40xi32, #tpu.memory_space<vmem>>) target_semaphore(%arg29 : memref<!tpu.dma_semaphore, #tpu.memory_space<semaphore_mem>>)
    %mul3A_10 = arith.constant 10000 : i32
    %mul3A_11 = arith.muli %add3A, %mul3A_10 : i32
    %add3A_12 = arith.constant 40 : i32
    %add3A_13 = arith.addi %mul3A_11, %add3A_12 : i32
    %dma_start3A_14 = arith.constant 40 : i32
    %dma_start3A_15 = tpu.memref_slice %arg6[%dma_start3A_14] : memref<200xi32, #tpu.memory_space<vmem>> -> memref<40xi32, #tpu.memory_space<vmem>>
    %dma_start3A_16 = tpu.memref_slice %arg3[%add3A_13] : memref<320000xi32, #tpu.memory_space<hbm>> -> memref<40xi32, #tpu.memory_space<hbm>>
    %dma_start3A_17 = arith.constant 40 : i32
    %dma_start3A_18 = tpu.memref_slice %arg6[%dma_start3A_17] : memref<200xi32, #tpu.memory_space<vmem>> -> memref<40xi32, #tpu.memory_space<vmem>>
    %dma_start3A_19 = tpu.memref_slice %arg3[%add3A_13] : memref<320000xi32, #tpu.memory_space<hbm>> -> memref<40xi32, #tpu.memory_space<hbm>>
    tpu.enqueue_dma source(%dma_start3A_19 : memref<40xi32, #tpu.memory_space<hbm>>) target(%dma_start3A_18 : memref<40xi32, #tpu.memory_space<vmem>>) target_semaphore(%arg30 : memref<!tpu.dma_semaphore, #tpu.memory_space<semaphore_mem>>)
    %mul3A_20 = arith.constant 10000 : i32
    %mul3A_21 = arith.muli %add3A, %mul3A_20 : i32
    %add3A_22 = arith.constant 80 : i32
    %add3A_23 = arith.addi %mul3A_21, %add3A_22 : i32
    %dma_start3A_24 = arith.constant 80 : i32
    %dma_start3A_25 = tpu.memref_slice %arg6[%dma_start3A_24] : memref<200xi32, #tpu.memory_space<vmem>> -> memref<40xi32, #tpu.memory_space<vmem>>
    %dma_start3A_26 = tpu.memref_slice %arg3[%add3A_23] : memref<320000xi32, #tpu.memory_space<hbm>> -> memref<40xi32, #tpu.memory_space<hbm>>
    %dma_start3A_27 = arith.constant 80 : i32
    %dma_start3A_28 = tpu.memref_slice %arg6[%dma_start3A_27] : memref<200xi32, #tpu.memory_space<vmem>> -> memref<40xi32, #tpu.memory_space<vmem>>
    %dma_start3A_29 = tpu.memref_slice %arg3[%add3A_23] : memref<320000xi32, #tpu.memory_space<hbm>> -> memref<40xi32, #tpu.memory_space<hbm>>
    tpu.enqueue_dma source(%dma_start3A_29 : memref<40xi32, #tpu.memory_space<hbm>>) target(%dma_start3A_28 : memref<40xi32, #tpu.memory_space<vmem>>) target_semaphore(%arg31 : memref<!tpu.dma_semaphore, #tpu.memory_space<semaphore_mem>>)
    %mul3A_30 = arith.constant 10000 : i32
    %mul3A_31 = arith.muli %add3A, %mul3A_30 : i32
    %add3A_32 = arith.constant 120 : i32
    %add3A_33 = arith.addi %mul3A_31, %add3A_32 : i32
    %dma_start3A_34 = arith.constant 120 : i32
    %dma_start3A_35 = tpu.memref_slice %arg6[%dma_start3A_34] : memref<200xi32, #tpu.memory_space<vmem>> -> memref<40xi32, #tpu.memory_space<vmem>>
    %dma_start3A_36 = tpu.memref_slice %arg3[%add3A_33] : memref<320000xi32, #tpu.memory_space<hbm>> -> memref<40xi32, #tpu.memory_space<hbm>>
    %dma_start3A_37 = arith.constant 120 : i32
    %dma_start3A_38 = tpu.memref_slice %arg6[%dma_start3A_37] : memref<200xi32, #tpu.memory_space<vmem>> -> memref<40xi32, #tpu.memory_space<vmem>>
    %dma_start3A_39 = tpu.memref_slice %arg3[%add3A_33] : memref<320000xi32, #tpu.memory_space<hbm>> -> memref<40xi32, #tpu.memory_space<hbm>>
    tpu.enqueue_dma source(%dma_start3A_39 : memref<40xi32, #tpu.memory_space<hbm>>) target(%dma_start3A_38 : memref<40xi32, #tpu.memory_space<vmem>>) target_semaphore(%arg32 : memref<!tpu.dma_semaphore, #tpu.memory_space<semaphore_mem>>)
    %broadcast_in_dim3A = arith.constant 0.000000e+00 : f32
    %broadcast_in_dim3A_40 = vector.broadcast %broadcast_in_dim3A : f32 to vector<16xf32>
    %scan3A = arith.constant 0 : i32
    %scan3A_41 = arith.constant 0 : i32
    %scan3A_42 = arith.constant 320 : i32
    %scan3A_43 = arith.addi %scan3A_41, %scan3A_42 : i32
    %scan3A_44 = arith.constant 8 : i32
    scf.for %scan3A_431 = %scan3A_41 to %scan3A_43 step %scan3A_44  : i32 {
      %jit3A = arith.constant 8 : i32
      %div3A = arith.divsi %scan3A_431, %jit3A : i32
      %sign3A = arith.constant 0 : i32
      %sign3A_432 = arith.cmpi sgt, %scan3A_431, %sign3A : i32
      %sign3A_433 = arith.extui %sign3A_432 : i1 to i32
      %sign3A_434 = arith.constant 0 : i32
      %sign3A_435 = arith.cmpi slt, %scan3A_431, %sign3A_434 : i32
      %sign3A_436 = arith.extui %sign3A_435 : i1 to i32
      %sign3A_437 = arith.subi %sign3A_433, %sign3A_436 : i32
      %sign3A_438 = arith.constant 0 : i32
      %sign3A_439 = arith.cmpi sgt, %jit3A, %sign3A_438 : i32
      %sign3A_440 = arith.extui %sign3A_439 : i1 to i32
      %sign3A_441 = arith.constant 0 : i32
      %sign3A_442 = arith.cmpi slt, %jit3A, %sign3A_441 : i32
      %sign3A_443 = arith.extui %sign3A_442 : i1 to i32
      %sign3A_444 = arith.subi %sign3A_440, %sign3A_443 : i32
      %ne3A = arith.cmpi ne, %sign3A_437, %sign3A_444 : i32
      %rem3A = arith.remsi %scan3A_431, %jit3A : i32
      %ne3A_445 = arith.constant 0 : i32
      %ne3A_446 = arith.cmpi ne, %rem3A, %ne3A_445 : i32
      %and3A = arith.andi %ne3A, %ne3A_446 : i1
      %sub3A = arith.constant 1 : i32
      %sub3A_447 = arith.subi %div3A, %sub3A : i32
      %select_n3A = arith.select %and3A, %sub3A_447, %div3A : i32
      %jit3A_448 = arith.constant 8 : i32
      %eq3A = arith.constant 0 : i32
      %eq3A_449 = arith.cmpi eq, %jit3A_448, %eq3A : i32
      %jit3A_450 = arith.constant 1 : i32
      %select_n3A_451 = arith.select %eq3A_449, %jit3A_450, %jit3A_448 : i32
      %rem3A_452 = arith.remsi %scan3A_431, %select_n3A_451 : i32
      %ne3A_453 = arith.constant 0 : i32
      %ne3A_454 = arith.cmpi ne, %rem3A_452, %ne3A_453 : i32
      %lt3A = arith.constant 0 : i32
      %lt3A_455 = arith.cmpi slt, %rem3A_452, %lt3A : i32
      %lt3A_456 = arith.constant 0 : i32
      %lt3A_457 = arith.cmpi slt, %select_n3A_451, %lt3A_456 : i32
      %ne3A_458 = arith.xori %lt3A_455, %lt3A_457 : i1
      %and3A_459 = arith.andi %ne3A_458, %ne3A_454 : i1
      %add3A_460 = arith.addi %rem3A_452, %select_n3A_451 : i32
      %select_n3A_461 = arith.select %and3A_459, %add3A_460, %rem3A_452 : i32
      %mul3A_462 = arith.constant 16 : i32
      %mul3A_463 = arith.muli %select_n3A_461, %mul3A_462 : i32
      %swap3A = arith.index_cast %select_n3A : i32 to index
      %swap3A_464 = arith.index_cast %mul3A_463 : i32 to index
      %swap3A_465 = tpu.vector_load %arg8[%swap3A, %swap3A_464] {strides = array<i32>} : memref<40x128xf32, #tpu.memory_space<vmem>>, vector<1x16xf32>,
      %swap3A_466 = vector.shape_cast %swap3A_465 : vector<1x16xf32> to vector<16xf32>
      %swap3A_467 = vector.shape_cast %broadcast_in_dim3A_40 : vector<16xf32> to vector<1x16xf32>
      tpu.vector_store %arg8[%swap3A, %swap3A_464], %swap3A_467 {strides = array<i32>} : memref<40x128xf32, #tpu.memory_space<vmem>>, vector<1x16xf32>,
      %scan3A_468 = arith.constant 1 : i32
      %scan3A_469 = arith.addi %scan3A_431, %scan3A_468 : i32
      %jit3A_470 = arith.constant 8 : i32
      %div3A_471 = arith.divsi %scan3A_469, %jit3A_470 : i32
      %sign3A_472 = arith.constant 0 : i32
      %sign3A_473 = arith.cmpi sgt, %scan3A_469, %sign3A_472 : i32
      %sign3A_474 = arith.extui %sign3A_473 : i1 to i32
      %sign3A_475 = arith.constant 0 : i32
      %sign3A_476 = arith.cmpi slt, %scan3A_469, %sign3A_475 : i32
      %sign3A_477 = arith.extui %sign3A_476 : i1 to i32
      %sign3A_478 = arith.subi %sign3A_474, %sign3A_477 : i32
      %sign3A_479 = arith.constant 0 : i32
      %sign3A_480 = arith.cmpi sgt, %jit3A_470, %sign3A_479 : i32
      %sign3A_481 = arith.extui %sign3A_480 : i1 to i32
      %sign3A_482 = arith.constant 0 : i32
      %sign3A_483 = arith.cmpi slt, %jit3A_470, %sign3A_482 : i32
      %sign3A_484 = arith.extui %sign3A_483 : i1 to i32
      %sign3A_485 = arith.subi %sign3A_481, %sign3A_484 : i32
      %ne3A_486 = arith.cmpi ne, %sign3A_478, %sign3A_485 : i32
      %rem3A_487 = arith.remsi %scan3A_469, %jit3A_470 : i32
      %ne3A_488 = arith.constant 0 : i32
      %ne3A_489 = arith.cmpi ne, %rem3A_487, %ne3A_488 : i32
      %and3A_490 = arith.andi %ne3A_486, %ne3A_489 : i1
      %sub3A_491 = arith.constant 1 : i32
      %sub3A_492 = arith.subi %div3A_471, %sub3A_491 : i32
      %select_n3A_493 = arith.select %and3A_490, %sub3A_492, %div3A_471 : i32
      %jit3A_494 = arith.constant 8 : i32
      %eq3A_495 = arith.constant 0 : i32
      %eq3A_496 = arith.cmpi eq, %jit3A_494, %eq3A_495 : i32
      %jit3A_497 = arith.constant 1 : i32
      %select_n3A_498 = arith.select %eq3A_496, %jit3A_497, %jit3A_494 : i32
      %rem3A_499 = arith.remsi %scan3A_469, %select_n3A_498 : i32
      %ne3A_500 = arith.constant 0 : i32
      %ne3A_501 = arith.cmpi ne, %rem3A_499, %ne3A_500 : i32
      %lt3A_502 = arith.constant 0 : i32
      %lt3A_503 = arith.cmpi slt, %rem3A_499, %lt3A_502 : i32
      %lt3A_504 = arith.constant 0 : i32
      %lt3A_505 = arith.cmpi slt, %select_n3A_498, %lt3A_504 : i32
      %ne3A_506 = arith.xori %lt3A_503, %lt3A_505 : i1
      %and3A_507 = arith.andi %ne3A_506, %ne3A_501 : i1
      %add3A_508 = arith.addi %rem3A_499, %select_n3A_498 : i32
      %select_n3A_509 = arith.select %and3A_507, %add3A_508, %rem3A_499 : i32
      %mul3A_510 = arith.constant 16 : i32
      %mul3A_511 = arith.muli %select_n3A_509, %mul3A_510 : i32
      %swap3A_512 = arith.index_cast %select_n3A_493 : i32 to index
      %swap3A_513 = arith.index_cast %mul3A_511 : i32 to index
      %swap3A_514 = tpu.vector_load %arg8[%swap3A_512, %swap3A_513] {strides = array<i32>} : memref<40x128xf32, #tpu.memory_space<vmem>>, vector<1x16xf32>,
      %swap3A_515 = vector.shape_cast %swap3A_514 : vector<1x16xf32> to vector<16xf32>
      %swap3A_516 = vector.shape_cast %broadcast_in_dim3A_40 : vector<16xf32> to vector<1x16xf32>
      tpu.vector_store %arg8[%swap3A_512, %swap3A_513], %swap3A_516 {strides = array<i32>} : memref<40x128xf32, #tpu.memory_space<vmem>>, vector<1x16xf32>,
      %scan3A_517 = arith.constant 2 : i32
      %scan3A_518 = arith.addi %scan3A_431, %scan3A_517 : i32
      %jit3A_519 = arith.constant 8 : i32
      %div3A_520 = arith.divsi %scan3A_518, %jit3A_519 : i32
      %sign3A_521 = arith.constant 0 : i32
      %sign3A_522 = arith.cmpi sgt, %scan3A_518, %sign3A_521 : i32
      %sign3A_523 = arith.extui %sign3A_522 : i1 to i32
      %sign3A_524 = arith.constant 0 : i32
      %sign3A_525 = arith.cmpi slt, %scan3A_518, %sign3A_524 : i32
      %sign3A_526 = arith.extui %sign3A_525 : i1 to i32
      %sign3A_527 = arith.subi %sign3A_523, %sign3A_526 : i32
      %sign3A_528 = arith.constant 0 : i32
      %sign3A_529 = arith.cmpi sgt, %jit3A_519, %sign3A_528 : i32
      %sign3A_530 = arith.extui %sign3A_529 : i1 to i32
      %sign3A_531 = arith.constant 0 : i32
      %sign3A_532 = arith.cmpi slt, %jit3A_519, %sign3A_531 : i32
      %sign3A_533 = arith.extui %sign3A_532 : i1 to i32
      %sign3A_534 = arith.subi %sign3A_530, %sign3A_533 : i32
      %ne3A_535 = arith.cmpi ne, %sign3A_527, %sign3A_534 : i32
      %rem3A_536 = arith.remsi %scan3A_518, %jit3A_519 : i32
      %ne3A_537 = arith.constant 0 : i32
      %ne3A_538 = arith.cmpi ne, %rem3A_536, %ne3A_537 : i32
      %and3A_539 = arith.andi %ne3A_535, %ne3A_538 : i1
      %sub3A_540 = arith.constant 1 : i32
      %sub3A_541 = arith.subi %div3A_520, %sub3A_540 : i32
      %select_n3A_542 = arith.select %and3A_539, %sub3A_541, %div3A_520 : i32
      %jit3A_543 = arith.constant 8 : i32
      %eq3A_544 = arith.constant 0 : i32
      %eq3A_545 = arith.cmpi eq, %jit3A_543, %eq3A_544 : i32
      %jit3A_546 = arith.constant 1 : i32
      %select_n3A_547 = arith.select %eq3A_545, %jit3A_546, %jit3A_543 : i32
      %rem3A_548 = arith.remsi %scan3A_518, %select_n3A_547 : i32
      %ne3A_549 = arith.constant 0 : i32
      %ne3A_550 = arith.cmpi ne, %rem3A_548, %ne3A_549 : i32
      %lt3A_551 = arith.constant 0 : i32
      %lt3A_552 = arith.cmpi slt, %rem3A_548, %lt3A_551 : i32
      %lt3A_553 = arith.constant 0 : i32
      %lt3A_554 = arith.cmpi slt, %select_n3A_547, %lt3A_553 : i32
      %ne3A_555 = arith.xori %lt3A_552, %lt3A_554 : i1
      %and3A_556 = arith.andi %ne3A_555, %ne3A_550 : i1
      %add3A_557 = arith.addi %rem3A_548, %select_n3A_547 : i32
      %select_n3A_558 = arith.select %and3A_556, %add3A_557, %rem3A_548 : i32
      %mul3A_559 = arith.constant 16 : i32
      %mul3A_560 = arith.muli %select_n3A_558, %mul3A_559 : i32
      %swap3A_561 = arith.index_cast %select_n3A_542 : i32 to index
      %swap3A_562 = arith.index_cast %mul3A_560 : i32 to index
      %swap3A_563 = tpu.vector_load %arg8[%swap3A_561, %swap3A_562] {strides = array<i32>} : memref<40x128xf32, #tpu.memory_space<vmem>>, vector<1x16xf32>,
      %swap3A_564 = vector.shape_cast %swap3A_563 : vector<1x16xf32> to vector<16xf32>
      %swap3A_565 = vector.shape_cast %broadcast_in_dim3A_40 : vector<16xf32> to vector<1x16xf32>
      tpu.vector_store %arg8[%swap3A_561, %swap3A_562], %swap3A_565 {strides = array<i32>} : memref<40x128xf32, #tpu.memory_space<vmem>>, vector<1x16xf32>,
      %scan3A_566 = arith.constant 3 : i32
      %scan3A_567 = arith.addi %scan3A_431, %scan3A_566 : i32
      %jit3A_568 = arith.constant 8 : i32
      %div3A_569 = arith.divsi %scan3A_567, %jit3A_568 : i32
      %sign3A_570 = arith.constant 0 : i32
      %sign3A_571 = arith.cmpi sgt, %scan3A_567, %sign3A_570 : i32
      %sign3A_572 = arith.extui %sign3A_571 : i1 to i32
      %sign3A_573 = arith.constant 0 : i32
      %sign3A_574 = arith.cmpi slt, %scan3A_567, %sign3A_573 : i32
      %sign3A_575 = arith.extui %sign3A_574 : i1 to i32
      %sign3A_576 = arith.subi %sign3A_572, %sign3A_575 : i32
      %sign3A_577 = arith.constant 0 : i32
      %sign3A_578 = arith.cmpi sgt, %jit3A_568, %sign3A_577 : i32
      %sign3A_579 = arith.extui %sign3A_578 : i1 to i32
      %sign3A_580 = arith.constant 0 : i32
      %sign3A_581 = arith.cmpi slt, %jit3A_568, %sign3A_580 : i32
      %sign3A_582 = arith.extui %sign3A_581 : i1 to i32
      %sign3A_583 = arith.subi %sign3A_579, %sign3A_582 : i32
      %ne3A_584 = arith.cmpi ne, %sign3A_576, %sign3A_583 : i32
      %rem3A_585 = arith.remsi %scan3A_567, %jit3A_568 : i32
      %ne3A_586 = arith.constant 0 : i32
      %ne3A_587 = arith.cmpi ne, %rem3A_585, %ne3A_586 : i32
      %and3A_588 = arith.andi %ne3A_584, %ne3A_587 : i1
      %sub3A_589 = arith.constant 1 : i32
      %sub3A_590 = arith.subi %div3A_569, %sub3A_589 : i32
      %select_n3A_591 = arith.select %and3A_588, %sub3A_590, %div3A_569 : i32
      %jit3A_592 = arith.constant 8 : i32
      %eq3A_593 = arith.constant 0 : i32
      %eq3A_594 = arith.cmpi eq, %jit3A_592, %eq3A_593 : i32
      %jit3A_595 = arith.constant 1 : i32
      %select_n3A_596 = arith.select %eq3A_594, %jit3A_595, %jit3A_592 : i32
      %rem3A_597 = arith.remsi %scan3A_567, %select_n3A_596 : i32
      %ne3A_598 = arith.constant 0 : i32
      %ne3A_599 = arith.cmpi ne, %rem3A_597, %ne3A_598 : i32
      %lt3A_600 = arith.constant 0 : i32
      %lt3A_601 = arith.cmpi slt, %rem3A_597, %lt3A_600 : i32
      %lt3A_602 = arith.constant 0 : i32
      %lt3A_603 = arith.cmpi slt, %select_n3A_596, %lt3A_602 : i32
      %ne3A_604 = arith.xori %lt3A_601, %lt3A_603 : i1
      %and3A_605 = arith.andi %ne3A_604, %ne3A_599 : i1
      %add3A_606 = arith.addi %rem3A_597, %select_n3A_596 : i32
      %select_n3A_607 = arith.select %and3A_605, %add3A_606, %rem3A_597 : i32
      %mul3A_608 = arith.constant 16 : i32
      %mul3A_609 = arith.muli %select_n3A_607, %mul3A_608 : i32
      %swap3A_610 = arith.index_cast %select_n3A_591 : i32 to index
      %swap3A_611 = arith.index_cast %mul3A_609 : i32 to index
      %swap3A_612 = tpu.vector_load %arg8[%swap3A_610, %swap3A_611] {strides = array<i32>} : memref<40x128xf32, #tpu.memory_space<vmem>>, vector<1x16xf32>,
      %swap3A_613 = vector.shape_cast %swap3A_612 : vector<1x16xf32> to vector<16xf32>
      %swap3A_614 = vector.shape_cast %broadcast_in_dim3A_40 : vector<16xf32> to vector<1x16xf32>
      tpu.vector_store %arg8[%swap3A_610, %swap3A_611], %swap3A_614 {strides = array<i32>} : memref<40x128xf32, #tpu.memory_space<vmem>>, vector<1x16xf32>,
      %scan3A_615 = arith.constant 4 : i32
      %scan3A_616 = arith.addi %scan3A_431, %scan3A_615 : i32
      %jit3A_617 = arith.constant 8 : i32
      %div3A_618 = arith.divsi %scan3A_616, %jit3A_617 : i32
      %sign3A_619 = arith.constant 0 : i32
      %sign3A_620 = arith.cmpi sgt, %scan3A_616, %sign3A_619 : i32
      %sign3A_621 = arith.extui %sign3A_620 : i1 to i32
      %sign3A_622 = arith.constant 0 : i32
      %sign3A_623 = arith.cmpi slt, %scan3A_616, %sign3A_622 : i32
      %sign3A_624 = arith.extui %sign3A_623 : i1 to i32
      %sign3A_625 = arith.subi %sign3A_621, %sign3A_624 : i32
      %sign3A_626 = arith.constant 0 : i32
      %sign3A_627 = arith.cmpi sgt, %jit3A_617, %sign3A_626 : i32
      %sign3A_628 = arith.extui %sign3A_627 : i1 to i32
      %sign3A_629 = arith.constant 0 : i32
      %sign3A_630 = arith.cmpi slt, %jit3A_617, %sign3A_629 : i32
      %sign3A_631 = arith.extui %sign3A_630 : i1 to i32
      %sign3A_632 = arith.subi %sign3A_628, %sign3A_631 : i32
      %ne3A_633 = arith.cmpi ne, %sign3A_625, %sign3A_632 : i32
      %rem3A_634 = arith.remsi %scan3A_616, %jit3A_617 : i32
      %ne3A_635 = arith.constant 0 : i32
      %ne3A_636 = arith.cmpi ne, %rem3A_634, %ne3A_635 : i32
      %and3A_637 = arith.andi %ne3A_633, %ne3A_636 : i1
      %sub3A_638 = arith.constant 1 : i32
      %sub3A_639 = arith.subi %div3A_618, %sub3A_638 : i32
      %select_n3A_640 = arith.select %and3A_637, %sub3A_639, %div3A_618 : i32
      %jit3A_641 = arith.constant 8 : i32
      %eq3A_642 = arith.constant 0 : i32
      %eq3A_643 = arith.cmpi eq, %jit3A_641, %eq3A_642 : i32
      %jit3A_644 = arith.constant 1 : i32
      %select_n3A_645 = arith.select %eq3A_643, %jit3A_644, %jit3A_641 : i32
      %rem3A_646 = arith.remsi %scan3A_616, %select_n3A_645 : i32
      %ne3A_647 = arith.constant 0 : i32
      %ne3A_648 = arith.cmpi ne, %rem3A_646, %ne3A_647 : i32
      %lt3A_649 = arith.constant 0 : i32
      %lt3A_650 = arith.cmpi slt, %rem3A_646, %lt3A_649 : i32
      %lt3A_651 = arith.constant 0 : i32
      %lt3A_652 = arith.cmpi slt, %select_n3A_645, %lt3A_651 : i32
      %ne3A_653 = arith.xori %lt3A_650, %lt3A_652 : i1
      %and3A_654 = arith.andi %ne3A_653, %ne3A_648 : i1
      %add3A_655 = arith.addi %rem3A_646, %select_n3A_645 : i32
      %select_n3A_656 = arith.select %and3A_654, %add3A_655, %rem3A_646 : i32
      %mul3A_657 = arith.constant 16 : i32
      %mul3A_658 = arith.muli %select_n3A_656, %mul3A_657 : i32
      %swap3A_659 = arith.index_cast %select_n3A_640 : i32 to index
      %swap3A_660 = arith.index_cast %mul3A_658 : i32 to index
      %swap3A_661 = tpu.vector_load %arg8[%swap3A_659, %swap3A_660] {strides = array<i32>} : memref<40x128xf32, #tpu.memory_space<vmem>>, vector<1x16xf32>,
      %swap3A_662 = vector.shape_cast %swap3A_661 : vector<1x16xf32> to vector<16xf32>
      %swap3A_663 = vector.shape_cast %broadcast_in_dim3A_40 : vector<16xf32> to vector<1x16xf32>
      tpu.vector_store %arg8[%swap3A_659, %swap3A_660], %swap3A_663 {strides = array<i32>} : memref<40x128xf32, #tpu.memory_space<vmem>>, vector<1x16xf32>,
      %scan3A_664 = arith.constant 5 : i32
      %scan3A_665 = arith.addi %scan3A_431, %scan3A_664 : i32
      %jit3A_666 = arith.constant 8 : i32
      %div3A_667 = arith.divsi %scan3A_665, %jit3A_666 : i32
      %sign3A_668 = arith.constant 0 : i32
      %sign3A_669 = arith.cmpi sgt, %scan3A_665, %sign3A_668 : i32
      %sign3A_670 = arith.extui %sign3A_669 : i1 to i32
      %sign3A_671 = arith.constant 0 : i32
      %sign3A_672 = arith.cmpi slt, %scan3A_665, %sign3A_671 : i32
      %sign3A_673 = arith.extui %sign3A_672 : i1 to i32
      %sign3A_674 = arith.subi %sign3A_670, %sign3A_673 : i32
      %sign3A_675 = arith.constant 0 : i32
      %sign3A_676 = arith.cmpi sgt, %jit3A_666, %sign3A_675 : i32
      %sign3A_677 = arith.extui %sign3A_676 : i1 to i32
      %sign3A_678 = arith.constant 0 : i32
      %sign3A_679 = arith.cmpi slt, %jit3A_666, %sign3A_678 : i32
      %sign3A_680 = arith.extui %sign3A_679 : i1 to i32
      %sign3A_681 = arith.subi %sign3A_677, %sign3A_680 : i32
      %ne3A_682 = arith.cmpi ne, %sign3A_674, %sign3A_681 : i32
      %rem3A_683 = arith.remsi %scan3A_665, %jit3A_666 : i32
      %ne3A_684 = arith.constant 0 : i32
      %ne3A_685 = arith.cmpi ne, %rem3A_683, %ne3A_684 : i32
      %and3A_686 = arith.andi %ne3A_682, %ne3A_685 : i1
      %sub3A_687 = arith.constant 1 : i32
      %sub3A_688 = arith.subi %div3A_667, %sub3A_687 : i32
      %select_n3A_689 = arith.select %and3A_686, %sub3A_688, %div3A_667 : i32
      %jit3A_690 = arith.constant 8 : i32
      %eq3A_691 = arith.constant 0 : i32
      %eq3A_692 = arith.cmpi eq, %jit3A_690, %eq3A_691 : i32
      %jit3A_693 = arith.constant 1 : i32
      %select_n3A_694 = arith.select %eq3A_692, %jit3A_693, %jit3A_690 : i32
      %rem3A_695 = arith.remsi %scan3A_665, %select_n3A_694 : i32
      %ne3A_696 = arith.constant 0 : i32
      %ne3A_697 = arith.cmpi ne, %rem3A_695, %ne3A_696 : i32
      %lt3A_698 = arith.constant 0 : i32
      %lt3A_699 = arith.cmpi slt, %rem3A_695, %lt3A_698 : i32
      %lt3A_700 = arith.constant 0 : i32
      %lt3A_701 = arith.cmpi slt, %select_n3A_694, %lt3A_700 : i32
      %ne3A_702 = arith.xori %lt3A_699, %lt3A_701 : i1
      %and3A_703 = arith.andi %ne3A_702, %ne3A_697 : i1
      %add3A_704 = arith.addi %rem3A_695, %select_n3A_694 : i32
      %select_n3A_705 = arith.select %and3A_703, %add3A_704, %rem3A_695 : i32
      %mul3A_706 = arith.constant 16 : i32
      %mul3A_707 = arith.muli %select_n3A_705, %mul3A_706 : i32
      %swap3A_708 = arith.index_cast %select_n3A_689 : i32 to index
      %swap3A_709 = arith.index_cast %mul3A_707 : i32 to index
      %swap3A_710 = tpu.vector_load %arg8[%swap3A_708, %swap3A_709] {strides = array<i32>} : memref<40x128xf32, #tpu.memory_space<vmem>>, vector<1x16xf32>,
      %swap3A_711 = vector.shape_cast %swap3A_710 : vector<1x16xf32> to vector<16xf32>
      %swap3A_712 = vector.shape_cast %broadcast_in_dim3A_40 : vector<16xf32> to vector<1x16xf32>
      tpu.vector_store %arg8[%swap3A_708, %swap3A_709], %swap3A_712 {strides = array<i32>} : memref<40x128xf32, #tpu.memory_space<vmem>>, vector<1x16xf32>,
      %scan3A_713 = arith.constant 6 : i32
      %scan3A_714 = arith.addi %scan3A_431, %scan3A_713 : i32
      %jit3A_715 = arith.constant 8 : i32
      %div3A_716 = arith.divsi %scan3A_714, %jit3A_715 : i32
      %sign3A_717 = arith.constant 0 : i32
      %sign3A_718 = arith.cmpi sgt, %scan3A_714, %sign3A_717 : i32
      %sign3A_719 = arith.extui %sign3A_718 : i1 to i32
      %sign3A_720 = arith.constant 0 : i32
      %sign3A_721 = arith.cmpi slt, %scan3A_714, %sign3A_720 : i32
      %sign3A_722 = arith.extui %sign3A_721 : i1 to i32
      %sign3A_723 = arith.subi %sign3A_719, %sign3A_722 : i32
      %sign3A_724 = arith.constant 0 : i32
      %sign3A_725 = arith.cmpi sgt, %jit3A_715, %sign3A_724 : i32
      %sign3A_726 = arith.extui %sign3A_725 : i1 to i32
      %sign3A_727 = arith.constant 0 : i32
      %sign3A_728 = arith.cmpi slt, %jit3A_715, %sign3A_727 : i32
      %sign3A_729 = arith.extui %sign3A_728 : i1 to i32
      %sign3A_730 = arith.subi %sign3A_726, %sign3A_729 : i32
      %ne3A_731 = arith.cmpi ne, %sign3A_723, %sign3A_730 : i32
      %rem3A_732 = arith.remsi %scan3A_714, %jit3A_715 : i32
      %ne3A_733 = arith.constant 0 : i32
      %ne3A_734 = arith.cmpi ne, %rem3A_732, %ne3A_733 : i32
      %and3A_735 = arith.andi %ne3A_731, %ne3A_734 : i1
      %sub3A_736 = arith.constant 1 : i32
      %sub3A_737 = arith.subi %div3A_716, %sub3A_736 : i32
      %select_n3A_738 = arith.select %and3A_735, %sub3A_737, %div3A_716 : i32
      %jit3A_739 = arith.constant 8 : i32
      %eq3A_740 = arith.constant 0 : i32
      %eq3A_741 = arith.cmpi eq, %jit3A_739, %eq3A_740 : i32
      %jit3A_742 = arith.constant 1 : i32
      %select_n3A_743 = arith.select %eq3A_741, %jit3A_742, %jit3A_739 : i32
      %rem3A_744 = arith.remsi %scan3A_714, %select_n3A_743 : i32
      %ne3A_745 = arith.constant 0 : i32
      %ne3A_746 = arith.cmpi ne, %rem3A_744, %ne3A_745 : i32
      %lt3A_747 = arith.constant 0 : i32
      %lt3A_748 = arith.cmpi slt, %rem3A_744, %lt3A_747 : i32
      %lt3A_749 = arith.constant 0 : i32
      %lt3A_750 = arith.cmpi slt, %select_n3A_743, %lt3A_749 : i32
      %ne3A_751 = arith.xori %lt3A_748, %lt3A_750 : i1
      %and3A_752 = arith.andi %ne3A_751, %ne3A_746 : i1
      %add3A_753 = arith.addi %rem3A_744, %select_n3A_743 : i32
      %select_n3A_754 = arith.select %and3A_752, %add3A_753, %rem3A_744 : i32
      %mul3A_755 = arith.constant 16 : i32
      %mul3A_756 = arith.muli %select_n3A_754, %mul3A_755 : i32
      %swap3A_757 = arith.index_cast %select_n3A_738 : i32 to index
      %swap3A_758 = arith.index_cast %mul3A_756 : i32 to index
      %swap3A_759 = tpu.vector_load %arg8[%swap3A_757, %swap3A_758] {strides = array<i32>} : memref<40x128xf32, #tpu.memory_space<vmem>>, vector<1x16xf32>,
      %swap3A_760 = vector.shape_cast %swap3A_759 : vector<1x16xf32> to vector<16xf32>
      %swap3A_761 = vector.shape_cast %broadcast_in_dim3A_40 : vector<16xf32> to vector<1x16xf32>
      tpu.vector_store %arg8[%swap3A_757, %swap3A_758], %swap3A_761 {strides = array<i32>} : memref<40x128xf32, #tpu.memory_space<vmem>>, vector<1x16xf32>,
      %scan3A_762 = arith.constant 7 : i32
      %scan3A_763 = arith.addi %scan3A_431, %scan3A_762 : i32
      %jit3A_764 = arith.constant 8 : i32
      %div3A_765 = arith.divsi %scan3A_763, %jit3A_764 : i32
      %sign3A_766 = arith.constant 0 : i32
      %sign3A_767 = arith.cmpi sgt, %scan3A_763, %sign3A_766 : i32
      %sign3A_768 = arith.extui %sign3A_767 : i1 to i32
      %sign3A_769 = arith.constant 0 : i32
      %sign3A_770 = arith.cmpi slt, %scan3A_763, %sign3A_769 : i32
      %sign3A_771 = arith.extui %sign3A_770 : i1 to i32
      %sign3A_772 = arith.subi %sign3A_768, %sign3A_771 : i32
      %sign3A_773 = arith.constant 0 : i32
      %sign3A_774 = arith.cmpi sgt, %jit3A_764, %sign3A_773 : i32
      %sign3A_775 = arith.extui %sign3A_774 : i1 to i32
      %sign3A_776 = arith.constant 0 : i32
      %sign3A_777 = arith.cmpi slt, %jit3A_764, %sign3A_776 : i32
      %sign3A_778 = arith.extui %sign3A_777 : i1 to i32
      %sign3A_779 = arith.subi %sign3A_775, %sign3A_778 : i32
      %ne3A_780 = arith.cmpi ne, %sign3A_772, %sign3A_779 : i32
      %rem3A_781 = arith.remsi %scan3A_763, %jit3A_764 : i32
      %ne3A_782 = arith.constant 0 : i32
      %ne3A_783 = arith.cmpi ne, %rem3A_781, %ne3A_782 : i32
      %and3A_784 = arith.andi %ne3A_780, %ne3A_783 : i1
      %sub3A_785 = arith.constant 1 : i32
      %sub3A_786 = arith.subi %div3A_765, %sub3A_785 : i32
      %select_n3A_787 = arith.select %and3A_784, %sub3A_786, %div3A_765 : i32
      %jit3A_788 = arith.constant 8 : i32
      %eq3A_789 = arith.constant 0 : i32
      %eq3A_790 = arith.cmpi eq, %jit3A_788, %eq3A_789 : i32
      %jit3A_791 = arith.constant 1 : i32
      %select_n3A_792 = arith.select %eq3A_790, %jit3A_791, %jit3A_788 : i32
      %rem3A_793 = arith.remsi %scan3A_763, %select_n3A_792 : i32
      %ne3A_794 = arith.constant 0 : i32
      %ne3A_795 = arith.cmpi ne, %rem3A_793, %ne3A_794 : i32
      %lt3A_796 = arith.constant 0 : i32
      %lt3A_797 = arith.cmpi slt, %rem3A_793, %lt3A_796 : i32
      %lt3A_798 = arith.constant 0 : i32
      %lt3A_799 = arith.cmpi slt, %select_n3A_792, %lt3A_798 : i32
      %ne3A_800 = arith.xori %lt3A_797, %lt3A_799 : i1
      %and3A_801 = arith.andi %ne3A_800, %ne3A_795 : i1
      %add3A_802 = arith.addi %rem3A_793, %select_n3A_792 : i32
      %select_n3A_803 = arith.select %and3A_801, %add3A_802, %rem3A_793 : i32
      %mul3A_804 = arith.constant 16 : i32
      %mul3A_805 = arith.muli %select_n3A_803, %mul3A_804 : i32
      %swap3A_806 = arith.index_cast %select_n3A_787 : i32 to index
      %swap3A_807 = arith.index_cast %mul3A_805 : i32 to index
      %swap3A_808 = tpu.vector_load %arg8[%swap3A_806, %swap3A_807] {strides = array<i32>} : memref<40x128xf32, #tpu.memory_space<vmem>>, vector<1x16xf32>,
      %swap3A_809 = vector.shape_cast %swap3A_808 : vector<1x16xf32> to vector<16xf32>
      %swap3A_810 = vector.shape_cast %broadcast_in_dim3A_40 : vector<16xf32> to vector<1x16xf32>
      tpu.vector_store %arg8[%swap3A_806, %swap3A_807], %swap3A_810 {strides = array<i32>} : memref<40x128xf32, #tpu.memory_space<vmem>>, vector<1x16xf32>,
    }
    %scan3A_45 = arith.constant 320 : i32
    %mul3A_46 = arith.constant 640 : i32
    %mul3A_47 = arith.muli %arg1, %mul3A_46 : i32
    %add3A_48 = arith.constant 0 : i32
    %add3A_49 = arith.addi %mul3A_47, %add3A_48 : i32
    %dma_start3A_50 = arith.constant 0 : i32
    %dma_start3A_51 = tpu.memref_slice %arg13[%add3A_49, %dma_start3A_50] : memref<10240x128xf32, #tpu.memory_space<vmem_shared>> -> memref<40x128xf32, #tpu.memory_space<vmem_shared>>
    %dma_start3A_52 = arith.constant 0 : i32
    %dma_start3A_53 = tpu.memref_slice %arg13[%add3A_49, %dma_start3A_52] : memref<10240x128xf32, #tpu.memory_space<vmem_shared>> -> memref<40x128xf32, #tpu.memory_space<vmem_shared>>
    tpu.enqueue_dma source(%arg8 : memref<40x128xf32, #tpu.memory_space<vmem>>) target(%dma_start3A_53 : memref<40x128xf32, #tpu.memory_space<vmem_shared>>) target_semaphore(%arg28 : memref<!tpu.dma_semaphore, #tpu.memory_space<semaphore_mem>>)
    %mul3A_54 = arith.constant 640 : i32
    %mul3A_55 = arith.muli %arg1, %mul3A_54 : i32
    %add3A_56 = arith.constant 40 : i32
    %add3A_57 = arith.addi %mul3A_55, %add3A_56 : i32
    %dma_start3A_58 = arith.constant 0 : i32
    %dma_start3A_59 = tpu.memref_slice %arg13[%add3A_57, %dma_start3A_58] : memref<10240x128xf32, #tpu.memory_space<vmem_shared>> -> memref<40x128xf32, #tpu.memory_space<vmem_shared>>
    %dma_start3A_60 = arith.constant 0 : i32
    %dma_start3A_61 = tpu.memref_slice %arg13[%add3A_57, %dma_start3A_60] : memref<10240x128xf32, #tpu.memory_space<vmem_shared>> -> memref<40x128xf32, #tpu.memory_space<vmem_shared>>
    tpu.enqueue_dma source(%arg8 : memref<40x128xf32, #tpu.memory_space<vmem>>) target(%dma_start3A_61 : memref<40x128xf32, #tpu.memory_space<vmem_shared>>) target_semaphore(%arg28 : memref<!tpu.dma_semaphore, #tpu.memory_space<semaphore_mem>>)
    %mul3A_62 = arith.constant 640 : i32
    %mul3A_63 = arith.muli %arg1, %mul3A_62 : i32
    %add3A_64 = arith.constant 80 : i32
    %add3A_65 = arith.addi %mul3A_63, %add3A_64 : i32
    %dma_start3A_66 = arith.constant 0 : i32
    %dma_start3A_67 = tpu.memref_slice %arg13[%add3A_65, %dma_start3A_66] : memref<10240x128xf32, #tpu.memory_space<vmem_shared>> -> memref<40x128xf32, #tpu.memory_space<vmem_shared>>
    %dma_start3A_68 = arith.constant 0 : i32
    %dma_start3A_69 = tpu.memref_slice %arg13[%add3A_65, %dma_start3A_68] : memref<10240x128xf32, #tpu.memory_space<vmem_shared>> -> memref<40x128xf32, #tpu.memory_space<vmem_shared>>
    tpu.enqueue_dma source(%arg8 : memref<40x128xf32, #tpu.memory_space<vmem>>) target(%dma_start3A_69 : memref<40x128xf32, #tpu.memory_space<vmem_shared>>) target_semaphore(%arg28 : memref<!tpu.dma_semaphore, #tpu.memory_space<semaphore_mem>>)
    %mul3A_70 = arith.constant 640 : i32
    %mul3A_71 = arith.muli %arg1, %mul3A_70 : i32
    %add3A_72 = arith.constant 120 : i32
    %add3A_73 = arith.addi %mul3A_71, %add3A_72 : i32
    %dma_start3A_74 = arith.constant 0 : i32
    %dma_start3A_75 = tpu.memref_slice %arg13[%add3A_73, %dma_start3A_74] : memref<10240x128xf32, #tpu.memory_space<vmem_shared>> -> memref<40x128xf32, #tpu.memory_space<vmem_shared>>
    %dma_start3A_76 = arith.constant 0 : i32
    %dma_start3A_77 = tpu.memref_slice %arg13[%add3A_73, %dma_start3A_76] : memref<10240x128xf32, #tpu.memory_space<vmem_shared>> -> memref<40x128xf32, #tpu.memory_space<vmem_shared>>
    tpu.enqueue_dma source(%arg8 : memref<40x128xf32, #tpu.memory_space<vmem>>) target(%dma_start3A_77 : memref<40x128xf32, #tpu.memory_space<vmem_shared>>) target_semaphore(%arg28 : memref<!tpu.dma_semaphore, #tpu.memory_space<semaphore_mem>>)
    %mul3A_78 = arith.constant 640 : i32
    %mul3A_79 = arith.muli %arg1, %mul3A_78 : i32
    %add3A_80 = arith.constant 160 : i32
    %add3A_81 = arith.addi %mul3A_79, %add3A_80 : i32
    %dma_start3A_82 = arith.constant 0 : i32
    %dma_start3A_83 = tpu.memref_slice %arg13[%add3A_81, %dma_start3A_82] : memref<10240x128xf32, #tpu.memory_space<vmem_shared>> -> memref<40x128xf32, #tpu.memory_space<vmem_shared>>
    %dma_start3A_84 = arith.constant 0 : i32
    %dma_start3A_85 = tpu.memref_slice %arg13[%add3A_81, %dma_start3A_84] : memref<10240x128xf32, #tpu.memory_space<vmem_shared>> -> memref<40x128xf32, #tpu.memory_space<vmem_shared>>
    tpu.enqueue_dma source(%arg8 : memref<40x128xf32, #tpu.memory_space<vmem>>) target(%dma_start3A_85 : memref<40x128xf32, #tpu.memory_space<vmem_shared>>) target_semaphore(%arg28 : memref<!tpu.dma_semaphore, #tpu.memory_space<semaphore_mem>>)
    %mul3A_86 = arith.constant 640 : i32
    %mul3A_87 = arith.muli %arg1, %mul3A_86 : i32
    %add3A_88 = arith.constant 200 : i32
    %add3A_89 = arith.addi %mul3A_87, %add3A_88 : i32
    %dma_start3A_90 = arith.constant 0 : i32
    %dma_start3A_91 = tpu.memref_slice %arg13[%add3A_89, %dma_start3A_90] : memref<10240x128xf32, #tpu.memory_space<vmem_shared>> -> memref<40x128xf32, #tpu.memory_space<vmem_shared>>
    %dma_start3A_92 = arith.constant 0 : i32
    %dma_start3A_93 = tpu.memref_slice %arg13[%add3A_89, %dma_start3A_92] : memref<10240x128xf32, #tpu.memory_space<vmem_shared>> -> memref<40x128xf32, #tpu.memory_space<vmem_shared>>
    tpu.enqueue_dma source(%arg8 : memref<40x128xf32, #tpu.memory_space<vmem>>) target(%dma_start3A_93 : memref<40x128xf32, #tpu.memory_space<vmem_shared>>) target_semaphore(%arg28 : memref<!tpu.dma_semaphore, #tpu.memory_space<semaphore_mem>>)
    %mul3A_94 = arith.constant 640 : i32
    %mul3A_95 = arith.muli %arg1, %mul3A_94 : i32
    %add3A_96 = arith.constant 240 : i32
    %add3A_97 = arith.addi %mul3A_95, %add3A_96 : i32
    %dma_start3A_98 = arith.constant 0 : i32
    %dma_start3A_99 = tpu.memref_slice %arg13[%add3A_97, %dma_start3A_98] : memref<10240x128xf32, #tpu.memory_space<vmem_shared>> -> memref<40x128xf32, #tpu.memory_space<vmem_shared>>
    %dma_start3A_100 = arith.constant 0 : i32
    %dma_start3A_101 = tpu.memref_slice %arg13[%add3A_97, %dma_start3A_100] : memref<10240x128xf32, #tpu.memory_space<vmem_shared>> -> memref<40x128xf32, #tpu.memory_space<vmem_shared>>
    tpu.enqueue_dma source(%arg8 : memref<40x128xf32, #tpu.memory_space<vmem>>) target(%dma_start3A_101 : memref<40x128xf32, #tpu.memory_space<vmem_shared>>) target_semaphore(%arg28 : memref<!tpu.dma_semaphore, #tpu.memory_space<semaphore_mem>>)
    %mul3A_102 = arith.constant 640 : i32
    %mul3A_103 = arith.muli %arg1, %mul3A_102 : i32
    %add3A_104 = arith.constant 280 : i32
    %add3A_105 = arith.addi %mul3A_103, %add3A_104 : i32
    %dma_start3A_106 = arith.constant 0 : i32
    %dma_start3A_107 = tpu.memref_slice %arg13[%add3A_105, %dma_start3A_106] : memref<10240x128xf32, #tpu.memory_space<vmem_shared>> -> memref<40x128xf32, #tpu.memory_space<vmem_shared>>
    %dma_start3A_108 = arith.constant 0 : i32
    %dma_start3A_109 = tpu.memref_slice %arg13[%add3A_105, %dma_start3A_108] : memref<10240x128xf32, #tpu.memory_space<vmem_shared>> -> memref<40x128xf32, #tpu.memory_space<vmem_shared>>
    tpu.enqueue_dma source(%arg8 : memref<40x128xf32, #tpu.memory_space<vmem>>) target(%dma_start3A_109 : memref<40x128xf32, #tpu.memory_space<vmem_shared>>) target_semaphore(%arg28 : memref<!tpu.dma_semaphore, #tpu.memory_space<semaphore_mem>>)
    %mul3A_110 = arith.constant 640 : i32
    %mul3A_111 = arith.muli %arg1, %mul3A_110 : i32
    %add3A_112 = arith.constant 320 : i32
    %add3A_113 = arith.addi %mul3A_111, %add3A_112 : i32
    %dma_start3A_114 = arith.constant 0 : i32
    %dma_start3A_115 = tpu.memref_slice %arg13[%add3A_113, %dma_start3A_114] : memref<10240x128xf32, #tpu.memory_space<vmem_shared>> -> memref<40x128xf32, #tpu.memory_space<vmem_shared>>
    %dma_start3A_116 = arith.constant 0 : i32
    %dma_start3A_117 = tpu.memref_slice %arg13[%add3A_113, %dma_start3A_116] : memref<10240x128xf32, #tpu.memory_space<vmem_shared>> -> memref<40x128xf32, #tpu.memory_space<vmem_shared>>
    tpu.enqueue_dma source(%arg8 : memref<40x128xf32, #tpu.memory_space<vmem>>) target(%dma_start3A_117 : memref<40x128xf32, #tpu.memory_space<vmem_shared>>) target_semaphore(%arg28 : memref<!tpu.dma_semaphore, #tpu.memory_space<semaphore_mem>>)
    %mul3A_118 = arith.constant 640 : i32
    %mul3A_119 = arith.muli %arg1, %mul3A_118 : i32
    %add3A_120 = arith.constant 360 : i32
    %add3A_121 = arith.addi %mul3A_119, %add3A_120 : i32
    %dma_start3A_122 = arith.constant 0 : i32
    %dma_start3A_123 = tpu.memref_slice %arg13[%add3A_121, %dma_start3A_122] : memref<10240x128xf32, #tpu.memory_space<vmem_shared>> -> memref<40x128xf32, #tpu.memory_space<vmem_shared>>
    %dma_start3A_124 = arith.constant 0 : i32
    %dma_start3A_125 = tpu.memref_slice %arg13[%add3A_121, %dma_start3A_124] : memref<10240x128xf32, #tpu.memory_space<vmem_shared>> -> memref<40x128xf32, #tpu.memory_space<vmem_shared>>
    tpu.enqueue_dma source(%arg8 : memref<40x128xf32, #tpu.memory_space<vmem>>) target(%dma_start3A_125 : memref<40x128xf32, #tpu.memory_space<vmem_shared>>) target_semaphore(%arg28 : memref<!tpu.dma_semaphore, #tpu.memory_space<semaphore_mem>>)
    %mul3A_126 = arith.constant 640 : i32
    %mul3A_127 = arith.muli %arg1, %mul3A_126 : i32
    %add3A_128 = arith.constant 400 : i32
    %add3A_129 = arith.addi %mul3A_127, %add3A_128 : i32
    %dma_start3A_130 = arith.constant 0 : i32
    %dma_start3A_131 = tpu.memref_slice %arg13[%add3A_129, %dma_start3A_130] : memref<10240x128xf32, #tpu.memory_space<vmem_shared>> -> memref<40x128xf32, #tpu.memory_space<vmem_shared>>
    %dma_start3A_132 = arith.constant 0 : i32
    %dma_start3A_133 = tpu.memref_slice %arg13[%add3A_129, %dma_start3A_132] : memref<10240x128xf32, #tpu.memory_space<vmem_shared>> -> memref<40x128xf32, #tpu.memory_space<vmem_shared>>
    tpu.enqueue_dma source(%arg8 : memref<40x128xf32, #tpu.memory_space<vmem>>) target(%dma_start3A_133 : memref<40x128xf32, #tpu.memory_space<vmem_shared>>) target_semaphore(%arg28 : memref<!tpu.dma_semaphore, #tpu.memory_space<semaphore_mem>>)
    %mul3A_134 = arith.constant 640 : i32
    %mul3A_135 = arith.muli %arg1, %mul3A_134 : i32
    %add3A_136 = arith.constant 440 : i32
    %add3A_137 = arith.addi %mul3A_135, %add3A_136 : i32
    %dma_start3A_138 = arith.constant 0 : i32
    %dma_start3A_139 = tpu.memref_slice %arg13[%add3A_137, %dma_start3A_138] : memref<10240x128xf32, #tpu.memory_space<vmem_shared>> -> memref<40x128xf32, #tpu.memory_space<vmem_shared>>
    %dma_start3A_140 = arith.constant 0 : i32
    %dma_start3A_141 = tpu.memref_slice %arg13[%add3A_137, %dma_start3A_140] : memref<10240x128xf32, #tpu.memory_space<vmem_shared>> -> memref<40x128xf32, #tpu.memory_space<vmem_shared>>
    tpu.enqueue_dma source(%arg8 : memref<40x128xf32, #tpu.memory_space<vmem>>) target(%dma_start3A_141 : memref<40x128xf32, #tpu.memory_space<vmem_shared>>) target_semaphore(%arg28 : memref<!tpu.dma_semaphore, #tpu.memory_space<semaphore_mem>>)
    %mul3A_142 = arith.constant 640 : i32
    %mul3A_143 = arith.muli %arg1, %mul3A_142 : i32
    %add3A_144 = arith.constant 480 : i32
    %add3A_145 = arith.addi %mul3A_143, %add3A_144 : i32
    %dma_start3A_146 = arith.constant 0 : i32
    %dma_start3A_147 = tpu.memref_slice %arg13[%add3A_145, %dma_start3A_146] : memref<10240x128xf32, #tpu.memory_space<vmem_shared>> -> memref<40x128xf32, #tpu.memory_space<vmem_shared>>
    %dma_start3A_148 = arith.constant 0 : i32
    %dma_start3A_149 = tpu.memref_slice %arg13[%add3A_145, %dma_start3A_148] : memref<10240x128xf32, #tpu.memory_space<vmem_shared>> -> memref<40x128xf32, #tpu.memory_space<vmem_shared>>
    tpu.enqueue_dma source(%arg8 : memref<40x128xf32, #tpu.memory_space<vmem>>) target(%dma_start3A_149 : memref<40x128xf32, #tpu.memory_space<vmem_shared>>) target_semaphore(%arg28 : memref<!tpu.dma_semaphore, #tpu.memory_space<semaphore_mem>>)
    %mul3A_150 = arith.constant 640 : i32
    %mul3A_151 = arith.muli %arg1, %mul3A_150 : i32
    %add3A_152 = arith.constant 520 : i32
    %add3A_153 = arith.addi %mul3A_151, %add3A_152 : i32
    %dma_start3A_154 = arith.constant 0 : i32
    %dma_start3A_155 = tpu.memref_slice %arg13[%add3A_153, %dma_start3A_154] : memref<10240x128xf32, #tpu.memory_space<vmem_shared>> -> memref<40x128xf32, #tpu.memory_space<vmem_shared>>
    %dma_start3A_156 = arith.constant 0 : i32
    %dma_start3A_157 = tpu.memref_slice %arg13[%add3A_153, %dma_start3A_156] : memref<10240x128xf32, #tpu.memory_space<vmem_shared>> -> memref<40x128xf32, #tpu.memory_space<vmem_shared>>
    tpu.enqueue_dma source(%arg8 : memref<40x128xf32, #tpu.memory_space<vmem>>) target(%dma_start3A_157 : memref<40x128xf32, #tpu.memory_space<vmem_shared>>) target_semaphore(%arg28 : memref<!tpu.dma_semaphore, #tpu.memory_space<semaphore_mem>>)
    %mul3A_158 = arith.constant 640 : i32
    %mul3A_159 = arith.muli %arg1, %mul3A_158 : i32
    %add3A_160 = arith.constant 560 : i32
    %add3A_161 = arith.addi %mul3A_159, %add3A_160 : i32
    %dma_start3A_162 = arith.constant 0 : i32
    %dma_start3A_163 = tpu.memref_slice %arg13[%add3A_161, %dma_start3A_162] : memref<10240x128xf32, #tpu.memory_space<vmem_shared>> -> memref<40x128xf32, #tpu.memory_space<vmem_shared>>
    %dma_start3A_164 = arith.constant 0 : i32
    %dma_start3A_165 = tpu.memref_slice %arg13[%add3A_161, %dma_start3A_164] : memref<10240x128xf32, #tpu.memory_space<vmem_shared>> -> memref<40x128xf32, #tpu.memory_space<vmem_shared>>
    tpu.enqueue_dma source(%arg8 : memref<40x128xf32, #tpu.memory_space<vmem>>) target(%dma_start3A_165 : memref<40x128xf32, #tpu.memory_space<vmem_shared>>) target_semaphore(%arg28 : memref<!tpu.dma_semaphore, #tpu.memory_space<semaphore_mem>>)
    %mul3A_166 = arith.constant 640 : i32
    %mul3A_167 = arith.muli %arg1, %mul3A_166 : i32
    %add3A_168 = arith.constant 600 : i32
    %add3A_169 = arith.addi %mul3A_167, %add3A_168 : i32
    %dma_start3A_170 = arith.constant 0 : i32
    %dma_start3A_171 = tpu.memref_slice %arg13[%add3A_169, %dma_start3A_170] : memref<10240x128xf32, #tpu.memory_space<vmem_shared>> -> memref<40x128xf32, #tpu.memory_space<vmem_shared>>
    %dma_start3A_172 = arith.constant 0 : i32
    %dma_start3A_173 = tpu.memref_slice %arg13[%add3A_169, %dma_start3A_172] : memref<10240x128xf32, #tpu.memory_space<vmem_shared>> -> memref<40x128xf32, #tpu.memory_space<vmem_shared>>
    tpu.enqueue_dma source(%arg8 : memref<40x128xf32, #tpu.memory_space<vmem>>) target(%dma_start3A_173 : memref<40x128xf32, #tpu.memory_space<vmem_shared>>) target_semaphore(%arg28 : memref<!tpu.dma_semaphore, #tpu.memory_space<semaphore_mem>>)
    %mul3A_174 = arith.constant 10000 : i32
    %mul3A_175 = arith.muli %add3A, %mul3A_174 : i32
    %add3A_176 = arith.constant 40 : i32
    %add3A_177 = arith.addi %mul3A_175, %add3A_176 : i32
    %dma_wait3A = arith.constant 40 : i32
    %dma_wait3A_178 = tpu.memref_slice %arg6[%dma_wait3A] : memref<200xi32, #tpu.memory_space<vmem>> -> memref<40xi32, #tpu.memory_space<vmem>>
    %dma_wait3A_179 = tpu.memref_slice %arg3[%add3A_177] : memref<320000xi32, #tpu.memory_space<hbm>> -> memref<40xi32, #tpu.memory_space<hbm>>
    %dma_wait3A_180 = arith.constant 40 : i32
    %dma_wait3A_181 = tpu.memref_slice %arg6[%dma_wait3A_180] : memref<200xi32, #tpu.memory_space<vmem>> -> memref<40xi32, #tpu.memory_space<vmem>>
    %dma_wait3A_182 = tpu.memref_slice %arg3[%add3A_177] : memref<320000xi32, #tpu.memory_space<hbm>> -> memref<40xi32, #tpu.memory_space<hbm>>
    tpu.wait_dma2 semaphore(%arg30 : memref<!tpu.dma_semaphore, #tpu.memory_space<semaphore_mem>>) src(%dma_wait3A_182 : memref<40xi32, #tpu.memory_space<hbm>>) dst(%dma_wait3A_181 : memref<40xi32, #tpu.memory_space<vmem>>)
    %dma_start3A_183 = arith.constant 40 : i32
    %dma_start3A_184 = tpu.memref_slice %arg6[%dma_start3A_183] : memref<200xi32, #tpu.memory_space<vmem>> -> memref<40xi32, #tpu.memory_space<vmem>>
    %dma_start3A_185 = arith.constant 0 : i32
    %dma_start3A_186 = arith.constant 0 : i32
    %dma_start3A_187 = tpu.memref_slice %arg2[%dma_start3A_185, %dma_start3A_186] : memref<10000x128xf32, #tpu.memory_space<hbm>> -> memref<10000x128xf32, #tpu.memory_space<hbm>>
    tpu.enqueue_indirect_dma source(%dma_start3A_187 : memref<10000x128xf32, #tpu.memory_space<hbm>>) target(%arg9 : memref<40x128xf32, #tpu.memory_space<vmem>>) offsets(%dma_start3A_184 : memref<40xi32, #tpu.memory_space<vmem>>) semaphore(%arg15 : memref<!tpu.dma_semaphore, #tpu.memory_space<semaphore_mem>>)
    %mul3A_188 = arith.constant 10000 : i32
    %mul3A_189 = arith.muli %add3A, %mul3A_188 : i32
    %add3A_190 = arith.constant 40 : i32
    %add3A_191 = arith.addi %mul3A_189, %add3A_190 : i32
    %dma_start3A_192 = arith.constant 1 : i32
    %dma_start3A_193 = arith.constant 0 : i32
    %dma_start3A_194 = tpu.memref_slice %arg7[%dma_start3A_192, %dma_start3A_193] : memref<5x40xi32, #tpu.memory_space<vmem>> -> memref<1x40xi32, #tpu.memory_space<vmem>>
    %dma_start3A_195 = tpu.memref_squeeze %dma_start3A_194 : memref<1x40xi32, #tpu.memory_space<vmem>> -> memref<40xi32, #tpu.memory_space<vmem>>
    %dma_start3A_196 = tpu.memref_slice %arg4[%add3A_191] : memref<320000xi32, #tpu.memory_space<hbm>> -> memref<40xi32, #tpu.memory_space<hbm>>
    %dma_start3A_197 = arith.constant 0 : i32
    %dma_start3A_198 = tpu.memref_slice %arg7[%dma_start3A_192, %dma_start3A_197] : memref<5x40xi32, #tpu.memory_space<vmem>> -> memref<1x40xi32, #tpu.memory_space<vmem>>
    %dma_start3A_199 = tpu.memref_squeeze %dma_start3A_198 : memref<1x40xi32, #tpu.memory_space<vmem>> -> memref<40xi32, #tpu.memory_space<vmem>>
    %dma_start3A_200 = tpu.memref_slice %arg4[%add3A_191] : memref<320000xi32, #tpu.memory_space<hbm>> -> memref<40xi32, #tpu.memory_space<hbm>>
    tpu.enqueue_dma source(%dma_start3A_200 : memref<40xi32, #tpu.memory_space<hbm>>) target(%dma_start3A_199 : memref<40xi32, #tpu.memory_space<vmem>>) target_semaphore(%arg25 : memref<!tpu.dma_semaphore, #tpu.memory_space<semaphore_mem>>)
    %mul3A_201 = arith.constant 10000 : i32
    %mul3A_202 = arith.muli %add3A, %mul3A_201 : i32
    %add3A_203 = arith.constant 80 : i32
    %add3A_204 = arith.addi %mul3A_202, %add3A_203 : i32
    %dma_wait3A_205 = arith.constant 80 : i32
    %dma_wait3A_206 = tpu.memref_slice %arg6[%dma_wait3A_205] : memref<200xi32, #tpu.memory_space<vmem>> -> memref<40xi32, #tpu.memory_space<vmem>>
    %dma_wait3A_207 = tpu.memref_slice %arg3[%add3A_204] : memref<320000xi32, #tpu.memory_space<hbm>> -> memref<40xi32, #tpu.memory_space<hbm>>
    %dma_wait3A_208 = arith.constant 80 : i32
    %dma_wait3A_209 = tpu.memref_slice %arg6[%dma_wait3A_208] : memref<200xi32, #tpu.memory_space<vmem>> -> memref<40xi32, #tpu.memory_space<vmem>>
    %dma_wait3A_210 = tpu.memref_slice %arg3[%add3A_204] : memref<320000xi32, #tpu.memory_space<hbm>> -> memref<40xi32, #tpu.memory_space<hbm>>
    tpu.wait_dma2 semaphore(%arg31 : memref<!tpu.dma_semaphore, #tpu.memory_space<semaphore_mem>>) src(%dma_wait3A_210 : memref<40xi32, #tpu.memory_space<hbm>>) dst(%dma_wait3A_209 : memref<40xi32, #tpu.memory_space<vmem>>)
    %dma_start3A_211 = arith.constant 80 : i32
    %dma_start3A_212 = tpu.memref_slice %arg6[%dma_start3A_211] : memref<200xi32, #tpu.memory_space<vmem>> -> memref<40xi32, #tpu.memory_space<vmem>>
    %dma_start3A_213 = arith.constant 0 : i32
    %dma_start3A_214 = arith.constant 0 : i32
    %dma_start3A_215 = tpu.memref_slice %arg2[%dma_start3A_213, %dma_start3A_214] : memref<10000x128xf32, #tpu.memory_space<hbm>> -> memref<10000x128xf32, #tpu.memory_space<hbm>>
    tpu.enqueue_indirect_dma source(%dma_start3A_215 : memref<10000x128xf32, #tpu.memory_space<hbm>>) target(%arg10 : memref<40x128xf32, #tpu.memory_space<vmem>>) offsets(%dma_start3A_212 : memref<40xi32, #tpu.memory_space<vmem>>) semaphore(%arg16 : memref<!tpu.dma_semaphore, #tpu.memory_space<semaphore_mem>>)
    %mul3A_216 = arith.constant 10000 : i32
    %mul3A_217 = arith.muli %add3A, %mul3A_216 : i32
    %add3A_218 = arith.constant 80 : i32
    %add3A_219 = arith.addi %mul3A_217, %add3A_218 : i32
    %dma_start3A_220 = arith.constant 2 : i32
    %dma_start3A_221 = arith.constant 0 : i32
    %dma_start3A_222 = tpu.memref_slice %arg7[%dma_start3A_220, %dma_start3A_221] : memref<5x40xi32, #tpu.memory_space<vmem>> -> memref<1x40xi32, #tpu.memory_space<vmem>>
    %dma_start3A_223 = tpu.memref_squeeze %dma_start3A_222 : memref<1x40xi32, #tpu.memory_space<vmem>> -> memref<40xi32, #tpu.memory_space<vmem>>
    %dma_start3A_224 = tpu.memref_slice %arg4[%add3A_219] : memref<320000xi32, #tpu.memory_space<hbm>> -> memref<40xi32, #tpu.memory_space<hbm>>
    %dma_start3A_225 = arith.constant 0 : i32
    %dma_start3A_226 = tpu.memref_slice %arg7[%dma_start3A_220, %dma_start3A_225] : memref<5x40xi32, #tpu.memory_space<vmem>> -> memref<1x40xi32, #tpu.memory_space<vmem>>
    %dma_start3A_227 = tpu.memref_squeeze %dma_start3A_226 : memref<1x40xi32, #tpu.memory_space<vmem>> -> memref<40xi32, #tpu.memory_space<vmem>>
    %dma_start3A_228 = tpu.memref_slice %arg4[%add3A_219] : memref<320000xi32, #tpu.memory_space<hbm>> -> memref<40xi32, #tpu.memory_space<hbm>>
    tpu.enqueue_dma source(%dma_start3A_228 : memref<40xi32, #tpu.memory_space<hbm>>) target(%dma_start3A_227 : memref<40xi32, #tpu.memory_space<vmem>>) target_semaphore(%arg26 : memref<!tpu.dma_semaphore, #tpu.memory_space<semaphore_mem>>)
    %mul3A_229 = arith.constant 640 : i32
    %mul3A_230 = arith.muli %arg1, %mul3A_229 : i32
    %add3A_231 = arith.constant 0 : i32
    %add3A_232 = arith.addi %mul3A_230, %add3A_231 : i32
    %dma_wait3A_233 = arith.constant 0 : i32
    %dma_wait3A_234 = tpu.memref_slice %arg13[%add3A_232, %dma_wait3A_233] : memref<10240x128xf32, #tpu.memory_space<vmem_shared>> -> memref<40x128xf32, #tpu.memory_space<vmem_shared>>
    %dma_wait3A_235 = arith.constant 0 : i32
    %dma_wait3A_236 = tpu.memref_slice %arg13[%add3A_232, %dma_wait3A_235] : memref<10240x128xf32, #tpu.memory_space<vmem_shared>> -> memref<40x128xf32, #tpu.memory_space<vmem_shared>>
    tpu.wait_dma2 semaphore(%arg28 : memref<!tpu.dma_semaphore, #tpu.memory_space<semaphore_mem>>) src(%arg8 : memref<40x128xf32, #tpu.memory_space<vmem>>) dst(%dma_wait3A_236 : memref<40x128xf32, #tpu.memory_space<vmem_shared>>)
    %mul3A_237 = arith.constant 640 : i32
    %mul3A_238 = arith.muli %arg1, %mul3A_237 : i32
    %add3A_239 = arith.constant 40 : i32
    %add3A_240 = arith.addi %mul3A_238, %add3A_239 : i32
    %dma_wait3A_241 = arith.constant 0 : i32
    %dma_wait3A_242 = tpu.memref_slice %arg13[%add3A_240, %dma_wait3A_241] : memref<10240x128xf32, #tpu.memory_space<vmem_shared>> -> memref<40x128xf32, #tpu.memory_space<vmem_shared>>
    %dma_wait3A_243 = arith.constant 0 : i32
    %dma_wait3A_244 = tpu.memref_slice %arg13[%add3A_240, %dma_wait3A_243] : memref<10240x128xf32, #tpu.memory_space<vmem_shared>> -> memref<40x128xf32, #tpu.memory_space<vmem_shared>>
    tpu.wait_dma2 semaphore(%arg28 : memref<!tpu.dma_semaphore, #tpu.memory_space<semaphore_mem>>) src(%arg8 : memref<40x128xf32, #tpu.memory_space<vmem>>) dst(%dma_wait3A_244 : memref<40x128xf32, #tpu.memory_space<vmem_shared>>)
    %mul3A_245 = arith.constant 640 : i32
    %mul3A_246 = arith.muli %arg1, %mul3A_245 : i32
    %add3A_247 = arith.constant 80 : i32
    %add3A_248 = arith.addi %mul3A_246, %add3A_247 : i32
    %dma_wait3A_249 = arith.constant 0 : i32
    %dma_wait3A_250 = tpu.memref_slice %arg13[%add3A_248, %dma_wait3A_249] : memref<10240x128xf32, #tpu.memory_space<vmem_shared>> -> memref<40x128xf32, #tpu.memory_space<vmem_shared>>
    %dma_wait3A_251 = arith.constant 0 : i32
    %dma_wait3A_252 = tpu.memref_slice %arg13[%add3A_248, %dma_wait3A_251] : memref<10240x128xf32, #tpu.memory_space<vmem_shared>> -> memref<40x128xf32, #tpu.memory_space<vmem_shared>>
    tpu.wait_dma2 semaphore(%arg28 : memref<!tpu.dma_semaphore, #tpu.memory_space<semaphore_mem>>) src(%arg8 : memref<40x128xf32, #tpu.memory_space<vmem>>) dst(%dma_wait3A_252 : memref<40x128xf32, #tpu.memory_space<vmem_shared>>)
    %mul3A_253 = arith.constant 640 : i32
    %mul3A_254 = arith.muli %arg1, %mul3A_253 : i32
    %add3A_255 = arith.constant 120 : i32
    %add3A_256 = arith.addi %mul3A_254, %add3A_255 : i32
    %dma_wait3A_257 = arith.constant 0 : i32
    %dma_wait3A_258 = tpu.memref_slice %arg13[%add3A_256, %dma_wait3A_257] : memref<10240x128xf32, #tpu.memory_space<vmem_shared>> -> memref<40x128xf32, #tpu.memory_space<vmem_shared>>
    %dma_wait3A_259 = arith.constant 0 : i32
    %dma_wait3A_260 = tpu.memref_slice %arg13[%add3A_256, %dma_wait3A_259] : memref<10240x128xf32, #tpu.memory_space<vmem_shared>> -> memref<40x128xf32, #tpu.memory_space<vmem_shared>>
    tpu.wait_dma2 semaphore(%arg28 : memref<!tpu.dma_semaphore, #tpu.memory_space<semaphore_mem>>) src(%arg8 : memref<40x128xf32, #tpu.memory_space<vmem>>) dst(%dma_wait3A_260 : memref<40x128xf32, #tpu.memory_space<vmem_shared>>)
    %mul3A_261 = arith.constant 640 : i32
    %mul3A_262 = arith.muli %arg1, %mul3A_261 : i32
    %add3A_263 = arith.constant 160 : i32
    %add3A_264 = arith.addi %mul3A_262, %add3A_263 : i32
    %dma_wait3A_265 = arith.constant 0 : i32
    %dma_wait3A_266 = tpu.memref_slice %arg13[%add3A_264, %dma_wait3A_265] : memref<10240x128xf32, #tpu.memory_space<vmem_shared>> -> memref<40x128xf32, #tpu.memory_space<vmem_shared>>
    %dma_wait3A_267 = arith.constant 0 : i32
    %dma_wait3A_268 = tpu.memref_slice %arg13[%add3A_264, %dma_wait3A_267] : memref<10240x128xf32, #tpu.memory_space<vmem_shared>> -> memref<40x128xf32, #tpu.memory_space<vmem_shared>>
    tpu.wait_dma2 semaphore(%arg28 : memref<!tpu.dma_semaphore, #tpu.memory_space<semaphore_mem>>) src(%arg8 : memref<40x128xf32, #tpu.memory_space<vmem>>) dst(%dma_wait3A_268 : memref<40x128xf32, #tpu.memory_space<vmem_shared>>)
    %mul3A_269 = arith.constant 640 : i32
    %mul3A_270 = arith.muli %arg1, %mul3A_269 : i32
    %add3A_271 = arith.constant 200 : i32
    %add3A_272 = arith.addi %mul3A_270, %add3A_271 : i32
    %dma_wait3A_273 = arith.constant 0 : i32
    %dma_wait3A_274 = tpu.memref_slice %arg13[%add3A_272, %dma_wait3A_273] : memref<10240x128xf32, #tpu.memory_space<vmem_shared>> -> memref<40x128xf32, #tpu.memory_space<vmem_shared>>
    %dma_wait3A_275 = arith.constant 0 : i32
    %dma_wait3A_276 = tpu.memref_slice %arg13[%add3A_272, %dma_wait3A_275] : memref<10240x128xf32, #tpu.memory_space<vmem_shared>> -> memref<40x128xf32, #tpu.memory_space<vmem_shared>>
    tpu.wait_dma2 semaphore(%arg28 : memref<!tpu.dma_semaphore, #tpu.memory_space<semaphore_mem>>) src(%arg8 : memref<40x128xf32, #tpu.memory_space<vmem>>) dst(%dma_wait3A_276 : memref<40x128xf32, #tpu.memory_space<vmem_shared>>)
    %mul3A_277 = arith.constant 640 : i32
    %mul3A_278 = arith.muli %arg1, %mul3A_277 : i32
    %add3A_279 = arith.constant 240 : i32
    %add3A_280 = arith.addi %mul3A_278, %add3A_279 : i32
    %dma_wait3A_281 = arith.constant 0 : i32
    %dma_wait3A_282 = tpu.memref_slice %arg13[%add3A_280, %dma_wait3A_281] : memref<10240x128xf32, #tpu.memory_space<vmem_shared>> -> memref<40x128xf32, #tpu.memory_space<vmem_shared>>
    %dma_wait3A_283 = arith.constant 0 : i32
    %dma_wait3A_284 = tpu.memref_slice %arg13[%add3A_280, %dma_wait3A_283] : memref<10240x128xf32, #tpu.memory_space<vmem_shared>> -> memref<40x128xf32, #tpu.memory_space<vmem_shared>>
    tpu.wait_dma2 semaphore(%arg28 : memref<!tpu.dma_semaphore, #tpu.memory_space<semaphore_mem>>) src(%arg8 : memref<40x128xf32, #tpu.memory_space<vmem>>) dst(%dma_wait3A_284 : memref<40x128xf32, #tpu.memory_space<vmem_shared>>)
    %mul3A_285 = arith.constant 640 : i32
    %mul3A_286 = arith.muli %arg1, %mul3A_285 : i32
    %add3A_287 = arith.constant 280 : i32
    %add3A_288 = arith.addi %mul3A_286, %add3A_287 : i32
    %dma_wait3A_289 = arith.constant 0 : i32
    %dma_wait3A_290 = tpu.memref_slice %arg13[%add3A_288, %dma_wait3A_289] : memref<10240x128xf32, #tpu.memory_space<vmem_shared>> -> memref<40x128xf32, #tpu.memory_space<vmem_shared>>
    %dma_wait3A_291 = arith.constant 0 : i32
    %dma_wait3A_292 = tpu.memref_slice %arg13[%add3A_288, %dma_wait3A_291] : memref<10240x128xf32, #tpu.memory_space<vmem_shared>> -> memref<40x128xf32, #tpu.memory_space<vmem_shared>>
    tpu.wait_dma2 semaphore(%arg28 : memref<!tpu.dma_semaphore, #tpu.memory_space<semaphore_mem>>) src(%arg8 : memref<40x128xf32, #tpu.memory_space<vmem>>) dst(%dma_wait3A_292 : memref<40x128xf32, #tpu.memory_space<vmem_shared>>)
    %mul3A_293 = arith.constant 640 : i32
    %mul3A_294 = arith.muli %arg1, %mul3A_293 : i32
    %add3A_295 = arith.constant 320 : i32
    %add3A_296 = arith.addi %mul3A_294, %add3A_295 : i32
    %dma_wait3A_297 = arith.constant 0 : i32
    %dma_wait3A_298 = tpu.memref_slice %arg13[%add3A_296, %dma_wait3A_297] : memref<10240x128xf32, #tpu.memory_space<vmem_shared>> -> memref<40x128xf32, #tpu.memory_space<vmem_shared>>
    %dma_wait3A_299 = arith.constant 0 : i32
    %dma_wait3A_300 = tpu.memref_slice %arg13[%add3A_296, %dma_wait3A_299] : memref<10240x128xf32, #tpu.memory_space<vmem_shared>> -> memref<40x128xf32, #tpu.memory_space<vmem_shared>>
    tpu.wait_dma2 semaphore(%arg28 : memref<!tpu.dma_semaphore, #tpu.memory_space<semaphore_mem>>) src(%arg8 : memref<40x128xf32, #tpu.memory_space<vmem>>) dst(%dma_wait3A_300 : memref<40x128xf32, #tpu.memory_space<vmem_shared>>)
    %mul3A_301 = arith.constant 640 : i32
    %mul3A_302 = arith.muli %arg1, %mul3A_301 : i32
    %add3A_303 = arith.constant 360 : i32
    %add3A_304 = arith.addi %mul3A_302, %add3A_303 : i32
    %dma_wait3A_305 = arith.constant 0 : i32
    %dma_wait3A_306 = tpu.memref_slice %arg13[%add3A_304, %dma_wait3A_305] : memref<10240x128xf32, #tpu.memory_space<vmem_shared>> -> memref<40x128xf32, #tpu.memory_space<vmem_shared>>
    %dma_wait3A_307 = arith.constant 0 : i32
    %dma_wait3A_308 = tpu.memref_slice %arg13[%add3A_304, %dma_wait3A_307] : memref<10240x128xf32, #tpu.memory_space<vmem_shared>> -> memref<40x128xf32, #tpu.memory_space<vmem_shared>>
    tpu.wait_dma2 semaphore(%arg28 : memref<!tpu.dma_semaphore, #tpu.memory_space<semaphore_mem>>) src(%arg8 : memref<40x128xf32, #tpu.memory_space<vmem>>) dst(%dma_wait3A_308 : memref<40x128xf32, #tpu.memory_space<vmem_shared>>)
    %mul3A_309 = arith.constant 640 : i32
    %mul3A_310 = arith.muli %arg1, %mul3A_309 : i32
    %add3A_311 = arith.constant 400 : i32
    %add3A_312 = arith.addi %mul3A_310, %add3A_311 : i32
    %dma_wait3A_313 = arith.constant 0 : i32
    %dma_wait3A_314 = tpu.memref_slice %arg13[%add3A_312, %dma_wait3A_313] : memref<10240x128xf32, #tpu.memory_space<vmem_shared>> -> memref<40x128xf32, #tpu.memory_space<vmem_shared>>
    %dma_wait3A_315 = arith.constant 0 : i32
    %dma_wait3A_316 = tpu.memref_slice %arg13[%add3A_312, %dma_wait3A_315] : memref<10240x128xf32, #tpu.memory_space<vmem_shared>> -> memref<40x128xf32, #tpu.memory_space<vmem_shared>>
    tpu.wait_dma2 semaphore(%arg28 : memref<!tpu.dma_semaphore, #tpu.memory_space<semaphore_mem>>) src(%arg8 : memref<40x128xf32, #tpu.memory_space<vmem>>) dst(%dma_wait3A_316 : memref<40x128xf32, #tpu.memory_space<vmem_shared>>)
    %mul3A_317 = arith.constant 640 : i32
    %mul3A_318 = arith.muli %arg1, %mul3A_317 : i32
    %add3A_319 = arith.constant 440 : i32
    %add3A_320 = arith.addi %mul3A_318, %add3A_319 : i32
    %dma_wait3A_321 = arith.constant 0 : i32
    %dma_wait3A_322 = tpu.memref_slice %arg13[%add3A_320, %dma_wait3A_321] : memref<10240x128xf32, #tpu.memory_space<vmem_shared>> -> memref<40x128xf32, #tpu.memory_space<vmem_shared>>
    %dma_wait3A_323 = arith.constant 0 : i32
    %dma_wait3A_324 = tpu.memref_slice %arg13[%add3A_320, %dma_wait3A_323] : memref<10240x128xf32, #tpu.memory_space<vmem_shared>> -> memref<40x128xf32, #tpu.memory_space<vmem_shared>>
    tpu.wait_dma2 semaphore(%arg28 : memref<!tpu.dma_semaphore, #tpu.memory_space<semaphore_mem>>) src(%arg8 : memref<40x128xf32, #tpu.memory_space<vmem>>) dst(%dma_wait3A_324 : memref<40x128xf32, #tpu.memory_space<vmem_shared>>)
    %mul3A_325 = arith.constant 640 : i32
    %mul3A_326 = arith.muli %arg1, %mul3A_325 : i32
    %add3A_327 = arith.constant 480 : i32
    %add3A_328 = arith.addi %mul3A_326, %add3A_327 : i32
    %dma_wait3A_329 = arith.constant 0 : i32
    %dma_wait3A_330 = tpu.memref_slice %arg13[%add3A_328, %dma_wait3A_329] : memref<10240x128xf32, #tpu.memory_space<vmem_shared>> -> memref<40x128xf32, #tpu.memory_space<vmem_shared>>
    %dma_wait3A_331 = arith.constant 0 : i32
    %dma_wait3A_332 = tpu.memref_slice %arg13[%add3A_328, %dma_wait3A_331] : memref<10240x128xf32, #tpu.memory_space<vmem_shared>> -> memref<40x128xf32, #tpu.memory_space<vmem_shared>>
    tpu.wait_dma2 semaphore(%arg28 : memref<!tpu.dma_semaphore, #tpu.memory_space<semaphore_mem>>) src(%arg8 : memref<40x128xf32, #tpu.memory_space<vmem>>) dst(%dma_wait3A_332 : memref<40x128xf32, #tpu.memory_space<vmem_shared>>)
    %mul3A_333 = arith.constant 640 : i32
    %mul3A_334 = arith.muli %arg1, %mul3A_333 : i32
    %add3A_335 = arith.constant 520 : i32
    %add3A_336 = arith.addi %mul3A_334, %add3A_335 : i32
    %dma_wait3A_337 = arith.constant 0 : i32
    %dma_wait3A_338 = tpu.memref_slice %arg13[%add3A_336, %dma_wait3A_337] : memref<10240x128xf32, #tpu.memory_space<vmem_shared>> -> memref<40x128xf32, #tpu.memory_space<vmem_shared>>
    %dma_wait3A_339 = arith.constant 0 : i32
    %dma_wait3A_340 = tpu.memref_slice %arg13[%add3A_336, %dma_wait3A_339] : memref<10240x128xf32, #tpu.memory_space<vmem_shared>> -> memref<40x128xf32, #tpu.memory_space<vmem_shared>>
    tpu.wait_dma2 semaphore(%arg28 : memref<!tpu.dma_semaphore, #tpu.memory_space<semaphore_mem>>) src(%arg8 : memref<40x128xf32, #tpu.memory_space<vmem>>) dst(%dma_wait3A_340 : memref<40x128xf32, #tpu.memory_space<vmem_shared>>)
    %mul3A_341 = arith.constant 640 : i32
    %mul3A_342 = arith.muli %arg1, %mul3A_341 : i32
    %add3A_343 = arith.constant 560 : i32
    %add3A_344 = arith.addi %mul3A_342, %add3A_343 : i32
    %dma_wait3A_345 = arith.constant 0 : i32
    %dma_wait3A_346 = tpu.memref_slice %arg13[%add3A_344, %dma_wait3A_345] : memref<10240x128xf32, #tpu.memory_space<vmem_shared>> -> memref<40x128xf32, #tpu.memory_space<vmem_shared>>
    %dma_wait3A_347 = arith.constant 0 : i32
    %dma_wait3A_348 = tpu.memref_slice %arg13[%add3A_344, %dma_wait3A_347] : memref<10240x128xf32, #tpu.memory_space<vmem_shared>> -> memref<40x128xf32, #tpu.memory_space<vmem_shared>>
    tpu.wait_dma2 semaphore(%arg28 : memref<!tpu.dma_semaphore, #tpu.memory_space<semaphore_mem>>) src(%arg8 : memref<40x128xf32, #tpu.memory_space<vmem>>) dst(%dma_wait3A_348 : memref<40x128xf32, #tpu.memory_space<vmem_shared>>)
    %mul3A_349 = arith.constant 640 : i32
    %mul3A_350 = arith.muli %arg1, %mul3A_349 : i32
    %add3A_351 = arith.constant 600 : i32
    %add3A_352 = arith.addi %mul3A_350, %add3A_351 : i32
    %dma_wait3A_353 = arith.constant 0 : i32
    %dma_wait3A_354 = tpu.memref_slice %arg13[%add3A_352, %dma_wait3A_353] : memref<10240x128xf32, #tpu.memory_space<vmem_shared>> -> memref<40x128xf32, #tpu.memory_space<vmem_shared>>
    %dma_wait3A_355 = arith.constant 0 : i32
    %dma_wait3A_356 = tpu.memref_slice %arg13[%add3A_352, %dma_wait3A_355] : memref<10240x128xf32, #tpu.memory_space<vmem_shared>> -> memref<40x128xf32, #tpu.memory_space<vmem_shared>>
    tpu.wait_dma2 semaphore(%arg28 : memref<!tpu.dma_semaphore, #tpu.memory_space<semaphore_mem>>) src(%arg8 : memref<40x128xf32, #tpu.memory_space<vmem>>) dst(%dma_wait3A_356 : memref<40x128xf32, #tpu.memory_space<vmem_shared>>)
    %mul3A_357 = arith.constant 10000 : i32
    %mul3A_358 = arith.muli %add3A, %mul3A_357 : i32
    %add3A_359 = arith.constant 0 : i32
    %add3A_360 = arith.addi %mul3A_358, %add3A_359 : i32
    %dma_wait3A_361 = arith.constant 0 : i32
    %dma_wait3A_362 = tpu.memref_slice %arg6[%dma_wait3A_361] : memref<200xi32, #tpu.memory_space<vmem>> -> memref<40xi32, #tpu.memory_space<vmem>>
    %dma_wait3A_363 = tpu.memref_slice %arg3[%add3A_360] : memref<320000xi32, #tpu.memory_space<hbm>> -> memref<40xi32, #tpu.memory_space<hbm>>
    %dma_wait3A_364 = arith.constant 0 : i32
    %dma_wait3A_365 = tpu.memref_slice %arg6[%dma_wait3A_364] : memref<200xi32, #tpu.memory_space<vmem>> -> memref<40xi32, #tpu.memory_space<vmem>>
    %dma_wait3A_366 = tpu.memref_slice %arg3[%add3A_360] : memref<320000xi32, #tpu.memory_space<hbm>> -> memref<40xi32, #tpu.memory_space<hbm>>
    tpu.wait_dma2 semaphore(%arg29 : memref<!tpu.dma_semaphore, #tpu.memory_space<semaphore_mem>>) src(%dma_wait3A_366 : memref<40xi32, #tpu.memory_space<hbm>>) dst(%dma_wait3A_365 : memref<40xi32, #tpu.memory_space<vmem>>)
    %dma_start3A_367 = arith.constant 0 : i32
    %dma_start3A_368 = tpu.memref_slice %arg6[%dma_start3A_367] : memref<200xi32, #tpu.memory_space<vmem>> -> memref<40xi32, #tpu.memory_space<vmem>>
    %dma_start3A_369 = arith.constant 0 : i32
    %dma_start3A_370 = arith.constant 0 : i32
    %dma_start3A_371 = tpu.memref_slice %arg2[%dma_start3A_369, %dma_start3A_370] : memref<10000x128xf32, #tpu.memory_space<hbm>> -> memref<10000x128xf32, #tpu.memory_space<hbm>>
    tpu.enqueue_indirect_dma source(%dma_start3A_371 : memref<10000x128xf32, #tpu.memory_space<hbm>>) target(%arg8 : memref<40x128xf32, #tpu.memory_space<vmem>>) offsets(%dma_start3A_368 : memref<40xi32, #tpu.memory_space<vmem>>) semaphore(%arg14 : memref<!tpu.dma_semaphore, #tpu.memory_space<semaphore_mem>>)
    %mul3A_372 = arith.constant 10000 : i32
    %mul3A_373 = arith.muli %add3A, %mul3A_372 : i32
    %add3A_374 = arith.constant 0 : i32
    %add3A_375 = arith.addi %mul3A_373, %add3A_374 : i32
    %dma_start3A_376 = arith.constant 0 : i32
    %dma_start3A_377 = arith.constant 0 : i32
    %dma_start3A_378 = tpu.memref_slice %arg7[%dma_start3A_376, %dma_start3A_377] : memref<5x40xi32, #tpu.memory_space<vmem>> -> memref<1x40xi32, #tpu.memory_space<vmem>>
    %dma_start3A_379 = tpu.memref_squeeze %dma_start3A_378 : memref<1x40xi32, #tpu.memory_space<vmem>> -> memref<40xi32, #tpu.memory_space<vmem>>
    %dma_start3A_380 = tpu.memref_slice %arg4[%add3A_375] : memref<320000xi32, #tpu.memory_space<hbm>> -> memref<40xi32, #tpu.memory_space<hbm>>
    %dma_start3A_381 = arith.constant 0 : i32
    %dma_start3A_382 = tpu.memref_slice %arg7[%dma_start3A_376, %dma_start3A_381] : memref<5x40xi32, #tpu.memory_space<vmem>> -> memref<1x40xi32, #tpu.memory_space<vmem>>
    %dma_start3A_383 = tpu.memref_squeeze %dma_start3A_382 : memref<1x40xi32, #tpu.memory_space<vmem>> -> memref<40xi32, #tpu.memory_space<vmem>>
    %dma_start3A_384 = tpu.memref_slice %arg4[%add3A_375] : memref<320000xi32, #tpu.memory_space<hbm>> -> memref<40xi32, #tpu.memory_space<hbm>>
    tpu.enqueue_dma source(%dma_start3A_384 : memref<40xi32, #tpu.memory_space<hbm>>) target(%dma_start3A_383 : memref<40xi32, #tpu.memory_space<vmem>>) target_semaphore(%arg24 : memref<!tpu.dma_semaphore, #tpu.memory_space<semaphore_mem>>)
    %barrier3A = arith.constant 0 : index
    tpu.barrier barrier_id(%barrier3A)
    %scan3A_385 = arith.constant 0 : i32
    %scan3A_386 = arith.constant 0 : i32
    %scan3A_387 = arith.constant 50 : i32
    %scan3A_388 = arith.addi %scan3A_386, %scan3A_387 : i32
    %scan3A_389 = arith.constant 1 : i32
    scf.for %scan3A_431 = %scan3A_386 to %scan3A_388 step %scan3A_389  : i32 {
      %mul3A_432 = arith.constant 5 : i32
      %mul3A_433 = arith.muli %mul3A_432, %scan3A_431 : i32
      %add3A_434 = arith.constant 0 : i32
      %add3A_435 = arith.addi %mul3A_433, %add3A_434 : i32
      %dma_wait3A_436 = arith.constant 0 : i32
      %dma_wait3A_437 = tpu.memref_slice %arg6[%dma_wait3A_436] : memref<200xi32, #tpu.memory_space<vmem>> -> memref<40xi32, #tpu.memory_space<vmem>>
      %dma_wait3A_438 = arith.constant 0 : i32
      %dma_wait3A_439 = arith.constant 0 : i32
      %dma_wait3A_440 = tpu.memref_slice %arg2[%dma_wait3A_438, %dma_wait3A_439] : memref<10000x128xf32, #tpu.memory_space<hbm>> -> memref<10000x128xf32, #tpu.memory_space<hbm>>
      tpu.wait_indirect_dma semaphore(%arg14 : memref<!tpu.dma_semaphore, #tpu.memory_space<semaphore_mem>>) src(%dma_wait3A_440 : memref<10000x128xf32, #tpu.memory_space<hbm>>) dst(%arg8 : memref<40x128xf32, #tpu.memory_space<vmem>>)
      %mul3A_441 = arith.constant 10000 : i32
      %mul3A_442 = arith.muli %add3A, %mul3A_441 : i32
      %mul3A_443 = arith.constant 40 : i32
      %mul3A_444 = arith.muli %add3A_435, %mul3A_443 : i32
      %add3A_445 = arith.addi %mul3A_442, %mul3A_444 : i32
      %dma_wait3A_446 = arith.constant 0 : i32
      %dma_wait3A_447 = arith.constant 0 : i32
      %dma_wait3A_448 = tpu.memref_slice %arg7[%dma_wait3A_446, %dma_wait3A_447] : memref<5x40xi32, #tpu.memory_space<vmem>> -> memref<1x40xi32, #tpu.memory_space<vmem>>
      %dma_wait3A_449 = tpu.memref_squeeze %dma_wait3A_448 : memref<1x40xi32, #tpu.memory_space<vmem>> -> memref<40xi32, #tpu.memory_space<vmem>>
      %dma_wait3A_450 = tpu.memref_slice %arg4[%add3A_445] : memref<320000xi32, #tpu.memory_space<hbm>> -> memref<40xi32, #tpu.memory_space<hbm>>
      %dma_wait3A_451 = arith.constant 0 : i32
      %dma_wait3A_452 = tpu.memref_slice %arg7[%dma_wait3A_446, %dma_wait3A_451] : memref<5x40xi32, #tpu.memory_space<vmem>> -> memref<1x40xi32, #tpu.memory_space<vmem>>
      %dma_wait3A_453 = tpu.memref_squeeze %dma_wait3A_452 : memref<1x40xi32, #tpu.memory_space<vmem>> -> memref<40xi32, #tpu.memory_space<vmem>>
      %dma_wait3A_454 = tpu.memref_slice %arg4[%add3A_445] : memref<320000xi32, #tpu.memory_space<hbm>> -> memref<40xi32, #tpu.memory_space<hbm>>
      tpu.wait_dma2 semaphore(%arg24 : memref<!tpu.dma_semaphore, #tpu.memory_space<semaphore_mem>>) src(%dma_wait3A_454 : memref<40xi32, #tpu.memory_space<hbm>>) dst(%dma_wait3A_453 : memref<40xi32, #tpu.memory_space<vmem>>)
      %dma_start3A_455 = arith.constant 0 : i32
      %dma_start3A_456 = arith.constant 0 : i32
      %dma_start3A_457 = tpu.memref_slice %arg7[%dma_start3A_455, %dma_start3A_456] : memref<5x40xi32, #tpu.memory_space<vmem>> -> memref<1x40xi32, #tpu.memory_space<vmem>>
      %dma_start3A_458 = tpu.memref_squeeze %dma_start3A_457 : memref<1x40xi32, #tpu.memory_space<vmem>> -> memref<40xi32, #tpu.memory_space<vmem>>
      %dma_start3A_459 = arith.constant 0 : i32
      %dma_start3A_460 = arith.constant 0 : i32
      %dma_start3A_461 = tpu.memref_slice %arg13[%dma_start3A_459, %dma_start3A_460] : memref<10240x128xf32, #tpu.memory_space<vmem_shared>> -> memref<10240x128xf32, #tpu.memory_space<vmem_shared>>
      tpu.enqueue_indirect_dma source(%arg8 : memref<40x128xf32, #tpu.memory_space<vmem>>) target(%dma_start3A_461 : memref<10240x128xf32, #tpu.memory_space<vmem_shared>>) offsets(%dma_start3A_458 : memref<40xi32, #tpu.memory_space<vmem>>) semaphore(%arg19 : memref<!tpu.dma_semaphore, #tpu.memory_space<semaphore_mem>>) {add = true}
      %gt3A = arith.constant 0 : i32
      %gt3A_462 = arith.cmpi sgt, %add3A_435, %gt3A : i32
      %lt3A = arith.constant 246 : i32
      %lt3A_463 = arith.cmpi slt, %add3A_435, %lt3A : i32
      %and3A = arith.andi %gt3A_462, %lt3A_463 : i1
      %convert_element_type3A = arith.extui %and3A : i1 to i32
      %cond3A = arith.constant 0 : i32
      %cond3A_464 = arith.cmpi ne, %convert_element_type3A, %cond3A : i32
      scf.if %cond3A_464 {
        %sub3A = arith.constant 1 : i32
        %sub3A_667 = arith.subi %add3A_435, %sub3A : i32
        %dma_wait3A_668 = arith.constant 4 : i32
        %dma_wait3A_669 = arith.constant 0 : i32
        %dma_wait3A_670 = tpu.memref_slice %arg7[%dma_wait3A_668, %dma_wait3A_669] : memref<5x40xi32, #tpu.memory_space<vmem>> -> memref<1x40xi32, #tpu.memory_space<vmem>>
        %dma_wait3A_671 = tpu.memref_squeeze %dma_wait3A_670 : memref<1x40xi32, #tpu.memory_space<vmem>> -> memref<40xi32, #tpu.memory_space<vmem>>
        %dma_wait3A_672 = arith.constant 0 : i32
        %dma_wait3A_673 = arith.constant 0 : i32
        %dma_wait3A_674 = tpu.memref_slice %arg13[%dma_wait3A_672, %dma_wait3A_673] : memref<10240x128xf32, #tpu.memory_space<vmem_shared>> -> memref<10240x128xf32, #tpu.memory_space<vmem_shared>>
        tpu.wait_indirect_dma semaphore(%arg23 : memref<!tpu.dma_semaphore, #tpu.memory_space<semaphore_mem>>) src(%arg12 : memref<40x128xf32, #tpu.memory_space<vmem>>) dst(%dma_wait3A_674 : memref<10240x128xf32, #tpu.memory_space<vmem_shared>>)
      } else {
      }
      %lt3A_465 = arith.constant 246 : i32
      %lt3A_466 = arith.cmpi slt, %add3A_435, %lt3A_465 : i32
      %convert_element_type3A_467 = arith.extui %lt3A_466 : i1 to i32
      %cond3A_468 = arith.constant 0 : i32
      %cond3A_469 = arith.cmpi ne, %convert_element_type3A_467, %cond3A_468 : i32
      scf.if %cond3A_469 {
        %add3A_667 = arith.constant 5 : i32
        %add3A_668 = arith.addi %add3A_435, %add3A_667 : i32
        %sub3A = arith.constant 1 : i32
        %sub3A_669 = arith.subi %add3A_668, %sub3A : i32
        %mul3A_670 = arith.constant 10000 : i32
        %mul3A_671 = arith.muli %add3A, %mul3A_670 : i32
        %mul3A_672 = arith.constant 40 : i32
        %mul3A_673 = arith.muli %sub3A_669, %mul3A_672 : i32
        %add3A_674 = arith.addi %mul3A_671, %mul3A_673 : i32
        %dma_start3A_675 = arith.constant 160 : i32
        %dma_start3A_676 = tpu.memref_slice %arg6[%dma_start3A_675] : memref<200xi32, #tpu.memory_space<vmem>> -> memref<40xi32, #tpu.memory_space<vmem>>
        %dma_start3A_677 = tpu.memref_slice %arg3[%add3A_674] : memref<320000xi32, #tpu.memory_space<hbm>> -> memref<40xi32, #tpu.memory_space<hbm>>
        %dma_start3A_678 = arith.constant 160 : i32
        %dma_start3A_679 = tpu.memref_slice %arg6[%dma_start3A_678] : memref<200xi32, #tpu.memory_space<vmem>> -> memref<40xi32, #tpu.memory_space<vmem>>
        %dma_start3A_680 = tpu.memref_slice %arg3[%add3A_674] : memref<320000xi32, #tpu.memory_space<hbm>> -> memref<40xi32, #tpu.memory_space<hbm>>
        tpu.enqueue_dma source(%dma_start3A_680 : memref<40xi32, #tpu.memory_space<hbm>>) target(%dma_start3A_679 : memref<40xi32, #tpu.memory_space<vmem>>) target_semaphore(%arg33 : memref<!tpu.dma_semaphore, #tpu.memory_space<semaphore_mem>>)
      } else {
      }
      %lt3A_470 = arith.constant 247 : i32
      %lt3A_471 = arith.cmpi slt, %add3A_435, %lt3A_470 : i32
      %convert_element_type3A_472 = arith.extui %lt3A_471 : i1 to i32
      %cond3A_473 = arith.constant 0 : i32
      %cond3A_474 = arith.cmpi ne, %convert_element_type3A_472, %cond3A_473 : i32
      scf.if %cond3A_474 {
        %add3A_667 = arith.constant 5 : i32
        %add3A_668 = arith.addi %add3A_435, %add3A_667 : i32
        %sub3A = arith.constant 2 : i32
        %sub3A_669 = arith.subi %add3A_668, %sub3A : i32
        %mul3A_670 = arith.constant 10000 : i32
        %mul3A_671 = arith.muli %add3A, %mul3A_670 : i32
        %mul3A_672 = arith.constant 40 : i32
        %mul3A_673 = arith.muli %sub3A_669, %mul3A_672 : i32
        %add3A_674 = arith.addi %mul3A_671, %mul3A_673 : i32
        %dma_wait3A_675 = arith.constant 120 : i32
        %dma_wait3A_676 = tpu.memref_slice %arg6[%dma_wait3A_675] : memref<200xi32, #tpu.memory_space<vmem>> -> memref<40xi32, #tpu.memory_space<vmem>>
        %dma_wait3A_677 = tpu.memref_slice %arg3[%add3A_674] : memref<320000xi32, #tpu.memory_space<hbm>> -> memref<40xi32, #tpu.memory_space<hbm>>
        %dma_wait3A_678 = arith.constant 120 : i32
        %dma_wait3A_679 = tpu.memref_slice %arg6[%dma_wait3A_678] : memref<200xi32, #tpu.memory_space<vmem>> -> memref<40xi32, #tpu.memory_space<vmem>>
        %dma_wait3A_680 = tpu.memref_slice %arg3[%add3A_674] : memref<320000xi32, #tpu.memory_space<hbm>> -> memref<40xi32, #tpu.memory_space<hbm>>
        tpu.wait_dma2 semaphore(%arg32 : memref<!tpu.dma_semaphore, #tpu.memory_space<semaphore_mem>>) src(%dma_wait3A_680 : memref<40xi32, #tpu.memory_space<hbm>>) dst(%dma_wait3A_679 : memref<40xi32, #tpu.memory_space<vmem>>)
        %add3A_681 = arith.constant 5 : i32
        %add3A_682 = arith.addi %add3A_435, %add3A_681 : i32
        %sub3A_683 = arith.constant 2 : i32
        %sub3A_684 = arith.subi %add3A_682, %sub3A_683 : i32
        %dma_start3A_685 = arith.constant 120 : i32
        %dma_start3A_686 = tpu.memref_slice %arg6[%dma_start3A_685] : memref<200xi32, #tpu.memory_space<vmem>> -> memref<40xi32, #tpu.memory_space<vmem>>
        %dma_start3A_687 = arith.constant 0 : i32
        %dma_start3A_688 = arith.constant 0 : i32
        %dma_start3A_689 = tpu.memref_slice %arg2[%dma_start3A_687, %dma_start3A_688] : memref<10000x128xf32, #tpu.memory_space<hbm>> -> memref<10000x128xf32, #tpu.memory_space<hbm>>
        tpu.enqueue_indirect_dma source(%dma_start3A_689 : memref<10000x128xf32, #tpu.memory_space<hbm>>) target(%arg11 : memref<40x128xf32, #tpu.memory_space<vmem>>) offsets(%dma_start3A_686 : memref<40xi32, #tpu.memory_space<vmem>>) semaphore(%arg17 : memref<!tpu.dma_semaphore, #tpu.memory_space<semaphore_mem>>)
        %mul3A_690 = arith.constant 10000 : i32
        %mul3A_691 = arith.muli %add3A, %mul3A_690 : i32
        %mul3A_692 = arith.constant 40 : i32
        %mul3A_693 = arith.muli %sub3A_684, %mul3A_692 : i32
        %add3A_694 = arith.addi %mul3A_691, %mul3A_693 : i32
        %dma_start3A_695 = arith.constant 3 : i32
        %dma_start3A_696 = arith.constant 0 : i32
        %dma_start3A_697 = tpu.memref_slice %arg7[%dma_start3A_695, %dma_start3A_696] : memref<5x40xi32, #tpu.memory_space<vmem>> -> memref<1x40xi32, #tpu.memory_space<vmem>>
        %dma_start3A_698 = tpu.memref_squeeze %dma_start3A_697 : memref<1x40xi32, #tpu.memory_space<vmem>> -> memref<40xi32, #tpu.memory_space<vmem>>
        %dma_start3A_699 = tpu.memref_slice %arg4[%add3A_694] : memref<320000xi32, #tpu.memory_space<hbm>> -> memref<40xi32, #tpu.memory_space<hbm>>
        %dma_start3A_700 = arith.constant 0 : i32
        %dma_start3A_701 = tpu.memref_slice %arg7[%dma_start3A_695, %dma_start3A_700] : memref<5x40xi32, #tpu.memory_space<vmem>> -> memref<1x40xi32, #tpu.memory_space<vmem>>
        %dma_start3A_702 = tpu.memref_squeeze %dma_start3A_701 : memref<1x40xi32, #tpu.memory_space<vmem>> -> memref<40xi32, #tpu.memory_space<vmem>>
        %dma_start3A_703 = tpu.memref_slice %arg4[%add3A_694] : memref<320000xi32, #tpu.memory_space<hbm>> -> memref<40xi32, #tpu.memory_space<hbm>>
        tpu.enqueue_dma source(%dma_start3A_703 : memref<40xi32, #tpu.memory_space<hbm>>) target(%dma_start3A_702 : memref<40xi32, #tpu.memory_space<vmem>>) target_semaphore(%arg27 : memref<!tpu.dma_semaphore, #tpu.memory_space<semaphore_mem>>)
      } else {
      }
      %mul3A_475 = arith.constant 5 : i32
      %mul3A_476 = arith.muli %mul3A_475, %scan3A_431 : i32
      %add3A_477 = arith.constant 1 : i32
      %add3A_478 = arith.addi %mul3A_476, %add3A_477 : i32
      %dma_wait3A_479 = arith.constant 40 : i32
      %dma_wait3A_480 = tpu.memref_slice %arg6[%dma_wait3A_479] : memref<200xi32, #tpu.memory_space<vmem>> -> memref<40xi32, #tpu.memory_space<vmem>>
      %dma_wait3A_481 = arith.constant 0 : i32
      %dma_wait3A_482 = arith.constant 0 : i32
      %dma_wait3A_483 = tpu.memref_slice %arg2[%dma_wait3A_481, %dma_wait3A_482] : memref<10000x128xf32, #tpu.memory_space<hbm>> -> memref<10000x128xf32, #tpu.memory_space<hbm>>
      tpu.wait_indirect_dma semaphore(%arg15 : memref<!tpu.dma_semaphore, #tpu.memory_space<semaphore_mem>>) src(%dma_wait3A_483 : memref<10000x128xf32, #tpu.memory_space<hbm>>) dst(%arg9 : memref<40x128xf32, #tpu.memory_space<vmem>>)
      %mul3A_484 = arith.constant 10000 : i32
      %mul3A_485 = arith.muli %add3A, %mul3A_484 : i32
      %mul3A_486 = arith.constant 40 : i32
      %mul3A_487 = arith.muli %add3A_478, %mul3A_486 : i32
      %add3A_488 = arith.addi %mul3A_485, %mul3A_487 : i32
      %dma_wait3A_489 = arith.constant 1 : i32
      %dma_wait3A_490 = arith.constant 0 : i32
      %dma_wait3A_491 = tpu.memref_slice %arg7[%dma_wait3A_489, %dma_wait3A_490] : memref<5x40xi32, #tpu.memory_space<vmem>> -> memref<1x40xi32, #tpu.memory_space<vmem>>
      %dma_wait3A_492 = tpu.memref_squeeze %dma_wait3A_491 : memref<1x40xi32, #tpu.memory_space<vmem>> -> memref<40xi32, #tpu.memory_space<vmem>>
      %dma_wait3A_493 = tpu.memref_slice %arg4[%add3A_488] : memref<320000xi32, #tpu.memory_space<hbm>> -> memref<40xi32, #tpu.memory_space<hbm>>
      %dma_wait3A_494 = arith.constant 0 : i32
      %dma_wait3A_495 = tpu.memref_slice %arg7[%dma_wait3A_489, %dma_wait3A_494] : memref<5x40xi32, #tpu.memory_space<vmem>> -> memref<1x40xi32, #tpu.memory_space<vmem>>
      %dma_wait3A_496 = tpu.memref_squeeze %dma_wait3A_495 : memref<1x40xi32, #tpu.memory_space<vmem>> -> memref<40xi32, #tpu.memory_space<vmem>>
      %dma_wait3A_497 = tpu.memref_slice %arg4[%add3A_488] : memref<320000xi32, #tpu.memory_space<hbm>> -> memref<40xi32, #tpu.memory_space<hbm>>
      tpu.wait_dma2 semaphore(%arg25 : memref<!tpu.dma_semaphore, #tpu.memory_space<semaphore_mem>>) src(%dma_wait3A_497 : memref<40xi32, #tpu.memory_space<hbm>>) dst(%dma_wait3A_496 : memref<40xi32, #tpu.memory_space<vmem>>)
      %dma_start3A_498 = arith.constant 1 : i32
      %dma_start3A_499 = arith.constant 0 : i32
      %dma_start3A_500 = tpu.memref_slice %arg7[%dma_start3A_498, %dma_start3A_499] : memref<5x40xi32, #tpu.memory_space<vmem>> -> memref<1x40xi32, #tpu.memory_space<vmem>>
      %dma_start3A_501 = tpu.memref_squeeze %dma_start3A_500 : memref<1x40xi32, #tpu.memory_space<vmem>> -> memref<40xi32, #tpu.memory_space<vmem>>
      %dma_start3A_502 = arith.constant 0 : i32
      %dma_start3A_503 = arith.constant 0 : i32
      %dma_start3A_504 = tpu.memref_slice %arg13[%dma_start3A_502, %dma_start3A_503] : memref<10240x128xf32, #tpu.memory_space<vmem_shared>> -> memref<10240x128xf32, #tpu.memory_space<vmem_shared>>
      tpu.enqueue_indirect_dma source(%arg9 : memref<40x128xf32, #tpu.memory_space<vmem>>) target(%dma_start3A_504 : memref<10240x128xf32, #tpu.memory_space<vmem_shared>>) offsets(%dma_start3A_501 : memref<40xi32, #tpu.memory_space<vmem>>) semaphore(%arg20 : memref<!tpu.dma_semaphore, #tpu.memory_space<semaphore_mem>>) {add = true}
      %gt3A_505 = arith.constant 0 : i32
      %gt3A_506 = arith.cmpi sgt, %add3A_478, %gt3A_505 : i32
      %lt3A_507 = arith.constant 246 : i32
      %lt3A_508 = arith.cmpi slt, %add3A_478, %lt3A_507 : i32
      %and3A_509 = arith.andi %gt3A_506, %lt3A_508 : i1
      %convert_element_type3A_510 = arith.extui %and3A_509 : i1 to i32
      %cond3A_511 = arith.constant 0 : i32
      %cond3A_512 = arith.cmpi ne, %convert_element_type3A_510, %cond3A_511 : i32
      scf.if %cond3A_512 {
        %sub3A = arith.constant 1 : i32
        %sub3A_667 = arith.subi %add3A_478, %sub3A : i32
        %dma_wait3A_668 = arith.constant 0 : i32
        %dma_wait3A_669 = arith.constant 0 : i32
        %dma_wait3A_670 = tpu.memref_slice %arg7[%dma_wait3A_668, %dma_wait3A_669] : memref<5x40xi32, #tpu.memory_space<vmem>> -> memref<1x40xi32, #tpu.memory_space<vmem>>
        %dma_wait3A_671 = tpu.memref_squeeze %dma_wait3A_670 : memref<1x40xi32, #tpu.memory_space<vmem>> -> memref<40xi32, #tpu.memory_space<vmem>>
        %dma_wait3A_672 = arith.constant 0 : i32
        %dma_wait3A_673 = arith.constant 0 : i32
        %dma_wait3A_674 = tpu.memref_slice %arg13[%dma_wait3A_672, %dma_wait3A_673] : memref<10240x128xf32, #tpu.memory_space<vmem_shared>> -> memref<10240x128xf32, #tpu.memory_space<vmem_shared>>
        tpu.wait_indirect_dma semaphore(%arg19 : memref<!tpu.dma_semaphore, #tpu.memory_space<semaphore_mem>>) src(%arg8 : memref<40x128xf32, #tpu.memory_space<vmem>>) dst(%dma_wait3A_674 : memref<10240x128xf32, #tpu.memory_space<vmem_shared>>)
      } else {
      }
      %lt3A_513 = arith.constant 246 : i32
      %lt3A_514 = arith.cmpi slt, %add3A_478, %lt3A_513 : i32
      %convert_element_type3A_515 = arith.extui %lt3A_514 : i1 to i32
      %cond3A_516 = arith.constant 0 : i32
      %cond3A_517 = arith.cmpi ne, %convert_element_type3A_515, %cond3A_516 : i32
      scf.if %cond3A_517 {
        %add3A_667 = arith.constant 5 : i32
        %add3A_668 = arith.addi %add3A_478, %add3A_667 : i32
        %sub3A = arith.constant 1 : i32
        %sub3A_669 = arith.subi %add3A_668, %sub3A : i32
        %mul3A_670 = arith.constant 10000 : i32
        %mul3A_671 = arith.muli %add3A, %mul3A_670 : i32
        %mul3A_672 = arith.constant 40 : i32
        %mul3A_673 = arith.muli %sub3A_669, %mul3A_672 : i32
        %add3A_674 = arith.addi %mul3A_671, %mul3A_673 : i32
        %dma_start3A_675 = arith.constant 0 : i32
        %dma_start3A_676 = tpu.memref_slice %arg6[%dma_start3A_675] : memref<200xi32, #tpu.memory_space<vmem>> -> memref<40xi32, #tpu.memory_space<vmem>>
        %dma_start3A_677 = tpu.memref_slice %arg3[%add3A_674] : memref<320000xi32, #tpu.memory_space<hbm>> -> memref<40xi32, #tpu.memory_space<hbm>>
        %dma_start3A_678 = arith.constant 0 : i32
        %dma_start3A_679 = tpu.memref_slice %arg6[%dma_start3A_678] : memref<200xi32, #tpu.memory_space<vmem>> -> memref<40xi32, #tpu.memory_space<vmem>>
        %dma_start3A_680 = tpu.memref_slice %arg3[%add3A_674] : memref<320000xi32, #tpu.memory_space<hbm>> -> memref<40xi32, #tpu.memory_space<hbm>>
        tpu.enqueue_dma source(%dma_start3A_680 : memref<40xi32, #tpu.memory_space<hbm>>) target(%dma_start3A_679 : memref<40xi32, #tpu.memory_space<vmem>>) target_semaphore(%arg29 : memref<!tpu.dma_semaphore, #tpu.memory_space<semaphore_mem>>)
      } else {
      }
      %lt3A_518 = arith.constant 247 : i32
      %lt3A_519 = arith.cmpi slt, %add3A_478, %lt3A_518 : i32
      %convert_element_type3A_520 = arith.extui %lt3A_519 : i1 to i32
      %cond3A_521 = arith.constant 0 : i32
      %cond3A_522 = arith.cmpi ne, %convert_element_type3A_520, %cond3A_521 : i32
      scf.if %cond3A_522 {
        %add3A_667 = arith.constant 5 : i32
        %add3A_668 = arith.addi %add3A_478, %add3A_667 : i32
        %sub3A = arith.constant 2 : i32
        %sub3A_669 = arith.subi %add3A_668, %sub3A : i32
        %mul3A_670 = arith.constant 10000 : i32
        %mul3A_671 = arith.muli %add3A, %mul3A_670 : i32
        %mul3A_672 = arith.constant 40 : i32
        %mul3A_673 = arith.muli %sub3A_669, %mul3A_672 : i32
        %add3A_674 = arith.addi %mul3A_671, %mul3A_673 : i32
        %dma_wait3A_675 = arith.constant 160 : i32
        %dma_wait3A_676 = tpu.memref_slice %arg6[%dma_wait3A_675] : memref<200xi32, #tpu.memory_space<vmem>> -> memref<40xi32, #tpu.memory_space<vmem>>
        %dma_wait3A_677 = tpu.memref_slice %arg3[%add3A_674] : memref<320000xi32, #tpu.memory_space<hbm>> -> memref<40xi32, #tpu.memory_space<hbm>>
        %dma_wait3A_678 = arith.constant 160 : i32
        %dma_wait3A_679 = tpu.memref_slice %arg6[%dma_wait3A_678] : memref<200xi32, #tpu.memory_space<vmem>> -> memref<40xi32, #tpu.memory_space<vmem>>
        %dma_wait3A_680 = tpu.memref_slice %arg3[%add3A_674] : memref<320000xi32, #tpu.memory_space<hbm>> -> memref<40xi32, #tpu.memory_space<hbm>>
        tpu.wait_dma2 semaphore(%arg33 : memref<!tpu.dma_semaphore, #tpu.memory_space<semaphore_mem>>) src(%dma_wait3A_680 : memref<40xi32, #tpu.memory_space<hbm>>) dst(%dma_wait3A_679 : memref<40xi32, #tpu.memory_space<vmem>>)
        %add3A_681 = arith.constant 5 : i32
        %add3A_682 = arith.addi %add3A_478, %add3A_681 : i32
        %sub3A_683 = arith.constant 2 : i32
        %sub3A_684 = arith.subi %add3A_682, %sub3A_683 : i32
        %dma_start3A_685 = arith.constant 160 : i32
        %dma_start3A_686 = tpu.memref_slice %arg6[%dma_start3A_685] : memref<200xi32, #tpu.memory_space<vmem>> -> memref<40xi32, #tpu.memory_space<vmem>>
        %dma_start3A_687 = arith.constant 0 : i32
        %dma_start3A_688 = arith.constant 0 : i32
        %dma_start3A_689 = tpu.memref_slice %arg2[%dma_start3A_687, %dma_start3A_688] : memref<10000x128xf32, #tpu.memory_space<hbm>> -> memref<10000x128xf32, #tpu.memory_space<hbm>>
        tpu.enqueue_indirect_dma source(%dma_start3A_689 : memref<10000x128xf32, #tpu.memory_space<hbm>>) target(%arg12 : memref<40x128xf32, #tpu.memory_space<vmem>>) offsets(%dma_start3A_686 : memref<40xi32, #tpu.memory_space<vmem>>) semaphore(%arg18 : memref<!tpu.dma_semaphore, #tpu.memory_space<semaphore_mem>>)
        %mul3A_690 = arith.constant 10000 : i32
        %mul3A_691 = arith.muli %add3A, %mul3A_690 : i32
        %mul3A_692 = arith.constant 40 : i32
        %mul3A_693 = arith.muli %sub3A_684, %mul3A_692 : i32
        %add3A_694 = arith.addi %mul3A_691, %mul3A_693 : i32
        %dma_start3A_695 = arith.constant 4 : i32
        %dma_start3A_696 = arith.constant 0 : i32
        %dma_start3A_697 = tpu.memref_slice %arg7[%dma_start3A_695, %dma_start3A_696] : memref<5x40xi32, #tpu.memory_space<vmem>> -> memref<1x40xi32, #tpu.memory_space<vmem>>
        %dma_start3A_698 = tpu.memref_squeeze %dma_start3A_697 : memref<1x40xi32, #tpu.memory_space<vmem>> -> memref<40xi32, #tpu.memory_space<vmem>>
        %dma_start3A_699 = tpu.memref_slice %arg4[%add3A_694] : memref<320000xi32, #tpu.memory_space<hbm>> -> memref<40xi32, #tpu.memory_space<hbm>>
        %dma_start3A_700 = arith.constant 0 : i32
        %dma_start3A_701 = tpu.memref_slice %arg7[%dma_start3A_695, %dma_start3A_700] : memref<5x40xi32, #tpu.memory_space<vmem>> -> memref<1x40xi32, #tpu.memory_space<vmem>>
        %dma_start3A_702 = tpu.memref_squeeze %dma_start3A_701 : memref<1x40xi32, #tpu.memory_space<vmem>> -> memref<40xi32, #tpu.memory_space<vmem>>
        %dma_start3A_703 = tpu.memref_slice %arg4[%add3A_694] : memref<320000xi32, #tpu.memory_space<hbm>> -> memref<40xi32, #tpu.memory_space<hbm>>
        tpu.enqueue_dma source(%dma_start3A_703 : memref<40xi32, #tpu.memory_space<hbm>>) target(%dma_start3A_702 : memref<40xi32, #tpu.memory_space<vmem>>) target_semaphore(%arg28 : memref<!tpu.dma_semaphore, #tpu.memory_space<semaphore_mem>>)
      } else {
      }
      %mul3A_523 = arith.constant 5 : i32
      %mul3A_524 = arith.muli %mul3A_523, %scan3A_431 : i32
      %add3A_525 = arith.constant 2 : i32
      %add3A_526 = arith.addi %mul3A_524, %add3A_525 : i32
      %dma_wait3A_527 = arith.constant 80 : i32
      %dma_wait3A_528 = tpu.memref_slice %arg6[%dma_wait3A_527] : memref<200xi32, #tpu.memory_space<vmem>> -> memref<40xi32, #tpu.memory_space<vmem>>
      %dma_wait3A_529 = arith.constant 0 : i32
      %dma_wait3A_530 = arith.constant 0 : i32
      %dma_wait3A_531 = tpu.memref_slice %arg2[%dma_wait3A_529, %dma_wait3A_530] : memref<10000x128xf32, #tpu.memory_space<hbm>> -> memref<10000x128xf32, #tpu.memory_space<hbm>>
      tpu.wait_indirect_dma semaphore(%arg16 : memref<!tpu.dma_semaphore, #tpu.memory_space<semaphore_mem>>) src(%dma_wait3A_531 : memref<10000x128xf32, #tpu.memory_space<hbm>>) dst(%arg10 : memref<40x128xf32, #tpu.memory_space<vmem>>)
      %mul3A_532 = arith.constant 10000 : i32
      %mul3A_533 = arith.muli %add3A, %mul3A_532 : i32
      %mul3A_534 = arith.constant 40 : i32
      %mul3A_535 = arith.muli %add3A_526, %mul3A_534 : i32
      %add3A_536 = arith.addi %mul3A_533, %mul3A_535 : i32
      %dma_wait3A_537 = arith.constant 2 : i32
      %dma_wait3A_538 = arith.constant 0 : i32
      %dma_wait3A_539 = tpu.memref_slice %arg7[%dma_wait3A_537, %dma_wait3A_538] : memref<5x40xi32, #tpu.memory_space<vmem>> -> memref<1x40xi32, #tpu.memory_space<vmem>>
      %dma_wait3A_540 = tpu.memref_squeeze %dma_wait3A_539 : memref<1x40xi32, #tpu.memory_space<vmem>> -> memref<40xi32, #tpu.memory_space<vmem>>
      %dma_wait3A_541 = tpu.memref_slice %arg4[%add3A_536] : memref<320000xi32, #tpu.memory_space<hbm>> -> memref<40xi32, #tpu.memory_space<hbm>>
      %dma_wait3A_542 = arith.constant 0 : i32
      %dma_wait3A_543 = tpu.memref_slice %arg7[%dma_wait3A_537, %dma_wait3A_542] : memref<5x40xi32, #tpu.memory_space<vmem>> -> memref<1x40xi32, #tpu.memory_space<vmem>>
      %dma_wait3A_544 = tpu.memref_squeeze %dma_wait3A_543 : memref<1x40xi32, #tpu.memory_space<vmem>> -> memref<40xi32, #tpu.memory_space<vmem>>
      %dma_wait3A_545 = tpu.memref_slice %arg4[%add3A_536] : memref<320000xi32, #tpu.memory_space<hbm>> -> memref<40xi32, #tpu.memory_space<hbm>>
      tpu.wait_dma2 semaphore(%arg26 : memref<!tpu.dma_semaphore, #tpu.memory_space<semaphore_mem>>) src(%dma_wait3A_545 : memref<40xi32, #tpu.memory_space<hbm>>) dst(%dma_wait3A_544 : memref<40xi32, #tpu.memory_space<vmem>>)
      %dma_start3A_546 = arith.constant 2 : i32
      %dma_start3A_547 = arith.constant 0 : i32
      %dma_start3A_548 = tpu.memref_slice %arg7[%dma_start3A_546, %dma_start3A_547] : memref<5x40xi32, #tpu.memory_space<vmem>> -> memref<1x40xi32, #tpu.memory_space<vmem>>
      %dma_start3A_549 = tpu.memref_squeeze %dma_start3A_548 : memref<1x40xi32, #tpu.memory_space<vmem>> -> memref<40xi32, #tpu.memory_space<vmem>>
      %dma_start3A_550 = arith.constant 0 : i32
      %dma_start3A_551 = arith.constant 0 : i32
      %dma_start3A_552 = tpu.memref_slice %arg13[%dma_start3A_550, %dma_start3A_551] : memref<10240x128xf32, #tpu.memory_space<vmem_shared>> -> memref<10240x128xf32, #tpu.memory_space<vmem_shared>>
      tpu.enqueue_indirect_dma source(%arg10 : memref<40x128xf32, #tpu.memory_space<vmem>>) target(%dma_start3A_552 : memref<10240x128xf32, #tpu.memory_space<vmem_shared>>) offsets(%dma_start3A_549 : memref<40xi32, #tpu.memory_space<vmem>>) semaphore(%arg21 : memref<!tpu.dma_semaphore, #tpu.memory_space<semaphore_mem>>) {add = true}
      %gt3A_553 = arith.constant 0 : i32
      %gt3A_554 = arith.cmpi sgt, %add3A_526, %gt3A_553 : i32
      %lt3A_555 = arith.constant 246 : i32
      %lt3A_556 = arith.cmpi slt, %add3A_526, %lt3A_555 : i32
      %and3A_557 = arith.andi %gt3A_554, %lt3A_556 : i1
      %convert_element_type3A_558 = arith.extui %and3A_557 : i1 to i32
      %cond3A_559 = arith.constant 0 : i32
      %cond3A_560 = arith.cmpi ne, %convert_element_type3A_558, %cond3A_559 : i32
      scf.if %cond3A_560 {
        %sub3A = arith.constant 1 : i32
        %sub3A_667 = arith.subi %add3A_526, %sub3A : i32
        %dma_wait3A_668 = arith.constant 1 : i32
        %dma_wait3A_669 = arith.constant 0 : i32
        %dma_wait3A_670 = tpu.memref_slice %arg7[%dma_wait3A_668, %dma_wait3A_669] : memref<5x40xi32, #tpu.memory_space<vmem>> -> memref<1x40xi32, #tpu.memory_space<vmem>>
        %dma_wait3A_671 = tpu.memref_squeeze %dma_wait3A_670 : memref<1x40xi32, #tpu.memory_space<vmem>> -> memref<40xi32, #tpu.memory_space<vmem>>
        %dma_wait3A_672 = arith.constant 0 : i32
        %dma_wait3A_673 = arith.constant 0 : i32
        %dma_wait3A_674 = tpu.memref_slice %arg13[%dma_wait3A_672, %dma_wait3A_673] : memref<10240x128xf32, #tpu.memory_space<vmem_shared>> -> memref<10240x128xf32, #tpu.memory_space<vmem_shared>>
        tpu.wait_indirect_dma semaphore(%arg20 : memref<!tpu.dma_semaphore, #tpu.memory_space<semaphore_mem>>) src(%arg9 : memref<40x128xf32, #tpu.memory_space<vmem>>) dst(%dma_wait3A_674 : memref<10240x128xf32, #tpu.memory_space<vmem_shared>>)
      } else {
      }
      %lt3A_561 = arith.constant 246 : i32
      %lt3A_562 = arith.cmpi slt, %add3A_526, %lt3A_561 : i32
      %convert_element_type3A_563 = arith.extui %lt3A_562 : i1 to i32
      %cond3A_564 = arith.constant 0 : i32
      %cond3A_565 = arith.cmpi ne, %convert_element_type3A_563, %cond3A_564 : i32
      scf.if %cond3A_565 {
        %add3A_667 = arith.constant 5 : i32
        %add3A_668 = arith.addi %add3A_526, %add3A_667 : i32
        %sub3A = arith.constant 1 : i32
        %sub3A_669 = arith.subi %add3A_668, %sub3A : i32
        %mul3A_670 = arith.constant 10000 : i32
        %mul3A_671 = arith.muli %add3A, %mul3A_670 : i32
        %mul3A_672 = arith.constant 40 : i32
        %mul3A_673 = arith.muli %sub3A_669, %mul3A_672 : i32
        %add3A_674 = arith.addi %mul3A_671, %mul3A_673 : i32
        %dma_start3A_675 = arith.constant 40 : i32
        %dma_start3A_676 = tpu.memref_slice %arg6[%dma_start3A_675] : memref<200xi32, #tpu.memory_space<vmem>> -> memref<40xi32, #tpu.memory_space<vmem>>
        %dma_start3A_677 = tpu.memref_slice %arg3[%add3A_674] : memref<320000xi32, #tpu.memory_space<hbm>> -> memref<40xi32, #tpu.memory_space<hbm>>
        %dma_start3A_678 = arith.constant 40 : i32
        %dma_start3A_679 = tpu.memref_slice %arg6[%dma_start3A_678] : memref<200xi32, #tpu.memory_space<vmem>> -> memref<40xi32, #tpu.memory_space<vmem>>
        %dma_start3A_680 = tpu.memref_slice %arg3[%add3A_674] : memref<320000xi32, #tpu.memory_space<hbm>> -> memref<40xi32, #tpu.memory_space<hbm>>
        tpu.enqueue_dma source(%dma_start3A_680 : memref<40xi32, #tpu.memory_space<hbm>>) target(%dma_start3A_679 : memref<40xi32, #tpu.memory_space<vmem>>) target_semaphore(%arg30 : memref<!tpu.dma_semaphore, #tpu.memory_space<semaphore_mem>>)
      } else {
      }
      %lt3A_566 = arith.constant 247 : i32
      %lt3A_567 = arith.cmpi slt, %add3A_526, %lt3A_566 : i32
      %convert_element_type3A_568 = arith.extui %lt3A_567 : i1 to i32
      %cond3A_569 = arith.constant 0 : i32
      %cond3A_570 = arith.cmpi ne, %convert_element_type3A_568, %cond3A_569 : i32
      scf.if %cond3A_570 {
        %add3A_667 = arith.constant 5 : i32
        %add3A_668 = arith.addi %add3A_526, %add3A_667 : i32
        %sub3A = arith.constant 2 : i32
        %sub3A_669 = arith.subi %add3A_668, %sub3A : i32
        %mul3A_670 = arith.constant 10000 : i32
        %mul3A_671 = arith.muli %add3A, %mul3A_670 : i32
        %mul3A_672 = arith.constant 40 : i32
        %mul3A_673 = arith.muli %sub3A_669, %mul3A_672 : i32
        %add3A_674 = arith.addi %mul3A_671, %mul3A_673 : i32
        %dma_wait3A_675 = arith.constant 0 : i32
        %dma_wait3A_676 = tpu.memref_slice %arg6[%dma_wait3A_675] : memref<200xi32, #tpu.memory_space<vmem>> -> memref<40xi32, #tpu.memory_space<vmem>>
        %dma_wait3A_677 = tpu.memref_slice %arg3[%add3A_674] : memref<320000xi32, #tpu.memory_space<hbm>> -> memref<40xi32, #tpu.memory_space<hbm>>
        %dma_wait3A_678 = arith.constant 0 : i32
        %dma_wait3A_679 = tpu.memref_slice %arg6[%dma_wait3A_678] : memref<200xi32, #tpu.memory_space<vmem>> -> memref<40xi32, #tpu.memory_space<vmem>>
        %dma_wait3A_680 = tpu.memref_slice %arg3[%add3A_674] : memref<320000xi32, #tpu.memory_space<hbm>> -> memref<40xi32, #tpu.memory_space<hbm>>
        tpu.wait_dma2 semaphore(%arg29 : memref<!tpu.dma_semaphore, #tpu.memory_space<semaphore_mem>>) src(%dma_wait3A_680 : memref<40xi32, #tpu.memory_space<hbm>>) dst(%dma_wait3A_679 : memref<40xi32, #tpu.memory_space<vmem>>)
        %add3A_681 = arith.constant 5 : i32
        %add3A_682 = arith.addi %add3A_526, %add3A_681 : i32
        %sub3A_683 = arith.constant 2 : i32
        %sub3A_684 = arith.subi %add3A_682, %sub3A_683 : i32
        %dma_start3A_685 = arith.constant 0 : i32
        %dma_start3A_686 = tpu.memref_slice %arg6[%dma_start3A_685] : memref<200xi32, #tpu.memory_space<vmem>> -> memref<40xi32, #tpu.memory_space<vmem>>
        %dma_start3A_687 = arith.constant 0 : i32
        %dma_start3A_688 = arith.constant 0 : i32
        %dma_start3A_689 = tpu.memref_slice %arg2[%dma_start3A_687, %dma_start3A_688] : memref<10000x128xf32, #tpu.memory_space<hbm>> -> memref<10000x128xf32, #tpu.memory_space<hbm>>
        tpu.enqueue_indirect_dma source(%dma_start3A_689 : memref<10000x128xf32, #tpu.memory_space<hbm>>) target(%arg8 : memref<40x128xf32, #tpu.memory_space<vmem>>) offsets(%dma_start3A_686 : memref<40xi32, #tpu.memory_space<vmem>>) semaphore(%arg14 : memref<!tpu.dma_semaphore, #tpu.memory_space<semaphore_mem>>)
        %mul3A_690 = arith.constant 10000 : i32
        %mul3A_691 = arith.muli %add3A, %mul3A_690 : i32
        %mul3A_692 = arith.constant 40 : i32
        %mul3A_693 = arith.muli %sub3A_684, %mul3A_692 : i32
        %add3A_694 = arith.addi %mul3A_691, %mul3A_693 : i32
        %dma_start3A_695 = arith.constant 0 : i32
        %dma_start3A_696 = arith.constant 0 : i32
        %dma_start3A_697 = tpu.memref_slice %arg7[%dma_start3A_695, %dma_start3A_696] : memref<5x40xi32, #tpu.memory_space<vmem>> -> memref<1x40xi32, #tpu.memory_space<vmem>>
        %dma_start3A_698 = tpu.memref_squeeze %dma_start3A_697 : memref<1x40xi32, #tpu.memory_space<vmem>> -> memref<40xi32, #tpu.memory_space<vmem>>
        %dma_start3A_699 = tpu.memref_slice %arg4[%add3A_694] : memref<320000xi32, #tpu.memory_space<hbm>> -> memref<40xi32, #tpu.memory_space<hbm>>
        %dma_start3A_700 = arith.constant 0 : i32
        %dma_start3A_701 = tpu.memref_slice %arg7[%dma_start3A_695, %dma_start3A_700] : memref<5x40xi32, #tpu.memory_space<vmem>> -> memref<1x40xi32, #tpu.memory_space<vmem>>
        %dma_start3A_702 = tpu.memref_squeeze %dma_start3A_701 : memref<1x40xi32, #tpu.memory_space<vmem>> -> memref<40xi32, #tpu.memory_space<vmem>>
        %dma_start3A_703 = tpu.memref_slice %arg4[%add3A_694] : memref<320000xi32, #tpu.memory_space<hbm>> -> memref<40xi32, #tpu.memory_space<hbm>>
        tpu.enqueue_dma source(%dma_start3A_703 : memref<40xi32, #tpu.memory_space<hbm>>) target(%dma_start3A_702 : memref<40xi32, #tpu.memory_space<vmem>>) target_semaphore(%arg24 : memref<!tpu.dma_semaphore, #tpu.memory_space<semaphore_mem>>)
      } else {
      }
      %mul3A_571 = arith.constant 5 : i32
      %mul3A_572 = arith.muli %mul3A_571, %scan3A_431 : i32
      %add3A_573 = arith.constant 3 : i32
      %add3A_574 = arith.addi %mul3A_572, %add3A_573 : i32
      %dma_wait3A_575 = arith.constant 120 : i32
      %dma_wait3A_576 = tpu.memref_slice %arg6[%dma_wait3A_575] : memref<200xi32, #tpu.memory_space<vmem>> -> memref<40xi32, #tpu.memory_space<vmem>>
      %dma_wait3A_577 = arith.constant 0 : i32
      %dma_wait3A_578 = arith.constant 0 : i32
      %dma_wait3A_579 = tpu.memref_slice %arg2[%dma_wait3A_577, %dma_wait3A_578] : memref<10000x128xf32, #tpu.memory_space<hbm>> -> memref<10000x128xf32, #tpu.memory_space<hbm>>
      tpu.wait_indirect_dma semaphore(%arg17 : memref<!tpu.dma_semaphore, #tpu.memory_space<semaphore_mem>>) src(%dma_wait3A_579 : memref<10000x128xf32, #tpu.memory_space<hbm>>) dst(%arg11 : memref<40x128xf32, #tpu.memory_space<vmem>>)
      %mul3A_580 = arith.constant 10000 : i32
      %mul3A_581 = arith.muli %add3A, %mul3A_580 : i32
      %mul3A_582 = arith.constant 40 : i32
      %mul3A_583 = arith.muli %add3A_574, %mul3A_582 : i32
      %add3A_584 = arith.addi %mul3A_581, %mul3A_583 : i32
      %dma_wait3A_585 = arith.constant 3 : i32
      %dma_wait3A_586 = arith.constant 0 : i32
      %dma_wait3A_587 = tpu.memref_slice %arg7[%dma_wait3A_585, %dma_wait3A_586] : memref<5x40xi32, #tpu.memory_space<vmem>> -> memref<1x40xi32, #tpu.memory_space<vmem>>
      %dma_wait3A_588 = tpu.memref_squeeze %dma_wait3A_587 : memref<1x40xi32, #tpu.memory_space<vmem>> -> memref<40xi32, #tpu.memory_space<vmem>>
      %dma_wait3A_589 = tpu.memref_slice %arg4[%add3A_584] : memref<320000xi32, #tpu.memory_space<hbm>> -> memref<40xi32, #tpu.memory_space<hbm>>
      %dma_wait3A_590 = arith.constant 0 : i32
      %dma_wait3A_591 = tpu.memref_slice %arg7[%dma_wait3A_585, %dma_wait3A_590] : memref<5x40xi32, #tpu.memory_space<vmem>> -> memref<1x40xi32, #tpu.memory_space<vmem>>
      %dma_wait3A_592 = tpu.memref_squeeze %dma_wait3A_591 : memref<1x40xi32, #tpu.memory_space<vmem>> -> memref<40xi32, #tpu.memory_space<vmem>>
      %dma_wait3A_593 = tpu.memref_slice %arg4[%add3A_584] : memref<320000xi32, #tpu.memory_space<hbm>> -> memref<40xi32, #tpu.memory_space<hbm>>
      tpu.wait_dma2 semaphore(%arg27 : memref<!tpu.dma_semaphore, #tpu.memory_space<semaphore_mem>>) src(%dma_wait3A_593 : memref<40xi32, #tpu.memory_space<hbm>>) dst(%dma_wait3A_592 : memref<40xi32, #tpu.memory_space<vmem>>)
      %dma_start3A_594 = arith.constant 3 : i32
      %dma_start3A_595 = arith.constant 0 : i32
      %dma_start3A_596 = tpu.memref_slice %arg7[%dma_start3A_594, %dma_start3A_595] : memref<5x40xi32, #tpu.memory_space<vmem>> -> memref<1x40xi32, #tpu.memory_space<vmem>>
      %dma_start3A_597 = tpu.memref_squeeze %dma_start3A_596 : memref<1x40xi32, #tpu.memory_space<vmem>> -> memref<40xi32, #tpu.memory_space<vmem>>
      %dma_start3A_598 = arith.constant 0 : i32
      %dma_start3A_599 = arith.constant 0 : i32
      %dma_start3A_600 = tpu.memref_slice %arg13[%dma_start3A_598, %dma_start3A_599] : memref<10240x128xf32, #tpu.memory_space<vmem_shared>> -> memref<10240x128xf32, #tpu.memory_space<vmem_shared>>
      tpu.enqueue_indirect_dma source(%arg11 : memref<40x128xf32, #tpu.memory_space<vmem>>) target(%dma_start3A_600 : memref<10240x128xf32, #tpu.memory_space<vmem_shared>>) offsets(%dma_start3A_597 : memref<40xi32, #tpu.memory_space<vmem>>) semaphore(%arg22 : memref<!tpu.dma_semaphore, #tpu.memory_space<semaphore_mem>>) {add = true}
      %gt3A_601 = arith.constant 0 : i32
      %gt3A_602 = arith.cmpi sgt, %add3A_574, %gt3A_601 : i32
      %lt3A_603 = arith.constant 246 : i32
      %lt3A_604 = arith.cmpi slt, %add3A_574, %lt3A_603 : i32
      %and3A_605 = arith.andi %gt3A_602, %lt3A_604 : i1
      %convert_element_type3A_606 = arith.extui %and3A_605 : i1 to i32
      %cond3A_607 = arith.constant 0 : i32
      %cond3A_608 = arith.cmpi ne, %convert_element_type3A_606, %cond3A_607 : i32
      scf.if %cond3A_608 {
        %sub3A = arith.constant 1 : i32
        %sub3A_667 = arith.subi %add3A_574, %sub3A : i32
        %dma_wait3A_668 = arith.constant 2 : i32
        %dma_wait3A_669 = arith.constant 0 : i32
        %dma_wait3A_670 = tpu.memref_slice %arg7[%dma_wait3A_668, %dma_wait3A_669] : memref<5x40xi32, #tpu.memory_space<vmem>> -> memref<1x40xi32, #tpu.memory_space<vmem>>
        %dma_wait3A_671 = tpu.memref_squeeze %dma_wait3A_670 : memref<1x40xi32, #tpu.memory_space<vmem>> -> memref<40xi32, #tpu.memory_space<vmem>>
        %dma_wait3A_672 = arith.constant 0 : i32
        %dma_wait3A_673 = arith.constant 0 : i32
        %dma_wait3A_674 = tpu.memref_slice %arg13[%dma_wait3A_672, %dma_wait3A_673] : memref<10240x128xf32, #tpu.memory_space<vmem_shared>> -> memref<10240x128xf32, #tpu.memory_space<vmem_shared>>
        tpu.wait_indirect_dma semaphore(%arg21 : memref<!tpu.dma_semaphore, #tpu.memory_space<semaphore_mem>>) src(%arg10 : memref<40x128xf32, #tpu.memory_space<vmem>>) dst(%dma_wait3A_674 : memref<10240x128xf32, #tpu.memory_space<vmem_shared>>)
      } else {
      }
      %lt3A_609 = arith.constant 246 : i32
      %lt3A_610 = arith.cmpi slt, %add3A_574, %lt3A_609 : i32
      %convert_element_type3A_611 = arith.extui %lt3A_610 : i1 to i32
      %cond3A_612 = arith.constant 0 : i32
      %cond3A_613 = arith.cmpi ne, %convert_element_type3A_611, %cond3A_612 : i32
      scf.if %cond3A_613 {
        %add3A_667 = arith.constant 5 : i32
        %add3A_668 = arith.addi %add3A_574, %add3A_667 : i32
        %sub3A = arith.constant 1 : i32
        %sub3A_669 = arith.subi %add3A_668, %sub3A : i32
        %mul3A_670 = arith.constant 10000 : i32
        %mul3A_671 = arith.muli %add3A, %mul3A_670 : i32
        %mul3A_672 = arith.constant 40 : i32
        %mul3A_673 = arith.muli %sub3A_669, %mul3A_672 : i32
        %add3A_674 = arith.addi %mul3A_671, %mul3A_673 : i32
        %dma_start3A_675 = arith.constant 80 : i32
        %dma_start3A_676 = tpu.memref_slice %arg6[%dma_start3A_675] : memref<200xi32, #tpu.memory_space<vmem>> -> memref<40xi32, #tpu.memory_space<vmem>>
        %dma_start3A_677 = tpu.memref_slice %arg3[%add3A_674] : memref<320000xi32, #tpu.memory_space<hbm>> -> memref<40xi32, #tpu.memory_space<hbm>>
        %dma_start3A_678 = arith.constant 80 : i32
        %dma_start3A_679 = tpu.memref_slice %arg6[%dma_start3A_678] : memref<200xi32, #tpu.memory_space<vmem>> -> memref<40xi32, #tpu.memory_space<vmem>>
        %dma_start3A_680 = tpu.memref_slice %arg3[%add3A_674] : memref<320000xi32, #tpu.memory_space<hbm>> -> memref<40xi32, #tpu.memory_space<hbm>>
        tpu.enqueue_dma source(%dma_start3A_680 : memref<40xi32, #tpu.memory_space<hbm>>) target(%dma_start3A_679 : memref<40xi32, #tpu.memory_space<vmem>>) target_semaphore(%arg31 : memref<!tpu.dma_semaphore, #tpu.memory_space<semaphore_mem>>)
      } else {
      }
      %lt3A_614 = arith.constant 247 : i32
      %lt3A_615 = arith.cmpi slt, %add3A_574, %lt3A_614 : i32
      %convert_element_type3A_616 = arith.extui %lt3A_615 : i1 to i32
      %cond3A_617 = arith.constant 0 : i32
      %cond3A_618 = arith.cmpi ne, %convert_element_type3A_616, %cond3A_617 : i32
      scf.if %cond3A_618 {
        %add3A_667 = arith.constant 5 : i32
        %add3A_668 = arith.addi %add3A_574, %add3A_667 : i32
        %sub3A = arith.constant 2 : i32
        %sub3A_669 = arith.subi %add3A_668, %sub3A : i32
        %mul3A_670 = arith.constant 10000 : i32
        %mul3A_671 = arith.muli %add3A, %mul3A_670 : i32
        %mul3A_672 = arith.constant 40 : i32
        %mul3A_673 = arith.muli %sub3A_669, %mul3A_672 : i32
        %add3A_674 = arith.addi %mul3A_671, %mul3A_673 : i32
        %dma_wait3A_675 = arith.constant 40 : i32
        %dma_wait3A_676 = tpu.memref_slice %arg6[%dma_wait3A_675] : memref<200xi32, #tpu.memory_space<vmem>> -> memref<40xi32, #tpu.memory_space<vmem>>
        %dma_wait3A_677 = tpu.memref_slice %arg3[%add3A_674] : memref<320000xi32, #tpu.memory_space<hbm>> -> memref<40xi32, #tpu.memory_space<hbm>>
        %dma_wait3A_678 = arith.constant 40 : i32
        %dma_wait3A_679 = tpu.memref_slice %arg6[%dma_wait3A_678] : memref<200xi32, #tpu.memory_space<vmem>> -> memref<40xi32, #tpu.memory_space<vmem>>
        %dma_wait3A_680 = tpu.memref_slice %arg3[%add3A_674] : memref<320000xi32, #tpu.memory_space<hbm>> -> memref<40xi32, #tpu.memory_space<hbm>>
        tpu.wait_dma2 semaphore(%arg30 : memref<!tpu.dma_semaphore, #tpu.memory_space<semaphore_mem>>) src(%dma_wait3A_680 : memref<40xi32, #tpu.memory_space<hbm>>) dst(%dma_wait3A_679 : memref<40xi32, #tpu.memory_space<vmem>>)
        %add3A_681 = arith.constant 5 : i32
        %add3A_682 = arith.addi %add3A_574, %add3A_681 : i32
        %sub3A_683 = arith.constant 2 : i32
        %sub3A_684 = arith.subi %add3A_682, %sub3A_683 : i32
        %dma_start3A_685 = arith.constant 40 : i32
        %dma_start3A_686 = tpu.memref_slice %arg6[%dma_start3A_685] : memref<200xi32, #tpu.memory_space<vmem>> -> memref<40xi32, #tpu.memory_space<vmem>>
        %dma_start3A_687 = arith.constant 0 : i32
        %dma_start3A_688 = arith.constant 0 : i32
        %dma_start3A_689 = tpu.memref_slice %arg2[%dma_start3A_687, %dma_start3A_688] : memref<10000x128xf32, #tpu.memory_space<hbm>> -> memref<10000x128xf32, #tpu.memory_space<hbm>>
        tpu.enqueue_indirect_dma source(%dma_start3A_689 : memref<10000x128xf32, #tpu.memory_space<hbm>>) target(%arg9 : memref<40x128xf32, #tpu.memory_space<vmem>>) offsets(%dma_start3A_686 : memref<40xi32, #tpu.memory_space<vmem>>) semaphore(%arg15 : memref<!tpu.dma_semaphore, #tpu.memory_space<semaphore_mem>>)
        %mul3A_690 = arith.constant 10000 : i32
        %mul3A_691 = arith.muli %add3A, %mul3A_690 : i32
        %mul3A_692 = arith.constant 40 : i32
        %mul3A_693 = arith.muli %sub3A_684, %mul3A_692 : i32
        %add3A_694 = arith.addi %mul3A_691, %mul3A_693 : i32
        %dma_start3A_695 = arith.constant 1 : i32
        %dma_start3A_696 = arith.constant 0 : i32
        %dma_start3A_697 = tpu.memref_slice %arg7[%dma_start3A_695, %dma_start3A_696] : memref<5x40xi32, #tpu.memory_space<vmem>> -> memref<1x40xi32, #tpu.memory_space<vmem>>
        %dma_start3A_698 = tpu.memref_squeeze %dma_start3A_697 : memref<1x40xi32, #tpu.memory_space<vmem>> -> memref<40xi32, #tpu.memory_space<vmem>>
        %dma_start3A_699 = tpu.memref_slice %arg4[%add3A_694] : memref<320000xi32, #tpu.memory_space<hbm>> -> memref<40xi32, #tpu.memory_space<hbm>>
        %dma_start3A_700 = arith.constant 0 : i32
        %dma_start3A_701 = tpu.memref_slice %arg7[%dma_start3A_695, %dma_start3A_700] : memref<5x40xi32, #tpu.memory_space<vmem>> -> memref<1x40xi32, #tpu.memory_space<vmem>>
        %dma_start3A_702 = tpu.memref_squeeze %dma_start3A_701 : memref<1x40xi32, #tpu.memory_space<vmem>> -> memref<40xi32, #tpu.memory_space<vmem>>
        %dma_start3A_703 = tpu.memref_slice %arg4[%add3A_694] : memref<320000xi32, #tpu.memory_space<hbm>> -> memref<40xi32, #tpu.memory_space<hbm>>
        tpu.enqueue_dma source(%dma_start3A_703 : memref<40xi32, #tpu.memory_space<hbm>>) target(%dma_start3A_702 : memref<40xi32, #tpu.memory_space<vmem>>) target_semaphore(%arg25 : memref<!tpu.dma_semaphore, #tpu.memory_space<semaphore_mem>>)
      } else {
      }
      %mul3A_619 = arith.constant 5 : i32
      %mul3A_620 = arith.muli %mul3A_619, %scan3A_431 : i32
      %add3A_621 = arith.constant 4 : i32
      %add3A_622 = arith.addi %mul3A_620, %add3A_621 : i32
      %dma_wait3A_623 = arith.constant 160 : i32
      %dma_wait3A_624 = tpu.memref_slice %arg6[%dma_wait3A_623] : memref<200xi32, #tpu.memory_space<vmem>> -> memref<40xi32, #tpu.memory_space<vmem>>
      %dma_wait3A_625 = arith.constant 0 : i32
      %dma_wait3A_626 = arith.constant 0 : i32
      %dma_wait3A_627 = tpu.memref_slice %arg2[%dma_wait3A_625, %dma_wait3A_626] : memref<10000x128xf32, #tpu.memory_space<hbm>> -> memref<10000x128xf32, #tpu.memory_space<hbm>>
      tpu.wait_indirect_dma semaphore(%arg18 : memref<!tpu.dma_semaphore, #tpu.memory_space<semaphore_mem>>) src(%dma_wait3A_627 : memref<10000x128xf32, #tpu.memory_space<hbm>>) dst(%arg12 : memref<40x128xf32, #tpu.memory_space<vmem>>)
      %mul3A_628 = arith.constant 10000 : i32
      %mul3A_629 = arith.muli %add3A, %mul3A_628 : i32
      %mul3A_630 = arith.constant 40 : i32
      %mul3A_631 = arith.muli %add3A_622, %mul3A_630 : i32
      %add3A_632 = arith.addi %mul3A_629, %mul3A_631 : i32
      %dma_wait3A_633 = arith.constant 4 : i32
      %dma_wait3A_634 = arith.constant 0 : i32
      %dma_wait3A_635 = tpu.memref_slice %arg7[%dma_wait3A_633, %dma_wait3A_634] : memref<5x40xi32, #tpu.memory_space<vmem>> -> memref<1x40xi32, #tpu.memory_space<vmem>>
      %dma_wait3A_636 = tpu.memref_squeeze %dma_wait3A_635 : memref<1x40xi32, #tpu.memory_space<vmem>> -> memref<40xi32, #tpu.memory_space<vmem>>
      %dma_wait3A_637 = tpu.memref_slice %arg4[%add3A_632] : memref<320000xi32, #tpu.memory_space<hbm>> -> memref<40xi32, #tpu.memory_space<hbm>>
      %dma_wait3A_638 = arith.constant 0 : i32
      %dma_wait3A_639 = tpu.memref_slice %arg7[%dma_wait3A_633, %dma_wait3A_638] : memref<5x40xi32, #tpu.memory_space<vmem>> -> memref<1x40xi32, #tpu.memory_space<vmem>>
      %dma_wait3A_640 = tpu.memref_squeeze %dma_wait3A_639 : memref<1x40xi32, #tpu.memory_space<vmem>> -> memref<40xi32, #tpu.memory_space<vmem>>
      %dma_wait3A_641 = tpu.memref_slice %arg4[%add3A_632] : memref<320000xi32, #tpu.memory_space<hbm>> -> memref<40xi32, #tpu.memory_space<hbm>>
      tpu.wait_dma2 semaphore(%arg28 : memref<!tpu.dma_semaphore, #tpu.memory_space<semaphore_mem>>) src(%dma_wait3A_641 : memref<40xi32, #tpu.memory_space<hbm>>) dst(%dma_wait3A_640 : memref<40xi32, #tpu.memory_space<vmem>>)
      %dma_start3A_642 = arith.constant 4 : i32
      %dma_start3A_643 = arith.constant 0 : i32
      %dma_start3A_644 = tpu.memref_slice %arg7[%dma_start3A_642, %dma_start3A_643] : memref<5x40xi32, #tpu.memory_space<vmem>> -> memref<1x40xi32, #tpu.memory_space<vmem>>
      %dma_start3A_645 = tpu.memref_squeeze %dma_start3A_644 : memref<1x40xi32, #tpu.memory_space<vmem>> -> memref<40xi32, #tpu.memory_space<vmem>>
      %dma_start3A_646 = arith.constant 0 : i32
      %dma_start3A_647 = arith.constant 0 : i32
      %dma_start3A_648 = tpu.memref_slice %arg13[%dma_start3A_646, %dma_start3A_647] : memref<10240x128xf32, #tpu.memory_space<vmem_shared>> -> memref<10240x128xf32, #tpu.memory_space<vmem_shared>>
      tpu.enqueue_indirect_dma source(%arg12 : memref<40x128xf32, #tpu.memory_space<vmem>>) target(%dma_start3A_648 : memref<10240x128xf32, #tpu.memory_space<vmem_shared>>) offsets(%dma_start3A_645 : memref<40xi32, #tpu.memory_space<vmem>>) semaphore(%arg23 : memref<!tpu.dma_semaphore, #tpu.memory_space<semaphore_mem>>) {add = true}
      %gt3A_649 = arith.constant 0 : i32
      %gt3A_650 = arith.cmpi sgt, %add3A_622, %gt3A_649 : i32
      %lt3A_651 = arith.constant 246 : i32
      %lt3A_652 = arith.cmpi slt, %add3A_622, %lt3A_651 : i32
      %and3A_653 = arith.andi %gt3A_650, %lt3A_652 : i1
      %convert_element_type3A_654 = arith.extui %and3A_653 : i1 to i32
      %cond3A_655 = arith.constant 0 : i32
      %cond3A_656 = arith.cmpi ne, %convert_element_type3A_654, %cond3A_655 : i32
      scf.if %cond3A_656 {
        %sub3A = arith.constant 1 : i32
        %sub3A_667 = arith.subi %add3A_622, %sub3A : i32
        %dma_wait3A_668 = arith.constant 3 : i32
        %dma_wait3A_669 = arith.constant 0 : i32
        %dma_wait3A_670 = tpu.memref_slice %arg7[%dma_wait3A_668, %dma_wait3A_669] : memref<5x40xi32, #tpu.memory_space<vmem>> -> memref<1x40xi32, #tpu.memory_space<vmem>>
        %dma_wait3A_671 = tpu.memref_squeeze %dma_wait3A_670 : memref<1x40xi32, #tpu.memory_space<vmem>> -> memref<40xi32, #tpu.memory_space<vmem>>
        %dma_wait3A_672 = arith.constant 0 : i32
        %dma_wait3A_673 = arith.constant 0 : i32
        %dma_wait3A_674 = tpu.memref_slice %arg13[%dma_wait3A_672, %dma_wait3A_673] : memref<10240x128xf32, #tpu.memory_space<vmem_shared>> -> memref<10240x128xf32, #tpu.memory_space<vmem_shared>>
        tpu.wait_indirect_dma semaphore(%arg22 : memref<!tpu.dma_semaphore, #tpu.memory_space<semaphore_mem>>) src(%arg11 : memref<40x128xf32, #tpu.memory_space<vmem>>) dst(%dma_wait3A_674 : memref<10240x128xf32, #tpu.memory_space<vmem_shared>>)
      } else {
      }
      %lt3A_657 = arith.constant 246 : i32
      %lt3A_658 = arith.cmpi slt, %add3A_622, %lt3A_657 : i32
      %convert_element_type3A_659 = arith.extui %lt3A_658 : i1 to i32
      %cond3A_660 = arith.constant 0 : i32
      %cond3A_661 = arith.cmpi ne, %convert_element_type3A_659, %cond3A_660 : i32
      scf.if %cond3A_661 {
        %add3A_667 = arith.constant 5 : i32
        %add3A_668 = arith.addi %add3A_622, %add3A_667 : i32
        %sub3A = arith.constant 1 : i32
        %sub3A_669 = arith.subi %add3A_668, %sub3A : i32
        %mul3A_670 = arith.constant 10000 : i32
        %mul3A_671 = arith.muli %add3A, %mul3A_670 : i32
        %mul3A_672 = arith.constant 40 : i32
        %mul3A_673 = arith.muli %sub3A_669, %mul3A_672 : i32
        %add3A_674 = arith.addi %mul3A_671, %mul3A_673 : i32
        %dma_start3A_675 = arith.constant 120 : i32
        %dma_start3A_676 = tpu.memref_slice %arg6[%dma_start3A_675] : memref<200xi32, #tpu.memory_space<vmem>> -> memref<40xi32, #tpu.memory_space<vmem>>
        %dma_start3A_677 = tpu.memref_slice %arg3[%add3A_674] : memref<320000xi32, #tpu.memory_space<hbm>> -> memref<40xi32, #tpu.memory_space<hbm>>
        %dma_start3A_678 = arith.constant 120 : i32
        %dma_start3A_679 = tpu.memref_slice %arg6[%dma_start3A_678] : memref<200xi32, #tpu.memory_space<vmem>> -> memref<40xi32, #tpu.memory_space<vmem>>
        %dma_start3A_680 = tpu.memref_slice %arg3[%add3A_674] : memref<320000xi32, #tpu.memory_space<hbm>> -> memref<40xi32, #tpu.memory_space<hbm>>
        tpu.enqueue_dma source(%dma_start3A_680 : memref<40xi32, #tpu.memory_space<hbm>>) target(%dma_start3A_679 : memref<40xi32, #tpu.memory_space<vmem>>) target_semaphore(%arg32 : memref<!tpu.dma_semaphore, #tpu.memory_space<semaphore_mem>>)
      } else {
      }
      %lt3A_662 = arith.constant 247 : i32
      %lt3A_663 = arith.cmpi slt, %add3A_622, %lt3A_662 : i32
      %convert_element_type3A_664 = arith.extui %lt3A_663 : i1 to i32
      %cond3A_665 = arith.constant 0 : i32
      %cond3A_666 = arith.cmpi ne, %convert_element_type3A_664, %cond3A_665 : i32
      scf.if %cond3A_666 {
        %add3A_667 = arith.constant 5 : i32
        %add3A_668 = arith.addi %add3A_622, %add3A_667 : i32
        %sub3A = arith.constant 2 : i32
        %sub3A_669 = arith.subi %add3A_668, %sub3A : i32
        %mul3A_670 = arith.constant 10000 : i32
        %mul3A_671 = arith.muli %add3A, %mul3A_670 : i32
        %mul3A_672 = arith.constant 40 : i32
        %mul3A_673 = arith.muli %sub3A_669, %mul3A_672 : i32
        %add3A_674 = arith.addi %mul3A_671, %mul3A_673 : i32
        %dma_wait3A_675 = arith.constant 80 : i32
        %dma_wait3A_676 = tpu.memref_slice %arg6[%dma_wait3A_675] : memref<200xi32, #tpu.memory_space<vmem>> -> memref<40xi32, #tpu.memory_space<vmem>>
        %dma_wait3A_677 = tpu.memref_slice %arg3[%add3A_674] : memref<320000xi32, #tpu.memory_space<hbm>> -> memref<40xi32, #tpu.memory_space<hbm>>
        %dma_wait3A_678 = arith.constant 80 : i32
        %dma_wait3A_679 = tpu.memref_slice %arg6[%dma_wait3A_678] : memref<200xi32, #tpu.memory_space<vmem>> -> memref<40xi32, #tpu.memory_space<vmem>>
        %dma_wait3A_680 = tpu.memref_slice %arg3[%add3A_674] : memref<320000xi32, #tpu.memory_space<hbm>> -> memref<40xi32, #tpu.memory_space<hbm>>
        tpu.wait_dma2 semaphore(%arg31 : memref<!tpu.dma_semaphore, #tpu.memory_space<semaphore_mem>>) src(%dma_wait3A_680 : memref<40xi32, #tpu.memory_space<hbm>>) dst(%dma_wait3A_679 : memref<40xi32, #tpu.memory_space<vmem>>)
        %add3A_681 = arith.constant 5 : i32
        %add3A_682 = arith.addi %add3A_622, %add3A_681 : i32
        %sub3A_683 = arith.constant 2 : i32
        %sub3A_684 = arith.subi %add3A_682, %sub3A_683 : i32
        %dma_start3A_685 = arith.constant 80 : i32
        %dma_start3A_686 = tpu.memref_slice %arg6[%dma_start3A_685] : memref<200xi32, #tpu.memory_space<vmem>> -> memref<40xi32, #tpu.memory_space<vmem>>
        %dma_start3A_687 = arith.constant 0 : i32
        %dma_start3A_688 = arith.constant 0 : i32
        %dma_start3A_689 = tpu.memref_slice %arg2[%dma_start3A_687, %dma_start3A_688] : memref<10000x128xf32, #tpu.memory_space<hbm>> -> memref<10000x128xf32, #tpu.memory_space<hbm>>
        tpu.enqueue_indirect_dma source(%dma_start3A_689 : memref<10000x128xf32, #tpu.memory_space<hbm>>) target(%arg10 : memref<40x128xf32, #tpu.memory_space<vmem>>) offsets(%dma_start3A_686 : memref<40xi32, #tpu.memory_space<vmem>>) semaphore(%arg16 : memref<!tpu.dma_semaphore, #tpu.memory_space<semaphore_mem>>)
        %mul3A_690 = arith.constant 10000 : i32
        %mul3A_691 = arith.muli %add3A, %mul3A_690 : i32
        %mul3A_692 = arith.constant 40 : i32
        %mul3A_693 = arith.muli %sub3A_684, %mul3A_692 : i32
        %add3A_694 = arith.addi %mul3A_691, %mul3A_693 : i32
        %dma_start3A_695 = arith.constant 2 : i32
        %dma_start3A_696 = arith.constant 0 : i32
        %dma_start3A_697 = tpu.memref_slice %arg7[%dma_start3A_695, %dma_start3A_696] : memref<5x40xi32, #tpu.memory_space<vmem>> -> memref<1x40xi32, #tpu.memory_space<vmem>>
        %dma_start3A_698 = tpu.memref_squeeze %dma_start3A_697 : memref<1x40xi32, #tpu.memory_space<vmem>> -> memref<40xi32, #tpu.memory_space<vmem>>
        %dma_start3A_699 = tpu.memref_slice %arg4[%add3A_694] : memref<320000xi32, #tpu.memory_space<hbm>> -> memref<40xi32, #tpu.memory_space<hbm>>
        %dma_start3A_700 = arith.constant 0 : i32
        %dma_start3A_701 = tpu.memref_slice %arg7[%dma_start3A_695, %dma_start3A_700] : memref<5x40xi32, #tpu.memory_space<vmem>> -> memref<1x40xi32, #tpu.memory_space<vmem>>
        %dma_start3A_702 = tpu.memref_squeeze %dma_start3A_701 : memref<1x40xi32, #tpu.memory_space<vmem>> -> memref<40xi32, #tpu.memory_space<vmem>>
        %dma_start3A_703 = tpu.memref_slice %arg4[%add3A_694] : memref<320000xi32, #tpu.memory_space<hbm>> -> memref<40xi32, #tpu.memory_space<hbm>>
        tpu.enqueue_dma source(%dma_start3A_703 : memref<40xi32, #tpu.memory_space<hbm>>) target(%dma_start3A_702 : memref<40xi32, #tpu.memory_space<vmem>>) target_semaphore(%arg26 : memref<!tpu.dma_semaphore, #tpu.memory_space<semaphore_mem>>)
      } else {
      }
    }
    %scan3A_390 = arith.constant 50 : i32
    %dma_wait3A_391 = arith.constant 0 : i32
    %dma_wait3A_392 = arith.constant 0 : i32
    %dma_wait3A_393 = tpu.memref_slice %arg7[%dma_wait3A_391, %dma_wait3A_392] : memref<5x40xi32, #tpu.memory_space<vmem>> -> memref<1x40xi32, #tpu.memory_space<vmem>>
    %dma_wait3A_394 = tpu.memref_squeeze %dma_wait3A_393 : memref<1x40xi32, #tpu.memory_space<vmem>> -> memref<40xi32, #tpu.memory_space<vmem>>
    %dma_wait3A_395 = arith.constant 0 : i32
    %dma_wait3A_396 = arith.constant 0 : i32
    %dma_wait3A_397 = tpu.memref_slice %arg13[%dma_wait3A_395, %dma_wait3A_396] : memref<10240x128xf32, #tpu.memory_space<vmem_shared>> -> memref<10240x128xf32, #tpu.memory_space<vmem_shared>>
    tpu.wait_indirect_dma semaphore(%arg19 : memref<!tpu.dma_semaphore, #tpu.memory_space<semaphore_mem>>) src(%arg8 : memref<40x128xf32, #tpu.memory_space<vmem>>) dst(%dma_wait3A_397 : memref<10240x128xf32, #tpu.memory_space<vmem_shared>>)
    %dma_wait3A_398 = arith.constant 1 : i32
    %dma_wait3A_399 = arith.constant 0 : i32
    %dma_wait3A_400 = tpu.memref_slice %arg7[%dma_wait3A_398, %dma_wait3A_399] : memref<5x40xi32, #tpu.memory_space<vmem>> -> memref<1x40xi32, #tpu.memory_space<vmem>>
    %dma_wait3A_401 = tpu.memref_squeeze %dma_wait3A_400 : memref<1x40xi32, #tpu.memory_space<vmem>> -> memref<40xi32, #tpu.memory_space<vmem>>
    %dma_wait3A_402 = arith.constant 0 : i32
    %dma_wait3A_403 = arith.constant 0 : i32
    %dma_wait3A_404 = tpu.memref_slice %arg13[%dma_wait3A_402, %dma_wait3A_403] : memref<10240x128xf32, #tpu.memory_space<vmem_shared>> -> memref<10240x128xf32, #tpu.memory_space<vmem_shared>>
    tpu.wait_indirect_dma semaphore(%arg20 : memref<!tpu.dma_semaphore, #tpu.memory_space<semaphore_mem>>) src(%arg9 : memref<40x128xf32, #tpu.memory_space<vmem>>) dst(%dma_wait3A_404 : memref<10240x128xf32, #tpu.memory_space<vmem_shared>>)
    %dma_wait3A_405 = arith.constant 2 : i32
    %dma_wait3A_406 = arith.constant 0 : i32
    %dma_wait3A_407 = tpu.memref_slice %arg7[%dma_wait3A_405, %dma_wait3A_406] : memref<5x40xi32, #tpu.memory_space<vmem>> -> memref<1x40xi32, #tpu.memory_space<vmem>>
    %dma_wait3A_408 = tpu.memref_squeeze %dma_wait3A_407 : memref<1x40xi32, #tpu.memory_space<vmem>> -> memref<40xi32, #tpu.memory_space<vmem>>
    %dma_wait3A_409 = arith.constant 0 : i32
    %dma_wait3A_410 = arith.constant 0 : i32
    %dma_wait3A_411 = tpu.memref_slice %arg13[%dma_wait3A_409, %dma_wait3A_410] : memref<10240x128xf32, #tpu.memory_space<vmem_shared>> -> memref<10240x128xf32, #tpu.memory_space<vmem_shared>>
    tpu.wait_indirect_dma semaphore(%arg21 : memref<!tpu.dma_semaphore, #tpu.memory_space<semaphore_mem>>) src(%arg10 : memref<40x128xf32, #tpu.memory_space<vmem>>) dst(%dma_wait3A_411 : memref<10240x128xf32, #tpu.memory_space<vmem_shared>>)
    %dma_wait3A_412 = arith.constant 3 : i32
    %dma_wait3A_413 = arith.constant 0 : i32
    %dma_wait3A_414 = tpu.memref_slice %arg7[%dma_wait3A_412, %dma_wait3A_413] : memref<5x40xi32, #tpu.memory_space<vmem>> -> memref<1x40xi32, #tpu.memory_space<vmem>>
    %dma_wait3A_415 = tpu.memref_squeeze %dma_wait3A_414 : memref<1x40xi32, #tpu.memory_space<vmem>> -> memref<40xi32, #tpu.memory_space<vmem>>
    %dma_wait3A_416 = arith.constant 0 : i32
    %dma_wait3A_417 = arith.constant 0 : i32
    %dma_wait3A_418 = tpu.memref_slice %arg13[%dma_wait3A_416, %dma_wait3A_417] : memref<10240x128xf32, #tpu.memory_space<vmem_shared>> -> memref<10240x128xf32, #tpu.memory_space<vmem_shared>>
    tpu.wait_indirect_dma semaphore(%arg22 : memref<!tpu.dma_semaphore, #tpu.memory_space<semaphore_mem>>) src(%arg11 : memref<40x128xf32, #tpu.memory_space<vmem>>) dst(%dma_wait3A_418 : memref<10240x128xf32, #tpu.memory_space<vmem_shared>>)
    %dma_wait3A_419 = arith.constant 4 : i32
    %dma_wait3A_420 = arith.constant 0 : i32
    %dma_wait3A_421 = tpu.memref_slice %arg7[%dma_wait3A_419, %dma_wait3A_420] : memref<5x40xi32, #tpu.memory_space<vmem>> -> memref<1x40xi32, #tpu.memory_space<vmem>>
    %dma_wait3A_422 = tpu.memref_squeeze %dma_wait3A_421 : memref<1x40xi32, #tpu.memory_space<vmem>> -> memref<40xi32, #tpu.memory_space<vmem>>
    %dma_wait3A_423 = arith.constant 0 : i32
    %dma_wait3A_424 = arith.constant 0 : i32
    %dma_wait3A_425 = tpu.memref_slice %arg13[%dma_wait3A_423, %dma_wait3A_424] : memref<10240x128xf32, #tpu.memory_space<vmem_shared>> -> memref<10240x128xf32, #tpu.memory_space<vmem_shared>>
    tpu.wait_indirect_dma semaphore(%arg23 : memref<!tpu.dma_semaphore, #tpu.memory_space<semaphore_mem>>) src(%arg12 : memref<40x128xf32, #tpu.memory_space<vmem>>) dst(%dma_wait3A_425 : memref<10240x128xf32, #tpu.memory_space<vmem_shared>>)
    %barrier3A_426 = arith.constant 0 : index
    tpu.barrier barrier_id(%barrier3A_426)
    %mul3A_427 = arith.constant 640 : i32
    %mul3A_428 = arith.muli %arg1, %mul3A_427 : i32
    %mul3A_429 = arith.constant 640 : i32
    %mul3A_430 = arith.muli %arg1, %mul3A_429 : i32
    "tpu.region"() ({
      %run_scoped3A = tpu.sem_alloc : memref<!tpu.dma_semaphore, #tpu.memory_space<semaphore_mem>>
      %dma_start3A_431 = arith.constant 0 : i32
      %dma_start3A_432 = tpu.memref_slice %arg5[%arg0, %mul3A_430, %dma_start3A_431] : memref<2x10240x128xf32, #tpu.memory_space<hbm>> -> memref<1x640x128xf32, #tpu.memory_space<hbm>>
      %dma_start3A_433 = tpu.memref_squeeze %dma_start3A_432 : memref<1x640x128xf32, #tpu.memory_space<hbm>> -> memref<640x128xf32, #tpu.memory_space<hbm>>
      %dma_start3A_434 = arith.constant 0 : i32
      %dma_start3A_435 = tpu.memref_slice %arg13[%mul3A_428, %dma_start3A_434] : memref<10240x128xf32, #tpu.memory_space<vmem_shared>> -> memref<640x128xf32, #tpu.memory_space<vmem_shared>>
      tpu.enqueue_dma source(%dma_start3A_435 : memref<640x128xf32, #tpu.memory_space<vmem_shared>>) target(%dma_start3A_433 : memref<640x128xf32, #tpu.memory_space<hbm>>) target_semaphore(%run_scoped3A : memref<!tpu.dma_semaphore, #tpu.memory_space<semaphore_mem>>)
      %dma_wait3A_436 = arith.constant 0 : i32
      %dma_wait3A_437 = tpu.memref_slice %arg5[%arg0, %mul3A_430, %dma_wait3A_436] : memref<2x10240x128xf32, #tpu.memory_space<hbm>> -> memref<1x640x128xf32, #tpu.memory_space<hbm>>
      %dma_wait3A_438 = tpu.memref_squeeze %dma_wait3A_437 : memref<1x640x128xf32, #tpu.memory_space<hbm>> -> memref<640x128xf32, #tpu.memory_space<hbm>>
      %dma_wait3A_439 = arith.constant 0 : i32
      %dma_wait3A_440 = tpu.memref_slice %arg13[%mul3A_428, %dma_wait3A_439] : memref<10240x128xf32, #tpu.memory_space<vmem_shared>> -> memref<640x128xf32, #tpu.memory_space<vmem_shared>>
      tpu.wait_dma2 semaphore(%run_scoped3A : memref<!tpu.dma_semaphore, #tpu.memory_space<semaphore_mem>>) src(%dma_wait3A_440 : memref<640x128xf32, #tpu.memory_space<vmem_shared>>) dst(%dma_wait3A_438 : memref<640x128xf32, #tpu.memory_space<hbm>>)
      tpu.yield
    }) : () -> ()
    return
  }
}

module attributes {stable_mosaic.version = 14 : i64} {
  func.func @_tc_layer_body(%arg0: memref<1x1xf32, #tpu.memory_space<vmem>>, %arg1: memref<10000x128xf32, #tpu.memory_space<vmem>>, %arg2: memref<2x10240x128xf32, #tpu.memory_space<vmem>>, %arg3: memref<128x128xf32, #tpu.memory_space<vmem>>, %arg4: memref<1x128xf32, #tpu.memory_space<vmem>>, %arg5: memref<128x128xf32, #tpu.memory_space<vmem>>, %arg6: memref<1x128xf32, #tpu.memory_space<vmem>>, %arg7: memref<1x128xf32, #tpu.memory_space<vmem>>, %arg8: memref<1x128xf32, #tpu.memory_space<vmem>>, %arg9: memref<10000x128xf32, #tpu.memory_space<vmem>>) attributes {dimension_semantics = [], scalar_prefetch = 0 : i64, scratch_operands = 0 : i64, tpu.core_type = #tpu.core_type<tc>} {
    %get3A = arith.constant 0 : index
    %get3A_0 = arith.constant 0 : index
    %get3A_1 = vector.load %arg0[%get3A, %get3A_0] : memref<1x1xf32, #tpu.memory_space<vmem>>, vector<1x1xf32>
    %get3A_2 = vector.extract %get3A_1[0, 0] : f32 from vector<1x1xf32>
    %get3A_3 = arith.constant 0 : index
    %get3A_4 = arith.constant 0 : index
    %get3A_5 = vector.load %arg1[%get3A_3, %get3A_4] : memref<10000x128xf32, #tpu.memory_space<vmem>>, vector<10000x128xf32>
    %mul3A = vector.broadcast %get3A_2 : f32 to vector<10000x128xf32>
    %mul3A_6 = arith.mulf %mul3A, %get3A_5 : vector<10000x128xf32>
    %get3A_7 = arith.constant 0 : index
    %get3A_8 = arith.constant 0 : index
    %get3A_9 = arith.constant 0 : index
    %get3A_10 = vector.load %arg2[%get3A_7, %get3A_8, %get3A_9] : memref<2x10240x128xf32, #tpu.memory_space<vmem>>, vector<1x10000x128xf32>
    %get3A_11 = vector.shape_cast %get3A_10 : vector<1x10000x128xf32> to vector<10000x128xf32>
    %add3A = arith.addf %mul3A_6, %get3A_11 : vector<10000x128xf32>
    %get3A_12 = arith.constant 1 : index
    %get3A_13 = arith.constant 0 : index
    %get3A_14 = arith.constant 0 : index
    %get3A_15 = vector.load %arg2[%get3A_12, %get3A_13, %get3A_14] : memref<2x10240x128xf32, #tpu.memory_space<vmem>>, vector<1x10000x128xf32>
    %get3A_16 = vector.shape_cast %get3A_15 : vector<1x10000x128xf32> to vector<10000x128xf32>
    %add3A_17 = arith.addf %add3A, %get3A_16 : vector<10000x128xf32>
    %get3A_18 = arith.constant 0 : index
    %get3A_19 = arith.constant 0 : index
    %get3A_20 = vector.load %arg3[%get3A_18, %get3A_19] : memref<128x128xf32, #tpu.memory_space<vmem>>, vector<128x128xf32>
    %dot_general3A = arith.constant dense<0.000000e+00> : vector<10000x128xf32>
    %dot_general3A_21 = tpu.matmul %add3A_17, %get3A_20, %dot_general3A {dimension_numbers = #tpu.dot_dimension_numbers<[1], [0], [0], [1], [0, 0, 1, 1], [], []>, transpose_lhs_hint = false} : vector<10000x128xf32>, vector<128x128xf32>, vector<10000x128xf32> -> vector<10000x128xf32>
    %get3A_22 = arith.constant 0 : index
    %get3A_23 = arith.constant 0 : index
    %get3A_24 = vector.load %arg4[%get3A_22, %get3A_23] : memref<1x128xf32, #tpu.memory_space<vmem>>, vector<1x128xf32>
    %add3A_25 = vector.broadcast %get3A_24 : vector<1x128xf32> to vector<10000x128xf32>
    %add3A_26 = arith.addf %dot_general3A_21, %add3A_25 : vector<10000x128xf32>
    %max3A = arith.constant 0.000000e+00 : f32
    %max3A_27 = vector.broadcast %max3A : f32 to vector<10000x128xf32>
    %max3A_28 = arith.maximumf %add3A_26, %max3A_27 : vector<10000x128xf32>
    %get3A_29 = arith.constant 0 : index
    %get3A_30 = arith.constant 0 : index
    %get3A_31 = vector.load %arg5[%get3A_29, %get3A_30] : memref<128x128xf32, #tpu.memory_space<vmem>>, vector<128x128xf32>
    %dot_general3A_32 = arith.constant dense<0.000000e+00> : vector<10000x128xf32>
    %dot_general3A_33 = tpu.matmul %max3A_28, %get3A_31, %dot_general3A_32 {dimension_numbers = #tpu.dot_dimension_numbers<[1], [0], [0], [1], [0, 0, 1, 1], [], []>, transpose_lhs_hint = false} : vector<10000x128xf32>, vector<128x128xf32>, vector<10000x128xf32> -> vector<10000x128xf32>
    %get3A_34 = arith.constant 0 : index
    %get3A_35 = arith.constant 0 : index
    %get3A_36 = vector.load %arg6[%get3A_34, %get3A_35] : memref<1x128xf32, #tpu.memory_space<vmem>>, vector<1x128xf32>
    %add3A_37 = vector.broadcast %get3A_36 : vector<1x128xf32> to vector<10000x128xf32>
    %add3A_38 = arith.addf %dot_general3A_33, %add3A_37 : vector<10000x128xf32>
    %reduce_sum3A = arith.constant dense<0.000000e+00> : vector<128xf32>
    %reduce_sum3A_39 = vector.multi_reduction <add>, %add3A_38, %reduce_sum3A [0] : vector<10000x128xf32> to vector<128xf32>
    %broadcast_in_dim3A = vector.shape_cast %reduce_sum3A_39 : vector<128xf32> to vector<1x128xf32>
    %div3A = arith.constant 1.000000e+04 : f32
    %div3A_40 = vector.broadcast %div3A : f32 to vector<1x128xf32>
    %div3A_41 = arith.divf %broadcast_in_dim3A, %div3A_40 : vector<1x128xf32>
    %sub3A = vector.broadcast %div3A_41 : vector<1x128xf32> to vector<10000x128xf32>
    %sub3A_42 = arith.subf %add3A_38, %sub3A : vector<10000x128xf32>
    %integer_pow3A = arith.mulf %sub3A_42, %sub3A_42 : vector<10000x128xf32>
    %reduce_sum3A_43 = arith.constant dense<0.000000e+00> : vector<128xf32>
    %reduce_sum3A_44 = vector.multi_reduction <add>, %integer_pow3A, %reduce_sum3A_43 [0] : vector<10000x128xf32> to vector<128xf32>
    %broadcast_in_dim3A_45 = vector.shape_cast %reduce_sum3A_44 : vector<128xf32> to vector<1x128xf32>
    %div3A_46 = arith.constant 1.000000e+04 : f32
    %div3A_47 = vector.broadcast %div3A_46 : f32 to vector<1x128xf32>
    %div3A_48 = arith.divf %broadcast_in_dim3A_45, %div3A_47 : vector<1x128xf32>
    %sub3A_49 = vector.broadcast %div3A_41 : vector<1x128xf32> to vector<10000x128xf32>
    %sub3A_50 = arith.subf %add3A_38, %sub3A_49 : vector<10000x128xf32>
    %add3A_51 = arith.constant 9.99999974E-6 : f32
    %add3A_52 = vector.broadcast %add3A_51 : f32 to vector<1x128xf32>
    %add3A_53 = arith.addf %div3A_48, %add3A_52 : vector<1x128xf32>
    %rsqrt3A = math.rsqrt %add3A_53 : vector<1x128xf32>
    %mul3A_54 = vector.broadcast %rsqrt3A : vector<1x128xf32> to vector<10000x128xf32>
    %mul3A_55 = arith.mulf %sub3A_50, %mul3A_54 : vector<10000x128xf32>
    %get3A_56 = arith.constant 0 : index
    %get3A_57 = arith.constant 0 : index
    %get3A_58 = vector.load %arg7[%get3A_56, %get3A_57] : memref<1x128xf32, #tpu.memory_space<vmem>>, vector<1x128xf32>
    %mul3A_59 = vector.broadcast %get3A_58 : vector<1x128xf32> to vector<10000x128xf32>
    %mul3A_60 = arith.mulf %mul3A_55, %mul3A_59 : vector<10000x128xf32>
    %get3A_61 = arith.constant 0 : index
    %get3A_62 = arith.constant 0 : index
    %get3A_63 = vector.load %arg8[%get3A_61, %get3A_62] : memref<1x128xf32, #tpu.memory_space<vmem>>, vector<1x128xf32>
    %add3A_64 = vector.broadcast %get3A_63 : vector<1x128xf32> to vector<10000x128xf32>
    %add3A_65 = arith.addf %mul3A_60, %add3A_64 : vector<10000x128xf32>
    %max3A_66 = arith.constant 0.000000e+00 : f32
    %max3A_67 = vector.broadcast %max3A_66 : f32 to vector<10000x128xf32>
    %max3A_68 = arith.maximumf %add3A_65, %max3A_67 : vector<10000x128xf32>
    %swap3A = arith.constant 0 : index
    %swap3A_69 = arith.constant 0 : index
    %swap3A_70 = vector.load %arg9[%swap3A, %swap3A_69] : memref<10000x128xf32, #tpu.memory_space<vmem>>, vector<10000x128xf32>
    tpu.vector_store %arg9[%swap3A, %swap3A_69], %max3A_68 {strides = array<i32>} : memref<10000x128xf32, #tpu.memory_space<vmem>>, vector<10000x128xf32>,
    return
  }
}

module attributes {stable_mosaic.version = 14 : i64} {
  func.func @_tc_final_body(%arg0: memref<1x1xf32, #tpu.memory_space<vmem>>, %arg1: memref<10000x128xf32, #tpu.memory_space<vmem>>, %arg2: memref<2x10240x128xf32, #tpu.memory_space<vmem>>, %arg3: memref<128x128xf32, #tpu.memory_space<vmem>>, %arg4: memref<1x128xf32, #tpu.memory_space<vmem>>, %arg5: memref<128x128xf32, #tpu.memory_space<vmem>>, %arg6: memref<1x128xf32, #tpu.memory_space<vmem>>, %arg7: memref<10000x1xi32, #tpu.memory_space<vmem>>, %arg8: memref<64x128xf32, #tpu.memory_space<vmem>>) attributes {dimension_semantics = [], scalar_prefetch = 0 : i64, scratch_operands = 0 : i64, tpu.core_type = #tpu.core_type<tc>} {
    %get3A = arith.constant 0 : index
    %get3A_0 = arith.constant 0 : index
    %get3A_1 = vector.load %arg0[%get3A, %get3A_0] : memref<1x1xf32, #tpu.memory_space<vmem>>, vector<1x1xf32>
    %get3A_2 = vector.extract %get3A_1[0, 0] : f32 from vector<1x1xf32>
    %get3A_3 = arith.constant 0 : index
    %get3A_4 = arith.constant 0 : index
    %get3A_5 = vector.load %arg1[%get3A_3, %get3A_4] : memref<10000x128xf32, #tpu.memory_space<vmem>>, vector<10000x128xf32>
    %mul3A = vector.broadcast %get3A_2 : f32 to vector<10000x128xf32>
    %mul3A_6 = arith.mulf %mul3A, %get3A_5 : vector<10000x128xf32>
    %get3A_7 = arith.constant 0 : index
    %get3A_8 = arith.constant 0 : index
    %get3A_9 = arith.constant 0 : index
    %get3A_10 = vector.load %arg2[%get3A_7, %get3A_8, %get3A_9] : memref<2x10240x128xf32, #tpu.memory_space<vmem>>, vector<1x10000x128xf32>
    %get3A_11 = vector.shape_cast %get3A_10 : vector<1x10000x128xf32> to vector<10000x128xf32>
    %add3A = arith.addf %mul3A_6, %get3A_11 : vector<10000x128xf32>
    %get3A_12 = arith.constant 1 : index
    %get3A_13 = arith.constant 0 : index
    %get3A_14 = arith.constant 0 : index
    %get3A_15 = vector.load %arg2[%get3A_12, %get3A_13, %get3A_14] : memref<2x10240x128xf32, #tpu.memory_space<vmem>>, vector<1x10000x128xf32>
    %get3A_16 = vector.shape_cast %get3A_15 : vector<1x10000x128xf32> to vector<10000x128xf32>
    %add3A_17 = arith.addf %add3A, %get3A_16 : vector<10000x128xf32>
    %get3A_18 = arith.constant 0 : index
    %get3A_19 = arith.constant 0 : index
    %get3A_20 = vector.load %arg3[%get3A_18, %get3A_19] : memref<128x128xf32, #tpu.memory_space<vmem>>, vector<128x128xf32>
    %dot_general3A = arith.constant dense<0.000000e+00> : vector<10000x128xf32>
    %dot_general3A_21 = tpu.matmul %add3A_17, %get3A_20, %dot_general3A {dimension_numbers = #tpu.dot_dimension_numbers<[1], [0], [0], [1], [0, 0, 1, 1], [], []>, transpose_lhs_hint = false} : vector<10000x128xf32>, vector<128x128xf32>, vector<10000x128xf32> -> vector<10000x128xf32>
    %get3A_22 = arith.constant 0 : index
    %get3A_23 = arith.constant 0 : index
    %get3A_24 = vector.load %arg4[%get3A_22, %get3A_23] : memref<1x128xf32, #tpu.memory_space<vmem>>, vector<1x128xf32>
    %add3A_25 = vector.broadcast %get3A_24 : vector<1x128xf32> to vector<10000x128xf32>
    %add3A_26 = arith.addf %dot_general3A_21, %add3A_25 : vector<10000x128xf32>
    %max3A = arith.constant 0.000000e+00 : f32
    %max3A_27 = vector.broadcast %max3A : f32 to vector<10000x128xf32>
    %max3A_28 = arith.maximumf %add3A_26, %max3A_27 : vector<10000x128xf32>
    %get3A_29 = arith.constant 0 : index
    %get3A_30 = arith.constant 0 : index
    %get3A_31 = vector.load %arg5[%get3A_29, %get3A_30] : memref<128x128xf32, #tpu.memory_space<vmem>>, vector<128x128xf32>
    %dot_general3A_32 = arith.constant dense<0.000000e+00> : vector<10000x128xf32>
    %dot_general3A_33 = tpu.matmul %max3A_28, %get3A_31, %dot_general3A_32 {dimension_numbers = #tpu.dot_dimension_numbers<[1], [0], [0], [1], [0, 0, 1, 1], [], []>, transpose_lhs_hint = false} : vector<10000x128xf32>, vector<128x128xf32>, vector<10000x128xf32> -> vector<10000x128xf32>
    %get3A_34 = arith.constant 0 : index
    %get3A_35 = arith.constant 0 : index
    %get3A_36 = vector.load %arg6[%get3A_34, %get3A_35] : memref<1x128xf32, #tpu.memory_space<vmem>>, vector<1x128xf32>
    %add3A_37 = vector.broadcast %get3A_36 : vector<1x128xf32> to vector<10000x128xf32>
    %add3A_38 = arith.addf %dot_general3A_33, %add3A_37 : vector<10000x128xf32>
    %iota3A = tpu.iota {dimensions = array<i32: 1>} : vector<10000x64xi32>
    %get3A_39 = arith.constant 0 : index
    %get3A_40 = arith.constant 0 : index
    %get3A_41 = vector.load %arg7[%get3A_39, %get3A_40] : memref<10000x1xi32, #tpu.memory_space<vmem>>, vector<10000x1xi32>
    %eq3A = vector.broadcast %get3A_41 : vector<10000x1xi32> to vector<10000x64xi32>
    %eq3A_42 = arith.cmpi eq, %eq3A, %iota3A : vector<10000x64xi32>
    %convert_element_type3A = arith.extui %eq3A_42 : vector<10000x64xi1> to vector<10000x64xi32>
    %convert_element_type3A_43 = arith.sitofp %convert_element_type3A : vector<10000x64xi32> to vector<10000x64xf32>
    %dot_general3A_44 = arith.constant dense<0.000000e+00> : vector<64x128xf32>
    %dot_general3A_45 = tpu.matmul %convert_element_type3A_43, %add3A_38, %dot_general3A_44 {dimension_numbers = #tpu.dot_dimension_numbers<[0], [0], [1], [1], [0, 1, 1, 1], [], []>, transpose_lhs_hint = false} : vector<10000x64xf32>, vector<10000x128xf32>, vector<64x128xf32> -> vector<64x128xf32>
    %swap3A = arith.constant 0 : index
    %swap3A_46 = arith.constant 0 : index
    %swap3A_47 = vector.load %arg8[%swap3A, %swap3A_46] : memref<64x128xf32, #tpu.memory_space<vmem>>, vector<64x128xf32>
    tpu.vector_store %arg8[%swap3A, %swap3A_46], %dot_general3A_45 {strides = array<i32>} : memref<64x128xf32, #tpu.memory_space<vmem>>, vector<64x128xf32>,
    return
  }
}

</mosaic_0001>

<sc_bundles>
// kernel: kernel.11.cloned.1.call-start
scs
__scs_entry_jumppad:
0x0: {  	(pc) =	sbr.rel $0x88, $3  }
0x1: {  	(tag) =	ssettag $0x0;
	lr =	simm.s32 $0x1  }
0x2: {  	[smem:$0x3F8B] =	sst lr;
	_ =	strace $0xD0000000  }
0x3: {  	_ = 	snop  }
0x4: {  	_ = 	snop  }
0x5: {  	_ = 	snop  }
0x6: {  	_ = 	snop  }
0x7: {  	_ = 	snop  }
__scs_overlays_trampoline_lowered:
0x8: {  	[smem:$0x3F9A] =	sst s0  }
0x9: {  	[smem:$0x3F9B] =	sst s1  }
0xa: {  	[smem:$0x3F9C] =	sst s2  }
0xb: {  	[smem:$0x3F9D] =	sst s3  }
0xc: {  	[smem:$0x3F9E] =	sst s4  }
0xd: {  	[smem:$0x3F9F] =	sst s5  }
0xe: {  	[smem:$0x3FA0] =	sst s6  }
0xf: {  	[smem:$0x3FA1] =	sst s7  }
0x10: {  	[smem:$0x3FA2] =	sst s8  }
0x11: {  	[smem:$0x3FA3] =	sst s9;
	s0 =	simm.s32 @!p0 $0x0  }
0x12: {  	s1 =	sld [smem:$0x3F89];
	s0 =	simm.s32 @p0 $0x1  }
0x13: {  	[smem:$0x3FA4] =	sst s0;
	s0 =	simm.s32 @!p1 $0x0  }
0x14: {  	s2 =	sld [smem:$0x3F88];
	s0 =	simm.s32 @p1 $0x1  }
0x15: {  	[smem:$0x3FA5] =	sst s0;
	s0 =	simm.s32 @!p2 $0x0  }
0x16: {  	s3 =	sld [smem:$0x3FDB];
	s0 =	simm.s32 @p2 $0x1  }
0x17: {  	s4 =	simm.s32 $0x1BF5;
	[smem:$0x3FA7] =	sst s0  }
0x18: {  	s0 =	sld [smem:$0x3F8A];
	_ =	swait.ge [sflag:s4], $0x0  }
0x19: {  	s7 =	sld [smem:$0x3F8B]  }
0x1a: {  	s8 =	sadd.s32 $0xFFFFE003, lr  }
0x1b: {  	s9 =	sadd.s32 $0xFFFFFEF7, lr;
	s5 =	simm.s32 $0xFFFFFFFF;
	p2 =	slt.u32 s8, $0xFFFFF086  }
0x1c: {  	p1 =	slt.u32 s9, $0xF7A;
	s5 =	simm.s32 @!p2 $0x0  }
0x1d: {  	s5 =	simm.s32 @p1 $0x1;
	p0 =	seq.s32 s7, s2  }
0x1e: {  	s7 =	smul.u32 @!p0 $0xF7A, s2;
	p2 =	seq.s32 @!p0 s5, $0x0  }
0x1f: {  	s9 =	smul.u32 $0xF7A, s1;
	s8 =	simm.s32 @!p0 $0x1BF5;
	p2 =	por !p2, p0  }
0x20: {  	[sflag:s8] =	ssyncset.s32 @!p0 $0xFFFFF086;
	s6 =	sadd.s32 @!p0 s3, s7;
	s7 =	simm.s32 @!p0 $0x108  }
0x21: {  	s3 =	sadd.s32 s3, s9;
	s6 =	sadd.s32 @!p0 $0x88, s6;
	s7 =	simm.s32 @p2 $0x1082  }
0x22: {  	[simem:s7], [sflag:s8] =	dma.local @!p0 [hbm:s6], $0xF7A  }
0x23: {  	s9 =	sor.u32 $0xD0000000, s2;
	s6 =	simm.s32 $0x108;
	_ =	swait.ge @!p0 [sflag:s8], $0x0  }
0x24: {  	s3 =	sadd.s32 $0x88, s3;
	s6 =	simm.s32 @!p1 $0x1082;
	[sflag:s4] =	ssyncset.s32 $0xFFFFF086  }
0x25: {  	[simem:s6], [sflag:s4] =	dma.local [hbm:s3], $0xF7A  }
0x26: {  	[smem:$0x3F8B] =	sst s1;
	(tag) =	ssettag s2;
	_ =	strace s9  }
0x27: {  	s1 =	sld [smem:$0x3F9B]  }
0x28: {  	s2 =	sld [smem:$0x3F9C]  }
0x29: {  	s4 =	sld [smem:$0x3F9E]  }
0x2a: {  	p0 =	seq.s32 s5, $0x0;
	s5 =	sld [smem:$0x3F9F]  }
0x2b: {  	s6 =	sld [smem:$0x3FA0]  }
0x2c: {  	s7 =	sld [smem:$0x3FA1]  }
0x2d: {  	s3 =	simm.s32 $0x108;
	s8 =	sld [smem:$0x3FA2]  }
0x2e: {  	s3 =	simm.s32 @!p0 $0x1082;
	s9 =	sld [smem:$0x3FA3]  }
0x2f: {  	lr =	sadd.s32 s0, s3;
	s0 =	sld [smem:$0x3F9A]  }
0x30: {  	s3 =	sld [smem:$0x3F9D]  }
0x31: {  	[smem:$0x3FA6] =	sst s10  }
0x32: {  	s10 =	sld [smem:$0x3FA4];
	_ =	sdelay $0x3  }
0x33: {  	p0 =	seq.s32 s10, $0x1;
	s10 =	sld [smem:$0x3FA6];
	_ =	sdelay $0x3  }
0x34: {  	[smem:$0x3FA6] =	sst s10  }
0x35: {  	s10 =	sld [smem:$0x3FA5];
	_ =	sdelay $0x3  }
0x36: {  	p1 =	seq.s32 s10, $0x1;
	s10 =	sld [smem:$0x3FA6];
	_ =	sdelay $0x3  }
0x37: {  	[smem:$0x3FA6] =	sst s10  }
0x38: {  	s10 =	sld [smem:$0x3FA7]  }
0x39: {  	_ = 	snop;
	(pc) =	sbr.ind lr, $3  }
0x3a: {  	_ = 	snop  }
0x3b: {  	_ = 	snop  }
0x3c: {  	p2 =	seq.s32 s10, $0x1;
	s10 =	sld [smem:$0x3FA6]  }
0x3d: {  	_ =	shalt  }
0x3e: {  	_ =	shalt  }
0x3f: {  	_ =	shalt  }
0x40: {  	_ =	shalt  }
0x41: {  	_ =	shalt  }
0x42: {  	_ =	shalt  }
0x43: {  	_ =	shalt  }
0x44: {  	_ =	shalt  }
0x45: {  	_ =	shalt  }
0x46: {  	_ =	shalt  }
0x47: {  	_ =	shalt  }
0x48: {  	_ =	shalt  }
0x49: {  	_ =	shalt  }
0x4a: {  	_ =	shalt  }
0x4b: {  	_ =	shalt  }
0x4c: {  	_ =	shalt  }
0x4d: {  	_ =	shalt  }
0x4e: {  	_ =	shalt  }
0x4f: {  	_ =	shalt  }
0x50: {  	_ =	shalt  }
0x51: {  	_ =	shalt  }
0x52: {  	_ =	shalt  }
0x53: {  	_ =	shalt  }
0x54: {  	_ =	shalt  }
0x55: {  	_ =	shalt  }
0x56: {  	_ =	shalt  }
0x57: {  	_ =	shalt  }
0x58: {  	_ =	shalt  }
0x59: {  	_ =	shalt  }
0x5a: {  	_ =	shalt  }
0x5b: {  	_ =	shalt  }
0x5c: {  	_ =	shalt  }
0x5d: {  	_ =	shalt  }
0x5e: {  	_ =	shalt  }
0x5f: {  	_ =	shalt  }
0x60: {  	_ =	shalt  }
0x61: {  	_ =	shalt  }
0x62: {  	_ =	shalt  }
0x63: {  	_ =	shalt  }
0x64: {  	_ =	shalt  }
0x65: {  	_ =	shalt  }
0x66: {  	_ =	shalt  }
0x67: {  	_ =	shalt  }
0x68: {  	_ =	shalt  }
0x69: {  	_ =	shalt  }
0x6a: {  	_ =	shalt  }
0x6b: {  	_ =	shalt  }
0x6c: {  	_ =	shalt  }
0x6d: {  	_ =	shalt  }
0x6e: {  	_ =	shalt  }
0x6f: {  	_ =	shalt  }
0x70: {  	_ =	shalt  }
0x71: {  	_ =	shalt  }
0x72: {  	_ =	shalt  }
0x73: {  	_ =	shalt  }
0x74: {  	_ =	shalt  }
0x75: {  	_ =	shalt  }
0x76: {  	_ =	shalt  }
0x77: {  	_ =	shalt  }
0x78: {  	_ =	shalt  }
0x79: {  	_ =	shalt  }
0x7a: {  	_ =	shalt  }
0x7b: {  	_ =	shalt  }
0x7c: {  	_ =	shalt  }
0x7d: {  	_ =	shalt  }
0x7e: {  	_ =	shalt  }
0x7f: {  	_ =	shalt  }
0x80: {  	_ =	shalt  }
0x81: {  	_ =	shalt  }
0x82: {  	_ =	shalt  }
0x83: {  	_ =	shalt  }
0x84: {  	_ =	shalt  }
0x85: {  	_ =	shalt  }
0x86: {  	_ =	shalt  }
0x87: {  	_ =	shalt  }
.Lfunc_end0:
.L_simem_size_0:
called_computation.1_lowered:
.L_overlay_start_0:
0x88: {  	s2 =	sld [smem:$0x3FD9]  }
0x89: {  	s3 =	sld [smem:$0x3FFE];
	_ =	sdelay $0x1  }
0x8a: {  	s1 =	srdreg.scid  }
0x8b: {  	s0 =	sand.u32 $0x1, s1  }
0x8c: {  	s16 =	sshll.u32 s0, $0xA;
	s2 =	sadd.s32 s3, s2  }
0x8d: {  	s2 =	sadd.s32 s2, s16  }
0x8e: {  	[smem:$0x3FB2] =	sst s2  }
0x8f: {  	_ = 	snop  }
0x90: {  	(tm) =	ssettm $0x1  }
0x91: {  	s17 =	sld [smem:$0x3FFB];
	_ =	sdelay $0x3  }
0x92: {  	_ =	strace s17  }
0x93: {  	s2 =	sld [smem:$0x3FFC];
	_ =	sdelay $0x3  }
0x94: {  	_ =	strace s2  }
0x95: {  	s2 =	sld [smem:$0x3FFD];
	_ =	sdelay $0x3  }
0x96: {  	_ =	strace s2  }
0x97: {  	_ =	strace $0x8FFFFFFF  }
0x98: {  	s18 =	sld [smem:$0x3FDB];
	_ =	sdelay $0x1  }
0x99: {  	s19 =	simm.s32 $_scs_section_size  }
0x9a: {  	s4 =	simm.s32 $_size__tile_overlayer_lowered;
	s5 =	simm.s32 $_tile_overlayer_lowered  }
0x9b: {  	s22 =	simm.s32 $0x1BFF;
	s21 =	sshll.u32 s5, $0x1;
	s2 =	sadd.s32 s19, s18  }
0x9c: {  	s6 =	simm.s32 $0x0;
	s20 =	sshll.u32 s4, $0x1;
	s4 =	sadd.s32 s21, s2  }
0x9d: {  	[timem:s6], [sflag:s22] =	dma.local [hbm:s4], s20  }
0x9e: {  	_ =	swait.ge [sflag:s22], s20  }
0x9f: {  	s3 =	ssub.s32 $0x0, s20;
	[sflag:s22] =	ssyncset.done $0x0  }
0xa0: {  	[sflag:s22] =	ssyncadd.s32 s3;
	_ =	sdelay $0x1  }
0xa1: {  	s23 =	simm.s32 $0x1B8B  }
0xa2: {  	_ =	swait.ge [sflag:s23], $0x1  }
0xa3: {  	[sflag:s23] =	ssyncset.done $0x0  }
0xa4: {  	s25 =	simm.s32 $0x1B8E;
	s24 =	sld [smem:$0x3FFE];
	[sflag:s23] =	ssyncadd.s32 $0xFFFFFFFF  }
0xa5: {  	s26 =	simm.s32 $execute0_lowered;
	[smem:$0x3FD2] =	sst s25  }
0xa6: {  	s4 =	sshll.u32 s26, $0x1;
	_ =	strace $0x80000049;
	[dreg:$0x1] =	wrdreg $0xFFFFFFFF  }
0xa7: {  	s28 =	simm.s32 $_size_execute0_lowered;
	s2 =	sadd.s32 s2, s4;
	[dreg:$0x0] =	wrdreg $0x0  }
0xa8: {  	s4 =	sshll.u32 s28, $0x1;
	[dreg:$0x2] =	wrdreg s2  }
0xa9: {  	[dreg:$0x3] =	wrdreg s4  }
0xaa: {  	[dreg:$0x4] =	wrdreg $0xC0  }
0xab: {  	_ =	task [dreg:s6], $0x5FFFF  }
0xac: {  	[dreg:$0x1] =	wrdreg $0xFFFFFFFF  }
0xad: {  	[dreg:$0x0] =	wrdreg $0x60  }
0xae: {  	[dreg:$0x2] =	wrdreg s24  }
0xaf: {  	[dreg:$0x3] =	wrdreg $0x69000  }
0xb0: {  	[dreg:$0x4] =	wrdreg $0x9  }
0xb1: {  	_ =	task.clear_ibuf [dreg:s6], $0x5FFFF;
	_ =	strace $0x90000049  }
0xb2: {  	s29 =	simm.s32 $0x9;
	_ =	strace $0x8000004B  }
0xb3: {  	_ =	swait.ge [sflag:s29], $0x1  }
0xb4: {  	[sflag:s29] =	ssyncadd.s32 $0xFFFFFFFF  }
0xb5: {  	_ =	strace $0x9000004B  }
0xb6: {  	_ =	sfence  }
0xb7: {  	s30 =	sld [smem:$0x0];
	_ =	sdelay $0x2  }
0xb8: {  	s31 =	sshll.u32 s1, $0xD;
	s1 =	sshrl.u32 s1, $0x2  }
0xb9: {  	s3 =	sand.u32 $0x4000, s31;
	s1 =	sadd.s32 s1, s30  }
0xba: {  	s0 =	sor.u32 s3, s0;
	s1 =	sshll.u32 s1, $0x11  }
0xbb: {  	s0 =	sor.u32 s1, s0  }
0xbc: {  	s0 =	sadd.s32 $0x8F2B, s0  }
0xbd: {  	[sflag:s0] =	ssyncadd.remote.s32 $0x1  }
0xbe: {  	_ =	sfence.sel $0xFFFF  }
0xbf: {  	[dreg:$0x0] =	wrdreg $0xFFFFFFFF;
	(pc) =	sbr.abs _section_cstart, $3  }
0xc0: {  	[dreg:$0x1] =	wrdreg $0xFFFFFFFF  }
0xc1: {  	_ =	task.clear_ibuf [dreg:s6], $0x2FFFF;
	_ =	strace $0x9FFFFFFF  }
0xc2: {  	(tm) =	ssettm $0x7FFFFFFF  }
0xc3: {  	_ =	shalt  }
tec
execute0_lowered:
.L_overlay_start_1:
0x0: {  	(tag) =	ssettag $0x1  }
0x1: {  	s0 =	rddreg [dreg:$0x0]  }
0x2: {  	s1 =	rddreg [dreg:$0x1];
	s2 =	srdreg.scid  }
0x3: {  	s3 =	simm.s32 $0x0;
	s11 =	stileid.u32;
	s2 =	sand.u32 $0x1, s2  }
0x4: {  	[smem:$0x7FF] =	sst s3;
	s6 =	smul.u32 $0x14000, s11;
	s4 =	sadd.s32 $0x17800, s0  }
0x5: {  	s12 =	sadd.s32 $0xDA00, s0;
	s13 =	sadd.s32 $0x3C00, s0;
	s26 =	smul.u32 $0x50000, s11  }
0x6: {  	s5 =	smul.u32 $0x140000, s2;
	_ =	strace $0x8000004A;
	s7 =	sshll.u32 s2, $0x4  }
0x7: {  	s23 =	ssub.s32 $0x2, s2;
	s2 =	smul.u32 $0x27100, s2;
	[dreg:$0x3] =	wrdreg s13  }
0x8: {  	[smem:$0x7F7] =	sst s12;
	s22 =	sor.u32 s11, s7;
	s24 =	sshrl.u32 s23, $0x1  }
0x9: {  	s11 =	smul.u32 $0x2710, s11;
	s16 =	sshrl.u32 s26, $0x2;
	s5 =	sadd.s32 s6, s5  }
0xa: {  	s6 =	smul.u32 $0x2710, s22;
	s18 =	sadd.s32 s16, s1;
	s5 =	sshrl.u32 s5, $0x3  }
0xb: {  	s2 =	sadd.s32 s11, s2;
	s11 =	sadd.s32 $0x1400, s18;
	s16 =	sadd.s32 $0x7800, s18  }
0xc: {  	[dreg:$0x8] =	wrdreg s18;
	s0 =	sadd.s32 s5, s0;
	s5 =	ssub.s32 s23, s24  }
0xd: {  	s25 =	sshrl.u32 s6, $0x3;
	s8 =	sadd.s32 $0x28, s6;
	[dreg:$0x17] =	wrdreg s11  }
0xe: {  	s21 =	sadd.s32 $0x118, s2;
	[dreg:$0x1c] =	wrdreg s16;
	s9 =	sadd.s32 s12, s25  }
0xf: {  	s23 =	sadd.s32 $0x140, s2;
	s20 =	sadd.s32 s13, s25;
	[dreg:$0x4] =	wrdreg s9  }
0x10: {  	s8 =	sshrl.u32 s8, $0x3;
	s0 =	sadd.s32 $0x3EA00, s0;
	[dreg:$0xb] =	wrdreg s20  }
0x11: {  	s15 =	sadd.s32 $0xA, s25;
	s5 =	smax.u32 s5, $0x1;
	[dreg:$0xc] =	wrdreg s0  }
0x12: {  	s22 =	sshrl.u32 s21, $0x3;
	s21 =	sadd.s32 $0xC800, s18;
	[dreg:$0xd] =	wrdreg s5  }
0x13: {  	s25 =	sshrl.u32 s23, $0x3;
	s23 =	sadd.s32 $0xF000, s18;
	[smem:$0x7F8] =	sst s21  }
0x14: {  	s6 =	sadd.s32 $0x78, s6;
	s10 =	sadd.s32 s12, s8;
	[smem:$0x7FA] =	sst s23  }
0x15: {  	s6 =	sshrl.u32 s6, $0x3;
	s14 =	sadd.s32 s12, s15;
	[dreg:$0x5] =	wrdreg s10  }
0x16: {  	s30 =	simm.s32 $0x14;
	s6 =	sadd.s32 s12, s6;
	[dreg:$0x6] =	wrdreg s14  }
0x17: {  	s31 =	simm.s32 $0x5500;
	s17 =	sadd.s32 s13, s8;
	[dreg:$0x7] =	wrdreg s6  }
0x18: {  	s29 =	simm.s32 $0x300;
	s19 =	sadd.s32 s13, s15;
	[dreg:$0x9] =	wrdreg s17  }
0x19: {  	s28 =	simm.s32 $0x5;
	s24 =	sadd.s32 s22, s13;
	[dreg:$0xa] =	wrdreg s19  }
0x1a: {  	s26 =	sadd.s32 $0xF0, s2;
	s5 =	sadd.s32 s25, s12;
	[dreg:$0xe] =	wrdreg s24  }
0x1b: {  	s7 =	sadd.s32 $0x78, s2;
	s0 =	sadd.s32 s22, s12;
	[dreg:$0xf] =	wrdreg s5  }
0x1c: {  	s16 =	simm.s32 $0x28;
	s15 =	sadd.s32 $0x6400, s18;
	[dreg:$0x10] =	wrdreg s0  }
0x1d: {  	s11 =	simm.s32 $0x2;
	s20 =	sadd.s32 $0xB400, s18;
	[dreg:$0x1b] =	wrdreg s15  }
0x1e: {  	s22 =	sadd.s32 $0xDC00, s18;
	s25 =	sadd.s32 $0x11800, s18;
	[dreg:$0x1f] =	wrdreg s20  }
0x1f: {  	s6 =	sadd.s32 $0xC8, s2;
	s0 =	sshrl.u32 s26, $0x3;
	[smem:$0x7F9] =	sst s22  }
0x20: {  	s5 =	sshrl.u32 s7, $0x3;
	s2 =	sadd.s32 $0xA0, s2;
	[smem:$0x7FC] =	sst s25  }
0x21: {  	s14 =	sadd.s32 $0x5000, s18;
	s17 =	sadd.s32 $0x8C00, s18;
	[dreg:$0x11] =	wrdreg s6  }
0x22: {  	s19 =	sadd.s32 $0xA000, s18;
	s24 =	sadd.s32 $0x10400, s18;
	[dreg:$0x1a] =	wrdreg s14  }
0x23: {  	s26 =	sadd.s32 $0x12C00, s18;
	s7 =	simm.s32 $0x200;
	[dreg:$0x1d] =	wrdreg s17  }
0x24: {  	s15 =	simm.s32 $0x13;
	s20 =	simm.s32 $0xC;
	[dreg:$0x1e] =	wrdreg s19  }
0x25: {  	s25 =	simm.s32 $0x500;
	s8 =	sadd.s32 s0, s13;
	[smem:$0x7FB] =	sst s24  }
0x26: {  	s0 =	sadd.s32 s0, s12;
	s9 =	sadd.s32 s5, s13;
	[smem:$0x7FD] =	sst s26  }
0x27: {  	s10 =	sshrl.u32 s2, $0x3;
	s26 =	simm.s32 $0x78;
	[dreg:$0x12] =	wrdreg s8  }
0x28: {  	s14 =	simm.s32 $0xA0;
	s5 =	simm.s32 $0x9;
	[dreg:$0x13] =	wrdreg s0  }
0x29: {  	s19 =	simm.s32 $0x0;
	[dreg:$0x14] =	wrdreg s9;
	s2 =	sadd.s32 s10, s13  }
.Ltmp0:
0x2a: {  	s0 =	sadd.s32 s10, s12;
	[dreg:$0x15] =	wrdreg s2;
	(pc) =	sbr.rel .LBB2_1-.Ltmp0, $4  }
0x2b: {  	s12 =	sadd.s32 $0x2800, s18;
	s13 =	sadd.s32 $0x3C00, s18;
	[dreg:$0x16] =	wrdreg s0  }
0x2c: {  	s8 =	simm.s32 $0xF;
	s9 =	simm.s32 $0x3;
	[dreg:$0x18] =	wrdreg s12  }
0x2d: {  	s10 =	simm.s32 $0xD;
	[dreg:$0x19] =	wrdreg s13;
	s0 =	simm.s32 $0x12  }
0x2e: {  	v0 =	vimm.f32 $0.0e+00;
	s2 =	simm.s32 $0x2D00;
	s12 =	simm.s32 $0x1;
	s13 =	simm.s32 $0xB  }
.LBB2_6:
0x2f: {  	s6 =	simm.s32 $0x6  }
0x30: {  	_ =	swait.ge [sflag:s6], $0x1400  }
0x31: {  	[sflag:s6] =	ssyncset.done $0x0  }
0x32: {  	s17 =	simm.s32 $0x7;
	[sflag:s6] =	ssyncadd.s32 $0xFFFFEC00  }
0x33: {  	_ =	swait.ge [sflag:s17], $0x1400  }
0x34: {  	[sflag:s17] =	ssyncset.done $0x0  }
0x35: {  	s18 =	simm.s32 $0x8;
	[sflag:s17] =	ssyncadd.s32 $0xFFFFEC00  }
0x36: {  	_ =	swait.ge [sflag:s18], $0x1400  }
0x37: {  	[sflag:s18] =	ssyncset.done $0x0  }
0x38: {  	[sflag:s18] =	ssyncadd.s32 $0xFFFFEC00  }
0x39: {  	_ =	swait.ge [sflag:s5], $0x1400  }
0x3a: {  	[sflag:s5] =	ssyncset.done $0x0  }
0x3b: {  	s19 =	simm.s32 $0xA;
	[sflag:s5] =	ssyncadd.s32 $0xFFFFEC00  }
0x3c: {  	_ =	swait.ge [sflag:s19], $0x1400  }
0x3d: {  	[sflag:s19] =	ssyncset.done $0x0  }
0x3e: {  	[sflag:s19] =	ssyncadd.s32 $0xFFFFEC00  }
0x3f: {  	s21 =	stileid.u32;
	[bflag:$0x0] =	sbarrier.arrive $0xFFFF  }
0x40: {  	s22 =	simm.s32 $0x15;
	s6 =	sshll.u32 s21, $0x6;
	s18 =	rddreg [dreg:$0x8]  }
0x41: {  	s6 =	sor.u32 $0x1C15, s6;
	s19 =	rddreg [dreg:$0xc];
	s17 =	sshrl.u32 s18, $0x3  }
0x42: {  	[hbm:s19], [sflag:s6] =	dma.local [spmem:s17], $0x2800  }
0x43: {  	_ =	swait.ge [sflag:s22], $0x2800  }
0x44: {  	s23 =	sld [smem:$0x7F6];
	_ =	sdelay $0x2  }
0x45: {  	s24 =	rddreg [dreg:$0xd];
	s19 =	sadd.s32 $0x1, s23  }
0x46: {  	p0 =	sne.s32 s19, s24  }
.Ltmp1:
0x47: {  	_ = 	snop;
	(pc) =	sbr.rel @!p0 .LBB2_7-.Ltmp1, $3  }
0x48: {  	_ =	sdelay $0x1  }
0x49: {  	[sflag:s22] =	ssyncset.done $0x0  }
0x4a: {  	[sflag:s22] =	ssyncadd.s32 $0xFFFFD800  }
.LBB2_1:
0x4b: {  	s6 =	rddreg [dreg:$0x4]  }
0x4c: {  	[tilespmem:s3], [sflag:$0x10] =	stream.linear.gather [hbm4b:s6+s3], $0x28, $0x38;
	[tilespmem:$0x1A900] =	vst v63  }
0x4d: {  	s22 =	rddreg [dreg:$0x5]  }
0x4e: {  	[tilespmem:s16], [sflag:$0x11] =	stream.linear.gather [hbm4b:s22+s3], $0x28, $0x38;
	[tilespmem:$0x1A900] =	vst v63  }
0x4f: {  	s23 =	rddreg [dreg:$0x6];
	s17 =	simm.s32 $0x50  }
0x50: {  	[tilespmem:s17], [sflag:$0x12] =	stream.linear.gather [hbm4b:s23+s3], $0x28, $0x38;
	[tilespmem:$0x1A900] =	vst v63  }
0x51: {  	s24 =	rddreg [dreg:$0x7];
	s6 =	simm.s32 $0x540  }
0x52: {  	[tilespmem:s26], [sflag:$0x13] =	stream.linear.gather [hbm4b:s24+s3], $0x28, $0x38;
	[tilespmem:$0x1A900] =	vst v63  }
0x53: {  	[tilespmem:s6+$0xFFFFFFC0] =	vst v0  }
0x54: {  	[tilespmem:s6+$0x30] =	vst v0  }
0x55: {  	[tilespmem:s6+$0x20] =	vst v0  }
0x56: {  	[tilespmem:s6+$0x10] =	vst v0  }
0x57: {  	[tilespmem:s6+$0x0] =	vst v0  }
0x58: {  	[tilespmem:s6+$0xFFFFFFF0] =	vst v0  }
0x59: {  	[smem:$0x7F6] =	sst s19;
	s17 =	simm.s32 $0x0;
	[tilespmem:s6+$0xFFFFFFE0] =	vst v0  }
.LBB2_2:
0x5a: {  	s17 =	sadd.s32 $0x8, s17;
	[tilespmem:s6+$0xFFFFFFD0] =	vst v0;
	s6 =	sadd.s32 $0x80, s6  }
0x5b: {  	[tilespmem:s6+$0xFFFFFFC0] =	vst v0;
	p0 =	slt.u32 s17, $0x138  }
0x5c: {  	[tilespmem:s6+$0x30] =	vst v0  }
.Ltmp2:
0x5d: {  	[tilespmem:s6+$0x20] =	vst v0;
	(pc) =	sbr.rel @p0 .LBB2_2-.Ltmp2, $4  }
0x5e: {  	[tilespmem:s6+$0x10] =	vst v0  }
0x5f: {  	[tilespmem:s6+$0x0] =	vst v0  }
0x60: {  	[tilespmem:s6+$0xFFFFFFF0] =	vst v0  }
0x61: {  	[tilespmem:s6+$0xFFFFFFE0] =	vst v0  }
0x62: {  	[tilespmem:s6+$0xFFFFFFD0] =	vst v0;
	s19 =	simm.s32 $0x500;
	s17 =	rddreg [dreg:$0x17]  }
0x63: {  	[spmem:s18] =	stream.linear.scatter [tilespmem:s19], [sflag:$0xF], $0x1400, $0x38;
	[tilespmem:$0x1A900] =	vst v63  }
0x64: {  	s21 =	rddreg [dreg:$0x19]  }
0x65: {  	[spmem:s17] =	stream.linear.scatter [tilespmem:s19], [sflag:$0xF], $0x1400, $0x38;
	[tilespmem:$0x1A900] =	vst v63  }
0x66: {  	s18 =	rddreg [dreg:$0x18]  }
0x67: {  	[spmem:s18] =	stream.linear.scatter [tilespmem:s19], [sflag:$0xF], $0x1400, $0x38;
	[tilespmem:$0x1A900] =	vst v63  }
0x68: {  	s22 =	rddreg [dreg:$0x1a]  }
0x69: {  	[spmem:s21] =	stream.linear.scatter [tilespmem:s19], [sflag:$0xF], $0x1400, $0x38;
	[tilespmem:$0x1A900] =	vst v63  }
0x6a: {  	s23 =	rddreg [dreg:$0x1b]  }
0x6b: {  	[spmem:s22] =	stream.linear.scatter [tilespmem:s19], [sflag:$0xF], $0x1400, $0x38;
	[tilespmem:$0x1A900] =	vst v63  }
0x6c: {  	s24 =	rddreg [dreg:$0x1c]  }
0x6d: {  	[spmem:s23] =	stream.linear.scatter [tilespmem:s19], [sflag:$0xF], $0x1400, $0x38;
	[tilespmem:$0x1A900] =	vst v63  }
0x6e: {  	s17 =	rddreg [dreg:$0x1d]  }
0x6f: {  	[spmem:s24] =	stream.linear.scatter [tilespmem:s19], [sflag:$0xF], $0x1400, $0x38;
	[tilespmem:$0x1A900] =	vst v63  }
0x70: {  	s18 =	rddreg [dreg:$0x1e]  }
0x71: {  	[spmem:s17] =	stream.linear.scatter [tilespmem:s19], [sflag:$0xF], $0x1400, $0x38;
	[tilespmem:$0x1A900] =	vst v63  }
0x72: {  	s21 =	rddreg [dreg:$0x1f]  }
0x73: {  	[spmem:s18] =	stream.linear.scatter [tilespmem:s19], [sflag:$0xF], $0x1400, $0x38;
	[tilespmem:$0x1A900] =	vst v63  }
0x74: {  	s22 =	sld [smem:$0x7F8]  }
0x75: {  	[spmem:s21] =	stream.linear.scatter [tilespmem:s19], [sflag:$0xF], $0x1400, $0x38;
	[tilespmem:$0x1A900] =	vst v63  }
0x76: {  	s23 =	sld [smem:$0x7F9]  }
0x77: {  	[spmem:s22] =	stream.linear.scatter [tilespmem:s19], [sflag:$0xF], $0x1400, $0x38;
	[tilespmem:$0x1A900] =	vst v63  }
0x78: {  	s24 =	sld [smem:$0x7FA]  }
0x79: {  	[spmem:s23] =	stream.linear.scatter [tilespmem:s19], [sflag:$0xF], $0x1400, $0x38;
	[tilespmem:$0x1A900] =	vst v63  }
0x7a: {  	s17 =	sld [smem:$0x7FB]  }
0x7b: {  	[spmem:s24] =	stream.linear.scatter [tilespmem:s19], [sflag:$0xF], $0x1400, $0x38;
	[tilespmem:$0x1A900] =	vst v63  }
0x7c: {  	s18 =	sld [smem:$0x7FC]  }
0x7d: {  	[spmem:s17] =	stream.linear.scatter [tilespmem:s19], [sflag:$0xF], $0x1400, $0x38;
	[tilespmem:$0x1A900] =	vst v63  }
0x7e: {  	s21 =	sld [smem:$0x7FD]  }
0x7f: {  	[spmem:s18] =	stream.linear.scatter [tilespmem:s19], [sflag:$0xF], $0x1400, $0x38;
	[tilespmem:$0x1A900] =	vst v63  }
0x80: {  	s22 =	simm.s32 $0x11  }
0x81: {  	[spmem:s21] =	stream.linear.scatter [tilespmem:s19], [sflag:$0xF], $0x1400, $0x38;
	[tilespmem:$0x1A900] =	vst v63  }
0x82: {  	_ =	swait.ge [sflag:s22], $0x28  }
0x83: {  	[sflag:s22] =	ssyncset.done $0x0  }
0x84: {  	s23 =	simm.s32 $0x1900;
	[sflag:s22] =	ssyncadd.s32 $0xFFFFFFD8  }
0x85: {  	[tilespmem:s23], [sflag:$0x2] =	stream.indirect.gather [hbm4b:s4+s16], $0x80, s16, s16, $0xb8;
	[tilespmem:$0x1A900] =	vst v63  }
0x86: {  	s6 =	simm.s32 $0x0;
	s24 =	simm.s32 $0x180;
	s17 =	rddreg [dreg:$0x9]  }
0x87: {  	[tilespmem:s24], [sflag:$0xC] =	stream.linear.gather [hbm4b:s17+s6], $0x28, $0x38;
	[tilespmem:$0x1A900] =	vst v63  }
0x88: {  	_ =	swait.ge [sflag:s0], $0x28  }
0x89: {  	[sflag:s0] =	ssyncset.done $0x0  }
0x8a: {  	s18 =	simm.s32 $0x50;
	[sflag:s0] =	ssyncadd.s32 $0xFFFFFFD8  }
0x8b: {  	[tilespmem:s2], [sflag:$0x3] =	stream.indirect.gather [hbm4b:s4+s16], $0x80, s18, s16, $0xb8;
	[tilespmem:$0x1A900] =	vst v63  }
0x8c: {  	s21 =	rddreg [dreg:$0xa]  }
0x8d: {  	[tilespmem:s7], [sflag:$0xD] =	stream.linear.gather [hbm4b:s21+s6], $0x28, $0x38;
	[tilespmem:$0x1A900] =	vst v63  }
0x8e: {  	_ =	swait.ge [sflag:s8], $0x1400  }
0x8f: {  	[sflag:s8] =	ssyncset.done $0x0  }
0x90: {  	[sflag:s8] =	ssyncadd.s32 $0xFFFFEC00  }
0x91: {  	_ =	swait.ge [sflag:s8], $0x1400  }
0x92: {  	[sflag:s8] =	ssyncset.done $0x0  }
0x93: {  	[sflag:s8] =	ssyncadd.s32 $0xFFFFEC00  }
0x94: {  	_ =	swait.ge [sflag:s8], $0x1400  }
0x95: {  	[sflag:s8] =	ssyncset.done $0x0  }
0x96: {  	[sflag:s8] =	ssyncadd.s32 $0xFFFFEC00  }
0x97: {  	_ =	swait.ge [sflag:s8], $0x1400  }
0x98: {  	[sflag:s8] =	ssyncset.done $0x0  }
0x99: {  	[sflag:s8] =	ssyncadd.s32 $0xFFFFEC00  }
0x9a: {  	_ =	swait.ge [sflag:s8], $0x1400  }
0x9b: {  	[sflag:s8] =	ssyncset.done $0x0  }
0x9c: {  	[sflag:s8] =	ssyncadd.s32 $0xFFFFEC00  }
0x9d: {  	_ =	swait.ge [sflag:s8], $0x1400  }
0x9e: {  	[sflag:s8] =	ssyncset.done $0x0  }
0x9f: {  	[sflag:s8] =	ssyncadd.s32 $0xFFFFEC00  }
0xa0: {  	_ =	swait.ge [sflag:s8], $0x1400  }
0xa1: {  	[sflag:s8] =	ssyncset.done $0x0  }
0xa2: {  	[sflag:s8] =	ssyncadd.s32 $0xFFFFEC00  }
0xa3: {  	_ =	swait.ge [sflag:s8], $0x1400  }
0xa4: {  	[sflag:s8] =	ssyncset.done $0x0  }
0xa5: {  	[sflag:s8] =	ssyncadd.s32 $0xFFFFEC00  }
0xa6: {  	_ =	swait.ge [sflag:s8], $0x1400  }
0xa7: {  	[sflag:s8] =	ssyncset.done $0x0  }
0xa8: {  	[sflag:s8] =	ssyncadd.s32 $0xFFFFEC00  }
0xa9: {  	_ =	swait.ge [sflag:s8], $0x1400  }
0xaa: {  	[sflag:s8] =	ssyncset.done $0x0  }
0xab: {  	[sflag:s8] =	ssyncadd.s32 $0xFFFFEC00  }
0xac: {  	_ =	swait.ge [sflag:s8], $0x1400  }
0xad: {  	[sflag:s8] =	ssyncset.done $0x0  }
0xae: {  	[sflag:s8] =	ssyncadd.s32 $0xFFFFEC00  }
0xaf: {  	_ =	swait.ge [sflag:s8], $0x1400  }
0xb0: {  	[sflag:s8] =	ssyncset.done $0x0  }
0xb1: {  	[sflag:s8] =	ssyncadd.s32 $0xFFFFEC00  }
0xb2: {  	_ =	swait.ge [sflag:s8], $0x1400  }
0xb3: {  	[sflag:s8] =	ssyncset.done $0x0  }
0xb4: {  	[sflag:s8] =	ssyncadd.s32 $0xFFFFEC00  }
0xb5: {  	_ =	swait.ge [sflag:s8], $0x1400  }
0xb6: {  	[sflag:s8] =	ssyncset.done $0x0  }
0xb7: {  	[sflag:s8] =	ssyncadd.s32 $0xFFFFEC00  }
0xb8: {  	_ =	swait.ge [sflag:s8], $0x1400  }
0xb9: {  	[sflag:s8] =	ssyncset.done $0x0  }
0xba: {  	[sflag:s8] =	ssyncadd.s32 $0xFFFFEC00  }
0xbb: {  	_ =	swait.ge [sflag:s8], $0x1400  }
0xbc: {  	[sflag:s8] =	ssyncset.done $0x0  }
0xbd: {  	s22 =	simm.s32 $0x10;
	[sflag:s8] =	ssyncadd.s32 $0xFFFFEC00  }
0xbe: {  	_ =	swait.ge [sflag:s22], $0x28  }
0xbf: {  	[sflag:s22] =	ssyncset.done $0x0  }
0xc0: {  	[sflag:s22] =	ssyncadd.s32 $0xFFFFFFD8  }
0xc1: {  	[tilespmem:s19], [sflag:$0x1] =	stream.indirect.gather [hbm4b:s4+s16], $0x80, s6, s16, $0xb8;
	[tilespmem:$0x1A900] =	vst v63  }
0xc2: {  	s24 =	simm.s32 $0x100;
	s23 =	rddreg [dreg:$0xb]  }
0xc3: {  	[tilespmem:s24], [sflag:$0xB] =	stream.linear.gather [hbm4b:s23+s6], $0x28, $0x38;
	[tilespmem:$0x1A900] =	vst v63  }
0xc4: {  	[bflag:$0x0] =	sbarrier.arrive $0xFFFF  }
0xc5: {  	s17 =	simm.s32 $0xFFFFFFFF;
	s18 =	rddreg [dreg:$0x11]  }
.LBB2_4:
0xc6: {  	_ =	swait.ge [sflag:s12], $0x1400  }
0xc7: {  	[sflag:s12] =	ssyncset.done $0x0  }
0xc8: {  	[sflag:s12] =	ssyncadd.s32 $0xFFFFEC00  }
0xc9: {  	_ =	swait.ge [sflag:s13], $0x28  }
0xca: {  	[sflag:s13] =	ssyncset.done $0x0  }
0xcb: {  	s19 =	simm.s32 $0x100;
	p0 =	sgt.u32 s17, $0xF4;
	[sflag:s13] =	ssyncadd.s32 $0xFFFFFFD8  }
0xcc: {  	[spmem:s1] =	stream.indirect.scatter.add.f32 [tilespmem:s25], [sflag:$0x6], $0x80, s19, s16, $0xb8;
	[tilespmem:$0x1A900] =	vst v63  }
0xcd: {  	s19 =	simm.s32 @!p0 $0xA  }
0xce: {  	_ =	swait.ge @!p0 [sflag:s19], $0x1400  }
0xcf: {  	[sflag:s19] =	ssyncset.done @!p0 $0x0;
	s23 =	rddreg [dreg:$0x16]  }
0xd0: {  	[sflag:s19] =	ssyncadd.s32 @!p0 $0xFFFFEC00;
	s19 =	sadd.s32 s6, s23  }
0xd1: {  	[tilespmem:s14], [sflag:$0x14] =	stream.linear.gather [hbm4b:s19+s3], $0x28, $0x38;
	[tilespmem:$0x1A900] =	vst v63  }
0xd2: {  	_ =	swait.ge [sflag:s15], $0x28  }
0xd3: {  	[sflag:s15] =	ssyncset.done $0x0  }
0xd4: {  	s24 =	simm.s32 $0x4100;
	s21 =	rddreg [dreg:$0x14];
	[sflag:s15] =	ssyncadd.s32 $0xFFFFFFD8  }
0xd5: {  	[tilespmem:s24], [sflag:$0x4] =	stream.indirect.gather [hbm4b:s4+s16], $0x80, s26, s16, $0xb8;
	[tilespmem:$0x1A900] =	vst v63  }
0xd6: {  	s19 =	sadd.s32 s6, s21;
	s21 =	simm.s32 $0x280  }
0xd7: {  	[tilespmem:s21], [sflag:$0xE] =	stream.linear.gather [hbm4b:s19+s3], $0x28, $0x38;
	[tilespmem:$0x1A900] =	vst v63  }
0xd8: {  	_ =	swait.ge [sflag:s11], $0x1400  }
0xd9: {  	[sflag:s11] =	ssyncset.done $0x0  }
0xda: {  	[sflag:s11] =	ssyncadd.s32 $0xFFFFEC00  }
0xdb: {  	_ =	swait.ge [sflag:s20], $0x28  }
0xdc: {  	s22 =	simm.s32 $0x1900;
	p0 =	seq.s32 s6, $0x4C9;
	[sflag:s20] =	ssyncset.done $0x0  }
0xdd: {  	s23 =	simm.s32 $0x180;
	s19 =	simm.s32 @!p0 $0x6;
	[sflag:s20] =	ssyncadd.s32 $0xFFFFFFD8  }
0xde: {  	[spmem:s1] =	stream.indirect.scatter.add.f32 [tilespmem:s22], [sflag:$0x7], $0x80, s23, s16, $0xb8;
	[tilespmem:$0x1A900] =	vst v63  }
0xdf: {  	_ =	swait.ge @!p0 [sflag:s19], $0x1400  }
0xe0: {  	[sflag:s19] =	ssyncset.done @!p0 $0x0  }
0xe1: {  	[sflag:s19] =	ssyncadd.s32 @!p0 $0xFFFFEC00;
	s19 =	sld [smem:$0x7F7];
	_ =	sdelay $0x1  }
0xe2: {  	s21 =	sshrl.u32 @!p0 s18, $0x3  }
0xe3: {  	s22 =	sadd.s32 @!p0 s19, s21;
	s19 =	simm.s32 @!p0 $0x0  }
0xe4: {  	[tilespmem:s19], [sflag:$0x10] =	stream.linear.gather @!p0 [hbm4b:s22+s19], $0x28, $0x38;
	[tilespmem:$0x1A900] =	vst v63  }
0xe5: {  	_ =	swait.ge [sflag:s30], $0x28  }
0xe6: {  	[sflag:s30] =	ssyncset.done $0x0  }
0xe7: {  	s24 =	rddreg [dreg:$0x15];
	[sflag:s30] =	ssyncadd.s32 $0xFFFFFFD8  }
0xe8: {  	[tilespmem:s31], [sflag:$0x5] =	stream.indirect.gather [hbm4b:s4+s16], $0x80, s14, s16, $0xb8;
	[tilespmem:$0x1A900] =	vst v63  }
0xe9: {  	s22 =	sadd.s32 s6, s24  }
0xea: {  	[tilespmem:s29], [sflag:$0xF] =	stream.linear.gather [hbm4b:s22+s3], $0x28, $0x38;
	[tilespmem:$0x1A900] =	vst v63  }
0xeb: {  	_ =	swait.ge [sflag:s9], $0x1400  }
0xec: {  	[sflag:s9] =	ssyncset.done $0x0  }
0xed: {  	[sflag:s9] =	ssyncadd.s32 $0xFFFFEC00  }
0xee: {  	_ =	swait.ge [sflag:s10], $0x28  }
0xef: {  	[sflag:s10] =	ssyncset.done $0x0  }
0xf0: {  	s22 =	simm.s32 @p0 $0x4;
	[sflag:s10] =	ssyncadd.s32 $0xFFFFFFD8  }
0xf1: {  	[spmem:s1] =	stream.indirect.scatter.add.f32 [tilespmem:s2], [sflag:$0x8], $0x80, s7, s16, $0xb8;
	[tilespmem:$0x1A900] =	vst v63  }
0xf2: {  	_ =	swait.ge @p0 [sflag:s22], $0x1400  }
0xf3: {  	[sflag:s22] =	ssyncset.done @p0 $0x0  }
0xf4: {  	[sflag:s22] =	ssyncadd.s32 @p0 $0xFFFFEC00;
	s22 =	simm.s32 @p0 $0xE  }
0xf5: {  	_ =	swait.ge @p0 [sflag:s22], $0x28  }
0xf6: {  	s23 =	simm.s32 @p0 $0x280;
	[sflag:s22] =	ssyncset.done @p0 $0x0  }
0xf7: {  	s24 =	simm.s32 @p0 $0x4100;
	[sflag:s22] =	ssyncadd.s32 @p0 $0xFFFFFFD8;
	s22 =	simm.s32 @p0 $0x28  }
0xf8: {  	[spmem:s1] =	stream.indirect.scatter.add.f32 @p0 [tilespmem:s24], [sflag:$0x9], $0x80, s23, s22, $0xb8;
	[tilespmem:$0x1A900] =	vst v63  }
0xf9: {  	s22 =	simm.s32 @!p0 $0x7  }
0xfa: {  	_ =	swait.ge @!p0 [sflag:s22], $0x1400  }
0xfb: {  	[sflag:s22] =	ssyncset.done @!p0 $0x0  }
0xfc: {  	[sflag:s22] =	ssyncadd.s32 @!p0 $0xFFFFEC00;
	s22 =	rddreg [dreg:$0x13]  }
0xfd: {  	s23 =	simm.s32 @!p0 $0x28;
	s22 =	sadd.s32 @!p0 s6, s22  }
0xfe: {  	[tilespmem:s23], [sflag:$0x11] =	stream.linear.gather @!p0 [hbm4b:s22+s19], $0x28, $0x38;
	[tilespmem:$0x1A900] =	vst v63  }
0xff: {  	s22 =	simm.s32 @!p0 $0x10  }
0x100: {  	_ =	swait.ge @!p0 [sflag:s22], $0x28  }
0x101: {  	[sflag:s22] =	ssyncset.done @!p0 $0x0  }
0x102: {  	[sflag:s22] =	ssyncadd.s32 @!p0 $0xFFFFFFD8;
	s22 =	simm.s32 @!p0 $0x500  }
0x103: {  	[tilespmem:s22], [sflag:$0x1] =	stream.indirect.gather @!p0 [hbm4b:s4+s23], $0x80, s19, s23, $0xb8;
	[tilespmem:$0x1A900] =	vst v63  }
0x104: {  	s22 =	rddreg [dreg:$0x3]  }
0x105: {  	s21 =	sadd.s32 @!p0 s22, s21;
	s22 =	simm.s32 @!p0 $0x100  }
0x106: {  	[tilespmem:s22], [sflag:$0xB] =	stream.linear.gather @!p0 [hbm4b:s21+s19], $0x28, $0x38;
	[tilespmem:$0x1A900] =	vst v63  }
0x107: {  	s21 =	simm.s32 @!p0 $0x4  }
0x108: {  	_ =	swait.ge @!p0 [sflag:s21], $0x1400  }
0x109: {  	[sflag:s21] =	ssyncset.done @!p0 $0x0  }
0x10a: {  	[sflag:s21] =	ssyncadd.s32 @!p0 $0xFFFFEC00;
	s21 =	simm.s32 @!p0 $0xE  }
0x10b: {  	_ =	swait.ge @!p0 [sflag:s21], $0x28  }
0x10c: {  	[sflag:s21] =	ssyncset.done @!p0 $0x0  }
0x10d: {  	s22 =	simm.s32 @!p0 $0x4100;
	[sflag:s21] =	ssyncadd.s32 @!p0 $0xFFFFFFD8;
	s21 =	simm.s32 @!p0 $0x280  }
0x10e: {  	[spmem:s1] =	stream.indirect.scatter.add.f32 @!p0 [tilespmem:s22], [sflag:$0x9], $0x80, s21, s23, $0xb8;
	[tilespmem:$0x1A900] =	vst v63  }
0x10f: {  	s21 =	simm.s32 @!p0 $0x8  }
0x110: {  	_ =	swait.ge @!p0 [sflag:s21], $0x1400  }
0x111: {  	[sflag:s21] =	ssyncset.done @!p0 $0x0  }
0x112: {  	[sflag:s21] =	ssyncadd.s32 @!p0 $0xFFFFEC00;
	s21 =	rddreg [dreg:$0x10]  }
0x113: {  	s22 =	simm.s32 @!p0 $0x50;
	s21 =	sadd.s32 @!p0 s6, s21  }
0x114: {  	[tilespmem:s22], [sflag:$0x12] =	stream.linear.gather @!p0 [hbm4b:s21+s19], $0x28, $0x38;
	[tilespmem:$0x1A900] =	vst v63  }
0x115: {  	s21 =	simm.s32 @!p0 $0x11  }
0x116: {  	_ =	swait.ge @!p0 [sflag:s21], $0x28  }
0x117: {  	[sflag:s21] =	ssyncset.done @!p0 $0x0  }
0x118: {  	[sflag:s21] =	ssyncadd.s32 @!p0 $0xFFFFFFD8;
	s21 =	simm.s32 @!p0 $0x1900  }
0x119: {  	[tilespmem:s21], [sflag:$0x2] =	stream.indirect.gather @!p0 [hbm4b:s4+s23], $0x80, s23, s23, $0xb8;
	[tilespmem:$0x1A900] =	vst v63  }
0x11a: {  	s21 =	rddreg [dreg:$0x12]  }
0x11b: {  	s22 =	simm.s32 @!p0 $0x180;
	s21 =	sadd.s32 @!p0 s6, s21  }
0x11c: {  	[tilespmem:s22], [sflag:$0xC] =	stream.linear.gather @!p0 [hbm4b:s21+s19], $0x28, $0x38;
	[tilespmem:$0x1A900] =	vst v63  }
0x11d: {  	_ =	swait.ge [sflag:s28], $0x1400  }
0x11e: {  	[sflag:s28] =	ssyncset.done $0x0  }
.Ltmp3:
0x11f: {  	[sflag:s28] =	ssyncadd.s32 $0xFFFFEC00;
	(pc) =	sbr.rel @p0 .LBB2_6-.Ltmp3, $4  }
0x120: {  	_ =	swait.ge [sflag:s8], $0x28  }
0x121: {  	[sflag:s8] =	ssyncset.done $0x0  }
0x122: {  	[sflag:s8] =	ssyncadd.s32 $0xFFFFFFD8  }
0x123: {  	[spmem:s1] =	stream.indirect.scatter.add.f32 [tilespmem:s31], [sflag:$0xA], $0x80, s29, s16, $0xb8;
	[tilespmem:$0x1A900] =	vst v63  }
0x124: {  	_ =	swait.ge [sflag:s5], $0x1400  }
0x125: {  	[sflag:s5] =	ssyncset.done $0x0;
	s19 =	rddreg [dreg:$0xf]  }
0x126: {  	[sflag:s5] =	ssyncadd.s32 $0xFFFFEC00;
	s19 =	sadd.s32 s6, s19  }
0x127: {  	[tilespmem:s26], [sflag:$0x13] =	stream.linear.gather [hbm4b:s19+s3], $0x28, $0x38;
	[tilespmem:$0x1A900] =	vst v63  }
0x128: {  	_ =	swait.ge [sflag:s0], $0x28  }
.Ltmp4:
0x129: {  	s23 =	simm.s32 $0x50;
	[sflag:s0] =	ssyncset.done $0x0;
	(pc) =	sbr.rel .LBB2_4-.Ltmp4, $4  }
0x12a: {  	s18 =	sadd.s32 $0xC8, s18;
	s24 =	rddreg [dreg:$0xe];
	[sflag:s0] =	ssyncadd.s32 $0xFFFFFFD8  }
0x12b: {  	[tilespmem:s2], [sflag:$0x3] =	stream.indirect.gather [hbm4b:s4+s16], $0x80, s23, s16, $0xb8;
	[tilespmem:$0x1A900] =	vst v63  }
0x12c: {  	s17 =	sadd.s32 $0x5, s17;
	s19 =	sadd.s32 s6, s24;
	s6 =	sadd.s32 $0x19, s6  }
0x12d: {  	[tilespmem:s7], [sflag:$0xD] =	stream.linear.gather [hbm4b:s19+s3], $0x28, $0x38;
	[tilespmem:$0x1A900] =	vst v63  }
.LBB2_7:
0x12e: {  	_ =	sfence.sel $0x180000  }
0x12f: {  	[bflag:$0x0] =	sbarrier.arrive $0xFFFF  }
0x130: {  	_ =	strace $0x9000004A  }
0x131: {  	s0 =	stileid.u32;
	[bflag:$0x2] =	sbarrier.arrive $0xFFFF  }
0x132: {  	p0 =	sne.s32 s0, $0x0;
	s0 =	rddreg [dreg:$0x2]  }
0x133: {  	s0 =	sadd.s32 @!p0 $0x100000, s0  }
0x134: {  	[sflag:s0] =	ssyncadd.tile.s32 @!p0 $0x1;
	_ =	shalt  }
.Lfunc_end2:
_tile_overlayer_lowered:
.L_overlay_start_2:
0x135: {  	(tag) =	ssettag $0x2  }
0x136: {  	s0 =	rddreg [dreg:$0x0];
	s2 =	stileid.u32  }
0x137: {  	s1 =	rddreg [dreg:$0x1];
	p0 =	sne.s32 s2, $0x0  }
0x138: {  	s3 =	rddreg [dreg:$0x2];
	[bflag:$0x3] =	sbarrier.arrive $0xFFFF;
	s2 =	simm.s32 @!p0 $0x1C15  }
0x139: {  	[timem:s3], [sflag:s2] =	dma.local @!p0 [hbm:s0], s1  }
0x13a: {  	s0 =	simm.s32 @!p0 $0x15  }
0x13b: {  	_ =	swait.ge @!p0 [sflag:s0], s1  }
0x13c: {  	s1 =	ssub.s32 @!p0 $0x0, s1;
	[sflag:s0] =	ssyncset.done @!p0 $0x0  }
0x13d: {  	[sflag:s0] =	ssyncadd.s32 @!p0 s1  }
0x13e: {  	[bflag:$0x3] =	sbarrier.arrive $0xFFFF  }
0x13f: {  	_ =	shalt  }

// kernel: kernel.14.cloned.1.call-start
scs
__scs_entry_jumppad:
0x0: {  	(pc) =	sbr.rel $0x88, $3  }
0x1: {  	(tag) =	ssettag $0x0;
	lr =	simm.s32 $0x1  }
0x2: {  	[smem:$0x3F8B] =	sst lr;
	_ =	strace $0xD0000000  }
0x3: {  	_ = 	snop  }
0x4: {  	_ = 	snop  }
0x5: {  	_ = 	snop  }
0x6: {  	_ = 	snop  }
0x7: {  	_ = 	snop  }
__scs_overlays_trampoline_lowered:
0x8: {  	[smem:$0x3F9A] =	sst s0  }
0x9: {  	[smem:$0x3F9B] =	sst s1  }
0xa: {  	[smem:$0x3F9C] =	sst s2  }
0xb: {  	[smem:$0x3F9D] =	sst s3  }
0xc: {  	[smem:$0x3F9E] =	sst s4  }
0xd: {  	[smem:$0x3F9F] =	sst s5  }
0xe: {  	[smem:$0x3FA0] =	sst s6  }
0xf: {  	[smem:$0x3FA1] =	sst s7  }
0x10: {  	[smem:$0x3FA2] =	sst s8  }
0x11: {  	[smem:$0x3FA3] =	sst s9;
	s0 =	simm.s32 @!p0 $0x0  }
0x12: {  	s1 =	sld [smem:$0x3F89];
	s0 =	simm.s32 @p0 $0x1  }
0x13: {  	[smem:$0x3FA4] =	sst s0;
	s0 =	simm.s32 @!p1 $0x0  }
0x14: {  	s2 =	sld [smem:$0x3F88];
	s0 =	simm.s32 @p1 $0x1  }
0x15: {  	[smem:$0x3FA5] =	sst s0;
	s0 =	simm.s32 @!p2 $0x0  }
0x16: {  	s3 =	sld [smem:$0x3FDB];
	s0 =	simm.s32 @p2 $0x1  }
0x17: {  	s4 =	simm.s32 $0x1BF5;
	[smem:$0x3FA7] =	sst s0  }
0x18: {  	s0 =	sld [smem:$0x3F8A];
	_ =	swait.ge [sflag:s4], $0x0  }
0x19: {  	s7 =	sld [smem:$0x3F8B]  }
0x1a: {  	s8 =	sadd.s32 $0xFFFFE003, lr  }
0x1b: {  	s9 =	sadd.s32 $0xFFFFFEF7, lr;
	s5 =	simm.s32 $0xFFFFFFFF;
	p2 =	slt.u32 s8, $0xFFFFF086  }
0x1c: {  	p1 =	slt.u32 s9, $0xF7A;
	s5 =	simm.s32 @!p2 $0x0  }
0x1d: {  	s5 =	simm.s32 @p1 $0x1;
	p0 =	seq.s32 s7, s2  }
0x1e: {  	s7 =	smul.u32 @!p0 $0xF7A, s2;
	p2 =	seq.s32 @!p0 s5, $0x0  }
0x1f: {  	s9 =	smul.u32 $0xF7A, s1;
	s8 =	simm.s32 @!p0 $0x1BF5;
	p2 =	por !p2, p0  }
0x20: {  	[sflag:s8] =	ssyncset.s32 @!p0 $0xFFFFF086;
	s6 =	sadd.s32 @!p0 s3, s7;
	s7 =	simm.s32 @!p0 $0x108  }
0x21: {  	s3 =	sadd.s32 s3, s9;
	s6 =	sadd.s32 @!p0 $0x88, s6;
	s7 =	simm.s32 @p2 $0x1082  }
0x22: {  	[simem:s7], [sflag:s8] =	dma.local @!p0 [hbm:s6], $0xF7A  }
0x23: {  	s9 =	sor.u32 $0xD0000000, s2;
	s6 =	simm.s32 $0x108;
	_ =	swait.ge @!p0 [sflag:s8], $0x0  }
0x24: {  	s3 =	sadd.s32 $0x88, s3;
	s6 =	simm.s32 @!p1 $0x1082;
	[sflag:s4] =	ssyncset.s32 $0xFFFFF086  }
0x25: {  	[simem:s6], [sflag:s4] =	dma.local [hbm:s3], $0xF7A  }
0x26: {  	[smem:$0x3F8B] =	sst s1;
	(tag) =	ssettag s2;
	_ =	strace s9  }
0x27: {  	s1 =	sld [smem:$0x3F9B]  }
0x28: {  	s2 =	sld [smem:$0x3F9C]  }
0x29: {  	s4 =	sld [smem:$0x3F9E]  }
0x2a: {  	p0 =	seq.s32 s5, $0x0;
	s5 =	sld [smem:$0x3F9F]  }
0x2b: {  	s6 =	sld [smem:$0x3FA0]  }
0x2c: {  	s7 =	sld [smem:$0x3FA1]  }
0x2d: {  	s3 =	simm.s32 $0x108;
	s8 =	sld [smem:$0x3FA2]  }
0x2e: {  	s3 =	simm.s32 @!p0 $0x1082;
	s9 =	sld [smem:$0x3FA3]  }
0x2f: {  	lr =	sadd.s32 s0, s3;
	s0 =	sld [smem:$0x3F9A]  }
0x30: {  	s3 =	sld [smem:$0x3F9D]  }
0x31: {  	[smem:$0x3FA6] =	sst s10  }
0x32: {  	s10 =	sld [smem:$0x3FA4];
	_ =	sdelay $0x3  }
0x33: {  	p0 =	seq.s32 s10, $0x1;
	s10 =	sld [smem:$0x3FA6];
	_ =	sdelay $0x3  }
0x34: {  	[smem:$0x3FA6] =	sst s10  }
0x35: {  	s10 =	sld [smem:$0x3FA5];
	_ =	sdelay $0x3  }
0x36: {  	p1 =	seq.s32 s10, $0x1;
	s10 =	sld [smem:$0x3FA6];
	_ =	sdelay $0x3  }
0x37: {  	[smem:$0x3FA6] =	sst s10  }
0x38: {  	s10 =	sld [smem:$0x3FA7]  }
0x39: {  	_ = 	snop;
	(pc) =	sbr.ind lr, $3  }
0x3a: {  	_ = 	snop  }
0x3b: {  	_ = 	snop  }
0x3c: {  	p2 =	seq.s32 s10, $0x1;
	s10 =	sld [smem:$0x3FA6]  }
0x3d: {  	_ =	shalt  }
0x3e: {  	_ =	shalt  }
0x3f: {  	_ =	shalt  }
0x40: {  	_ =	shalt  }
0x41: {  	_ =	shalt  }
0x42: {  	_ =	shalt  }
0x43: {  	_ =	shalt  }
0x44: {  	_ =	shalt  }
0x45: {  	_ =	shalt  }
0x46: {  	_ =	shalt  }
0x47: {  	_ =	shalt  }
0x48: {  	_ =	shalt  }
0x49: {  	_ =	shalt  }
0x4a: {  	_ =	shalt  }
0x4b: {  	_ =	shalt  }
0x4c: {  	_ =	shalt  }
0x4d: {  	_ =	shalt  }
0x4e: {  	_ =	shalt  }
0x4f: {  	_ =	shalt  }
0x50: {  	_ =	shalt  }
0x51: {  	_ =	shalt  }
0x52: {  	_ =	shalt  }
0x53: {  	_ =	shalt  }
0x54: {  	_ =	shalt  }
0x55: {  	_ =	shalt  }
0x56: {  	_ =	shalt  }
0x57: {  	_ =	shalt  }
0x58: {  	_ =	shalt  }
0x59: {  	_ =	shalt  }
0x5a: {  	_ =	shalt  }
0x5b: {  	_ =	shalt  }
0x5c: {  	_ =	shalt  }
0x5d: {  	_ =	shalt  }
0x5e: {  	_ =	shalt  }
0x5f: {  	_ =	shalt  }
0x60: {  	_ =	shalt  }
0x61: {  	_ =	shalt  }
0x62: {  	_ =	shalt  }
0x63: {  	_ =	shalt  }
0x64: {  	_ =	shalt  }
0x65: {  	_ =	shalt  }
0x66: {  	_ =	shalt  }
0x67: {  	_ =	shalt  }
0x68: {  	_ =	shalt  }
0x69: {  	_ =	shalt  }
0x6a: {  	_ =	shalt  }
0x6b: {  	_ =	shalt  }
0x6c: {  	_ =	shalt  }
0x6d: {  	_ =	shalt  }
0x6e: {  	_ =	shalt  }
0x6f: {  	_ =	shalt  }
0x70: {  	_ =	shalt  }
0x71: {  	_ =	shalt  }
0x72: {  	_ =	shalt  }
0x73: {  	_ =	shalt  }
0x74: {  	_ =	shalt  }
0x75: {  	_ =	shalt  }
0x76: {  	_ =	shalt  }
0x77: {  	_ =	shalt  }
0x78: {  	_ =	shalt  }
0x79: {  	_ =	shalt  }
0x7a: {  	_ =	shalt  }
0x7b: {  	_ =	shalt  }
0x7c: {  	_ =	shalt  }
0x7d: {  	_ =	shalt  }
0x7e: {  	_ =	shalt  }
0x7f: {  	_ =	shalt  }
0x80: {  	_ =	shalt  }
0x81: {  	_ =	shalt  }
0x82: {  	_ =	shalt  }
0x83: {  	_ =	shalt  }
0x84: {  	_ =	shalt  }
0x85: {  	_ =	shalt  }
0x86: {  	_ =	shalt  }
0x87: {  	_ =	shalt  }
.Lfunc_end0:
.L_simem_size_0:
called_computation.2_lowered:
.L_overlay_start_0:
0x88: {  	s2 =	sld [smem:$0x3FD9]  }
0x89: {  	s3 =	sld [smem:$0x3FFE];
	_ =	sdelay $0x1  }
0x8a: {  	s1 =	srdreg.scid  }
0x8b: {  	s0 =	sand.u32 $0x1, s1  }
0x8c: {  	s16 =	sshll.u32 s0, $0xA;
	s2 =	sadd.s32 s3, s2  }
0x8d: {  	s2 =	sadd.s32 s2, s16  }
0x8e: {  	[smem:$0x3FB2] =	sst s2  }
0x8f: {  	_ = 	snop  }
0x90: {  	(tm) =	ssettm $0x1  }
0x91: {  	s17 =	sld [smem:$0x3FFB];
	_ =	sdelay $0x3  }
0x92: {  	_ =	strace s17  }
0x93: {  	s2 =	sld [smem:$0x3FFC];
	_ =	sdelay $0x3  }
0x94: {  	_ =	strace s2  }
0x95: {  	s2 =	sld [smem:$0x3FFD];
	_ =	sdelay $0x3  }
0x96: {  	_ =	strace s2  }
0x97: {  	_ =	strace $0x8FFFFFFF  }
0x98: {  	s18 =	sld [smem:$0x3FDB];
	_ =	sdelay $0x1  }
0x99: {  	s19 =	simm.s32 $_scs_section_size  }
0x9a: {  	s4 =	simm.s32 $_size__tile_overlayer_lowered;
	s5 =	simm.s32 $_tile_overlayer_lowered  }
0x9b: {  	s22 =	simm.s32 $0x1BFF;
	s21 =	sshll.u32 s5, $0x1;
	s2 =	sadd.s32 s19, s18  }
0x9c: {  	s6 =	simm.s32 $0x0;
	s20 =	sshll.u32 s4, $0x1;
	s4 =	sadd.s32 s21, s2  }
0x9d: {  	[timem:s6], [sflag:s22] =	dma.local [hbm:s4], s20  }
0x9e: {  	_ =	swait.ge [sflag:s22], s20  }
0x9f: {  	s3 =	ssub.s32 $0x0, s20;
	[sflag:s22] =	ssyncset.done $0x0  }
0xa0: {  	[sflag:s22] =	ssyncadd.s32 s3;
	_ =	sdelay $0x1  }
0xa1: {  	s23 =	simm.s32 $0x1B8B  }
0xa2: {  	_ =	swait.ge [sflag:s23], $0x1  }
0xa3: {  	[sflag:s23] =	ssyncset.done $0x0  }
0xa4: {  	s25 =	simm.s32 $0x1B8E;
	s24 =	sld [smem:$0x3FFE];
	[sflag:s23] =	ssyncadd.s32 $0xFFFFFFFF  }
0xa5: {  	s26 =	simm.s32 $execute0_lowered;
	[smem:$0x3FD2] =	sst s25  }
0xa6: {  	s4 =	sshll.u32 s26, $0x1;
	_ =	strace $0x8000004C;
	[dreg:$0x1] =	wrdreg $0xFFFFFFFF  }
0xa7: {  	s28 =	simm.s32 $_size_execute0_lowered;
	s2 =	sadd.s32 s2, s4;
	[dreg:$0x0] =	wrdreg $0x0  }
0xa8: {  	s4 =	sshll.u32 s28, $0x1;
	[dreg:$0x2] =	wrdreg s2  }
0xa9: {  	[dreg:$0x3] =	wrdreg s4  }
0xaa: {  	[dreg:$0x4] =	wrdreg $0xC0  }
0xab: {  	_ =	task [dreg:s6], $0x5FFFF  }
0xac: {  	[dreg:$0x1] =	wrdreg $0xFFFFFFFF  }
0xad: {  	[dreg:$0x0] =	wrdreg $0x60  }
0xae: {  	[dreg:$0x2] =	wrdreg s24  }
0xaf: {  	[dreg:$0x3] =	wrdreg $0x69000  }
0xb0: {  	[dreg:$0x4] =	wrdreg $0x9  }
0xb1: {  	_ =	task.clear_ibuf [dreg:s6], $0x5FFFF;
	_ =	strace $0x9000004C  }
0xb2: {  	s29 =	simm.s32 $0x9;
	_ =	strace $0x8000004E  }
0xb3: {  	_ =	swait.ge [sflag:s29], $0x1  }
0xb4: {  	[sflag:s29] =	ssyncadd.s32 $0xFFFFFFFF  }
0xb5: {  	_ =	strace $0x9000004E  }
0xb6: {  	_ =	sfence  }
0xb7: {  	s30 =	sld [smem:$0x0];
	_ =	sdelay $0x2  }
0xb8: {  	s31 =	sshll.u32 s1, $0xD;
	s1 =	sshrl.u32 s1, $0x2  }
0xb9: {  	s3 =	sand.u32 $0x4000, s31;
	s1 =	sadd.s32 s1, s30  }
0xba: {  	s0 =	sor.u32 s3, s0;
	s1 =	sshll.u32 s1, $0x11  }
0xbb: {  	s0 =	sor.u32 s1, s0  }
0xbc: {  	s0 =	sadd.s32 $0x8F2B, s0  }
0xbd: {  	[sflag:s0] =	ssyncadd.remote.s32 $0x1  }
0xbe: {  	_ =	sfence.sel $0xFFFF  }
0xbf: {  	[dreg:$0x0] =	wrdreg $0xFFFFFFFF;
	(pc) =	sbr.abs _section_cstart, $3  }
0xc0: {  	[dreg:$0x1] =	wrdreg $0xFFFFFFFF  }
0xc1: {  	_ =	task.clear_ibuf [dreg:s6], $0x2FFFF;
	_ =	strace $0x9FFFFFFF  }
0xc2: {  	(tm) =	ssettm $0x7FFFFFFF  }
0xc3: {  	_ =	shalt  }
tec
execute0_lowered:
.L_overlay_start_1:
0x0: {  	(tag) =	ssettag $0x1  }
0x1: {  	s0 =	rddreg [dreg:$0x0]  }
0x2: {  	s1 =	rddreg [dreg:$0x1];
	s2 =	srdreg.scid  }
0x3: {  	s3 =	simm.s32 $0x0;
	s11 =	stileid.u32;
	s2 =	sand.u32 $0x1, s2  }
0x4: {  	[smem:$0x7FF] =	sst s3;
	s6 =	smul.u32 $0x14000, s11;
	s4 =	sadd.s32 $0x17800, s0  }
0x5: {  	s12 =	sadd.s32 $0xDA00, s0;
	s13 =	sadd.s32 $0x3C00, s0;
	s26 =	smul.u32 $0x50000, s11  }
0x6: {  	s5 =	smul.u32 $0x140000, s2;
	_ =	strace $0x8000004D;
	s7 =	sshll.u32 s2, $0x4  }
0x7: {  	s23 =	ssub.s32 $0x2, s2;
	s2 =	smul.u32 $0x27100, s2;
	[dreg:$0x3] =	wrdreg s13  }
0x8: {  	[smem:$0x7F7] =	sst s12;
	s22 =	sor.u32 s11, s7;
	s24 =	sshrl.u32 s23, $0x1  }
0x9: {  	s11 =	smul.u32 $0x2710, s11;
	s16 =	sshrl.u32 s26, $0x2;
	s5 =	sadd.s32 s6, s5  }
0xa: {  	s6 =	smul.u32 $0x2710, s22;
	s18 =	sadd.s32 s16, s1;
	s5 =	sshrl.u32 s5, $0x3  }
0xb: {  	s2 =	sadd.s32 s11, s2;
	s11 =	sadd.s32 $0x1400, s18;
	s16 =	sadd.s32 $0x7800, s18  }
0xc: {  	[dreg:$0x8] =	wrdreg s18;
	s0 =	sadd.s32 s5, s0;
	s5 =	ssub.s32 s23, s24  }
0xd: {  	s25 =	sshrl.u32 s6, $0x3;
	s8 =	sadd.s32 $0x28, s6;
	[dreg:$0x17] =	wrdreg s11  }
0xe: {  	s21 =	sadd.s32 $0x118, s2;
	[dreg:$0x1c] =	wrdreg s16;
	s9 =	sadd.s32 s12, s25  }
0xf: {  	s23 =	sadd.s32 $0x140, s2;
	s20 =	sadd.s32 s13, s25;
	[dreg:$0x4] =	wrdreg s9  }
0x10: {  	s8 =	sshrl.u32 s8, $0x3;
	s0 =	sadd.s32 $0x3EA00, s0;
	[dreg:$0xb] =	wrdreg s20  }
0x11: {  	s15 =	sadd.s32 $0xA, s25;
	s5 =	smax.u32 s5, $0x1;
	[dreg:$0xc] =	wrdreg s0  }
0x12: {  	s22 =	sshrl.u32 s21, $0x3;
	s21 =	sadd.s32 $0xC800, s18;
	[dreg:$0xd] =	wrdreg s5  }
0x13: {  	s25 =	sshrl.u32 s23, $0x3;
	s23 =	sadd.s32 $0xF000, s18;
	[smem:$0x7F8] =	sst s21  }
0x14: {  	s6 =	sadd.s32 $0x78, s6;
	s10 =	sadd.s32 s12, s8;
	[smem:$0x7FA] =	sst s23  }
0x15: {  	s6 =	sshrl.u32 s6, $0x3;
	s14 =	sadd.s32 s12, s15;
	[dreg:$0x5] =	wrdreg s10  }
0x16: {  	s30 =	simm.s32 $0x14;
	s6 =	sadd.s32 s12, s6;
	[dreg:$0x6] =	wrdreg s14  }
0x17: {  	s31 =	simm.s32 $0x5500;
	s17 =	sadd.s32 s13, s8;
	[dreg:$0x7] =	wrdreg s6  }
0x18: {  	s29 =	simm.s32 $0x300;
	s19 =	sadd.s32 s13, s15;
	[dreg:$0x9] =	wrdreg s17  }
0x19: {  	s28 =	simm.s32 $0x5;
	s24 =	sadd.s32 s22, s13;
	[dreg:$0xa] =	wrdreg s19  }
0x1a: {  	s26 =	sadd.s32 $0xF0, s2;
	s5 =	sadd.s32 s25, s12;
	[dreg:$0xe] =	wrdreg s24  }
0x1b: {  	s7 =	sadd.s32 $0x78, s2;
	s0 =	sadd.s32 s22, s12;
	[dreg:$0xf] =	wrdreg s5  }
0x1c: {  	s16 =	simm.s32 $0x28;
	s15 =	sadd.s32 $0x6400, s18;
	[dreg:$0x10] =	wrdreg s0  }
0x1d: {  	s11 =	simm.s32 $0x2;
	s20 =	sadd.s32 $0xB400, s18;
	[dreg:$0x1b] =	wrdreg s15  }
0x1e: {  	s22 =	sadd.s32 $0xDC00, s18;
	s25 =	sadd.s32 $0x11800, s18;
	[dreg:$0x1f] =	wrdreg s20  }
0x1f: {  	s6 =	sadd.s32 $0xC8, s2;
	s0 =	sshrl.u32 s26, $0x3;
	[smem:$0x7F9] =	sst s22  }
0x20: {  	s5 =	sshrl.u32 s7, $0x3;
	s2 =	sadd.s32 $0xA0, s2;
	[smem:$0x7FC] =	sst s25  }
0x21: {  	s14 =	sadd.s32 $0x5000, s18;
	s17 =	sadd.s32 $0x8C00, s18;
	[dreg:$0x11] =	wrdreg s6  }
0x22: {  	s19 =	sadd.s32 $0xA000, s18;
	s24 =	sadd.s32 $0x10400, s18;
	[dreg:$0x1a] =	wrdreg s14  }
0x23: {  	s26 =	sadd.s32 $0x12C00, s18;
	s7 =	simm.s32 $0x200;
	[dreg:$0x1d] =	wrdreg s17  }
0x24: {  	s15 =	simm.s32 $0x13;
	s20 =	simm.s32 $0xC;
	[dreg:$0x1e] =	wrdreg s19  }
0x25: {  	s25 =	simm.s32 $0x500;
	s8 =	sadd.s32 s0, s13;
	[smem:$0x7FB] =	sst s24  }
0x26: {  	s0 =	sadd.s32 s0, s12;
	s9 =	sadd.s32 s5, s13;
	[smem:$0x7FD] =	sst s26  }
0x27: {  	s10 =	sshrl.u32 s2, $0x3;
	s26 =	simm.s32 $0x78;
	[dreg:$0x12] =	wrdreg s8  }
0x28: {  	s14 =	simm.s32 $0xA0;
	s5 =	simm.s32 $0x9;
	[dreg:$0x13] =	wrdreg s0  }
0x29: {  	s19 =	simm.s32 $0x0;
	[dreg:$0x14] =	wrdreg s9;
	s2 =	sadd.s32 s10, s13  }
.Ltmp0:
0x2a: {  	s0 =	sadd.s32 s10, s12;
	[dreg:$0x15] =	wrdreg s2;
	(pc) =	sbr.rel .LBB2_1-.Ltmp0, $4  }
0x2b: {  	s12 =	sadd.s32 $0x2800, s18;
	s13 =	sadd.s32 $0x3C00, s18;
	[dreg:$0x16] =	wrdreg s0  }
0x2c: {  	s8 =	simm.s32 $0xF;
	s9 =	simm.s32 $0x3;
	[dreg:$0x18] =	wrdreg s12  }
0x2d: {  	s10 =	simm.s32 $0xD;
	[dreg:$0x19] =	wrdreg s13;
	s0 =	simm.s32 $0x12  }
0x2e: {  	v0 =	vimm.f32 $0.0e+00;
	s2 =	simm.s32 $0x2D00;
	s12 =	simm.s32 $0x1;
	s13 =	simm.s32 $0xB  }
.LBB2_6:
0x2f: {  	s6 =	simm.s32 $0x6  }
0x30: {  	_ =	swait.ge [sflag:s6], $0x1400  }
0x31: {  	[sflag:s6] =	ssyncset.done $0x0  }
0x32: {  	s17 =	simm.s32 $0x7;
	[sflag:s6] =	ssyncadd.s32 $0xFFFFEC00  }
0x33: {  	_ =	swait.ge [sflag:s17], $0x1400  }
0x34: {  	[sflag:s17] =	ssyncset.done $0x0  }
0x35: {  	s18 =	simm.s32 $0x8;
	[sflag:s17] =	ssyncadd.s32 $0xFFFFEC00  }
0x36: {  	_ =	swait.ge [sflag:s18], $0x1400  }
0x37: {  	[sflag:s18] =	ssyncset.done $0x0  }
0x38: {  	[sflag:s18] =	ssyncadd.s32 $0xFFFFEC00  }
0x39: {  	_ =	swait.ge [sflag:s5], $0x1400  }
0x3a: {  	[sflag:s5] =	ssyncset.done $0x0  }
0x3b: {  	s19 =	simm.s32 $0xA;
	[sflag:s5] =	ssyncadd.s32 $0xFFFFEC00  }
0x3c: {  	_ =	swait.ge [sflag:s19], $0x1400  }
0x3d: {  	[sflag:s19] =	ssyncset.done $0x0  }
0x3e: {  	[sflag:s19] =	ssyncadd.s32 $0xFFFFEC00  }
0x3f: {  	s21 =	stileid.u32;
	[bflag:$0x0] =	sbarrier.arrive $0xFFFF  }
0x40: {  	s22 =	simm.s32 $0x15;
	s6 =	sshll.u32 s21, $0x6;
	s18 =	rddreg [dreg:$0x8]  }
0x41: {  	s6 =	sor.u32 $0x1C15, s6;
	s19 =	rddreg [dreg:$0xc];
	s17 =	sshrl.u32 s18, $0x3  }
0x42: {  	[hbm:s19], [sflag:s6] =	dma.local [spmem:s17], $0x2800  }
0x43: {  	_ =	swait.ge [sflag:s22], $0x2800  }
0x44: {  	s23 =	sld [smem:$0x7F6];
	_ =	sdelay $0x2  }
0x45: {  	s24 =	rddreg [dreg:$0xd];
	s19 =	sadd.s32 $0x1, s23  }
0x46: {  	p0 =	sne.s32 s19, s24  }
.Ltmp1:
0x47: {  	_ = 	snop;
	(pc) =	sbr.rel @!p0 .LBB2_7-.Ltmp1, $3  }
0x48: {  	_ =	sdelay $0x1  }
0x49: {  	[sflag:s22] =	ssyncset.done $0x0  }
0x4a: {  	[sflag:s22] =	ssyncadd.s32 $0xFFFFD800  }
.LBB2_1:
0x4b: {  	s6 =	rddreg [dreg:$0x4]  }
0x4c: {  	[tilespmem:s3], [sflag:$0x10] =	stream.linear.gather [hbm4b:s6+s3], $0x28, $0x38;
	[tilespmem:$0x1A900] =	vst v63  }
0x4d: {  	s22 =	rddreg [dreg:$0x5]  }
0x4e: {  	[tilespmem:s16], [sflag:$0x11] =	stream.linear.gather [hbm4b:s22+s3], $0x28, $0x38;
	[tilespmem:$0x1A900] =	vst v63  }
0x4f: {  	s23 =	rddreg [dreg:$0x6];
	s17 =	simm.s32 $0x50  }
0x50: {  	[tilespmem:s17], [sflag:$0x12] =	stream.linear.gather [hbm4b:s23+s3], $0x28, $0x38;
	[tilespmem:$0x1A900] =	vst v63  }
0x51: {  	s24 =	rddreg [dreg:$0x7];
	s6 =	simm.s32 $0x540  }
0x52: {  	[tilespmem:s26], [sflag:$0x13] =	stream.linear.gather [hbm4b:s24+s3], $0x28, $0x38;
	[tilespmem:$0x1A900] =	vst v63  }
0x53: {  	[tilespmem:s6+$0xFFFFFFC0] =	vst v0  }
0x54: {  	[tilespmem:s6+$0x30] =	vst v0  }
0x55: {  	[tilespmem:s6+$0x20] =	vst v0  }
0x56: {  	[tilespmem:s6+$0x10] =	vst v0  }
0x57: {  	[tilespmem:s6+$0x0] =	vst v0  }
0x58: {  	[tilespmem:s6+$0xFFFFFFF0] =	vst v0  }
0x59: {  	[smem:$0x7F6] =	sst s19;
	s17 =	simm.s32 $0x0;
	[tilespmem:s6+$0xFFFFFFE0] =	vst v0  }
.LBB2_2:
0x5a: {  	s17 =	sadd.s32 $0x8, s17;
	[tilespmem:s6+$0xFFFFFFD0] =	vst v0;
	s6 =	sadd.s32 $0x80, s6  }
0x5b: {  	[tilespmem:s6+$0xFFFFFFC0] =	vst v0;
	p0 =	slt.u32 s17, $0x138  }
0x5c: {  	[tilespmem:s6+$0x30] =	vst v0  }
.Ltmp2:
0x5d: {  	[tilespmem:s6+$0x20] =	vst v0;
	(pc) =	sbr.rel @p0 .LBB2_2-.Ltmp2, $4  }
0x5e: {  	[tilespmem:s6+$0x10] =	vst v0  }
0x5f: {  	[tilespmem:s6+$0x0] =	vst v0  }
0x60: {  	[tilespmem:s6+$0xFFFFFFF0] =	vst v0  }
0x61: {  	[tilespmem:s6+$0xFFFFFFE0] =	vst v0  }
0x62: {  	[tilespmem:s6+$0xFFFFFFD0] =	vst v0;
	s19 =	simm.s32 $0x500;
	s17 =	rddreg [dreg:$0x17]  }
0x63: {  	[spmem:s18] =	stream.linear.scatter [tilespmem:s19], [sflag:$0xF], $0x1400, $0x38;
	[tilespmem:$0x1A900] =	vst v63  }
0x64: {  	s21 =	rddreg [dreg:$0x19]  }
0x65: {  	[spmem:s17] =	stream.linear.scatter [tilespmem:s19], [sflag:$0xF], $0x1400, $0x38;
	[tilespmem:$0x1A900] =	vst v63  }
0x66: {  	s18 =	rddreg [dreg:$0x18]  }
0x67: {  	[spmem:s18] =	stream.linear.scatter [tilespmem:s19], [sflag:$0xF], $0x1400, $0x38;
	[tilespmem:$0x1A900] =	vst v63  }
0x68: {  	s22 =	rddreg [dreg:$0x1a]  }
0x69: {  	[spmem:s21] =	stream.linear.scatter [tilespmem:s19], [sflag:$0xF], $0x1400, $0x38;
	[tilespmem:$0x1A900] =	vst v63  }
0x6a: {  	s23 =	rddreg [dreg:$0x1b]  }
0x6b: {  	[spmem:s22] =	stream.linear.scatter [tilespmem:s19], [sflag:$0xF], $0x1400, $0x38;
	[tilespmem:$0x1A900] =	vst v63  }
0x6c: {  	s24 =	rddreg [dreg:$0x1c]  }
0x6d: {  	[spmem:s23] =	stream.linear.scatter [tilespmem:s19], [sflag:$0xF], $0x1400, $0x38;
	[tilespmem:$0x1A900] =	vst v63  }
0x6e: {  	s17 =	rddreg [dreg:$0x1d]  }
0x6f: {  	[spmem:s24] =	stream.linear.scatter [tilespmem:s19], [sflag:$0xF], $0x1400, $0x38;
	[tilespmem:$0x1A900] =	vst v63  }
0x70: {  	s18 =	rddreg [dreg:$0x1e]  }
0x71: {  	[spmem:s17] =	stream.linear.scatter [tilespmem:s19], [sflag:$0xF], $0x1400, $0x38;
	[tilespmem:$0x1A900] =	vst v63  }
0x72: {  	s21 =	rddreg [dreg:$0x1f]  }
0x73: {  	[spmem:s18] =	stream.linear.scatter [tilespmem:s19], [sflag:$0xF], $0x1400, $0x38;
	[tilespmem:$0x1A900] =	vst v63  }
0x74: {  	s22 =	sld [smem:$0x7F8]  }
0x75: {  	[spmem:s21] =	stream.linear.scatter [tilespmem:s19], [sflag:$0xF], $0x1400, $0x38;
	[tilespmem:$0x1A900] =	vst v63  }
0x76: {  	s23 =	sld [smem:$0x7F9]  }
0x77: {  	[spmem:s22] =	stream.linear.scatter [tilespmem:s19], [sflag:$0xF], $0x1400, $0x38;
	[tilespmem:$0x1A900] =	vst v63  }
0x78: {  	s24 =	sld [smem:$0x7FA]  }
0x79: {  	[spmem:s23] =	stream.linear.scatter [tilespmem:s19], [sflag:$0xF], $0x1400, $0x38;
	[tilespmem:$0x1A900] =	vst v63  }
0x7a: {  	s17 =	sld [smem:$0x7FB]  }
0x7b: {  	[spmem:s24] =	stream.linear.scatter [tilespmem:s19], [sflag:$0xF], $0x1400, $0x38;
	[tilespmem:$0x1A900] =	vst v63  }
0x7c: {  	s18 =	sld [smem:$0x7FC]  }
0x7d: {  	[spmem:s17] =	stream.linear.scatter [tilespmem:s19], [sflag:$0xF], $0x1400, $0x38;
	[tilespmem:$0x1A900] =	vst v63  }
0x7e: {  	s21 =	sld [smem:$0x7FD]  }
0x7f: {  	[spmem:s18] =	stream.linear.scatter [tilespmem:s19], [sflag:$0xF], $0x1400, $0x38;
	[tilespmem:$0x1A900] =	vst v63  }
0x80: {  	s22 =	simm.s32 $0x11  }
0x81: {  	[spmem:s21] =	stream.linear.scatter [tilespmem:s19], [sflag:$0xF], $0x1400, $0x38;
	[tilespmem:$0x1A900] =	vst v63  }
0x82: {  	_ =	swait.ge [sflag:s22], $0x28  }
0x83: {  	[sflag:s22] =	ssyncset.done $0x0  }
0x84: {  	s23 =	simm.s32 $0x1900;
	[sflag:s22] =	ssyncadd.s32 $0xFFFFFFD8  }
0x85: {  	[tilespmem:s23], [sflag:$0x2] =	stream.indirect.gather [hbm4b:s4+s16], $0x80, s16, s16, $0xb8;
	[tilespmem:$0x1A900] =	vst v63  }
0x86: {  	s6 =	simm.s32 $0x0;
	s24 =	simm.s32 $0x180;
	s17 =	rddreg [dreg:$0x9]  }
0x87: {  	[tilespmem:s24], [sflag:$0xC] =	stream.linear.gather [hbm4b:s17+s6], $0x28, $0x38;
	[tilespmem:$0x1A900] =	vst v63  }
0x88: {  	_ =	swait.ge [sflag:s0], $0x28  }
0x89: {  	[sflag:s0] =	ssyncset.done $0x0  }
0x8a: {  	s18 =	simm.s32 $0x50;
	[sflag:s0] =	ssyncadd.s32 $0xFFFFFFD8  }
0x8b: {  	[tilespmem:s2], [sflag:$0x3] =	stream.indirect.gather [hbm4b:s4+s16], $0x80, s18, s16, $0xb8;
	[tilespmem:$0x1A900] =	vst v63  }
0x8c: {  	s21 =	rddreg [dreg:$0xa]  }
0x8d: {  	[tilespmem:s7], [sflag:$0xD] =	stream.linear.gather [hbm4b:s21+s6], $0x28, $0x38;
	[tilespmem:$0x1A900] =	vst v63  }
0x8e: {  	_ =	swait.ge [sflag:s8], $0x1400  }
0x8f: {  	[sflag:s8] =	ssyncset.done $0x0  }
0x90: {  	[sflag:s8] =	ssyncadd.s32 $0xFFFFEC00  }
0x91: {  	_ =	swait.ge [sflag:s8], $0x1400  }
0x92: {  	[sflag:s8] =	ssyncset.done $0x0  }
0x93: {  	[sflag:s8] =	ssyncadd.s32 $0xFFFFEC00  }
0x94: {  	_ =	swait.ge [sflag:s8], $0x1400  }
0x95: {  	[sflag:s8] =	ssyncset.done $0x0  }
0x96: {  	[sflag:s8] =	ssyncadd.s32 $0xFFFFEC00  }
0x97: {  	_ =	swait.ge [sflag:s8], $0x1400  }
0x98: {  	[sflag:s8] =	ssyncset.done $0x0  }
0x99: {  	[sflag:s8] =	ssyncadd.s32 $0xFFFFEC00  }
0x9a: {  	_ =	swait.ge [sflag:s8], $0x1400  }
0x9b: {  	[sflag:s8] =	ssyncset.done $0x0  }
0x9c: {  	[sflag:s8] =	ssyncadd.s32 $0xFFFFEC00  }
0x9d: {  	_ =	swait.ge [sflag:s8], $0x1400  }
0x9e: {  	[sflag:s8] =	ssyncset.done $0x0  }
0x9f: {  	[sflag:s8] =	ssyncadd.s32 $0xFFFFEC00  }
0xa0: {  	_ =	swait.ge [sflag:s8], $0x1400  }
0xa1: {  	[sflag:s8] =	ssyncset.done $0x0  }
0xa2: {  	[sflag:s8] =	ssyncadd.s32 $0xFFFFEC00  }
0xa3: {  	_ =	swait.ge [sflag:s8], $0x1400  }
0xa4: {  	[sflag:s8] =	ssyncset.done $0x0  }
0xa5: {  	[sflag:s8] =	ssyncadd.s32 $0xFFFFEC00  }
0xa6: {  	_ =	swait.ge [sflag:s8], $0x1400  }
0xa7: {  	[sflag:s8] =	ssyncset.done $0x0  }
0xa8: {  	[sflag:s8] =	ssyncadd.s32 $0xFFFFEC00  }
0xa9: {  	_ =	swait.ge [sflag:s8], $0x1400  }
0xaa: {  	[sflag:s8] =	ssyncset.done $0x0  }
0xab: {  	[sflag:s8] =	ssyncadd.s32 $0xFFFFEC00  }
0xac: {  	_ =	swait.ge [sflag:s8], $0x1400  }
0xad: {  	[sflag:s8] =	ssyncset.done $0x0  }
0xae: {  	[sflag:s8] =	ssyncadd.s32 $0xFFFFEC00  }
0xaf: {  	_ =	swait.ge [sflag:s8], $0x1400  }
0xb0: {  	[sflag:s8] =	ssyncset.done $0x0  }
0xb1: {  	[sflag:s8] =	ssyncadd.s32 $0xFFFFEC00  }
0xb2: {  	_ =	swait.ge [sflag:s8], $0x1400  }
0xb3: {  	[sflag:s8] =	ssyncset.done $0x0  }
0xb4: {  	[sflag:s8] =	ssyncadd.s32 $0xFFFFEC00  }
0xb5: {  	_ =	swait.ge [sflag:s8], $0x1400  }
0xb6: {  	[sflag:s8] =	ssyncset.done $0x0  }
0xb7: {  	[sflag:s8] =	ssyncadd.s32 $0xFFFFEC00  }
0xb8: {  	_ =	swait.ge [sflag:s8], $0x1400  }
0xb9: {  	[sflag:s8] =	ssyncset.done $0x0  }
0xba: {  	[sflag:s8] =	ssyncadd.s32 $0xFFFFEC00  }
0xbb: {  	_ =	swait.ge [sflag:s8], $0x1400  }
0xbc: {  	[sflag:s8] =	ssyncset.done $0x0  }
0xbd: {  	s22 =	simm.s32 $0x10;
	[sflag:s8] =	ssyncadd.s32 $0xFFFFEC00  }
0xbe: {  	_ =	swait.ge [sflag:s22], $0x28  }
0xbf: {  	[sflag:s22] =	ssyncset.done $0x0  }
0xc0: {  	[sflag:s22] =	ssyncadd.s32 $0xFFFFFFD8  }
0xc1: {  	[tilespmem:s19], [sflag:$0x1] =	stream.indirect.gather [hbm4b:s4+s16], $0x80, s6, s16, $0xb8;
	[tilespmem:$0x1A900] =	vst v63  }
0xc2: {  	s24 =	simm.s32 $0x100;
	s23 =	rddreg [dreg:$0xb]  }
0xc3: {  	[tilespmem:s24], [sflag:$0xB] =	stream.linear.gather [hbm4b:s23+s6], $0x28, $0x38;
	[tilespmem:$0x1A900] =	vst v63  }
0xc4: {  	[bflag:$0x0] =	sbarrier.arrive $0xFFFF  }
0xc5: {  	s17 =	simm.s32 $0xFFFFFFFF;
	s18 =	rddreg [dreg:$0x11]  }
.LBB2_4:
0xc6: {  	_ =	swait.ge [sflag:s12], $0x1400  }
0xc7: {  	[sflag:s12] =	ssyncset.done $0x0  }
0xc8: {  	[sflag:s12] =	ssyncadd.s32 $0xFFFFEC00  }
0xc9: {  	_ =	swait.ge [sflag:s13], $0x28  }
0xca: {  	[sflag:s13] =	ssyncset.done $0x0  }
0xcb: {  	s19 =	simm.s32 $0x100;
	p0 =	sgt.u32 s17, $0xF4;
	[sflag:s13] =	ssyncadd.s32 $0xFFFFFFD8  }
0xcc: {  	[spmem:s1] =	stream.indirect.scatter.add.f32 [tilespmem:s25], [sflag:$0x6], $0x80, s19, s16, $0xb8;
	[tilespmem:$0x1A900] =	vst v63  }
0xcd: {  	s19 =	simm.s32 @!p0 $0xA  }
0xce: {  	_ =	swait.ge @!p0 [sflag:s19], $0x1400  }
0xcf: {  	[sflag:s19] =	ssyncset.done @!p0 $0x0;
	s23 =	rddreg [dreg:$0x16]  }
0xd0: {  	[sflag:s19] =	ssyncadd.s32 @!p0 $0xFFFFEC00;
	s19 =	sadd.s32 s6, s23  }
0xd1: {  	[tilespmem:s14], [sflag:$0x14] =	stream.linear.gather [hbm4b:s19+s3], $0x28, $0x38;
	[tilespmem:$0x1A900] =	vst v63  }
0xd2: {  	_ =	swait.ge [sflag:s15], $0x28  }
0xd3: {  	[sflag:s15] =	ssyncset.done $0x0  }
0xd4: {  	s24 =	simm.s32 $0x4100;
	s21 =	rddreg [dreg:$0x14];
	[sflag:s15] =	ssyncadd.s32 $0xFFFFFFD8  }
0xd5: {  	[tilespmem:s24], [sflag:$0x4] =	stream.indirect.gather [hbm4b:s4+s16], $0x80, s26, s16, $0xb8;
	[tilespmem:$0x1A900] =	vst v63  }
0xd6: {  	s19 =	sadd.s32 s6, s21;
	s21 =	simm.s32 $0x280  }
0xd7: {  	[tilespmem:s21], [sflag:$0xE] =	stream.linear.gather [hbm4b:s19+s3], $0x28, $0x38;
	[tilespmem:$0x1A900] =	vst v63  }
0xd8: {  	_ =	swait.ge [sflag:s11], $0x1400  }
0xd9: {  	[sflag:s11] =	ssyncset.done $0x0  }
0xda: {  	[sflag:s11] =	ssyncadd.s32 $0xFFFFEC00  }
0xdb: {  	_ =	swait.ge [sflag:s20], $0x28  }
0xdc: {  	s22 =	simm.s32 $0x1900;
	p0 =	seq.s32 s6, $0x4C9;
	[sflag:s20] =	ssyncset.done $0x0  }
0xdd: {  	s23 =	simm.s32 $0x180;
	s19 =	simm.s32 @!p0 $0x6;
	[sflag:s20] =	ssyncadd.s32 $0xFFFFFFD8  }
0xde: {  	[spmem:s1] =	stream.indirect.scatter.add.f32 [tilespmem:s22], [sflag:$0x7], $0x80, s23, s16, $0xb8;
	[tilespmem:$0x1A900] =	vst v63  }
0xdf: {  	_ =	swait.ge @!p0 [sflag:s19], $0x1400  }
0xe0: {  	[sflag:s19] =	ssyncset.done @!p0 $0x0  }
0xe1: {  	[sflag:s19] =	ssyncadd.s32 @!p0 $0xFFFFEC00;
	s19 =	sld [smem:$0x7F7];
	_ =	sdelay $0x1  }
0xe2: {  	s21 =	sshrl.u32 @!p0 s18, $0x3  }
0xe3: {  	s22 =	sadd.s32 @!p0 s19, s21;
	s19 =	simm.s32 @!p0 $0x0  }
0xe4: {  	[tilespmem:s19], [sflag:$0x10] =	stream.linear.gather @!p0 [hbm4b:s22+s19], $0x28, $0x38;
	[tilespmem:$0x1A900] =	vst v63  }
0xe5: {  	_ =	swait.ge [sflag:s30], $0x28  }
0xe6: {  	[sflag:s30] =	ssyncset.done $0x0  }
0xe7: {  	s24 =	rddreg [dreg:$0x15];
	[sflag:s30] =	ssyncadd.s32 $0xFFFFFFD8  }
0xe8: {  	[tilespmem:s31], [sflag:$0x5] =	stream.indirect.gather [hbm4b:s4+s16], $0x80, s14, s16, $0xb8;
	[tilespmem:$0x1A900] =	vst v63  }
0xe9: {  	s22 =	sadd.s32 s6, s24  }
0xea: {  	[tilespmem:s29], [sflag:$0xF] =	stream.linear.gather [hbm4b:s22+s3], $0x28, $0x38;
	[tilespmem:$0x1A900] =	vst v63  }
0xeb: {  	_ =	swait.ge [sflag:s9], $0x1400  }
0xec: {  	[sflag:s9] =	ssyncset.done $0x0  }
0xed: {  	[sflag:s9] =	ssyncadd.s32 $0xFFFFEC00  }
0xee: {  	_ =	swait.ge [sflag:s10], $0x28  }
0xef: {  	[sflag:s10] =	ssyncset.done $0x0  }
0xf0: {  	s22 =	simm.s32 @p0 $0x4;
	[sflag:s10] =	ssyncadd.s32 $0xFFFFFFD8  }
0xf1: {  	[spmem:s1] =	stream.indirect.scatter.add.f32 [tilespmem:s2], [sflag:$0x8], $0x80, s7, s16, $0xb8;
	[tilespmem:$0x1A900] =	vst v63  }
0xf2: {  	_ =	swait.ge @p0 [sflag:s22], $0x1400  }
0xf3: {  	[sflag:s22] =	ssyncset.done @p0 $0x0  }
0xf4: {  	[sflag:s22] =	ssyncadd.s32 @p0 $0xFFFFEC00;
	s22 =	simm.s32 @p0 $0xE  }
0xf5: {  	_ =	swait.ge @p0 [sflag:s22], $0x28  }
0xf6: {  	s23 =	simm.s32 @p0 $0x280;
	[sflag:s22] =	ssyncset.done @p0 $0x0  }
0xf7: {  	s24 =	simm.s32 @p0 $0x4100;
	[sflag:s22] =	ssyncadd.s32 @p0 $0xFFFFFFD8;
	s22 =	simm.s32 @p0 $0x28  }
0xf8: {  	[spmem:s1] =	stream.indirect.scatter.add.f32 @p0 [tilespmem:s24], [sflag:$0x9], $0x80, s23, s22, $0xb8;
	[tilespmem:$0x1A900] =	vst v63  }
0xf9: {  	s22 =	simm.s32 @!p0 $0x7  }
0xfa: {  	_ =	swait.ge @!p0 [sflag:s22], $0x1400  }
0xfb: {  	[sflag:s22] =	ssyncset.done @!p0 $0x0  }
0xfc: {  	[sflag:s22] =	ssyncadd.s32 @!p0 $0xFFFFEC00;
	s22 =	rddreg [dreg:$0x13]  }
0xfd: {  	s23 =	simm.s32 @!p0 $0x28;
	s22 =	sadd.s32 @!p0 s6, s22  }
0xfe: {  	[tilespmem:s23], [sflag:$0x11] =	stream.linear.gather @!p0 [hbm4b:s22+s19], $0x28, $0x38;
	[tilespmem:$0x1A900] =	vst v63  }
0xff: {  	s22 =	simm.s32 @!p0 $0x10  }
0x100: {  	_ =	swait.ge @!p0 [sflag:s22], $0x28  }
0x101: {  	[sflag:s22] =	ssyncset.done @!p0 $0x0  }
0x102: {  	[sflag:s22] =	ssyncadd.s32 @!p0 $0xFFFFFFD8;
	s22 =	simm.s32 @!p0 $0x500  }
0x103: {  	[tilespmem:s22], [sflag:$0x1] =	stream.indirect.gather @!p0 [hbm4b:s4+s23], $0x80, s19, s23, $0xb8;
	[tilespmem:$0x1A900] =	vst v63  }
0x104: {  	s22 =	rddreg [dreg:$0x3]  }
0x105: {  	s21 =	sadd.s32 @!p0 s22, s21;
	s22 =	simm.s32 @!p0 $0x100  }
0x106: {  	[tilespmem:s22], [sflag:$0xB] =	stream.linear.gather @!p0 [hbm4b:s21+s19], $0x28, $0x38;
	[tilespmem:$0x1A900] =	vst v63  }
0x107: {  	s21 =	simm.s32 @!p0 $0x4  }
0x108: {  	_ =	swait.ge @!p0 [sflag:s21], $0x1400  }
0x109: {  	[sflag:s21] =	ssyncset.done @!p0 $0x0  }
0x10a: {  	[sflag:s21] =	ssyncadd.s32 @!p0 $0xFFFFEC00;
	s21 =	simm.s32 @!p0 $0xE  }
0x10b: {  	_ =	swait.ge @!p0 [sflag:s21], $0x28  }
0x10c: {  	[sflag:s21] =	ssyncset.done @!p0 $0x0  }
0x10d: {  	s22 =	simm.s32 @!p0 $0x4100;
	[sflag:s21] =	ssyncadd.s32 @!p0 $0xFFFFFFD8;
	s21 =	simm.s32 @!p0 $0x280  }
0x10e: {  	[spmem:s1] =	stream.indirect.scatter.add.f32 @!p0 [tilespmem:s22], [sflag:$0x9], $0x80, s21, s23, $0xb8;
	[tilespmem:$0x1A900] =	vst v63  }
0x10f: {  	s21 =	simm.s32 @!p0 $0x8  }
0x110: {  	_ =	swait.ge @!p0 [sflag:s21], $0x1400  }
0x111: {  	[sflag:s21] =	ssyncset.done @!p0 $0x0  }
0x112: {  	[sflag:s21] =	ssyncadd.s32 @!p0 $0xFFFFEC00;
	s21 =	rddreg [dreg:$0x10]  }
0x113: {  	s22 =	simm.s32 @!p0 $0x50;
	s21 =	sadd.s32 @!p0 s6, s21  }
0x114: {  	[tilespmem:s22], [sflag:$0x12] =	stream.linear.gather @!p0 [hbm4b:s21+s19], $0x28, $0x38;
	[tilespmem:$0x1A900] =	vst v63  }
0x115: {  	s21 =	simm.s32 @!p0 $0x11  }
0x116: {  	_ =	swait.ge @!p0 [sflag:s21], $0x28  }
0x117: {  	[sflag:s21] =	ssyncset.done @!p0 $0x0  }
0x118: {  	[sflag:s21] =	ssyncadd.s32 @!p0 $0xFFFFFFD8;
	s21 =	simm.s32 @!p0 $0x1900  }
0x119: {  	[tilespmem:s21], [sflag:$0x2] =	stream.indirect.gather @!p0 [hbm4b:s4+s23], $0x80, s23, s23, $0xb8;
	[tilespmem:$0x1A900] =	vst v63  }
0x11a: {  	s21 =	rddreg [dreg:$0x12]  }
0x11b: {  	s22 =	simm.s32 @!p0 $0x180;
	s21 =	sadd.s32 @!p0 s6, s21  }
0x11c: {  	[tilespmem:s22], [sflag:$0xC] =	stream.linear.gather @!p0 [hbm4b:s21+s19], $0x28, $0x38;
	[tilespmem:$0x1A900] =	vst v63  }
0x11d: {  	_ =	swait.ge [sflag:s28], $0x1400  }
0x11e: {  	[sflag:s28] =	ssyncset.done $0x0  }
.Ltmp3:
0x11f: {  	[sflag:s28] =	ssyncadd.s32 $0xFFFFEC00;
	(pc) =	sbr.rel @p0 .LBB2_6-.Ltmp3, $4  }
0x120: {  	_ =	swait.ge [sflag:s8], $0x28  }
0x121: {  	[sflag:s8] =	ssyncset.done $0x0  }
0x122: {  	[sflag:s8] =	ssyncadd.s32 $0xFFFFFFD8  }
0x123: {  	[spmem:s1] =	stream.indirect.scatter.add.f32 [tilespmem:s31], [sflag:$0xA], $0x80, s29, s16, $0xb8;
	[tilespmem:$0x1A900] =	vst v63  }
0x124: {  	_ =	swait.ge [sflag:s5], $0x1400  }
0x125: {  	[sflag:s5] =	ssyncset.done $0x0;
	s19 =	rddreg [dreg:$0xf]  }
0x126: {  	[sflag:s5] =	ssyncadd.s32 $0xFFFFEC00;
	s19 =	sadd.s32 s6, s19  }
0x127: {  	[tilespmem:s26], [sflag:$0x13] =	stream.linear.gather [hbm4b:s19+s3], $0x28, $0x38;
	[tilespmem:$0x1A900] =	vst v63  }
0x128: {  	_ =	swait.ge [sflag:s0], $0x28  }
.Ltmp4:
0x129: {  	s23 =	simm.s32 $0x50;
	[sflag:s0] =	ssyncset.done $0x0;
	(pc) =	sbr.rel .LBB2_4-.Ltmp4, $4  }
0x12a: {  	s18 =	sadd.s32 $0xC8, s18;
	s24 =	rddreg [dreg:$0xe];
	[sflag:s0] =	ssyncadd.s32 $0xFFFFFFD8  }
0x12b: {  	[tilespmem:s2], [sflag:$0x3] =	stream.indirect.gather [hbm4b:s4+s16], $0x80, s23, s16, $0xb8;
	[tilespmem:$0x1A900] =	vst v63  }
0x12c: {  	s17 =	sadd.s32 $0x5, s17;
	s19 =	sadd.s32 s6, s24;
	s6 =	sadd.s32 $0x19, s6  }
0x12d: {  	[tilespmem:s7], [sflag:$0xD] =	stream.linear.gather [hbm4b:s19+s3], $0x28, $0x38;
	[tilespmem:$0x1A900] =	vst v63  }
.LBB2_7:
0x12e: {  	_ =	sfence.sel $0x180000  }
0x12f: {  	[bflag:$0x0] =	sbarrier.arrive $0xFFFF  }
0x130: {  	_ =	strace $0x9000004D  }
0x131: {  	s0 =	stileid.u32;
	[bflag:$0x2] =	sbarrier.arrive $0xFFFF  }
0x132: {  	p0 =	sne.s32 s0, $0x0;
	s0 =	rddreg [dreg:$0x2]  }
0x133: {  	s0 =	sadd.s32 @!p0 $0x100000, s0  }
0x134: {  	[sflag:s0] =	ssyncadd.tile.s32 @!p0 $0x1;
	_ =	shalt  }
.Lfunc_end2:
_tile_overlayer_lowered:
.L_overlay_start_2:
0x135: {  	(tag) =	ssettag $0x2  }
0x136: {  	s0 =	rddreg [dreg:$0x0];
	s2 =	stileid.u32  }
0x137: {  	s1 =	rddreg [dreg:$0x1];
	p0 =	sne.s32 s2, $0x0  }
0x138: {  	s3 =	rddreg [dreg:$0x2];
	[bflag:$0x3] =	sbarrier.arrive $0xFFFF;
	s2 =	simm.s32 @!p0 $0x1C15  }
0x139: {  	[timem:s3], [sflag:s2] =	dma.local @!p0 [hbm:s0], s1  }
0x13a: {  	s0 =	simm.s32 @!p0 $0x15  }
0x13b: {  	_ =	swait.ge @!p0 [sflag:s0], s1  }
0x13c: {  	s1 =	ssub.s32 @!p0 $0x0, s1;
	[sflag:s0] =	ssyncset.done @!p0 $0x0  }
0x13d: {  	[sflag:s0] =	ssyncadd.s32 @!p0 s1  }
0x13e: {  	[bflag:$0x3] =	sbarrier.arrive $0xFFFF  }
0x13f: {  	_ =	shalt  }

// kernel: kernel.8.cloned.1.call-start
scs
__scs_entry_jumppad:
0x0: {  	(pc) =	sbr.rel $0x88, $3  }
0x1: {  	(tag) =	ssettag $0x0;
	lr =	simm.s32 $0x1  }
0x2: {  	[smem:$0x3F8B] =	sst lr;
	_ =	strace $0xD0000000  }
0x3: {  	_ = 	snop  }
0x4: {  	_ = 	snop  }
0x5: {  	_ = 	snop  }
0x6: {  	_ = 	snop  }
0x7: {  	_ = 	snop  }
__scs_overlays_trampoline_lowered:
0x8: {  	[smem:$0x3F9A] =	sst s0  }
0x9: {  	[smem:$0x3F9B] =	sst s1  }
0xa: {  	[smem:$0x3F9C] =	sst s2  }
0xb: {  	[smem:$0x3F9D] =	sst s3  }
0xc: {  	[smem:$0x3F9E] =	sst s4  }
0xd: {  	[smem:$0x3F9F] =	sst s5  }
0xe: {  	[smem:$0x3FA0] =	sst s6  }
0xf: {  	[smem:$0x3FA1] =	sst s7  }
0x10: {  	[smem:$0x3FA2] =	sst s8  }
0x11: {  	[smem:$0x3FA3] =	sst s9;
	s0 =	simm.s32 @!p0 $0x0  }
0x12: {  	s1 =	sld [smem:$0x3F89];
	s0 =	simm.s32 @p0 $0x1  }
0x13: {  	[smem:$0x3FA4] =	sst s0;
	s0 =	simm.s32 @!p1 $0x0  }
0x14: {  	s2 =	sld [smem:$0x3F88];
	s0 =	simm.s32 @p1 $0x1  }
0x15: {  	[smem:$0x3FA5] =	sst s0;
	s0 =	simm.s32 @!p2 $0x0  }
0x16: {  	s3 =	sld [smem:$0x3FDB];
	s0 =	simm.s32 @p2 $0x1  }
0x17: {  	s4 =	simm.s32 $0x1BF5;
	[smem:$0x3FA7] =	sst s0  }
0x18: {  	s0 =	sld [smem:$0x3F8A];
	_ =	swait.ge [sflag:s4], $0x0  }
0x19: {  	s7 =	sld [smem:$0x3F8B]  }
0x1a: {  	s8 =	sadd.s32 $0xFFFFE003, lr  }
0x1b: {  	s9 =	sadd.s32 $0xFFFFFEF7, lr;
	s5 =	simm.s32 $0xFFFFFFFF;
	p2 =	slt.u32 s8, $0xFFFFF086  }
0x1c: {  	p1 =	slt.u32 s9, $0xF7A;
	s5 =	simm.s32 @!p2 $0x0  }
0x1d: {  	s5 =	simm.s32 @p1 $0x1;
	p0 =	seq.s32 s7, s2  }
0x1e: {  	s7 =	smul.u32 @!p0 $0xF7A, s2;
	p2 =	seq.s32 @!p0 s5, $0x0  }
0x1f: {  	s9 =	smul.u32 $0xF7A, s1;
	s8 =	simm.s32 @!p0 $0x1BF5;
	p2 =	por !p2, p0  }
0x20: {  	[sflag:s8] =	ssyncset.s32 @!p0 $0xFFFFF086;
	s6 =	sadd.s32 @!p0 s3, s7;
	s7 =	simm.s32 @!p0 $0x108  }
0x21: {  	s3 =	sadd.s32 s3, s9;
	s6 =	sadd.s32 @!p0 $0x88, s6;
	s7 =	simm.s32 @p2 $0x1082  }
0x22: {  	[simem:s7], [sflag:s8] =	dma.local @!p0 [hbm:s6], $0xF7A  }
0x23: {  	s9 =	sor.u32 $0xD0000000, s2;
	s6 =	simm.s32 $0x108;
	_ =	swait.ge @!p0 [sflag:s8], $0x0  }
0x24: {  	s3 =	sadd.s32 $0x88, s3;
	s6 =	simm.s32 @!p1 $0x1082;
	[sflag:s4] =	ssyncset.s32 $0xFFFFF086  }
0x25: {  	[simem:s6], [sflag:s4] =	dma.local [hbm:s3], $0xF7A  }
0x26: {  	[smem:$0x3F8B] =	sst s1;
	(tag) =	ssettag s2;
	_ =	strace s9  }
0x27: {  	s1 =	sld [smem:$0x3F9B]  }
0x28: {  	s2 =	sld [smem:$0x3F9C]  }
0x29: {  	s4 =	sld [smem:$0x3F9E]  }
0x2a: {  	p0 =	seq.s32 s5, $0x0;
	s5 =	sld [smem:$0x3F9F]  }
0x2b: {  	s6 =	sld [smem:$0x3FA0]  }
0x2c: {  	s7 =	sld [smem:$0x3FA1]  }
0x2d: {  	s3 =	simm.s32 $0x108;
	s8 =	sld [smem:$0x3FA2]  }
0x2e: {  	s3 =	simm.s32 @!p0 $0x1082;
	s9 =	sld [smem:$0x3FA3]  }
0x2f: {  	lr =	sadd.s32 s0, s3;
	s0 =	sld [smem:$0x3F9A]  }
0x30: {  	s3 =	sld [smem:$0x3F9D]  }
0x31: {  	[smem:$0x3FA6] =	sst s10  }
0x32: {  	s10 =	sld [smem:$0x3FA4];
	_ =	sdelay $0x3  }
0x33: {  	p0 =	seq.s32 s10, $0x1;
	s10 =	sld [smem:$0x3FA6];
	_ =	sdelay $0x3  }
0x34: {  	[smem:$0x3FA6] =	sst s10  }
0x35: {  	s10 =	sld [smem:$0x3FA5];
	_ =	sdelay $0x3  }
0x36: {  	p1 =	seq.s32 s10, $0x1;
	s10 =	sld [smem:$0x3FA6];
	_ =	sdelay $0x3  }
0x37: {  	[smem:$0x3FA6] =	sst s10  }
0x38: {  	s10 =	sld [smem:$0x3FA7]  }
0x39: {  	_ = 	snop;
	(pc) =	sbr.ind lr, $3  }
0x3a: {  	_ = 	snop  }
0x3b: {  	_ = 	snop  }
0x3c: {  	p2 =	seq.s32 s10, $0x1;
	s10 =	sld [smem:$0x3FA6]  }
0x3d: {  	_ =	shalt  }
0x3e: {  	_ =	shalt  }
0x3f: {  	_ =	shalt  }
0x40: {  	_ =	shalt  }
0x41: {  	_ =	shalt  }
0x42: {  	_ =	shalt  }
0x43: {  	_ =	shalt  }
0x44: {  	_ =	shalt  }
0x45: {  	_ =	shalt  }
0x46: {  	_ =	shalt  }
0x47: {  	_ =	shalt  }
0x48: {  	_ =	shalt  }
0x49: {  	_ =	shalt  }
0x4a: {  	_ =	shalt  }
0x4b: {  	_ =	shalt  }
0x4c: {  	_ =	shalt  }
0x4d: {  	_ =	shalt  }
0x4e: {  	_ =	shalt  }
0x4f: {  	_ =	shalt  }
0x50: {  	_ =	shalt  }
0x51: {  	_ =	shalt  }
0x52: {  	_ =	shalt  }
0x53: {  	_ =	shalt  }
0x54: {  	_ =	shalt  }
0x55: {  	_ =	shalt  }
0x56: {  	_ =	shalt  }
0x57: {  	_ =	shalt  }
0x58: {  	_ =	shalt  }
0x59: {  	_ =	shalt  }
0x5a: {  	_ =	shalt  }
0x5b: {  	_ =	shalt  }
0x5c: {  	_ =	shalt  }
0x5d: {  	_ =	shalt  }
0x5e: {  	_ =	shalt  }
0x5f: {  	_ =	shalt  }
0x60: {  	_ =	shalt  }
0x61: {  	_ =	shalt  }
0x62: {  	_ =	shalt  }
0x63: {  	_ =	shalt  }
0x64: {  	_ =	shalt  }
0x65: {  	_ =	shalt  }
0x66: {  	_ =	shalt  }
0x67: {  	_ =	shalt  }
0x68: {  	_ =	shalt  }
0x69: {  	_ =	shalt  }
0x6a: {  	_ =	shalt  }
0x6b: {  	_ =	shalt  }
0x6c: {  	_ =	shalt  }
0x6d: {  	_ =	shalt  }
0x6e: {  	_ =	shalt  }
0x6f: {  	_ =	shalt  }
0x70: {  	_ =	shalt  }
0x71: {  	_ =	shalt  }
0x72: {  	_ =	shalt  }
0x73: {  	_ =	shalt  }
0x74: {  	_ =	shalt  }
0x75: {  	_ =	shalt  }
0x76: {  	_ =	shalt  }
0x77: {  	_ =	shalt  }
0x78: {  	_ =	shalt  }
0x79: {  	_ =	shalt  }
0x7a: {  	_ =	shalt  }
0x7b: {  	_ =	shalt  }
0x7c: {  	_ =	shalt  }
0x7d: {  	_ =	shalt  }
0x7e: {  	_ =	shalt  }
0x7f: {  	_ =	shalt  }
0x80: {  	_ =	shalt  }
0x81: {  	_ =	shalt  }
0x82: {  	_ =	shalt  }
0x83: {  	_ =	shalt  }
0x84: {  	_ =	shalt  }
0x85: {  	_ =	shalt  }
0x86: {  	_ =	shalt  }
0x87: {  	_ =	shalt  }
.Lfunc_end0:
.L_simem_size_0:
called_computation_lowered:
.L_overlay_start_0:
0x88: {  	s2 =	sld [smem:$0x3FD9]  }
0x89: {  	s3 =	sld [smem:$0x3FFE];
	_ =	sdelay $0x1  }
0x8a: {  	s1 =	srdreg.scid  }
0x8b: {  	s0 =	sand.u32 $0x1, s1  }
0x8c: {  	s17 =	sshll.u32 s0, $0xA;
	s2 =	sadd.s32 s3, s2  }
0x8d: {  	s2 =	sadd.s32 s2, s17  }
0x8e: {  	[smem:$0x3FB2] =	sst s2  }
0x8f: {  	_ = 	snop  }
0x90: {  	s2 =	sld [smem:$0x3FC9];
	(tm) =	ssettm $0x1  }
0x91: {  	s18 =	sld [smem:$0x3FFB];
	_ =	sdelay $0x3  }
0x92: {  	_ =	strace s18  }
0x93: {  	s3 =	sld [smem:$0x3FFC];
	_ =	sdelay $0x3  }
0x94: {  	_ =	strace s3  }
0x95: {  	s3 =	sld [smem:$0x3FFD];
	_ =	sdelay $0x3  }
0x96: {  	_ =	strace s3  }
0x97: {  	_ =	strace $0x8FFFFFFF  }
0x98: {  	s19 =	sld [smem:$0x3FDB];
	_ =	sdelay $0x1  }
0x99: {  	s4 =	simm.s32 $_scs_section_size  }
0x9a: {  	s5 =	simm.s32 $_size__tile_overlayer_lowered;
	s6 =	simm.s32 $_tile_overlayer_lowered  }
0x9b: {  	s22 =	simm.s32 $0x1BFF;
	s21 =	sshll.u32 s6, $0x1;
	s3 =	sadd.s32 s4, s19  }
0x9c: {  	s7 =	simm.s32 $0x0;
	s20 =	sshll.u32 s5, $0x1;
	s5 =	sadd.s32 s21, s3  }
0x9d: {  	[timem:s7], [sflag:s22] =	dma.local [hbm:s5], s20  }
0x9e: {  	_ =	swait.ge [sflag:s22], s20  }
0x9f: {  	s4 =	ssub.s32 $0x0, s20;
	[sflag:s22] =	ssyncset.done $0x0  }
0xa0: {  	[sflag:s22] =	ssyncadd.s32 s4;
	_ =	sdelay $0x1  }
0xa1: {  	s23 =	simm.s32 $0x1B8B  }
0xa2: {  	_ =	swait.ge [sflag:s23], $0x1  }
0xa3: {  	[sflag:s23] =	ssyncset.done $0x0  }
0xa4: {  	s25 =	simm.s32 $0x1B8E;
	s24 =	sld [smem:$0x3FFE];
	[sflag:s23] =	ssyncadd.s32 $0xFFFFFFFF  }
0xa5: {  	s26 =	simm.s32 $execute0_lowered;
	[smem:$0x3FD2] =	sst s25  }
0xa6: {  	s5 =	sshll.u32 s26, $0x1;
	_ =	strace $0x80000046;
	[dreg:$0x1] =	wrdreg $0xFFFFFFFF  }
0xa7: {  	s28 =	simm.s32 $_size_execute0_lowered;
	s3 =	sadd.s32 s3, s5;
	[dreg:$0x0] =	wrdreg $0x0  }
0xa8: {  	s5 =	sshll.u32 s28, $0x1;
	[dreg:$0x2] =	wrdreg s3  }
0xa9: {  	[dreg:$0x3] =	wrdreg s5  }
0xaa: {  	[dreg:$0x4] =	wrdreg $0xC0  }
0xab: {  	_ =	task [dreg:s7], $0x5FFFF  }
0xac: {  	[dreg:$0x1] =	wrdreg $0xFFFFFFFF  }
0xad: {  	[dreg:$0x0] =	wrdreg $0x60  }
0xae: {  	[dreg:$0x2] =	wrdreg s2  }
0xaf: {  	[dreg:$0x3] =	wrdreg s24  }
0xb0: {  	[dreg:$0x4] =	wrdreg $0x69000  }
0xb1: {  	[dreg:$0x5] =	wrdreg $0x9  }
0xb2: {  	_ =	task.clear_ibuf [dreg:s7], $0x6FFFF;
	_ =	strace $0x90000046  }
0xb3: {  	s29 =	simm.s32 $0x9;
	_ =	strace $0x80000048  }
0xb4: {  	_ =	swait.ge [sflag:s29], $0x1  }
0xb5: {  	[sflag:s29] =	ssyncadd.s32 $0xFFFFFFFF  }
0xb6: {  	_ =	strace $0x90000048  }
0xb7: {  	_ =	sfence  }
0xb8: {  	s30 =	sld [smem:$0x0];
	_ =	sdelay $0x2  }
0xb9: {  	s31 =	sshll.u32 s1, $0xD;
	s1 =	sshrl.u32 s1, $0x2  }
0xba: {  	s3 =	sand.u32 $0x4000, s31;
	s1 =	sadd.s32 s1, s30  }
0xbb: {  	s0 =	sor.u32 s3, s0;
	s1 =	sshll.u32 s1, $0x11  }
0xbc: {  	s0 =	sor.u32 s1, s0  }
0xbd: {  	s0 =	sadd.s32 $0x8F2B, s0  }
0xbe: {  	[sflag:s0] =	ssyncadd.remote.s32 $0x1  }
0xbf: {  	_ =	sfence.sel $0xFFFF  }
0xc0: {  	[dreg:$0x0] =	wrdreg $0xFFFFFFFF;
	(pc) =	sbr.abs _section_cstart, $3  }
0xc1: {  	[dreg:$0x1] =	wrdreg $0xFFFFFFFF  }
0xc2: {  	_ =	task.clear_ibuf [dreg:s7], $0x2FFFF;
	_ =	strace $0x9FFFFFFF  }
0xc3: {  	(tm) =	ssettm $0x7FFFFFFF  }
tec
execute0_lowered:
.L_overlay_start_1:
0x0: {  	(tag) =	ssettag $0x1  }
0x1: {  	s1 =	rddreg [dreg:$0x0]  }
0x2: {  	s0 =	rddreg [dreg:$0x1]  }
0x3: {  	s2 =	rddreg [dreg:$0x2]  }
0x4: {  	s3 =	srdreg.scid;
	s4 =	simm.s32 $0x0;
	s11 =	stileid.u32  }
0x5: {  	s3 =	sand.u32 $0x1, s3;
	[smem:$0x7FF] =	sst s4;
	s6 =	smul.u32 $0x14000, s11  }
0x6: {  	s12 =	sadd.s32 $0xDA00, s0;
	s13 =	sadd.s32 $0x3C00, s0;
	s26 =	smul.u32 $0x50000, s11  }
0x7: {  	s5 =	smul.u32 $0x140000, s3;
	_ =	strace $0x80000047;
	s7 =	sshll.u32 s3, $0x4  }
0x8: {  	s23 =	ssub.s32 $0x2, s3;
	s3 =	smul.u32 $0x27100, s3;
	[dreg:$0x4] =	wrdreg s13  }
0x9: {  	[smem:$0x7F6] =	sst s12;
	s22 =	sor.u32 s11, s7;
	s24 =	sshrl.u32 s23, $0x1  }
0xa: {  	s11 =	smul.u32 $0x2710, s11;
	s16 =	sshrl.u32 s26, $0x2;
	s5 =	sadd.s32 s6, s5  }
0xb: {  	s6 =	smul.u32 $0x2710, s22;
	s18 =	sadd.s32 s16, s2;
	s5 =	sshrl.u32 s5, $0x3  }
0xc: {  	s3 =	sadd.s32 s11, s3;
	s11 =	sadd.s32 $0x1400, s18;
	s16 =	sadd.s32 $0x7800, s18  }
0xd: {  	[dreg:$0x9] =	wrdreg s18;
	s0 =	sadd.s32 s5, s0;
	s5 =	ssub.s32 s23, s24  }
0xe: {  	s25 =	sshrl.u32 s6, $0x3;
	s8 =	sadd.s32 $0x28, s6;
	[dreg:$0x18] =	wrdreg s11  }
0xf: {  	s21 =	sadd.s32 $0x118, s3;
	[dreg:$0x1d] =	wrdreg s16;
	s9 =	sadd.s32 s12, s25  }
0x10: {  	s23 =	sadd.s32 $0x140, s3;
	s20 =	sadd.s32 s13, s25;
	[dreg:$0x5] =	wrdreg s9  }
0x11: {  	s8 =	sshrl.u32 s8, $0x3;
	s0 =	sadd.s32 $0x17800, s0;
	[dreg:$0xc] =	wrdreg s20  }
0x12: {  	s15 =	sadd.s32 $0xA, s25;
	s5 =	smax.u32 s5, $0x1;
	[dreg:$0xd] =	wrdreg s0  }
0x13: {  	s22 =	sshrl.u32 s21, $0x3;
	s21 =	sadd.s32 $0xC800, s18;
	[dreg:$0xe] =	wrdreg s5  }
0x14: {  	s25 =	sshrl.u32 s23, $0x3;
	s23 =	sadd.s32 $0xF000, s18;
	[smem:$0x7F8] =	sst s21  }
0x15: {  	s6 =	sadd.s32 $0x78, s6;
	s10 =	sadd.s32 s12, s8;
	[smem:$0x7FA] =	sst s23  }
0x16: {  	s6 =	sshrl.u32 s6, $0x3;
	s14 =	sadd.s32 s12, s15;
	[dreg:$0x6] =	wrdreg s10  }
0x17: {  	s30 =	simm.s32 $0x14;
	s6 =	sadd.s32 s12, s6;
	[dreg:$0x7] =	wrdreg s14  }
0x18: {  	s31 =	simm.s32 $0x5500;
	s17 =	sadd.s32 s13, s8;
	[dreg:$0x8] =	wrdreg s6  }
0x19: {  	s29 =	simm.s32 $0x300;
	s19 =	sadd.s32 s13, s15;
	[dreg:$0xa] =	wrdreg s17  }
0x1a: {  	s28 =	simm.s32 $0x5;
	s24 =	sadd.s32 s22, s13;
	[dreg:$0xb] =	wrdreg s19  }
0x1b: {  	s26 =	sadd.s32 $0xF0, s3;
	s5 =	sadd.s32 s25, s12;
	[dreg:$0xf] =	wrdreg s24  }
0x1c: {  	s7 =	sadd.s32 $0x78, s3;
	s0 =	sadd.s32 s22, s12;
	[dreg:$0x10] =	wrdreg s5  }
0x1d: {  	s16 =	simm.s32 $0x28;
	s15 =	sadd.s32 $0x6400, s18;
	[dreg:$0x11] =	wrdreg s0  }
0x1e: {  	s11 =	simm.s32 $0x2;
	s20 =	sadd.s32 $0xB400, s18;
	[dreg:$0x1c] =	wrdreg s15  }
0x1f: {  	s22 =	sadd.s32 $0xDC00, s18;
	s25 =	sadd.s32 $0x11800, s18;
	[smem:$0x7F7] =	sst s20  }
0x20: {  	s6 =	sadd.s32 $0xC8, s3;
	s0 =	sshrl.u32 s26, $0x3;
	[smem:$0x7F9] =	sst s22  }
0x21: {  	s5 =	sshrl.u32 s7, $0x3;
	s3 =	sadd.s32 $0xA0, s3;
	[smem:$0x7FC] =	sst s25  }
0x22: {  	s14 =	sadd.s32 $0x5000, s18;
	s17 =	sadd.s32 $0x8C00, s18;
	[dreg:$0x12] =	wrdreg s6  }
0x23: {  	s19 =	sadd.s32 $0xA000, s18;
	s24 =	sadd.s32 $0x10400, s18;
	[dreg:$0x1b] =	wrdreg s14  }
0x24: {  	s26 =	sadd.s32 $0x12C00, s18;
	s7 =	simm.s32 $0x200;
	[dreg:$0x1e] =	wrdreg s17  }
0x25: {  	s15 =	simm.s32 $0x13;
	s20 =	simm.s32 $0xC;
	[dreg:$0x1f] =	wrdreg s19  }
0x26: {  	s25 =	simm.s32 $0x500;
	s8 =	sadd.s32 s0, s13;
	[smem:$0x7FB] =	sst s24  }
0x27: {  	s0 =	sadd.s32 s0, s12;
	s9 =	sadd.s32 s5, s13;
	[smem:$0x7FD] =	sst s26  }
0x28: {  	s10 =	sshrl.u32 s3, $0x3;
	s26 =	simm.s32 $0x78;
	[dreg:$0x13] =	wrdreg s8  }
0x29: {  	s14 =	simm.s32 $0xA0;
	s5 =	simm.s32 $0x9;
	[dreg:$0x14] =	wrdreg s0  }
0x2a: {  	s19 =	simm.s32 $0x0;
	[dreg:$0x15] =	wrdreg s9;
	s3 =	sadd.s32 s10, s13  }
.Ltmp0:
0x2b: {  	s0 =	sadd.s32 s10, s12;
	[dreg:$0x16] =	wrdreg s3;
	(pc) =	sbr.rel .LBB2_1-.Ltmp0, $4  }
0x2c: {  	s12 =	sadd.s32 $0x2800, s18;
	s13 =	sadd.s32 $0x3C00, s18;
	[dreg:$0x17] =	wrdreg s0  }
0x2d: {  	s8 =	simm.s32 $0xF;
	s9 =	simm.s32 $0x3;
	[dreg:$0x19] =	wrdreg s12  }
0x2e: {  	s10 =	simm.s32 $0xD;
	[dreg:$0x1a] =	wrdreg s13;
	s0 =	simm.s32 $0x12  }
0x2f: {  	v0 =	vimm.f32 $0.0e+00;
	s3 =	simm.s32 $0x2D00;
	s12 =	simm.s32 $0x1;
	s13 =	simm.s32 $0xB  }
.LBB2_6:
0x30: {  	s6 =	simm.s32 $0x6  }
0x31: {  	_ =	swait.ge [sflag:s6], $0x1400  }
0x32: {  	[sflag:s6] =	ssyncset.done $0x0  }
0x33: {  	s17 =	simm.s32 $0x7;
	[sflag:s6] =	ssyncadd.s32 $0xFFFFEC00  }
0x34: {  	_ =	swait.ge [sflag:s17], $0x1400  }
0x35: {  	[sflag:s17] =	ssyncset.done $0x0  }
0x36: {  	s18 =	simm.s32 $0x8;
	[sflag:s17] =	ssyncadd.s32 $0xFFFFEC00  }
0x37: {  	_ =	swait.ge [sflag:s18], $0x1400  }
0x38: {  	[sflag:s18] =	ssyncset.done $0x0  }
0x39: {  	[sflag:s18] =	ssyncadd.s32 $0xFFFFEC00  }
0x3a: {  	_ =	swait.ge [sflag:s5], $0x1400  }
0x3b: {  	[sflag:s5] =	ssyncset.done $0x0  }
0x3c: {  	s19 =	simm.s32 $0xA;
	[sflag:s5] =	ssyncadd.s32 $0xFFFFEC00  }
0x3d: {  	_ =	swait.ge [sflag:s19], $0x1400  }
0x3e: {  	[sflag:s19] =	ssyncset.done $0x0  }
0x3f: {  	[sflag:s19] =	ssyncadd.s32 $0xFFFFEC00  }
0x40: {  	s21 =	stileid.u32;
	[bflag:$0x0] =	sbarrier.arrive $0xFFFF  }
0x41: {  	s22 =	simm.s32 $0x15;
	s6 =	sshll.u32 s21, $0x6;
	s18 =	rddreg [dreg:$0x9]  }
0x42: {  	s6 =	sor.u32 $0x1C15, s6;
	s19 =	rddreg [dreg:$0xd];
	s17 =	sshrl.u32 s18, $0x3  }
0x43: {  	[hbm:s19], [sflag:s6] =	dma.local [spmem:s17], $0x2800  }
0x44: {  	_ =	swait.ge [sflag:s22], $0x2800  }
0x45: {  	s23 =	sld [smem:$0x7F5];
	_ =	sdelay $0x2  }
0x46: {  	s24 =	rddreg [dreg:$0xe];
	s19 =	sadd.s32 $0x1, s23  }
0x47: {  	p0 =	sne.s32 s19, s24  }
.Ltmp1:
0x48: {  	_ = 	snop;
	(pc) =	sbr.rel @!p0 .LBB2_7-.Ltmp1, $3  }
0x49: {  	_ =	sdelay $0x1  }
0x4a: {  	[sflag:s22] =	ssyncset.done $0x0  }
0x4b: {  	[sflag:s22] =	ssyncadd.s32 $0xFFFFD800  }
.LBB2_1:
0x4c: {  	s6 =	rddreg [dreg:$0x5]  }
0x4d: {  	[tilespmem:s4], [sflag:$0x10] =	stream.linear.gather [hbm4b:s6+s4], $0x28, $0x38;
	[tilespmem:$0x1A900] =	vst v63  }
0x4e: {  	s22 =	rddreg [dreg:$0x6]  }
0x4f: {  	[tilespmem:s16], [sflag:$0x11] =	stream.linear.gather [hbm4b:s22+s4], $0x28, $0x38;
	[tilespmem:$0x1A900] =	vst v63  }
0x50: {  	s23 =	rddreg [dreg:$0x7];
	s17 =	simm.s32 $0x50  }
0x51: {  	[tilespmem:s17], [sflag:$0x12] =	stream.linear.gather [hbm4b:s23+s4], $0x28, $0x38;
	[tilespmem:$0x1A900] =	vst v63  }
0x52: {  	s24 =	rddreg [dreg:$0x8];
	s6 =	simm.s32 $0x540  }
0x53: {  	[tilespmem:s26], [sflag:$0x13] =	stream.linear.gather [hbm4b:s24+s4], $0x28, $0x38;
	[tilespmem:$0x1A900] =	vst v63  }
0x54: {  	[tilespmem:s6+$0xFFFFFFC0] =	vst v0  }
0x55: {  	[tilespmem:s6+$0x30] =	vst v0  }
0x56: {  	[tilespmem:s6+$0x20] =	vst v0  }
0x57: {  	[tilespmem:s6+$0x10] =	vst v0  }
0x58: {  	[tilespmem:s6+$0x0] =	vst v0  }
0x59: {  	[tilespmem:s6+$0xFFFFFFF0] =	vst v0  }
0x5a: {  	[smem:$0x7F5] =	sst s19;
	s17 =	simm.s32 $0x0;
	[tilespmem:s6+$0xFFFFFFE0] =	vst v0  }
.LBB2_2:
0x5b: {  	s17 =	sadd.s32 $0x8, s17;
	[tilespmem:s6+$0xFFFFFFD0] =	vst v0;
	s6 =	sadd.s32 $0x80, s6  }
0x5c: {  	[tilespmem:s6+$0xFFFFFFC0] =	vst v0;
	p0 =	slt.u32 s17, $0x138  }
0x5d: {  	[tilespmem:s6+$0x30] =	vst v0  }
.Ltmp2:
0x5e: {  	[tilespmem:s6+$0x20] =	vst v0;
	(pc) =	sbr.rel @p0 .LBB2_2-.Ltmp2, $4  }
0x5f: {  	[tilespmem:s6+$0x10] =	vst v0  }
0x60: {  	[tilespmem:s6+$0x0] =	vst v0  }
0x61: {  	[tilespmem:s6+$0xFFFFFFF0] =	vst v0  }
0x62: {  	[tilespmem:s6+$0xFFFFFFE0] =	vst v0  }
0x63: {  	[tilespmem:s6+$0xFFFFFFD0] =	vst v0;
	s19 =	simm.s32 $0x500;
	s17 =	rddreg [dreg:$0x18]  }
0x64: {  	[spmem:s18] =	stream.linear.scatter [tilespmem:s19], [sflag:$0xF], $0x1400, $0x38;
	[tilespmem:$0x1A900] =	vst v63  }
0x65: {  	s21 =	rddreg [dreg:$0x1a]  }
0x66: {  	[spmem:s17] =	stream.linear.scatter [tilespmem:s19], [sflag:$0xF], $0x1400, $0x38;
	[tilespmem:$0x1A900] =	vst v63  }
0x67: {  	s18 =	rddreg [dreg:$0x19]  }
0x68: {  	[spmem:s18] =	stream.linear.scatter [tilespmem:s19], [sflag:$0xF], $0x1400, $0x38;
	[tilespmem:$0x1A900] =	vst v63  }
0x69: {  	s22 =	rddreg [dreg:$0x1b]  }
0x6a: {  	[spmem:s21] =	stream.linear.scatter [tilespmem:s19], [sflag:$0xF], $0x1400, $0x38;
	[tilespmem:$0x1A900] =	vst v63  }
0x6b: {  	s23 =	rddreg [dreg:$0x1c]  }
0x6c: {  	[spmem:s22] =	stream.linear.scatter [tilespmem:s19], [sflag:$0xF], $0x1400, $0x38;
	[tilespmem:$0x1A900] =	vst v63  }
0x6d: {  	s24 =	rddreg [dreg:$0x1d]  }
0x6e: {  	[spmem:s23] =	stream.linear.scatter [tilespmem:s19], [sflag:$0xF], $0x1400, $0x38;
	[tilespmem:$0x1A900] =	vst v63  }
0x6f: {  	s17 =	rddreg [dreg:$0x1e]  }
0x70: {  	[spmem:s24] =	stream.linear.scatter [tilespmem:s19], [sflag:$0xF], $0x1400, $0x38;
	[tilespmem:$0x1A900] =	vst v63  }
0x71: {  	s18 =	rddreg [dreg:$0x1f]  }
0x72: {  	[spmem:s17] =	stream.linear.scatter [tilespmem:s19], [sflag:$0xF], $0x1400, $0x38;
	[tilespmem:$0x1A900] =	vst v63  }
0x73: {  	s21 =	sld [smem:$0x7F7]  }
0x74: {  	[spmem:s18] =	stream.linear.scatter [tilespmem:s19], [sflag:$0xF], $0x1400, $0x38;
	[tilespmem:$0x1A900] =	vst v63  }
0x75: {  	s22 =	sld [smem:$0x7F8]  }
0x76: {  	[spmem:s21] =	stream.linear.scatter [tilespmem:s19], [sflag:$0xF], $0x1400, $0x38;
	[tilespmem:$0x1A900] =	vst v63  }
0x77: {  	s23 =	sld [smem:$0x7F9]  }
0x78: {  	[spmem:s22] =	stream.linear.scatter [tilespmem:s19], [sflag:$0xF], $0x1400, $0x38;
	[tilespmem:$0x1A900] =	vst v63  }
0x79: {  	s24 =	sld [smem:$0x7FA]  }
0x7a: {  	[spmem:s23] =	stream.linear.scatter [tilespmem:s19], [sflag:$0xF], $0x1400, $0x38;
	[tilespmem:$0x1A900] =	vst v63  }
0x7b: {  	s17 =	sld [smem:$0x7FB]  }
0x7c: {  	[spmem:s24] =	stream.linear.scatter [tilespmem:s19], [sflag:$0xF], $0x1400, $0x38;
	[tilespmem:$0x1A900] =	vst v63  }
0x7d: {  	s18 =	sld [smem:$0x7FC]  }
0x7e: {  	[spmem:s17] =	stream.linear.scatter [tilespmem:s19], [sflag:$0xF], $0x1400, $0x38;
	[tilespmem:$0x1A900] =	vst v63  }
0x7f: {  	s21 =	sld [smem:$0x7FD]  }
0x80: {  	[spmem:s18] =	stream.linear.scatter [tilespmem:s19], [sflag:$0xF], $0x1400, $0x38;
	[tilespmem:$0x1A900] =	vst v63  }
0x81: {  	s22 =	simm.s32 $0x11  }
0x82: {  	[spmem:s21] =	stream.linear.scatter [tilespmem:s19], [sflag:$0xF], $0x1400, $0x38;
	[tilespmem:$0x1A900] =	vst v63  }
0x83: {  	_ =	swait.ge [sflag:s22], $0x28  }
0x84: {  	[sflag:s22] =	ssyncset.done $0x0  }
0x85: {  	s23 =	simm.s32 $0x1900;
	[sflag:s22] =	ssyncadd.s32 $0xFFFFFFD8  }
0x86: {  	[tilespmem:s23], [sflag:$0x2] =	stream.indirect.gather [hbm4b:s1+s16], $0x80, s16, s16, $0xb8;
	[tilespmem:$0x1A900] =	vst v63  }
0x87: {  	s6 =	simm.s32 $0x0;
	s24 =	simm.s32 $0x180;
	s17 =	rddreg [dreg:$0xa]  }
0x88: {  	[tilespmem:s24], [sflag:$0xC] =	stream.linear.gather [hbm4b:s17+s6], $0x28, $0x38;
	[tilespmem:$0x1A900] =	vst v63  }
0x89: {  	_ =	swait.ge [sflag:s0], $0x28  }
0x8a: {  	[sflag:s0] =	ssyncset.done $0x0  }
0x8b: {  	s18 =	simm.s32 $0x50;
	[sflag:s0] =	ssyncadd.s32 $0xFFFFFFD8  }
0x8c: {  	[tilespmem:s3], [sflag:$0x3] =	stream.indirect.gather [hbm4b:s1+s16], $0x80, s18, s16, $0xb8;
	[tilespmem:$0x1A900] =	vst v63  }
0x8d: {  	s21 =	rddreg [dreg:$0xb]  }
0x8e: {  	[tilespmem:s7], [sflag:$0xD] =	stream.linear.gather [hbm4b:s21+s6], $0x28, $0x38;
	[tilespmem:$0x1A900] =	vst v63  }
0x8f: {  	_ =	swait.ge [sflag:s8], $0x1400  }
0x90: {  	[sflag:s8] =	ssyncset.done $0x0  }
0x91: {  	[sflag:s8] =	ssyncadd.s32 $0xFFFFEC00  }
0x92: {  	_ =	swait.ge [sflag:s8], $0x1400  }
0x93: {  	[sflag:s8] =	ssyncset.done $0x0  }
0x94: {  	[sflag:s8] =	ssyncadd.s32 $0xFFFFEC00  }
0x95: {  	_ =	swait.ge [sflag:s8], $0x1400  }
0x96: {  	[sflag:s8] =	ssyncset.done $0x0  }
0x97: {  	[sflag:s8] =	ssyncadd.s32 $0xFFFFEC00  }
0x98: {  	_ =	swait.ge [sflag:s8], $0x1400  }
0x99: {  	[sflag:s8] =	ssyncset.done $0x0  }
0x9a: {  	[sflag:s8] =	ssyncadd.s32 $0xFFFFEC00  }
0x9b: {  	_ =	swait.ge [sflag:s8], $0x1400  }
0x9c: {  	[sflag:s8] =	ssyncset.done $0x0  }
0x9d: {  	[sflag:s8] =	ssyncadd.s32 $0xFFFFEC00  }
0x9e: {  	_ =	swait.ge [sflag:s8], $0x1400  }
0x9f: {  	[sflag:s8] =	ssyncset.done $0x0  }
0xa0: {  	[sflag:s8] =	ssyncadd.s32 $0xFFFFEC00  }
0xa1: {  	_ =	swait.ge [sflag:s8], $0x1400  }
0xa2: {  	[sflag:s8] =	ssyncset.done $0x0  }
0xa3: {  	[sflag:s8] =	ssyncadd.s32 $0xFFFFEC00  }
0xa4: {  	_ =	swait.ge [sflag:s8], $0x1400  }
0xa5: {  	[sflag:s8] =	ssyncset.done $0x0  }
0xa6: {  	[sflag:s8] =	ssyncadd.s32 $0xFFFFEC00  }
0xa7: {  	_ =	swait.ge [sflag:s8], $0x1400  }
0xa8: {  	[sflag:s8] =	ssyncset.done $0x0  }
0xa9: {  	[sflag:s8] =	ssyncadd.s32 $0xFFFFEC00  }
0xaa: {  	_ =	swait.ge [sflag:s8], $0x1400  }
0xab: {  	[sflag:s8] =	ssyncset.done $0x0  }
0xac: {  	[sflag:s8] =	ssyncadd.s32 $0xFFFFEC00  }
0xad: {  	_ =	swait.ge [sflag:s8], $0x1400  }
0xae: {  	[sflag:s8] =	ssyncset.done $0x0  }
0xaf: {  	[sflag:s8] =	ssyncadd.s32 $0xFFFFEC00  }
0xb0: {  	_ =	swait.ge [sflag:s8], $0x1400  }
0xb1: {  	[sflag:s8] =	ssyncset.done $0x0  }
0xb2: {  	[sflag:s8] =	ssyncadd.s32 $0xFFFFEC00  }
0xb3: {  	_ =	swait.ge [sflag:s8], $0x1400  }
0xb4: {  	[sflag:s8] =	ssyncset.done $0x0  }
0xb5: {  	[sflag:s8] =	ssyncadd.s32 $0xFFFFEC00  }
0xb6: {  	_ =	swait.ge [sflag:s8], $0x1400  }
0xb7: {  	[sflag:s8] =	ssyncset.done $0x0  }
0xb8: {  	[sflag:s8] =	ssyncadd.s32 $0xFFFFEC00  }
0xb9: {  	_ =	swait.ge [sflag:s8], $0x1400  }
0xba: {  	[sflag:s8] =	ssyncset.done $0x0  }
0xbb: {  	[sflag:s8] =	ssyncadd.s32 $0xFFFFEC00  }
0xbc: {  	_ =	swait.ge [sflag:s8], $0x1400  }
0xbd: {  	[sflag:s8] =	ssyncset.done $0x0  }
0xbe: {  	s22 =	simm.s32 $0x10;
	[sflag:s8] =	ssyncadd.s32 $0xFFFFEC00  }
0xbf: {  	_ =	swait.ge [sflag:s22], $0x28  }
0xc0: {  	[sflag:s22] =	ssyncset.done $0x0  }
0xc1: {  	[sflag:s22] =	ssyncadd.s32 $0xFFFFFFD8  }
0xc2: {  	[tilespmem:s19], [sflag:$0x1] =	stream.indirect.gather [hbm4b:s1+s16], $0x80, s6, s16, $0xb8;
	[tilespmem:$0x1A900] =	vst v63  }
0xc3: {  	s24 =	simm.s32 $0x100;
	s23 =	rddreg [dreg:$0xc]  }
0xc4: {  	[tilespmem:s24], [sflag:$0xB] =	stream.linear.gather [hbm4b:s23+s6], $0x28, $0x38;
	[tilespmem:$0x1A900] =	vst v63  }
0xc5: {  	[bflag:$0x0] =	sbarrier.arrive $0xFFFF  }
0xc6: {  	s17 =	simm.s32 $0xFFFFFFFF;
	s18 =	rddreg [dreg:$0x12]  }
.LBB2_4:
0xc7: {  	_ =	swait.ge [sflag:s12], $0x1400  }
0xc8: {  	[sflag:s12] =	ssyncset.done $0x0  }
0xc9: {  	[sflag:s12] =	ssyncadd.s32 $0xFFFFEC00  }
0xca: {  	_ =	swait.ge [sflag:s13], $0x28  }
0xcb: {  	[sflag:s13] =	ssyncset.done $0x0  }
0xcc: {  	s19 =	simm.s32 $0x100;
	p0 =	sgt.u32 s17, $0xF4;
	[sflag:s13] =	ssyncadd.s32 $0xFFFFFFD8  }
0xcd: {  	[spmem:s2] =	stream.indirect.scatter.add.f32 [tilespmem:s25], [sflag:$0x6], $0x80, s19, s16, $0xb8;
	[tilespmem:$0x1A900] =	vst v63  }
0xce: {  	s19 =	simm.s32 @!p0 $0xA  }
0xcf: {  	_ =	swait.ge @!p0 [sflag:s19], $0x1400  }
0xd0: {  	[sflag:s19] =	ssyncset.done @!p0 $0x0;
	s23 =	rddreg [dreg:$0x17]  }
0xd1: {  	[sflag:s19] =	ssyncadd.s32 @!p0 $0xFFFFEC00;
	s19 =	sadd.s32 s6, s23  }
0xd2: {  	[tilespmem:s14], [sflag:$0x14] =	stream.linear.gather [hbm4b:s19+s4], $0x28, $0x38;
	[tilespmem:$0x1A900] =	vst v63  }
0xd3: {  	_ =	swait.ge [sflag:s15], $0x28  }
0xd4: {  	[sflag:s15] =	ssyncset.done $0x0  }
0xd5: {  	s24 =	simm.s32 $0x4100;
	s21 =	rddreg [dreg:$0x15];
	[sflag:s15] =	ssyncadd.s32 $0xFFFFFFD8  }
0xd6: {  	[tilespmem:s24], [sflag:$0x4] =	stream.indirect.gather [hbm4b:s1+s16], $0x80, s26, s16, $0xb8;
	[tilespmem:$0x1A900] =	vst v63  }
0xd7: {  	s19 =	sadd.s32 s6, s21;
	s21 =	simm.s32 $0x280  }
0xd8: {  	[tilespmem:s21], [sflag:$0xE] =	stream.linear.gather [hbm4b:s19+s4], $0x28, $0x38;
	[tilespmem:$0x1A900] =	vst v63  }
0xd9: {  	_ =	swait.ge [sflag:s11], $0x1400  }
0xda: {  	[sflag:s11] =	ssyncset.done $0x0  }
0xdb: {  	[sflag:s11] =	ssyncadd.s32 $0xFFFFEC00  }
0xdc: {  	_ =	swait.ge [sflag:s20], $0x28  }
0xdd: {  	s22 =	simm.s32 $0x1900;
	p0 =	seq.s32 s6, $0x4C9;
	[sflag:s20] =	ssyncset.done $0x0  }
0xde: {  	s23 =	simm.s32 $0x180;
	s19 =	simm.s32 @!p0 $0x6;
	[sflag:s20] =	ssyncadd.s32 $0xFFFFFFD8  }
0xdf: {  	[spmem:s2] =	stream.indirect.scatter.add.f32 [tilespmem:s22], [sflag:$0x7], $0x80, s23, s16, $0xb8;
	[tilespmem:$0x1A900] =	vst v63  }
0xe0: {  	_ =	swait.ge @!p0 [sflag:s19], $0x1400  }
0xe1: {  	[sflag:s19] =	ssyncset.done @!p0 $0x0  }
0xe2: {  	[sflag:s19] =	ssyncadd.s32 @!p0 $0xFFFFEC00;
	s19 =	sld [smem:$0x7F6];
	_ =	sdelay $0x1  }
0xe3: {  	s21 =	sshrl.u32 @!p0 s18, $0x3  }
0xe4: {  	s22 =	sadd.s32 @!p0 s19, s21;
	s19 =	simm.s32 @!p0 $0x0  }
0xe5: {  	[tilespmem:s19], [sflag:$0x10] =	stream.linear.gather @!p0 [hbm4b:s22+s19], $0x28, $0x38;
	[tilespmem:$0x1A900] =	vst v63  }
0xe6: {  	_ =	swait.ge [sflag:s30], $0x28  }
0xe7: {  	[sflag:s30] =	ssyncset.done $0x0  }
0xe8: {  	s24 =	rddreg [dreg:$0x16];
	[sflag:s30] =	ssyncadd.s32 $0xFFFFFFD8  }
0xe9: {  	[tilespmem:s31], [sflag:$0x5] =	stream.indirect.gather [hbm4b:s1+s16], $0x80, s14, s16, $0xb8;
	[tilespmem:$0x1A900] =	vst v63  }
0xea: {  	s22 =	sadd.s32 s6, s24  }
0xeb: {  	[tilespmem:s29], [sflag:$0xF] =	stream.linear.gather [hbm4b:s22+s4], $0x28, $0x38;
	[tilespmem:$0x1A900] =	vst v63  }
0xec: {  	_ =	swait.ge [sflag:s9], $0x1400  }
0xed: {  	[sflag:s9] =	ssyncset.done $0x0  }
0xee: {  	[sflag:s9] =	ssyncadd.s32 $0xFFFFEC00  }
0xef: {  	_ =	swait.ge [sflag:s10], $0x28  }
0xf0: {  	[sflag:s10] =	ssyncset.done $0x0  }
0xf1: {  	s22 =	simm.s32 @p0 $0x4;
	[sflag:s10] =	ssyncadd.s32 $0xFFFFFFD8  }
0xf2: {  	[spmem:s2] =	stream.indirect.scatter.add.f32 [tilespmem:s3], [sflag:$0x8], $0x80, s7, s16, $0xb8;
	[tilespmem:$0x1A900] =	vst v63  }
0xf3: {  	_ =	swait.ge @p0 [sflag:s22], $0x1400  }
0xf4: {  	[sflag:s22] =	ssyncset.done @p0 $0x0  }
0xf5: {  	[sflag:s22] =	ssyncadd.s32 @p0 $0xFFFFEC00;
	s22 =	simm.s32 @p0 $0xE  }
0xf6: {  	_ =	swait.ge @p0 [sflag:s22], $0x28  }
0xf7: {  	s23 =	simm.s32 @p0 $0x280;
	[sflag:s22] =	ssyncset.done @p0 $0x0  }
0xf8: {  	s24 =	simm.s32 @p0 $0x4100;
	[sflag:s22] =	ssyncadd.s32 @p0 $0xFFFFFFD8;
	s22 =	simm.s32 @p0 $0x28  }
0xf9: {  	[spmem:s2] =	stream.indirect.scatter.add.f32 @p0 [tilespmem:s24], [sflag:$0x9], $0x80, s23, s22, $0xb8;
	[tilespmem:$0x1A900] =	vst v63  }
0xfa: {  	s22 =	simm.s32 @!p0 $0x7  }
0xfb: {  	_ =	swait.ge @!p0 [sflag:s22], $0x1400  }
0xfc: {  	[sflag:s22] =	ssyncset.done @!p0 $0x0  }
0xfd: {  	[sflag:s22] =	ssyncadd.s32 @!p0 $0xFFFFEC00;
	s22 =	rddreg [dreg:$0x14]  }
0xfe: {  	s23 =	simm.s32 @!p0 $0x28;
	s22 =	sadd.s32 @!p0 s6, s22  }
0xff: {  	[tilespmem:s23], [sflag:$0x11] =	stream.linear.gather @!p0 [hbm4b:s22+s19], $0x28, $0x38;
	[tilespmem:$0x1A900] =	vst v63  }
0x100: {  	s22 =	simm.s32 @!p0 $0x10  }
0x101: {  	_ =	swait.ge @!p0 [sflag:s22], $0x28  }
0x102: {  	[sflag:s22] =	ssyncset.done @!p0 $0x0  }
0x103: {  	[sflag:s22] =	ssyncadd.s32 @!p0 $0xFFFFFFD8;
	s22 =	simm.s32 @!p0 $0x500  }
0x104: {  	[tilespmem:s22], [sflag:$0x1] =	stream.indirect.gather @!p0 [hbm4b:s1+s23], $0x80, s19, s23, $0xb8;
	[tilespmem:$0x1A900] =	vst v63  }
0x105: {  	s22 =	rddreg [dreg:$0x4]  }
0x106: {  	s21 =	sadd.s32 @!p0 s22, s21;
	s22 =	simm.s32 @!p0 $0x100  }
0x107: {  	[tilespmem:s22], [sflag:$0xB] =	stream.linear.gather @!p0 [hbm4b:s21+s19], $0x28, $0x38;
	[tilespmem:$0x1A900] =	vst v63  }
0x108: {  	s21 =	simm.s32 @!p0 $0x4  }
0x109: {  	_ =	swait.ge @!p0 [sflag:s21], $0x1400  }
0x10a: {  	[sflag:s21] =	ssyncset.done @!p0 $0x0  }
0x10b: {  	[sflag:s21] =	ssyncadd.s32 @!p0 $0xFFFFEC00;
	s21 =	simm.s32 @!p0 $0xE  }
0x10c: {  	_ =	swait.ge @!p0 [sflag:s21], $0x28  }
0x10d: {  	[sflag:s21] =	ssyncset.done @!p0 $0x0  }
0x10e: {  	s22 =	simm.s32 @!p0 $0x4100;
	[sflag:s21] =	ssyncadd.s32 @!p0 $0xFFFFFFD8;
	s21 =	simm.s32 @!p0 $0x280  }
0x10f: {  	[spmem:s2] =	stream.indirect.scatter.add.f32 @!p0 [tilespmem:s22], [sflag:$0x9], $0x80, s21, s23, $0xb8;
	[tilespmem:$0x1A900] =	vst v63  }
0x110: {  	s21 =	simm.s32 @!p0 $0x8  }
0x111: {  	_ =	swait.ge @!p0 [sflag:s21], $0x1400  }
0x112: {  	[sflag:s21] =	ssyncset.done @!p0 $0x0  }
0x113: {  	[sflag:s21] =	ssyncadd.s32 @!p0 $0xFFFFEC00;
	s21 =	rddreg [dreg:$0x11]  }
0x114: {  	s22 =	simm.s32 @!p0 $0x50;
	s21 =	sadd.s32 @!p0 s6, s21  }
0x115: {  	[tilespmem:s22], [sflag:$0x12] =	stream.linear.gather @!p0 [hbm4b:s21+s19], $0x28, $0x38;
	[tilespmem:$0x1A900] =	vst v63  }
0x116: {  	s21 =	simm.s32 @!p0 $0x11  }
0x117: {  	_ =	swait.ge @!p0 [sflag:s21], $0x28  }
0x118: {  	[sflag:s21] =	ssyncset.done @!p0 $0x0  }
0x119: {  	[sflag:s21] =	ssyncadd.s32 @!p0 $0xFFFFFFD8;
	s21 =	simm.s32 @!p0 $0x1900  }
0x11a: {  	[tilespmem:s21], [sflag:$0x2] =	stream.indirect.gather @!p0 [hbm4b:s1+s23], $0x80, s23, s23, $0xb8;
	[tilespmem:$0x1A900] =	vst v63  }
0x11b: {  	s21 =	rddreg [dreg:$0x13]  }
0x11c: {  	s22 =	simm.s32 @!p0 $0x180;
	s21 =	sadd.s32 @!p0 s6, s21  }
0x11d: {  	[tilespmem:s22], [sflag:$0xC] =	stream.linear.gather @!p0 [hbm4b:s21+s19], $0x28, $0x38;
	[tilespmem:$0x1A900] =	vst v63  }
0x11e: {  	_ =	swait.ge [sflag:s28], $0x1400  }
0x11f: {  	[sflag:s28] =	ssyncset.done $0x0  }
.Ltmp3:
0x120: {  	[sflag:s28] =	ssyncadd.s32 $0xFFFFEC00;
	(pc) =	sbr.rel @p0 .LBB2_6-.Ltmp3, $4  }
0x121: {  	_ =	swait.ge [sflag:s8], $0x28  }
0x122: {  	[sflag:s8] =	ssyncset.done $0x0  }
0x123: {  	[sflag:s8] =	ssyncadd.s32 $0xFFFFFFD8  }
0x124: {  	[spmem:s2] =	stream.indirect.scatter.add.f32 [tilespmem:s31], [sflag:$0xA], $0x80, s29, s16, $0xb8;
	[tilespmem:$0x1A900] =	vst v63  }
0x125: {  	_ =	swait.ge [sflag:s5], $0x1400  }
0x126: {  	[sflag:s5] =	ssyncset.done $0x0;
	s19 =	rddreg [dreg:$0x10]  }
0x127: {  	[sflag:s5] =	ssyncadd.s32 $0xFFFFEC00;
	s19 =	sadd.s32 s6, s19  }
0x128: {  	[tilespmem:s26], [sflag:$0x13] =	stream.linear.gather [hbm4b:s19+s4], $0x28, $0x38;
	[tilespmem:$0x1A900] =	vst v63  }
0x129: {  	_ =	swait.ge [sflag:s0], $0x28  }
.Ltmp4:
0x12a: {  	s23 =	simm.s32 $0x50;
	[sflag:s0] =	ssyncset.done $0x0;
	(pc) =	sbr.rel .LBB2_4-.Ltmp4, $4  }
0x12b: {  	s18 =	sadd.s32 $0xC8, s18;
	s24 =	rddreg [dreg:$0xf];
	[sflag:s0] =	ssyncadd.s32 $0xFFFFFFD8  }
0x12c: {  	[tilespmem:s3], [sflag:$0x3] =	stream.indirect.gather [hbm4b:s1+s16], $0x80, s23, s16, $0xb8;
	[tilespmem:$0x1A900] =	vst v63  }
0x12d: {  	s17 =	sadd.s32 $0x5, s17;
	s19 =	sadd.s32 s6, s24;
	s6 =	sadd.s32 $0x19, s6  }
0x12e: {  	[tilespmem:s7], [sflag:$0xD] =	stream.linear.gather [hbm4b:s19+s4], $0x28, $0x38;
	[tilespmem:$0x1A900] =	vst v63  }
.LBB2_7:
0x12f: {  	_ =	sfence.sel $0x180000  }
0x130: {  	[bflag:$0x0] =	sbarrier.arrive $0xFFFF  }
0x131: {  	_ =	strace $0x90000047  }
0x132: {  	s0 =	stileid.u32;
	[bflag:$0x2] =	sbarrier.arrive $0xFFFF  }
0x133: {  	p0 =	sne.s32 s0, $0x0;
	s0 =	rddreg [dreg:$0x3]  }
0x134: {  	s0 =	sadd.s32 @!p0 $0x100000, s0  }
0x135: {  	[sflag:s0] =	ssyncadd.tile.s32 @!p0 $0x1;
	_ =	shalt  }
.Lfunc_end2:
_tile_overlayer_lowered:
.L_overlay_start_2:
0x136: {  	(tag) =	ssettag $0x2  }
0x137: {  	s0 =	rddreg [dreg:$0x0];
	s2 =	stileid.u32  }
0x138: {  	s1 =	rddreg [dreg:$0x1];
	p0 =	sne.s32 s2, $0x0  }
0x139: {  	s3 =	rddreg [dreg:$0x2];
	[bflag:$0x3] =	sbarrier.arrive $0xFFFF;
	s2 =	simm.s32 @!p0 $0x1C15  }
0x13a: {  	[timem:s3], [sflag:s2] =	dma.local @!p0 [hbm:s0], s1  }
0x13b: {  	s0 =	simm.s32 @!p0 $0x15  }
0x13c: {  	_ =	swait.ge @!p0 [sflag:s0], s1  }
0x13d: {  	s1 =	ssub.s32 @!p0 $0x0, s1;
	[sflag:s0] =	ssyncset.done @!p0 $0x0  }
0x13e: {  	[sflag:s0] =	ssyncadd.s32 @!p0 s1  }
0x13f: {  	[bflag:$0x3] =	sbarrier.arrive $0xFFFF  }
0x140: {  	_ =	shalt  }

</sc_bundles>
